<compile_context>
chip_gen: v7x
topology: tpu7x:2x2x1
jax: 0.10.2.dev20260603
libtpu: 0.0.44.dev20260713+nightly
codegen_flags: <defaults>
</compile_context>

<pallas_src>
import functools

import jax
import jax.numpy as jnp
from jax import lax
from jax.experimental import pallas as pl
from jax.experimental.pallas import tpu as pltpu
from jax.experimental.pallas import tpu_sc as plsc

N = 20000
C = 81
NCLS = C - 1
MAX_DET = 100
NMS_THRESHOLD = 0.6
SCORE_THRESHOLD = 0.3

NPAD = 20480
ROWS = NPAD // 128
CB = 16
SEG = 128
NSEG = NPAD // SEG
KPAD = 112
NW = 32



def _decode_body(dx, dy, dw, dh, px, py, pw, ph, x0, y0, x1, y1):
    cx = dx[...] * pw[...] + px[...]
    cy = dy[...] * ph[...] + py[...]
    w = jnp.exp(dw[...]) * pw[...]
    h = jnp.exp(dh[...]) * ph[...]
    x0[...] = cx - w / 2.0
    y0[...] = cy - h / 2.0
    x1[...] = cx + w / 2.0
    y1[...] = cy + h / 2.0


def _score_body(logit_ref, out_ref):
    p = jax.nn.sigmoid(logit_ref[...])
    out_ref[...] = jnp.where(p > SCORE_THRESHOLD, p, -1.0)


def _pad_col(a):
    return jnp.pad(a, (0, NPAD - N)).reshape(ROWS, 128)



def _sc_store1(ref, idx, val):
    lane0 = lax.iota(jnp.int32, 16) == 0
    plsc.store_scatter(ref, [jnp.full((16,), idx, jnp.int32)],
                       jnp.full((16,), val, jnp.float32), mask=lane0)


def _vmax(v):
    return lax.sort(v)[15]


def _vmini(v):
    return lax.sort(v)[0]


def _sc_nms_class(cls, probs_hbm, bout, sout,
                  xb0, yb0, xb1, yb1, pv, sm,
                  kx0, ky0, kx1, ky1, ka, outb, outs):
    pltpu.sync_copy(probs_hbm.at[cls], pv)

    zero16 = jnp.zeros((16,), jnp.float32)
    for c in range(KPAD // 16):
        kx0[pl.ds(c * 16, 16)] = zero16
        ky0[pl.ds(c * 16, 16)] = zero16
        kx1[pl.ds(c * 16, 16)] = zero16
        ky1[pl.ds(c * 16, 16)] = zero16
        ka[pl.ds(c * 16, 16)] = zero16
        outs[pl.ds(c * 16, 16)] = zero16
    for c in range(4 * MAX_DET // 16):
        outb[pl.ds(c * 16, 16)] = zero16

    def seg_body(s, carry):
        base = s * SEG
        m = pv[pl.ds(base, 16)]
        for j in range(1, SEG // 16):
            m = jnp.maximum(m, pv[pl.ds(base + j * 16, 16)])
        _sc_store1(sm, s, _vmax(m))
        return carry

    lax.fori_loop(0, NSEG, seg_body, jnp.int32(0))

    iota16 = lax.iota(jnp.int32, 16)
    big = jnp.int32(1 << 30)

    def wcond(st):
        slot, ex = st
        return (slot < MAX_DET) & (ex == 0)

    def wbody(st):
        slot, ex = st
        mv = sm[pl.ds(0, 16)]
        for c in range(1, NSEG // 16):
            mv = jnp.maximum(mv, sm[pl.ds(c * 16, 16)])
        sv = _vmax(mv)
        acc = jnp.full((16,), big, jnp.int32)
        for c in range(NSEG // 16):
            s16 = sm[pl.ds(c * 16, 16)]
            acc = jnp.minimum(acc, jnp.where(s16 == sv, iota16 + c * 16, big))
        seg = _vmini(acc)
        base = seg * SEG
        acc2 = jnp.full((16,), big, jnp.int32)
        for j in range(SEG // 16):
            p16 = pv[pl.ds(base + j * 16, 16)]
            acc2 = jnp.minimum(
                acc2, jnp.where(p16 == sv, iota16 + (base + j * 16), big))
        fi = _vmini(acc2)
        _sc_store1(pv, fi, -1.0)
        m2 = pv[pl.ds(base, 16)]
        for j in range(1, SEG // 16):
            m2 = jnp.maximum(m2, pv[pl.ds(base + j * 16, 16)])
        _sc_store1(sm, seg, _vmax(m2))
        fi16 = jnp.full((16,), fi, jnp.int32)
        cx0 = plsc.load_gather(xb0, [fi16])[0]
        cy0 = plsc.load_gather(yb0, [fi16])[0]
        cx1 = plsc.load_gather(xb1, [fi16])[0]
        cy1 = plsc.load_gather(yb1, [fi16])[0]
        a2 = jnp.maximum(cx1 - cx0, 0.0) * jnp.maximum(cy1 - cy0, 0.0)
        miou = jnp.zeros((16,), jnp.float32)
        for c in range(KPAD // 16):
            k0 = kx0[pl.ds(c * 16, 16)]
            k1 = ky0[pl.ds(c * 16, 16)]
            k2 = kx1[pl.ds(c * 16, 16)]
            k3 = ky1[pl.ds(c * 16, 16)]
            kar = ka[pl.ds(c * 16, 16)]
            iw = jnp.maximum(jnp.minimum(k2, cx1) - jnp.maximum(k0, cx0), 0.0)
            ih = jnp.maximum(jnp.minimum(k3, cy1) - jnp.maximum(k1, cy0), 0.0)
            inter = iw * ih
            miou = jnp.maximum(miou, inter / (kar + a2 - inter + 1e-9))
        mx = _vmax(miou)
        acc_ok = (mx <= NMS_THRESHOLD) & (sv > 0.0)

        @pl.when(acc_ok)
        def _():
            _sc_store1(kx0, slot, cx0)
            _sc_store1(ky0, slot, cy0)
            _sc_store1(kx1, slot, cx1)
            _sc_store1(ky1, slot, cy1)
            _sc_store1(ka, slot, a2)
            iot = lax.iota(jnp.int32, 16)
            coords = jnp.where(
                iot == 0, cx0,
                jnp.where(iot == 1, cy0,
                          jnp.where(iot == 2, cx1, cy1)))
            plsc.store_scatter(outb, [jnp.full((16,), slot * 4, jnp.int32) + iot],
                               coords, mask=iot < 4)
            _sc_store1(outs, slot, sv)

        return (slot + acc_ok.astype(jnp.int32),
                jnp.where(sv <= 0.0, jnp.int32(1), jnp.int32(0)))

    lax.while_loop(wcond, wbody, (jnp.int32(0), jnp.int32(0)))

    pltpu.sync_copy(outb, bout.at[cls])
    pltpu.sync_copy(outs, sout.at[cls])


def _sc_body(probs_hbm, x0h, y0h, x1h, y1h, bout, sout,
             xb0, yb0, xb1, yb1, pv, sm,
             kx0, ky0, kx1, ky1, ka, outb, outs):
    wid = lax.axis_index("s") * 2 + lax.axis_index("c")
    pltpu.sync_copy(x0h, xb0)
    pltpu.sync_copy(y0h, yb0)
    pltpu.sync_copy(x1h, xb1)
    pltpu.sync_copy(y1h, yb1)
    for r in range(3):
        cls = wid + NW * r

        @pl.when(cls < NCLS)
        def _(cls=cls):
            _sc_nms_class(cls, probs_hbm, bout, sout,
                          xb0, yb0, xb1, yb1, pv, sm,
                          kx0, ky0, kx1, ky1, ka, outb, outs)


@jax.jit
def kernel(class_logits, box_regression, priors):
    logits = class_logits[0]
    reg = box_regression[0]

    wx, wy, ww, wh = 10.0, 10.0, 5.0, 5.0
    cols = [
        _pad_col(reg[:, 0] / wx), _pad_col(reg[:, 1] / wy),
        _pad_col(reg[:, 2] / ww), _pad_col(reg[:, 3] / wh),
        _pad_col(priors[:, 0]), _pad_col(priors[:, 1]),
        _pad_col(priors[:, 2]), _pad_col(priors[:, 3]),
    ]

    x0, y0, x1, y1 = pl.pallas_call(
        _decode_body,
        out_shape=[jax.ShapeDtypeStruct((ROWS, 128), jnp.float32)] * 4,
    )(*cols)

    logits_t = jnp.pad(logits.T[1:C], ((0, 0), (0, NPAD - N)),
                       constant_values=-1e9).reshape(NCLS, ROWS, 128)

    probs = pl.pallas_call(
        _score_body,
        grid=(NCLS // CB,),
        in_specs=[pl.BlockSpec((CB, ROWS, 128), lambda g: (g, 0, 0))],
        out_specs=pl.BlockSpec((CB, ROWS, 128), lambda g: (g, 0, 0)),
        out_shape=jax.ShapeDtypeStruct((NCLS, ROWS, 128), jnp.float32),
    )(logits_t)

    probs_flat = probs.reshape(NCLS, NPAD)
    x0f = x0.reshape(NPAD)
    y0f = y0.reshape(NPAD)
    x1f = x1.reshape(NPAD)
    y1f = y1.reshape(NPAD)

    mesh = plsc.VectorSubcoreMesh(core_axis_name="c", subcore_axis_name="s")
    sc_nms = functools.partial(
        pl.kernel,
        mesh=mesh,
        compiler_params=pltpu.CompilerParams(needs_layout_passes=False),
        out_type=[
            jax.ShapeDtypeStruct((NCLS, 4 * MAX_DET), jnp.float32),
            jax.ShapeDtypeStruct((NCLS, KPAD), jnp.float32),
        ],
        scratch_types=[
            pltpu.VMEM((NPAD,), jnp.float32),
            pltpu.VMEM((NPAD,), jnp.float32),
            pltpu.VMEM((NPAD,), jnp.float32),
            pltpu.VMEM((NPAD,), jnp.float32),
            pltpu.VMEM((NPAD,), jnp.float32),
            pltpu.VMEM((NSEG,), jnp.float32),
            pltpu.VMEM((KPAD,), jnp.float32),
            pltpu.VMEM((KPAD,), jnp.float32),
            pltpu.VMEM((KPAD,), jnp.float32),
            pltpu.VMEM((KPAD,), jnp.float32),
            pltpu.VMEM((KPAD,), jnp.float32),
            pltpu.VMEM((4 * MAX_DET,), jnp.float32),
            pltpu.VMEM((KPAD,), jnp.float32),
        ],
    )(_sc_body)
    boxes_flat, scores_pad = sc_nms(probs_flat, x0f, y0f, x1f, y1f)

    sel_boxes = boxes_flat.reshape(NCLS, MAX_DET, 4)
    sel_scores = scores_pad[:, :MAX_DET]
    labels = jnp.broadcast_to(
        jnp.arange(1, C, dtype=jnp.int64)[:, None], (NCLS, MAX_DET))
    return sel_boxes, labels, sel_scores

# --- scband reference (transcript-rebuilt; emitter-appended) ---
"""Pipeline reference for scband-ssd-9277129360040 (READ-ONLY COPY).

The authoritative reference and input builder live on the scoring server;
editing this copy changes nothing except your own understanding.
"""

import jax, jax.numpy as jnp
import numpy as np
from jax import lax

N = 20000
C = 81
MAX_DET = 100
NMS_THRESHOLD = 0.6
SCORE_THRESHOLD = 0.3
CODER_WEIGHTS = jnp.array([10.0, 10.0, 5.0, 5.0], dtype=jnp.float32)


def setup_inputs(seed: int = 0) -> dict:
    key = jax.random.key(seed)
    k1, k2, k3 = jax.random.split(key, 3)
    class_logits = jax.random.normal(k1, (1, N, C), dtype=jnp.float32)
    box_regression = jax.random.normal(k2, (1, N, 4), dtype=jnp.float32)
    pri = jax.random.uniform(k3, (N, 4), dtype=jnp.float32)
    # center-form priors: cx, cy in (0,1); w, h in (0.02, 0.30) like SSD anchors
    priors = jnp.concatenate([pri[:, :2], 0.02 + 0.28 * pri[:, 2:]], axis=1)
    return {"class_logits": class_logits, "box_regression": box_regression, "priors": priors}


def decode_boxes(rel, priors, weights):
    # rel: [B, N, 4] regression deltas; priors: [N, 4] center-form (cx, cy, w, h)
    wx, wy, ww, wh = weights[0], weights[1], weights[2], weights[3]
    dx = rel[..., 0] / wx
    dy = rel[..., 1] / wy
    dw = rel[..., 2] / ww
    dh = rel[..., 3] / wh
    pcx, pcy, pw, ph = priors[..., 0], priors[..., 1], priors[..., 2], priors[..., 3]
    cx = dx * pw + pcx
    cy = dy * ph + pcy
    w = jnp.exp(dw) * pw
    h = jnp.exp(dh) * ph
    return jnp.stack([cx - w / 2.0, cy - h / 2.0, cx + w / 2.0, cy + h / 2.0], axis=-1)


def iou_one_to_many(box, boxes):
    lt = jnp.maximum(box[:2], boxes[:, :2])
    rb = jnp.minimum(box[2:], boxes[:, 2:])
    wh = jnp.maximum(rb - lt, 0.0)
    inter = wh[:, 0] * wh[:, 1]
    a1 = jnp.maximum(box[2] - box[0], 0.0) * jnp.maximum(box[3] - box[1], 0.0)
    a2 = jnp.maximum(boxes[:, 2] - boxes[:, 0], 0.0) * jnp.maximum(boxes[:, 3] - boxes[:, 1], 0.0)
    return inter / (a1 + a2 - inter + 1e-9)


def nms_one_class(probs, boxes):
    # probs: [N], boxes: [N, 4]. Static-shape greedy NMS returning MAX_DET slots.
    probs0 = jnp.where(probs > SCORE_THRESHOLD, probs, -1.0)
    idxs = jnp.arange(N)

    def step(probs_s, _):
        idx = jnp.argmax(probs_s)
        best = probs_s[idx]
        keep = best > 0.0
        box = boxes[idx]
        ious = iou_one_to_many(box, boxes)
        suppress = (ious > NMS_THRESHOLD) | (idxs == idx)
        new_probs = jnp.where(suppress, -1.0, probs_s)
        out_box = jnp.where(keep, box, jnp.zeros_like(box))
        out_score = jnp.where(keep, best, 0.0)
        return new_probs, (out_box, out_score)

    _, (ob, osc) = lax.scan(step, probs0, None, length=MAX_DET)
    return ob, osc


def reference(class_logits, box_regression, priors):
    scores = jax.nn.sigmoid(class_logits)[0]            # [N, C]
    boxes = decode_boxes(box_regression, priors, CODER_WEIGHTS)[0]  # [N, 4]
    probs_per_class = jnp.transpose(scores[:, 1:])      # [C-1, N] (skip background class 0)
    sel_boxes, sel_scores = jax.vmap(lambda p: nms_one_class(p, boxes))(probs_per_class)
    labels = jnp.broadcast_to(jnp.arange(1, C, dtype=jnp.int64)[:, None], (C - 1, MAX_DET))
    return sel_boxes, labels, sel_scores

if __name__ == "__main__":
    import jax
    _d = setup_inputs()
    print(jax.jit(kernel)(*tuple(_d.values())))

</pallas_src>

<mosaic_0001>
#map = affine_map<(d0, d1) -> (0, 0)>
#map1 = affine_map<(d0, d1) -> (0)>
module attributes {stable_mosaic.version = 14 : i64} {
  func.func @_sc_body(%arg0: i32, %arg1: i32, %arg2: memref<80x20480xf32, #tpu.memory_space<hbm>>, %arg3: memref<20480xf32, #tpu.memory_space<hbm>>, %arg4: memref<20480xf32, #tpu.memory_space<hbm>>, %arg5: memref<20480xf32, #tpu.memory_space<hbm>>, %arg6: memref<20480xf32, #tpu.memory_space<hbm>>, %arg7: memref<80x400xf32, #tpu.memory_space<hbm>>, %arg8: memref<80x112xf32, #tpu.memory_space<hbm>>, %arg9: memref<20480xf32, #tpu.memory_space<vmem>>, %arg10: memref<20480xf32, #tpu.memory_space<vmem>>, %arg11: memref<20480xf32, #tpu.memory_space<vmem>>, %arg12: memref<20480xf32, #tpu.memory_space<vmem>>, %arg13: memref<20480xf32, #tpu.memory_space<vmem>>, %arg14: memref<160xf32, #tpu.memory_space<vmem>>, %arg15: memref<112xf32, #tpu.memory_space<vmem>>, %arg16: memref<112xf32, #tpu.memory_space<vmem>>, %arg17: memref<112xf32, #tpu.memory_space<vmem>>, %arg18: memref<112xf32, #tpu.memory_space<vmem>>, %arg19: memref<112xf32, #tpu.memory_space<vmem>>, %arg20: memref<400xf32, #tpu.memory_space<vmem>>, %arg21: memref<112xf32, #tpu.memory_space<vmem>>) attributes {dimension_semantics = [#tpu.dimension_semantics<core_parallel>, #tpu.dimension_semantics<subcore_parallel>], iteration_bounds = array<i64: 2, 16>, scalar_prefetch = 0 : i64, scratch_operands = 13 : i64, tpu.core_type = #tpu.core_type<sc_vector_subcore>, window_params = [{transform_indices = #map}, {transform_indices = #map1}, {transform_indices = #map1}, {transform_indices = #map1}, {transform_indices = #map1}, {transform_indices = #map}, {transform_indices = #map}]} {
    %mul3A = arith.constant 2 : i32
    %mul3A_0 = arith.muli %arg1, %mul3A : i32
    %add3A = arith.addi %mul3A_0, %arg0 : i32
    "tpu.region"() ({
      %run_scoped3A = tpu.sem_alloc : memref<!tpu.dma_semaphore, #tpu.memory_space<semaphore_mem>>
      tpu.enqueue_dma source(%arg3 : memref<20480xf32, #tpu.memory_space<hbm>>) target(%arg9 : memref<20480xf32, #tpu.memory_space<vmem>>) target_semaphore(%run_scoped3A : memref<!tpu.dma_semaphore, #tpu.memory_space<semaphore_mem>>)
      tpu.wait_dma2 semaphore(%run_scoped3A : memref<!tpu.dma_semaphore, #tpu.memory_space<semaphore_mem>>) src(%arg3 : memref<20480xf32, #tpu.memory_space<hbm>>) dst(%arg9 : memref<20480xf32, #tpu.memory_space<vmem>>)
      tpu.yield
    }) : () -> ()
    "tpu.region"() ({
      %run_scoped3A = tpu.sem_alloc : memref<!tpu.dma_semaphore, #tpu.memory_space<semaphore_mem>>
      tpu.enqueue_dma source(%arg4 : memref<20480xf32, #tpu.memory_space<hbm>>) target(%arg10 : memref<20480xf32, #tpu.memory_space<vmem>>) target_semaphore(%run_scoped3A : memref<!tpu.dma_semaphore, #tpu.memory_space<semaphore_mem>>)
      tpu.wait_dma2 semaphore(%run_scoped3A : memref<!tpu.dma_semaphore, #tpu.memory_space<semaphore_mem>>) src(%arg4 : memref<20480xf32, #tpu.memory_space<hbm>>) dst(%arg10 : memref<20480xf32, #tpu.memory_space<vmem>>)
      tpu.yield
    }) : () -> ()
    "tpu.region"() ({
      %run_scoped3A = tpu.sem_alloc : memref<!tpu.dma_semaphore, #tpu.memory_space<semaphore_mem>>
      tpu.enqueue_dma source(%arg5 : memref<20480xf32, #tpu.memory_space<hbm>>) target(%arg11 : memref<20480xf32, #tpu.memory_space<vmem>>) target_semaphore(%run_scoped3A : memref<!tpu.dma_semaphore, #tpu.memory_space<semaphore_mem>>)
      tpu.wait_dma2 semaphore(%run_scoped3A : memref<!tpu.dma_semaphore, #tpu.memory_space<semaphore_mem>>) src(%arg5 : memref<20480xf32, #tpu.memory_space<hbm>>) dst(%arg11 : memref<20480xf32, #tpu.memory_space<vmem>>)
      tpu.yield
    }) : () -> ()
    "tpu.region"() ({
      %run_scoped3A = tpu.sem_alloc : memref<!tpu.dma_semaphore, #tpu.memory_space<semaphore_mem>>
      tpu.enqueue_dma source(%arg6 : memref<20480xf32, #tpu.memory_space<hbm>>) target(%arg12 : memref<20480xf32, #tpu.memory_space<vmem>>) target_semaphore(%run_scoped3A : memref<!tpu.dma_semaphore, #tpu.memory_space<semaphore_mem>>)
      tpu.wait_dma2 semaphore(%run_scoped3A : memref<!tpu.dma_semaphore, #tpu.memory_space<semaphore_mem>>) src(%arg6 : memref<20480xf32, #tpu.memory_space<hbm>>) dst(%arg12 : memref<20480xf32, #tpu.memory_space<vmem>>)
      tpu.yield
    }) : () -> ()
    %add3A_1 = arith.constant 0 : i32
    %add3A_2 = arith.addi %add3A, %add3A_1 : i32
    %lt3A = arith.constant 80 : i32
    %lt3A_3 = arith.cmpi slt, %add3A_2, %lt3A : i32
    %convert_element_type3A = arith.extui %lt3A_3 : i1 to i32
    %cond3A = arith.constant 0 : i32
    %cond3A_4 = arith.cmpi ne, %convert_element_type3A, %cond3A : i32
    scf.if %cond3A_4 {
      "tpu.region"() ({
        %run_scoped3A = tpu.sem_alloc : memref<!tpu.dma_semaphore, #tpu.memory_space<semaphore_mem>>
        %dma_start3A = arith.constant 0 : i32
        %dma_start3A_161 = tpu.memref_slice %arg2[%add3A_2, %dma_start3A] : memref<80x20480xf32, #tpu.memory_space<hbm>> -> memref<1x20480xf32, #tpu.memory_space<hbm>>
        %dma_start3A_162 = tpu.memref_squeeze %dma_start3A_161 : memref<1x20480xf32, #tpu.memory_space<hbm>> -> memref<20480xf32, #tpu.memory_space<hbm>>
        %dma_start3A_163 = arith.constant 0 : i32
        %dma_start3A_164 = tpu.memref_slice %arg2[%add3A_2, %dma_start3A_163] : memref<80x20480xf32, #tpu.memory_space<hbm>> -> memref<1x20480xf32, #tpu.memory_space<hbm>>
        %dma_start3A_165 = tpu.memref_squeeze %dma_start3A_164 : memref<1x20480xf32, #tpu.memory_space<hbm>> -> memref<20480xf32, #tpu.memory_space<hbm>>
        tpu.enqueue_dma source(%dma_start3A_165 : memref<20480xf32, #tpu.memory_space<hbm>>) target(%arg13 : memref<20480xf32, #tpu.memory_space<vmem>>) target_semaphore(%run_scoped3A : memref<!tpu.dma_semaphore, #tpu.memory_space<semaphore_mem>>)
        %dma_wait3A = arith.constant 0 : i32
        %dma_wait3A_166 = tpu.memref_slice %arg2[%add3A_2, %dma_wait3A] : memref<80x20480xf32, #tpu.memory_space<hbm>> -> memref<1x20480xf32, #tpu.memory_space<hbm>>
        %dma_wait3A_167 = tpu.memref_squeeze %dma_wait3A_166 : memref<1x20480xf32, #tpu.memory_space<hbm>> -> memref<20480xf32, #tpu.memory_space<hbm>>
        %dma_wait3A_168 = arith.constant 0 : i32
        %dma_wait3A_169 = tpu.memref_slice %arg2[%add3A_2, %dma_wait3A_168] : memref<80x20480xf32, #tpu.memory_space<hbm>> -> memref<1x20480xf32, #tpu.memory_space<hbm>>
        %dma_wait3A_170 = tpu.memref_squeeze %dma_wait3A_169 : memref<1x20480xf32, #tpu.memory_space<hbm>> -> memref<20480xf32, #tpu.memory_space<hbm>>
        tpu.wait_dma2 semaphore(%run_scoped3A : memref<!tpu.dma_semaphore, #tpu.memory_space<semaphore_mem>>) src(%dma_wait3A_170 : memref<20480xf32, #tpu.memory_space<hbm>>) dst(%arg13 : memref<20480xf32, #tpu.memory_space<vmem>>)
        tpu.yield
      }) : () -> ()
      %broadcast_in_dim3A = arith.constant 0.000000e+00 : f32
      %broadcast_in_dim3A_19 = vector.broadcast %broadcast_in_dim3A : f32 to vector<16xf32>
      %swap3A = arith.constant 0 : index
      %swap3A_20 = tpu.vector_load %arg15[%swap3A] {strides = array<i32>} : memref<112xf32, #tpu.memory_space<vmem>>, vector<16xf32>,
      tpu.vector_store %arg15[%swap3A], %broadcast_in_dim3A_19 {strides = array<i32>} : memref<112xf32, #tpu.memory_space<vmem>>, vector<16xf32>,
      %swap3A_21 = arith.constant 0 : index
      %swap3A_22 = tpu.vector_load %arg16[%swap3A_21] {strides = array<i32>} : memref<112xf32, #tpu.memory_space<vmem>>, vector<16xf32>,
      tpu.vector_store %arg16[%swap3A_21], %broadcast_in_dim3A_19 {strides = array<i32>} : memref<112xf32, #tpu.memory_space<vmem>>, vector<16xf32>,
      %swap3A_23 = arith.constant 0 : index
      %swap3A_24 = tpu.vector_load %arg17[%swap3A_23] {strides = array<i32>} : memref<112xf32, #tpu.memory_space<vmem>>, vector<16xf32>,
      tpu.vector_store %arg17[%swap3A_23], %broadcast_in_dim3A_19 {strides = array<i32>} : memref<112xf32, #tpu.memory_space<vmem>>, vector<16xf32>,
      %swap3A_25 = arith.constant 0 : index
      %swap3A_26 = tpu.vector_load %arg18[%swap3A_25] {strides = array<i32>} : memref<112xf32, #tpu.memory_space<vmem>>, vector<16xf32>,
      tpu.vector_store %arg18[%swap3A_25], %broadcast_in_dim3A_19 {strides = array<i32>} : memref<112xf32, #tpu.memory_space<vmem>>, vector<16xf32>,
      %swap3A_27 = arith.constant 0 : index
      %swap3A_28 = tpu.vector_load %arg19[%swap3A_27] {strides = array<i32>} : memref<112xf32, #tpu.memory_space<vmem>>, vector<16xf32>,
      tpu.vector_store %arg19[%swap3A_27], %broadcast_in_dim3A_19 {strides = array<i32>} : memref<112xf32, #tpu.memory_space<vmem>>, vector<16xf32>,
      %swap3A_29 = arith.constant 0 : index
      %swap3A_30 = tpu.vector_load %arg21[%swap3A_29] {strides = array<i32>} : memref<112xf32, #tpu.memory_space<vmem>>, vector<16xf32>,
      tpu.vector_store %arg21[%swap3A_29], %broadcast_in_dim3A_19 {strides = array<i32>} : memref<112xf32, #tpu.memory_space<vmem>>, vector<16xf32>,
      %swap3A_31 = arith.constant 16 : index
      %swap3A_32 = tpu.vector_load %arg15[%swap3A_31] {strides = array<i32>} : memref<112xf32, #tpu.memory_space<vmem>>, vector<16xf32>,
      tpu.vector_store %arg15[%swap3A_31], %broadcast_in_dim3A_19 {strides = array<i32>} : memref<112xf32, #tpu.memory_space<vmem>>, vector<16xf32>,
      %swap3A_33 = arith.constant 16 : index
      %swap3A_34 = tpu.vector_load %arg16[%swap3A_33] {strides = array<i32>} : memref<112xf32, #tpu.memory_space<vmem>>, vector<16xf32>,
      tpu.vector_store %arg16[%swap3A_33], %broadcast_in_dim3A_19 {strides = array<i32>} : memref<112xf32, #tpu.memory_space<vmem>>, vector<16xf32>,
      %swap3A_35 = arith.constant 16 : index
      %swap3A_36 = tpu.vector_load %arg17[%swap3A_35] {strides = array<i32>} : memref<112xf32, #tpu.memory_space<vmem>>, vector<16xf32>,
      tpu.vector_store %arg17[%swap3A_35], %broadcast_in_dim3A_19 {strides = array<i32>} : memref<112xf32, #tpu.memory_space<vmem>>, vector<16xf32>,
      %swap3A_37 = arith.constant 16 : index
      %swap3A_38 = tpu.vector_load %arg18[%swap3A_37] {strides = array<i32>} : memref<112xf32, #tpu.memory_space<vmem>>, vector<16xf32>,
      tpu.vector_store %arg18[%swap3A_37], %broadcast_in_dim3A_19 {strides = array<i32>} : memref<112xf32, #tpu.memory_space<vmem>>, vector<16xf32>,
      %swap3A_39 = arith.constant 16 : index
      %swap3A_40 = tpu.vector_load %arg19[%swap3A_39] {strides = array<i32>} : memref<112xf32, #tpu.memory_space<vmem>>, vector<16xf32>,
      tpu.vector_store %arg19[%swap3A_39], %broadcast_in_dim3A_19 {strides = array<i32>} : memref<112xf32, #tpu.memory_space<vmem>>, vector<16xf32>,
      %swap3A_41 = arith.constant 16 : index
      %swap3A_42 = tpu.vector_load %arg21[%swap3A_41] {strides = array<i32>} : memref<112xf32, #tpu.memory_space<vmem>>, vector<16xf32>,
      tpu.vector_store %arg21[%swap3A_41], %broadcast_in_dim3A_19 {strides = array<i32>} : memref<112xf32, #tpu.memory_space<vmem>>, vector<16xf32>,
      %swap3A_43 = arith.constant 32 : index
      %swap3A_44 = tpu.vector_load %arg15[%swap3A_43] {strides = array<i32>} : memref<112xf32, #tpu.memory_space<vmem>>, vector<16xf32>,
      tpu.vector_store %arg15[%swap3A_43], %broadcast_in_dim3A_19 {strides = array<i32>} : memref<112xf32, #tpu.memory_space<vmem>>, vector<16xf32>,
      %swap3A_45 = arith.constant 32 : index
      %swap3A_46 = tpu.vector_load %arg16[%swap3A_45] {strides = array<i32>} : memref<112xf32, #tpu.memory_space<vmem>>, vector<16xf32>,
      tpu.vector_store %arg16[%swap3A_45], %broadcast_in_dim3A_19 {strides = array<i32>} : memref<112xf32, #tpu.memory_space<vmem>>, vector<16xf32>,
      %swap3A_47 = arith.constant 32 : index
      %swap3A_48 = tpu.vector_load %arg17[%swap3A_47] {strides = array<i32>} : memref<112xf32, #tpu.memory_space<vmem>>, vector<16xf32>,
      tpu.vector_store %arg17[%swap3A_47], %broadcast_in_dim3A_19 {strides = array<i32>} : memref<112xf32, #tpu.memory_space<vmem>>, vector<16xf32>,
      %swap3A_49 = arith.constant 32 : index
      %swap3A_50 = tpu.vector_load %arg18[%swap3A_49] {strides = array<i32>} : memref<112xf32, #tpu.memory_space<vmem>>, vector<16xf32>,
      tpu.vector_store %arg18[%swap3A_49], %broadcast_in_dim3A_19 {strides = array<i32>} : memref<112xf32, #tpu.memory_space<vmem>>, vector<16xf32>,
      %swap3A_51 = arith.constant 32 : index
      %swap3A_52 = tpu.vector_load %arg19[%swap3A_51] {strides = array<i32>} : memref<112xf32, #tpu.memory_space<vmem>>, vector<16xf32>,
      tpu.vector_store %arg19[%swap3A_51], %broadcast_in_dim3A_19 {strides = array<i32>} : memref<112xf32, #tpu.memory_space<vmem>>, vector<16xf32>,
      %swap3A_53 = arith.constant 32 : index
      %swap3A_54 = tpu.vector_load %arg21[%swap3A_53] {strides = array<i32>} : memref<112xf32, #tpu.memory_space<vmem>>, vector<16xf32>,
      tpu.vector_store %arg21[%swap3A_53], %broadcast_in_dim3A_19 {strides = array<i32>} : memref<112xf32, #tpu.memory_space<vmem>>, vector<16xf32>,
      %swap3A_55 = arith.constant 48 : index
      %swap3A_56 = tpu.vector_load %arg15[%swap3A_55] {strides = array<i32>} : memref<112xf32, #tpu.memory_space<vmem>>, vector<16xf32>,
      tpu.vector_store %arg15[%swap3A_55], %broadcast_in_dim3A_19 {strides = array<i32>} : memref<112xf32, #tpu.memory_space<vmem>>, vector<16xf32>,
      %swap3A_57 = arith.constant 48 : index
      %swap3A_58 = tpu.vector_load %arg16[%swap3A_57] {strides = array<i32>} : memref<112xf32, #tpu.memory_space<vmem>>, vector<16xf32>,
      tpu.vector_store %arg16[%swap3A_57], %broadcast_in_dim3A_19 {strides = array<i32>} : memref<112xf32, #tpu.memory_space<vmem>>, vector<16xf32>,
      %swap3A_59 = arith.constant 48 : index
      %swap3A_60 = tpu.vector_load %arg17[%swap3A_59] {strides = array<i32>} : memref<112xf32, #tpu.memory_space<vmem>>, vector<16xf32>,
      tpu.vector_store %arg17[%swap3A_59], %broadcast_in_dim3A_19 {strides = array<i32>} : memref<112xf32, #tpu.memory_space<vmem>>, vector<16xf32>,
      %swap3A_61 = arith.constant 48 : index
      %swap3A_62 = tpu.vector_load %arg18[%swap3A_61] {strides = array<i32>} : memref<112xf32, #tpu.memory_space<vmem>>, vector<16xf32>,
      tpu.vector_store %arg18[%swap3A_61], %broadcast_in_dim3A_19 {strides = array<i32>} : memref<112xf32, #tpu.memory_space<vmem>>, vector<16xf32>,
      %swap3A_63 = arith.constant 48 : index
      %swap3A_64 = tpu.vector_load %arg19[%swap3A_63] {strides = array<i32>} : memref<112xf32, #tpu.memory_space<vmem>>, vector<16xf32>,
      tpu.vector_store %arg19[%swap3A_63], %broadcast_in_dim3A_19 {strides = array<i32>} : memref<112xf32, #tpu.memory_space<vmem>>, vector<16xf32>,
      %swap3A_65 = arith.constant 48 : index
      %swap3A_66 = tpu.vector_load %arg21[%swap3A_65] {strides = array<i32>} : memref<112xf32, #tpu.memory_space<vmem>>, vector<16xf32>,
      tpu.vector_store %arg21[%swap3A_65], %broadcast_in_dim3A_19 {strides = array<i32>} : memref<112xf32, #tpu.memory_space<vmem>>, vector<16xf32>,
      %swap3A_67 = arith.constant 64 : index
      %swap3A_68 = tpu.vector_load %arg15[%swap3A_67] {strides = array<i32>} : memref<112xf32, #tpu.memory_space<vmem>>, vector<16xf32>,
      tpu.vector_store %arg15[%swap3A_67], %broadcast_in_dim3A_19 {strides = array<i32>} : memref<112xf32, #tpu.memory_space<vmem>>, vector<16xf32>,
      %swap3A_69 = arith.constant 64 : index
      %swap3A_70 = tpu.vector_load %arg16[%swap3A_69] {strides = array<i32>} : memref<112xf32, #tpu.memory_space<vmem>>, vector<16xf32>,
      tpu.vector_store %arg16[%swap3A_69], %broadcast_in_dim3A_19 {strides = array<i32>} : memref<112xf32, #tpu.memory_space<vmem>>, vector<16xf32>,
      %swap3A_71 = arith.constant 64 : index
      %swap3A_72 = tpu.vector_load %arg17[%swap3A_71] {strides = array<i32>} : memref<112xf32, #tpu.memory_space<vmem>>, vector<16xf32>,
      tpu.vector_store %arg17[%swap3A_71], %broadcast_in_dim3A_19 {strides = array<i32>} : memref<112xf32, #tpu.memory_space<vmem>>, vector<16xf32>,
      %swap3A_73 = arith.constant 64 : index
      %swap3A_74 = tpu.vector_load %arg18[%swap3A_73] {strides = array<i32>} : memref<112xf32, #tpu.memory_space<vmem>>, vector<16xf32>,
      tpu.vector_store %arg18[%swap3A_73], %broadcast_in_dim3A_19 {strides = array<i32>} : memref<112xf32, #tpu.memory_space<vmem>>, vector<16xf32>,
      %swap3A_75 = arith.constant 64 : index
      %swap3A_76 = tpu.vector_load %arg19[%swap3A_75] {strides = array<i32>} : memref<112xf32, #tpu.memory_space<vmem>>, vector<16xf32>,
      tpu.vector_store %arg19[%swap3A_75], %broadcast_in_dim3A_19 {strides = array<i32>} : memref<112xf32, #tpu.memory_space<vmem>>, vector<16xf32>,
      %swap3A_77 = arith.constant 64 : index
      %swap3A_78 = tpu.vector_load %arg21[%swap3A_77] {strides = array<i32>} : memref<112xf32, #tpu.memory_space<vmem>>, vector<16xf32>,
      tpu.vector_store %arg21[%swap3A_77], %broadcast_in_dim3A_19 {strides = array<i32>} : memref<112xf32, #tpu.memory_space<vmem>>, vector<16xf32>,
      %swap3A_79 = arith.constant 80 : index
      %swap3A_80 = tpu.vector_load %arg15[%swap3A_79] {strides = array<i32>} : memref<112xf32, #tpu.memory_space<vmem>>, vector<16xf32>,
      tpu.vector_store %arg15[%swap3A_79], %broadcast_in_dim3A_19 {strides = array<i32>} : memref<112xf32, #tpu.memory_space<vmem>>, vector<16xf32>,
      %swap3A_81 = arith.constant 80 : index
      %swap3A_82 = tpu.vector_load %arg16[%swap3A_81] {strides = array<i32>} : memref<112xf32, #tpu.memory_space<vmem>>, vector<16xf32>,
      tpu.vector_store %arg16[%swap3A_81], %broadcast_in_dim3A_19 {strides = array<i32>} : memref<112xf32, #tpu.memory_space<vmem>>, vector<16xf32>,
      %swap3A_83 = arith.constant 80 : index
      %swap3A_84 = tpu.vector_load %arg17[%swap3A_83] {strides = array<i32>} : memref<112xf32, #tpu.memory_space<vmem>>, vector<16xf32>,
      tpu.vector_store %arg17[%swap3A_83], %broadcast_in_dim3A_19 {strides = array<i32>} : memref<112xf32, #tpu.memory_space<vmem>>, vector<16xf32>,
      %swap3A_85 = arith.constant 80 : index
      %swap3A_86 = tpu.vector_load %arg18[%swap3A_85] {strides = array<i32>} : memref<112xf32, #tpu.memory_space<vmem>>, vector<16xf32>,
      tpu.vector_store %arg18[%swap3A_85], %broadcast_in_dim3A_19 {strides = array<i32>} : memref<112xf32, #tpu.memory_space<vmem>>, vector<16xf32>,
      %swap3A_87 = arith.constant 80 : index
      %swap3A_88 = tpu.vector_load %arg19[%swap3A_87] {strides = array<i32>} : memref<112xf32, #tpu.memory_space<vmem>>, vector<16xf32>,
      tpu.vector_store %arg19[%swap3A_87], %broadcast_in_dim3A_19 {strides = array<i32>} : memref<112xf32, #tpu.memory_space<vmem>>, vector<16xf32>,
      %swap3A_89 = arith.constant 80 : index
      %swap3A_90 = tpu.vector_load %arg21[%swap3A_89] {strides = array<i32>} : memref<112xf32, #tpu.memory_space<vmem>>, vector<16xf32>,
      tpu.vector_store %arg21[%swap3A_89], %broadcast_in_dim3A_19 {strides = array<i32>} : memref<112xf32, #tpu.memory_space<vmem>>, vector<16xf32>,
      %swap3A_91 = arith.constant 96 : index
      %swap3A_92 = tpu.vector_load %arg15[%swap3A_91] {strides = array<i32>} : memref<112xf32, #tpu.memory_space<vmem>>, vector<16xf32>,
      tpu.vector_store %arg15[%swap3A_91], %broadcast_in_dim3A_19 {strides = array<i32>} : memref<112xf32, #tpu.memory_space<vmem>>, vector<16xf32>,
      %swap3A_93 = arith.constant 96 : index
      %swap3A_94 = tpu.vector_load %arg16[%swap3A_93] {strides = array<i32>} : memref<112xf32, #tpu.memory_space<vmem>>, vector<16xf32>,
      tpu.vector_store %arg16[%swap3A_93], %broadcast_in_dim3A_19 {strides = array<i32>} : memref<112xf32, #tpu.memory_space<vmem>>, vector<16xf32>,
      %swap3A_95 = arith.constant 96 : index
      %swap3A_96 = tpu.vector_load %arg17[%swap3A_95] {strides = array<i32>} : memref<112xf32, #tpu.memory_space<vmem>>, vector<16xf32>,
      tpu.vector_store %arg17[%swap3A_95], %broadcast_in_dim3A_19 {strides = array<i32>} : memref<112xf32, #tpu.memory_space<vmem>>, vector<16xf32>,
      %swap3A_97 = arith.constant 96 : index
      %swap3A_98 = tpu.vector_load %arg18[%swap3A_97] {strides = array<i32>} : memref<112xf32, #tpu.memory_space<vmem>>, vector<16xf32>,
      tpu.vector_store %arg18[%swap3A_97], %broadcast_in_dim3A_19 {strides = array<i32>} : memref<112xf32, #tpu.memory_space<vmem>>, vector<16xf32>,
      %swap3A_99 = arith.constant 96 : index
      %swap3A_100 = tpu.vector_load %arg19[%swap3A_99] {strides = array<i32>} : memref<112xf32, #tpu.memory_space<vmem>>, vector<16xf32>,
      tpu.vector_store %arg19[%swap3A_99], %broadcast_in_dim3A_19 {strides = array<i32>} : memref<112xf32, #tpu.memory_space<vmem>>, vector<16xf32>,
      %swap3A_101 = arith.constant 96 : index
      %swap3A_102 = tpu.vector_load %arg21[%swap3A_101] {strides = array<i32>} : memref<112xf32, #tpu.memory_space<vmem>>, vector<16xf32>,
      tpu.vector_store %arg21[%swap3A_101], %broadcast_in_dim3A_19 {strides = array<i32>} : memref<112xf32, #tpu.memory_space<vmem>>, vector<16xf32>,
      %swap3A_103 = arith.constant 0 : index
      %swap3A_104 = tpu.vector_load %arg20[%swap3A_103] {strides = array<i32>} : memref<400xf32, #tpu.memory_space<vmem>>, vector<16xf32>,
      tpu.vector_store %arg20[%swap3A_103], %broadcast_in_dim3A_19 {strides = array<i32>} : memref<400xf32, #tpu.memory_space<vmem>>, vector<16xf32>,
      %swap3A_105 = arith.constant 16 : index
      %swap3A_106 = tpu.vector_load %arg20[%swap3A_105] {strides = array<i32>} : memref<400xf32, #tpu.memory_space<vmem>>, vector<16xf32>,
      tpu.vector_store %arg20[%swap3A_105], %broadcast_in_dim3A_19 {strides = array<i32>} : memref<400xf32, #tpu.memory_space<vmem>>, vector<16xf32>,
      %swap3A_107 = arith.constant 32 : index
      %swap3A_108 = tpu.vector_load %arg20[%swap3A_107] {strides = array<i32>} : memref<400xf32, #tpu.memory_space<vmem>>, vector<16xf32>,
      tpu.vector_store %arg20[%swap3A_107], %broadcast_in_dim3A_19 {strides = array<i32>} : memref<400xf32, #tpu.memory_space<vmem>>, vector<16xf32>,
      %swap3A_109 = arith.constant 48 : index
      %swap3A_110 = tpu.vector_load %arg20[%swap3A_109] {strides = array<i32>} : memref<400xf32, #tpu.memory_space<vmem>>, vector<16xf32>,
      tpu.vector_store %arg20[%swap3A_109], %broadcast_in_dim3A_19 {strides = array<i32>} : memref<400xf32, #tpu.memory_space<vmem>>, vector<16xf32>,
      %swap3A_111 = arith.constant 64 : index
      %swap3A_112 = tpu.vector_load %arg20[%swap3A_111] {strides = array<i32>} : memref<400xf32, #tpu.memory_space<vmem>>, vector<16xf32>,
      tpu.vector_store %arg20[%swap3A_111], %broadcast_in_dim3A_19 {strides = array<i32>} : memref<400xf32, #tpu.memory_space<vmem>>, vector<16xf32>,
      %swap3A_113 = arith.constant 80 : index
      %swap3A_114 = tpu.vector_load %arg20[%swap3A_113] {strides = array<i32>} : memref<400xf32, #tpu.memory_space<vmem>>, vector<16xf32>,
      tpu.vector_store %arg20[%swap3A_113], %broadcast_in_dim3A_19 {strides = array<i32>} : memref<400xf32, #tpu.memory_space<vmem>>, vector<16xf32>,
      %swap3A_115 = arith.constant 96 : index
      %swap3A_116 = tpu.vector_load %arg20[%swap3A_115] {strides = array<i32>} : memref<400xf32, #tpu.memory_space<vmem>>, vector<16xf32>,
      tpu.vector_store %arg20[%swap3A_115], %broadcast_in_dim3A_19 {strides = array<i32>} : memref<400xf32, #tpu.memory_space<vmem>>, vector<16xf32>,
      %swap3A_117 = arith.constant 112 : index
      %swap3A_118 = tpu.vector_load %arg20[%swap3A_117] {strides = array<i32>} : memref<400xf32, #tpu.memory_space<vmem>>, vector<16xf32>,
      tpu.vector_store %arg20[%swap3A_117], %broadcast_in_dim3A_19 {strides = array<i32>} : memref<400xf32, #tpu.memory_space<vmem>>, vector<16xf32>,
      %swap3A_119 = arith.constant 128 : index
      %swap3A_120 = tpu.vector_load %arg20[%swap3A_119] {strides = array<i32>} : memref<400xf32, #tpu.memory_space<vmem>>, vector<16xf32>,
      tpu.vector_store %arg20[%swap3A_119], %broadcast_in_dim3A_19 {strides = array<i32>} : memref<400xf32, #tpu.memory_space<vmem>>, vector<16xf32>,
      %swap3A_121 = arith.constant 144 : index
      %swap3A_122 = tpu.vector_load %arg20[%swap3A_121] {strides = array<i32>} : memref<400xf32, #tpu.memory_space<vmem>>, vector<16xf32>,
      tpu.vector_store %arg20[%swap3A_121], %broadcast_in_dim3A_19 {strides = array<i32>} : memref<400xf32, #tpu.memory_space<vmem>>, vector<16xf32>,
      %swap3A_123 = arith.constant 160 : index
      %swap3A_124 = tpu.vector_load %arg20[%swap3A_123] {strides = array<i32>} : memref<400xf32, #tpu.memory_space<vmem>>, vector<16xf32>,
      tpu.vector_store %arg20[%swap3A_123], %broadcast_in_dim3A_19 {strides = array<i32>} : memref<400xf32, #tpu.memory_space<vmem>>, vector<16xf32>,
      %swap3A_125 = arith.constant 176 : index
      %swap3A_126 = tpu.vector_load %arg20[%swap3A_125] {strides = array<i32>} : memref<400xf32, #tpu.memory_space<vmem>>, vector<16xf32>,
      tpu.vector_store %arg20[%swap3A_125], %broadcast_in_dim3A_19 {strides = array<i32>} : memref<400xf32, #tpu.memory_space<vmem>>, vector<16xf32>,
      %swap3A_127 = arith.constant 192 : index
      %swap3A_128 = tpu.vector_load %arg20[%swap3A_127] {strides = array<i32>} : memref<400xf32, #tpu.memory_space<vmem>>, vector<16xf32>,
      tpu.vector_store %arg20[%swap3A_127], %broadcast_in_dim3A_19 {strides = array<i32>} : memref<400xf32, #tpu.memory_space<vmem>>, vector<16xf32>,
      %swap3A_129 = arith.constant 208 : index
      %swap3A_130 = tpu.vector_load %arg20[%swap3A_129] {strides = array<i32>} : memref<400xf32, #tpu.memory_space<vmem>>, vector<16xf32>,
      tpu.vector_store %arg20[%swap3A_129], %broadcast_in_dim3A_19 {strides = array<i32>} : memref<400xf32, #tpu.memory_space<vmem>>, vector<16xf32>,
      %swap3A_131 = arith.constant 224 : index
      %swap3A_132 = tpu.vector_load %arg20[%swap3A_131] {strides = array<i32>} : memref<400xf32, #tpu.memory_space<vmem>>, vector<16xf32>,
      tpu.vector_store %arg20[%swap3A_131], %broadcast_in_dim3A_19 {strides = array<i32>} : memref<400xf32, #tpu.memory_space<vmem>>, vector<16xf32>,
      %swap3A_133 = arith.constant 240 : index
      %swap3A_134 = tpu.vector_load %arg20[%swap3A_133] {strides = array<i32>} : memref<400xf32, #tpu.memory_space<vmem>>, vector<16xf32>,
      tpu.vector_store %arg20[%swap3A_133], %broadcast_in_dim3A_19 {strides = array<i32>} : memref<400xf32, #tpu.memory_space<vmem>>, vector<16xf32>,
      %swap3A_135 = arith.constant 256 : index
      %swap3A_136 = tpu.vector_load %arg20[%swap3A_135] {strides = array<i32>} : memref<400xf32, #tpu.memory_space<vmem>>, vector<16xf32>,
      tpu.vector_store %arg20[%swap3A_135], %broadcast_in_dim3A_19 {strides = array<i32>} : memref<400xf32, #tpu.memory_space<vmem>>, vector<16xf32>,
      %swap3A_137 = arith.constant 272 : index
      %swap3A_138 = tpu.vector_load %arg20[%swap3A_137] {strides = array<i32>} : memref<400xf32, #tpu.memory_space<vmem>>, vector<16xf32>,
      tpu.vector_store %arg20[%swap3A_137], %broadcast_in_dim3A_19 {strides = array<i32>} : memref<400xf32, #tpu.memory_space<vmem>>, vector<16xf32>,
      %swap3A_139 = arith.constant 288 : index
      %swap3A_140 = tpu.vector_load %arg20[%swap3A_139] {strides = array<i32>} : memref<400xf32, #tpu.memory_space<vmem>>, vector<16xf32>,
      tpu.vector_store %arg20[%swap3A_139], %broadcast_in_dim3A_19 {strides = array<i32>} : memref<400xf32, #tpu.memory_space<vmem>>, vector<16xf32>,
      %swap3A_141 = arith.constant 304 : index
      %swap3A_142 = tpu.vector_load %arg20[%swap3A_141] {strides = array<i32>} : memref<400xf32, #tpu.memory_space<vmem>>, vector<16xf32>,
      tpu.vector_store %arg20[%swap3A_141], %broadcast_in_dim3A_19 {strides = array<i32>} : memref<400xf32, #tpu.memory_space<vmem>>, vector<16xf32>,
      %swap3A_143 = arith.constant 320 : index
      %swap3A_144 = tpu.vector_load %arg20[%swap3A_143] {strides = array<i32>} : memref<400xf32, #tpu.memory_space<vmem>>, vector<16xf32>,
      tpu.vector_store %arg20[%swap3A_143], %broadcast_in_dim3A_19 {strides = array<i32>} : memref<400xf32, #tpu.memory_space<vmem>>, vector<16xf32>,
      %swap3A_145 = arith.constant 336 : index
      %swap3A_146 = tpu.vector_load %arg20[%swap3A_145] {strides = array<i32>} : memref<400xf32, #tpu.memory_space<vmem>>, vector<16xf32>,
      tpu.vector_store %arg20[%swap3A_145], %broadcast_in_dim3A_19 {strides = array<i32>} : memref<400xf32, #tpu.memory_space<vmem>>, vector<16xf32>,
      %swap3A_147 = arith.constant 352 : index
      %swap3A_148 = tpu.vector_load %arg20[%swap3A_147] {strides = array<i32>} : memref<400xf32, #tpu.memory_space<vmem>>, vector<16xf32>,
      tpu.vector_store %arg20[%swap3A_147], %broadcast_in_dim3A_19 {strides = array<i32>} : memref<400xf32, #tpu.memory_space<vmem>>, vector<16xf32>,
      %swap3A_149 = arith.constant 368 : index
      %swap3A_150 = tpu.vector_load %arg20[%swap3A_149] {strides = array<i32>} : memref<400xf32, #tpu.memory_space<vmem>>, vector<16xf32>,
      tpu.vector_store %arg20[%swap3A_149], %broadcast_in_dim3A_19 {strides = array<i32>} : memref<400xf32, #tpu.memory_space<vmem>>, vector<16xf32>,
      %swap3A_151 = arith.constant 384 : index
      %swap3A_152 = tpu.vector_load %arg20[%swap3A_151] {strides = array<i32>} : memref<400xf32, #tpu.memory_space<vmem>>, vector<16xf32>,
      tpu.vector_store %arg20[%swap3A_151], %broadcast_in_dim3A_19 {strides = array<i32>} : memref<400xf32, #tpu.memory_space<vmem>>, vector<16xf32>,
      %scan3A = arith.constant 0 : i32
      %scan3A_153 = arith.constant 0 : i32
      %scan3A_154 = arith.constant 160 : i32
      %scan3A_155 = arith.addi %scan3A_153, %scan3A_154 : i32
      %scan3A_156 = arith.constant 1 : i32
      scf.for %scan3A_161 = %scan3A_153 to %scan3A_155 step %scan3A_156  : i32 {
        %mul3A_162 = arith.constant 128 : i32
        %mul3A_163 = arith.muli %scan3A_161, %mul3A_162 : i32
        %get3A = arith.index_cast %mul3A_163 : i32 to index
        %get3A_164 = tpu.vector_load %arg13[%get3A] {strides = array<i32>} : memref<20480xf32, #tpu.memory_space<vmem>>, vector<16xf32>,
        %add3A_165 = arith.constant 16 : i32
        %add3A_166 = arith.addi %mul3A_163, %add3A_165 : i32
        %get3A_167 = arith.index_cast %add3A_166 : i32 to index
        %get3A_168 = tpu.vector_load %arg13[%get3A_167] {strides = array<i32>} : memref<20480xf32, #tpu.memory_space<vmem>>, vector<16xf32>,
        %max3A = arith.maximumf %get3A_164, %get3A_168 : vector<16xf32>
        %add3A_169 = arith.constant 32 : i32
        %add3A_170 = arith.addi %mul3A_163, %add3A_169 : i32
        %get3A_171 = arith.index_cast %add3A_170 : i32 to index
        %get3A_172 = tpu.vector_load %arg13[%get3A_171] {strides = array<i32>} : memref<20480xf32, #tpu.memory_space<vmem>>, vector<16xf32>,
        %max3A_173 = arith.maximumf %max3A, %get3A_172 : vector<16xf32>
        %add3A_174 = arith.constant 48 : i32
        %add3A_175 = arith.addi %mul3A_163, %add3A_174 : i32
        %get3A_176 = arith.index_cast %add3A_175 : i32 to index
        %get3A_177 = tpu.vector_load %arg13[%get3A_176] {strides = array<i32>} : memref<20480xf32, #tpu.memory_space<vmem>>, vector<16xf32>,
        %max3A_178 = arith.maximumf %max3A_173, %get3A_177 : vector<16xf32>
        %add3A_179 = arith.constant 64 : i32
        %add3A_180 = arith.addi %mul3A_163, %add3A_179 : i32
        %get3A_181 = arith.index_cast %add3A_180 : i32 to index
        %get3A_182 = tpu.vector_load %arg13[%get3A_181] {strides = array<i32>} : memref<20480xf32, #tpu.memory_space<vmem>>, vector<16xf32>,
        %max3A_183 = arith.maximumf %max3A_178, %get3A_182 : vector<16xf32>
        %add3A_184 = arith.constant 80 : i32
        %add3A_185 = arith.addi %mul3A_163, %add3A_184 : i32
        %get3A_186 = arith.index_cast %add3A_185 : i32 to index
        %get3A_187 = tpu.vector_load %arg13[%get3A_186] {strides = array<i32>} : memref<20480xf32, #tpu.memory_space<vmem>>, vector<16xf32>,
        %max3A_188 = arith.maximumf %max3A_183, %get3A_187 : vector<16xf32>
        %add3A_189 = arith.constant 96 : i32
        %add3A_190 = arith.addi %mul3A_163, %add3A_189 : i32
        %get3A_191 = arith.index_cast %add3A_190 : i32 to index
        %get3A_192 = tpu.vector_load %arg13[%get3A_191] {strides = array<i32>} : memref<20480xf32, #tpu.memory_space<vmem>>, vector<16xf32>,
        %max3A_193 = arith.maximumf %max3A_188, %get3A_192 : vector<16xf32>
        %add3A_194 = arith.constant 112 : i32
        %add3A_195 = arith.addi %mul3A_163, %add3A_194 : i32
        %get3A_196 = arith.index_cast %add3A_195 : i32 to index
        %get3A_197 = tpu.vector_load %arg13[%get3A_196] {strides = array<i32>} : memref<20480xf32, #tpu.memory_space<vmem>>, vector<16xf32>,
        %max3A_198 = arith.maximumf %max3A_193, %get3A_197 : vector<16xf32>
        %sort3A = arith.constant dense<true> : vector<16xi1>
        %sort3A_199, %sort3A_200, %sort3A_201 = tpu.sort %max3A_198, %max3A_198 masked %sort3A : (vector<16xf32>, vector<16xf32>, vector<16xi1>) -> (vector<16xi1>, vector<16xf32>, vector<16xf32>)
        %slice3A = vector.extract_strided_slice %sort3A_200 {offsets = [15], sizes = [1], strides = [1]} : vector<16xf32> to vector<1xf32>
        %squeeze3A = vector.extract %slice3A[0] : f32 from vector<1xf32>
        %iota3A_202 = tpu.iota {dimensions = array<i32: 0>} : vector<16xi32>
        %eq3A = arith.constant 0 : i32
        %eq3A_203 = vector.broadcast %eq3A : i32 to vector<16xi32>
        %eq3A_204 = arith.cmpi eq, %iota3A_202, %eq3A_203 : vector<16xi32>
        %broadcast_in_dim3A_205 = vector.broadcast %scan3A_161 : i32 to vector<16xi32>
        %broadcast_in_dim3A_206 = vector.broadcast %squeeze3A : f32 to vector<16xf32>
        tpu.vector_store_idx %arg14[%broadcast_in_dim3A_205], %broadcast_in_dim3A_206 masked %eq3A_204 : memref<160xf32, #tpu.memory_space<vmem>>[vector<16xi32>], vector<16xf32>, vector<16xi1>
      }
      %scan3A_157 = arith.constant 160 : i32
      %iota3A = tpu.iota {dimensions = array<i32: 0>} : vector<16xi32>
      %while3A = arith.constant 1073741824 : i32
      %while3A_158 = arith.constant 0 : i32
      %while3A_159 = arith.constant 0 : i32
      %while3A_160:2 = scf.while (%while3A_161 = %while3A_158, %while3A_162 = %while3A_159) : (i32, i32) -> (i32, i32) {
        %lt3A_163 = arith.constant 100 : i32
        %lt3A_164 = arith.cmpi slt, %while3A_161, %lt3A_163 : i32
        %eq3A = arith.constant 0 : i32
        %eq3A_165 = arith.cmpi eq, %while3A_162, %eq3A : i32
        %and3A = arith.andi %lt3A_164, %eq3A_165 : i1
        scf.condition(%and3A) %while3A_161, %while3A_162 : i32, i32
      } do {
      ^bb0(%while3A_161: i32, %while3A_162: i32):
        %get3A = arith.constant 0 : index
        %get3A_163 = tpu.vector_load %arg14[%get3A] {strides = array<i32>} : memref<160xf32, #tpu.memory_space<vmem>>, vector<16xf32>,
        %get3A_164 = arith.constant 16 : index
        %get3A_165 = tpu.vector_load %arg14[%get3A_164] {strides = array<i32>} : memref<160xf32, #tpu.memory_space<vmem>>, vector<16xf32>,
        %max3A = arith.maximumf %get3A_163, %get3A_165 : vector<16xf32>
        %get3A_166 = arith.constant 32 : index
        %get3A_167 = tpu.vector_load %arg14[%get3A_166] {strides = array<i32>} : memref<160xf32, #tpu.memory_space<vmem>>, vector<16xf32>,
        %max3A_168 = arith.maximumf %max3A, %get3A_167 : vector<16xf32>
        %get3A_169 = arith.constant 48 : index
        %get3A_170 = tpu.vector_load %arg14[%get3A_169] {strides = array<i32>} : memref<160xf32, #tpu.memory_space<vmem>>, vector<16xf32>,
        %max3A_171 = arith.maximumf %max3A_168, %get3A_170 : vector<16xf32>
        %get3A_172 = arith.constant 64 : index
        %get3A_173 = tpu.vector_load %arg14[%get3A_172] {strides = array<i32>} : memref<160xf32, #tpu.memory_space<vmem>>, vector<16xf32>,
        %max3A_174 = arith.maximumf %max3A_171, %get3A_173 : vector<16xf32>
        %get3A_175 = arith.constant 80 : index
        %get3A_176 = tpu.vector_load %arg14[%get3A_175] {strides = array<i32>} : memref<160xf32, #tpu.memory_space<vmem>>, vector<16xf32>,
        %max3A_177 = arith.maximumf %max3A_174, %get3A_176 : vector<16xf32>
        %get3A_178 = arith.constant 96 : index
        %get3A_179 = tpu.vector_load %arg14[%get3A_178] {strides = array<i32>} : memref<160xf32, #tpu.memory_space<vmem>>, vector<16xf32>,
        %max3A_180 = arith.maximumf %max3A_177, %get3A_179 : vector<16xf32>
        %get3A_181 = arith.constant 112 : index
        %get3A_182 = tpu.vector_load %arg14[%get3A_181] {strides = array<i32>} : memref<160xf32, #tpu.memory_space<vmem>>, vector<16xf32>,
        %max3A_183 = arith.maximumf %max3A_180, %get3A_182 : vector<16xf32>
        %get3A_184 = arith.constant 128 : index
        %get3A_185 = tpu.vector_load %arg14[%get3A_184] {strides = array<i32>} : memref<160xf32, #tpu.memory_space<vmem>>, vector<16xf32>,
        %max3A_186 = arith.maximumf %max3A_183, %get3A_185 : vector<16xf32>
        %get3A_187 = arith.constant 144 : index
        %get3A_188 = tpu.vector_load %arg14[%get3A_187] {strides = array<i32>} : memref<160xf32, #tpu.memory_space<vmem>>, vector<16xf32>,
        %max3A_189 = arith.maximumf %max3A_186, %get3A_188 : vector<16xf32>
        %sort3A = arith.constant dense<true> : vector<16xi1>
        %sort3A_190, %sort3A_191, %sort3A_192 = tpu.sort %max3A_189, %max3A_189 masked %sort3A : (vector<16xf32>, vector<16xf32>, vector<16xi1>) -> (vector<16xi1>, vector<16xf32>, vector<16xf32>)
        %slice3A = vector.extract_strided_slice %sort3A_191 {offsets = [15], sizes = [1], strides = [1]} : vector<16xf32> to vector<1xf32>
        %squeeze3A = vector.extract %slice3A[0] : f32 from vector<1xf32>
        %broadcast_in_dim3A_193 = vector.broadcast %while3A : i32 to vector<16xi32>
        %get3A_194 = arith.constant 0 : index
        %get3A_195 = tpu.vector_load %arg14[%get3A_194] {strides = array<i32>} : memref<160xf32, #tpu.memory_space<vmem>>, vector<16xf32>,
        %eq3A = vector.broadcast %squeeze3A : f32 to vector<16xf32>
        %eq3A_196 = arith.cmpf oeq, %get3A_195, %eq3A : vector<16xf32>
        %add3A_197 = arith.constant 0 : i32
        %add3A_198 = vector.broadcast %add3A_197 : i32 to vector<16xi32>
        %add3A_199 = arith.addi %iota3A, %add3A_198 : vector<16xi32>
        %broadcast_in_dim3A_200 = vector.broadcast %while3A : i32 to vector<16xi32>
        %select_n3A = arith.select %eq3A_196, %add3A_199, %broadcast_in_dim3A_200 : vector<16xi1>, vector<16xi32>
        %min3A = arith.minsi %broadcast_in_dim3A_193, %select_n3A : vector<16xi32>
        %get3A_201 = arith.constant 16 : index
        %get3A_202 = tpu.vector_load %arg14[%get3A_201] {strides = array<i32>} : memref<160xf32, #tpu.memory_space<vmem>>, vector<16xf32>,
        %eq3A_203 = vector.broadcast %squeeze3A : f32 to vector<16xf32>
        %eq3A_204 = arith.cmpf oeq, %get3A_202, %eq3A_203 : vector<16xf32>
        %add3A_205 = arith.constant 16 : i32
        %add3A_206 = vector.broadcast %add3A_205 : i32 to vector<16xi32>
        %add3A_207 = arith.addi %iota3A, %add3A_206 : vector<16xi32>
        %broadcast_in_dim3A_208 = vector.broadcast %while3A : i32 to vector<16xi32>
        %select_n3A_209 = arith.select %eq3A_204, %add3A_207, %broadcast_in_dim3A_208 : vector<16xi1>, vector<16xi32>
        %min3A_210 = arith.minsi %min3A, %select_n3A_209 : vector<16xi32>
        %get3A_211 = arith.constant 32 : index
        %get3A_212 = tpu.vector_load %arg14[%get3A_211] {strides = array<i32>} : memref<160xf32, #tpu.memory_space<vmem>>, vector<16xf32>,
        %eq3A_213 = vector.broadcast %squeeze3A : f32 to vector<16xf32>
        %eq3A_214 = arith.cmpf oeq, %get3A_212, %eq3A_213 : vector<16xf32>
        %add3A_215 = arith.constant 32 : i32
        %add3A_216 = vector.broadcast %add3A_215 : i32 to vector<16xi32>
        %add3A_217 = arith.addi %iota3A, %add3A_216 : vector<16xi32>
        %broadcast_in_dim3A_218 = vector.broadcast %while3A : i32 to vector<16xi32>
        %select_n3A_219 = arith.select %eq3A_214, %add3A_217, %broadcast_in_dim3A_218 : vector<16xi1>, vector<16xi32>
        %min3A_220 = arith.minsi %min3A_210, %select_n3A_219 : vector<16xi32>
        %get3A_221 = arith.constant 48 : index
        %get3A_222 = tpu.vector_load %arg14[%get3A_221] {strides = array<i32>} : memref<160xf32, #tpu.memory_space<vmem>>, vector<16xf32>,
        %eq3A_223 = vector.broadcast %squeeze3A : f32 to vector<16xf32>
        %eq3A_224 = arith.cmpf oeq, %get3A_222, %eq3A_223 : vector<16xf32>
        %add3A_225 = arith.constant 48 : i32
        %add3A_226 = vector.broadcast %add3A_225 : i32 to vector<16xi32>
        %add3A_227 = arith.addi %iota3A, %add3A_226 : vector<16xi32>
        %broadcast_in_dim3A_228 = vector.broadcast %while3A : i32 to vector<16xi32>
        %select_n3A_229 = arith.select %eq3A_224, %add3A_227, %broadcast_in_dim3A_228 : vector<16xi1>, vector<16xi32>
        %min3A_230 = arith.minsi %min3A_220, %select_n3A_229 : vector<16xi32>
        %get3A_231 = arith.constant 64 : index
        %get3A_232 = tpu.vector_load %arg14[%get3A_231] {strides = array<i32>} : memref<160xf32, #tpu.memory_space<vmem>>, vector<16xf32>,
        %eq3A_233 = vector.broadcast %squeeze3A : f32 to vector<16xf32>
        %eq3A_234 = arith.cmpf oeq, %get3A_232, %eq3A_233 : vector<16xf32>
        %add3A_235 = arith.constant 64 : i32
        %add3A_236 = vector.broadcast %add3A_235 : i32 to vector<16xi32>
        %add3A_237 = arith.addi %iota3A, %add3A_236 : vector<16xi32>
        %broadcast_in_dim3A_238 = vector.broadcast %while3A : i32 to vector<16xi32>
        %select_n3A_239 = arith.select %eq3A_234, %add3A_237, %broadcast_in_dim3A_238 : vector<16xi1>, vector<16xi32>
        %min3A_240 = arith.minsi %min3A_230, %select_n3A_239 : vector<16xi32>
        %get3A_241 = arith.constant 80 : index
        %get3A_242 = tpu.vector_load %arg14[%get3A_241] {strides = array<i32>} : memref<160xf32, #tpu.memory_space<vmem>>, vector<16xf32>,
        %eq3A_243 = vector.broadcast %squeeze3A : f32 to vector<16xf32>
        %eq3A_244 = arith.cmpf oeq, %get3A_242, %eq3A_243 : vector<16xf32>
        %add3A_245 = arith.constant 80 : i32
        %add3A_246 = vector.broadcast %add3A_245 : i32 to vector<16xi32>
        %add3A_247 = arith.addi %iota3A, %add3A_246 : vector<16xi32>
        %broadcast_in_dim3A_248 = vector.broadcast %while3A : i32 to vector<16xi32>
        %select_n3A_249 = arith.select %eq3A_244, %add3A_247, %broadcast_in_dim3A_248 : vector<16xi1>, vector<16xi32>
        %min3A_250 = arith.minsi %min3A_240, %select_n3A_249 : vector<16xi32>
        %get3A_251 = arith.constant 96 : index
        %get3A_252 = tpu.vector_load %arg14[%get3A_251] {strides = array<i32>} : memref<160xf32, #tpu.memory_space<vmem>>, vector<16xf32>,
        %eq3A_253 = vector.broadcast %squeeze3A : f32 to vector<16xf32>
        %eq3A_254 = arith.cmpf oeq, %get3A_252, %eq3A_253 : vector<16xf32>
        %add3A_255 = arith.constant 96 : i32
        %add3A_256 = vector.broadcast %add3A_255 : i32 to vector<16xi32>
        %add3A_257 = arith.addi %iota3A, %add3A_256 : vector<16xi32>
        %broadcast_in_dim3A_258 = vector.broadcast %while3A : i32 to vector<16xi32>
        %select_n3A_259 = arith.select %eq3A_254, %add3A_257, %broadcast_in_dim3A_258 : vector<16xi1>, vector<16xi32>
        %min3A_260 = arith.minsi %min3A_250, %select_n3A_259 : vector<16xi32>
        %get3A_261 = arith.constant 112 : index
        %get3A_262 = tpu.vector_load %arg14[%get3A_261] {strides = array<i32>} : memref<160xf32, #tpu.memory_space<vmem>>, vector<16xf32>,
        %eq3A_263 = vector.broadcast %squeeze3A : f32 to vector<16xf32>
        %eq3A_264 = arith.cmpf oeq, %get3A_262, %eq3A_263 : vector<16xf32>
        %add3A_265 = arith.constant 112 : i32
        %add3A_266 = vector.broadcast %add3A_265 : i32 to vector<16xi32>
        %add3A_267 = arith.addi %iota3A, %add3A_266 : vector<16xi32>
        %broadcast_in_dim3A_268 = vector.broadcast %while3A : i32 to vector<16xi32>
        %select_n3A_269 = arith.select %eq3A_264, %add3A_267, %broadcast_in_dim3A_268 : vector<16xi1>, vector<16xi32>
        %min3A_270 = arith.minsi %min3A_260, %select_n3A_269 : vector<16xi32>
        %get3A_271 = arith.constant 128 : index
        %get3A_272 = tpu.vector_load %arg14[%get3A_271] {strides = array<i32>} : memref<160xf32, #tpu.memory_space<vmem>>, vector<16xf32>,
        %eq3A_273 = vector.broadcast %squeeze3A : f32 to vector<16xf32>
        %eq3A_274 = arith.cmpf oeq, %get3A_272, %eq3A_273 : vector<16xf32>
        %add3A_275 = arith.constant 128 : i32
        %add3A_276 = vector.broadcast %add3A_275 : i32 to vector<16xi32>
        %add3A_277 = arith.addi %iota3A, %add3A_276 : vector<16xi32>
        %broadcast_in_dim3A_278 = vector.broadcast %while3A : i32 to vector<16xi32>
        %select_n3A_279 = arith.select %eq3A_274, %add3A_277, %broadcast_in_dim3A_278 : vector<16xi1>, vector<16xi32>
        %min3A_280 = arith.minsi %min3A_270, %select_n3A_279 : vector<16xi32>
        %get3A_281 = arith.constant 144 : index
        %get3A_282 = tpu.vector_load %arg14[%get3A_281] {strides = array<i32>} : memref<160xf32, #tpu.memory_space<vmem>>, vector<16xf32>,
        %eq3A_283 = vector.broadcast %squeeze3A : f32 to vector<16xf32>
        %eq3A_284 = arith.cmpf oeq, %get3A_282, %eq3A_283 : vector<16xf32>
        %add3A_285 = arith.constant 144 : i32
        %add3A_286 = vector.broadcast %add3A_285 : i32 to vector<16xi32>
        %add3A_287 = arith.addi %iota3A, %add3A_286 : vector<16xi32>
        %broadcast_in_dim3A_288 = vector.broadcast %while3A : i32 to vector<16xi32>
        %select_n3A_289 = arith.select %eq3A_284, %add3A_287, %broadcast_in_dim3A_288 : vector<16xi1>, vector<16xi32>
        %min3A_290 = arith.minsi %min3A_280, %select_n3A_289 : vector<16xi32>
        %sort3A_291 = arith.constant dense<true> : vector<16xi1>
        %sort3A_292, %sort3A_293, %sort3A_294 = tpu.sort %min3A_290, %min3A_290 masked %sort3A_291 : (vector<16xi32>, vector<16xi32>, vector<16xi1>) -> (vector<16xi1>, vector<16xi32>, vector<16xi32>)
        %slice3A_295 = vector.extract_strided_slice %sort3A_293 {offsets = [0], sizes = [1], strides = [1]} : vector<16xi32> to vector<1xi32>
        %squeeze3A_296 = vector.extract %slice3A_295[0] : i32 from vector<1xi32>
        %mul3A_297 = arith.constant 128 : i32
        %mul3A_298 = arith.muli %squeeze3A_296, %mul3A_297 : i32
        %broadcast_in_dim3A_299 = vector.broadcast %while3A : i32 to vector<16xi32>
        %add3A_300 = arith.constant 0 : i32
        %add3A_301 = arith.addi %mul3A_298, %add3A_300 : i32
        %get3A_302 = arith.index_cast %add3A_301 : i32 to index
        %get3A_303 = tpu.vector_load %arg13[%get3A_302] {strides = array<i32>} : memref<20480xf32, #tpu.memory_space<vmem>>, vector<16xf32>,
        %eq3A_304 = vector.broadcast %squeeze3A : f32 to vector<16xf32>
        %eq3A_305 = arith.cmpf oeq, %get3A_303, %eq3A_304 : vector<16xf32>
        %add3A_306 = arith.constant 0 : i32
        %add3A_307 = arith.addi %mul3A_298, %add3A_306 : i32
        %add3A_308 = vector.broadcast %add3A_307 : i32 to vector<16xi32>
        %add3A_309 = arith.addi %iota3A, %add3A_308 : vector<16xi32>
        %broadcast_in_dim3A_310 = vector.broadcast %while3A : i32 to vector<16xi32>
        %select_n3A_311 = arith.select %eq3A_305, %add3A_309, %broadcast_in_dim3A_310 : vector<16xi1>, vector<16xi32>
        %min3A_312 = arith.minsi %broadcast_in_dim3A_299, %select_n3A_311 : vector<16xi32>
        %add3A_313 = arith.constant 16 : i32
        %add3A_314 = arith.addi %mul3A_298, %add3A_313 : i32
        %get3A_315 = arith.index_cast %add3A_314 : i32 to index
        %get3A_316 = tpu.vector_load %arg13[%get3A_315] {strides = array<i32>} : memref<20480xf32, #tpu.memory_space<vmem>>, vector<16xf32>,
        %eq3A_317 = vector.broadcast %squeeze3A : f32 to vector<16xf32>
        %eq3A_318 = arith.cmpf oeq, %get3A_316, %eq3A_317 : vector<16xf32>
        %add3A_319 = arith.constant 16 : i32
        %add3A_320 = arith.addi %mul3A_298, %add3A_319 : i32
        %add3A_321 = vector.broadcast %add3A_320 : i32 to vector<16xi32>
        %add3A_322 = arith.addi %iota3A, %add3A_321 : vector<16xi32>
        %broadcast_in_dim3A_323 = vector.broadcast %while3A : i32 to vector<16xi32>
        %select_n3A_324 = arith.select %eq3A_318, %add3A_322, %broadcast_in_dim3A_323 : vector<16xi1>, vector<16xi32>
        %min3A_325 = arith.minsi %min3A_312, %select_n3A_324 : vector<16xi32>
        %add3A_326 = arith.constant 32 : i32
        %add3A_327 = arith.addi %mul3A_298, %add3A_326 : i32
        %get3A_328 = arith.index_cast %add3A_327 : i32 to index
        %get3A_329 = tpu.vector_load %arg13[%get3A_328] {strides = array<i32>} : memref<20480xf32, #tpu.memory_space<vmem>>, vector<16xf32>,
        %eq3A_330 = vector.broadcast %squeeze3A : f32 to vector<16xf32>
        %eq3A_331 = arith.cmpf oeq, %get3A_329, %eq3A_330 : vector<16xf32>
        %add3A_332 = arith.constant 32 : i32
        %add3A_333 = arith.addi %mul3A_298, %add3A_332 : i32
        %add3A_334 = vector.broadcast %add3A_333 : i32 to vector<16xi32>
        %add3A_335 = arith.addi %iota3A, %add3A_334 : vector<16xi32>
        %broadcast_in_dim3A_336 = vector.broadcast %while3A : i32 to vector<16xi32>
        %select_n3A_337 = arith.select %eq3A_331, %add3A_335, %broadcast_in_dim3A_336 : vector<16xi1>, vector<16xi32>
        %min3A_338 = arith.minsi %min3A_325, %select_n3A_337 : vector<16xi32>
        %add3A_339 = arith.constant 48 : i32
        %add3A_340 = arith.addi %mul3A_298, %add3A_339 : i32
        %get3A_341 = arith.index_cast %add3A_340 : i32 to index
        %get3A_342 = tpu.vector_load %arg13[%get3A_341] {strides = array<i32>} : memref<20480xf32, #tpu.memory_space<vmem>>, vector<16xf32>,
        %eq3A_343 = vector.broadcast %squeeze3A : f32 to vector<16xf32>
        %eq3A_344 = arith.cmpf oeq, %get3A_342, %eq3A_343 : vector<16xf32>
        %add3A_345 = arith.constant 48 : i32
        %add3A_346 = arith.addi %mul3A_298, %add3A_345 : i32
        %add3A_347 = vector.broadcast %add3A_346 : i32 to vector<16xi32>
        %add3A_348 = arith.addi %iota3A, %add3A_347 : vector<16xi32>
        %broadcast_in_dim3A_349 = vector.broadcast %while3A : i32 to vector<16xi32>
        %select_n3A_350 = arith.select %eq3A_344, %add3A_348, %broadcast_in_dim3A_349 : vector<16xi1>, vector<16xi32>
        %min3A_351 = arith.minsi %min3A_338, %select_n3A_350 : vector<16xi32>
        %add3A_352 = arith.constant 64 : i32
        %add3A_353 = arith.addi %mul3A_298, %add3A_352 : i32
        %get3A_354 = arith.index_cast %add3A_353 : i32 to index
        %get3A_355 = tpu.vector_load %arg13[%get3A_354] {strides = array<i32>} : memref<20480xf32, #tpu.memory_space<vmem>>, vector<16xf32>,
        %eq3A_356 = vector.broadcast %squeeze3A : f32 to vector<16xf32>
        %eq3A_357 = arith.cmpf oeq, %get3A_355, %eq3A_356 : vector<16xf32>
        %add3A_358 = arith.constant 64 : i32
        %add3A_359 = arith.addi %mul3A_298, %add3A_358 : i32
        %add3A_360 = vector.broadcast %add3A_359 : i32 to vector<16xi32>
        %add3A_361 = arith.addi %iota3A, %add3A_360 : vector<16xi32>
        %broadcast_in_dim3A_362 = vector.broadcast %while3A : i32 to vector<16xi32>
        %select_n3A_363 = arith.select %eq3A_357, %add3A_361, %broadcast_in_dim3A_362 : vector<16xi1>, vector<16xi32>
        %min3A_364 = arith.minsi %min3A_351, %select_n3A_363 : vector<16xi32>
        %add3A_365 = arith.constant 80 : i32
        %add3A_366 = arith.addi %mul3A_298, %add3A_365 : i32
        %get3A_367 = arith.index_cast %add3A_366 : i32 to index
        %get3A_368 = tpu.vector_load %arg13[%get3A_367] {strides = array<i32>} : memref<20480xf32, #tpu.memory_space<vmem>>, vector<16xf32>,
        %eq3A_369 = vector.broadcast %squeeze3A : f32 to vector<16xf32>
        %eq3A_370 = arith.cmpf oeq, %get3A_368, %eq3A_369 : vector<16xf32>
        %add3A_371 = arith.constant 80 : i32
        %add3A_372 = arith.addi %mul3A_298, %add3A_371 : i32
        %add3A_373 = vector.broadcast %add3A_372 : i32 to vector<16xi32>
        %add3A_374 = arith.addi %iota3A, %add3A_373 : vector<16xi32>
        %broadcast_in_dim3A_375 = vector.broadcast %while3A : i32 to vector<16xi32>
        %select_n3A_376 = arith.select %eq3A_370, %add3A_374, %broadcast_in_dim3A_375 : vector<16xi1>, vector<16xi32>
        %min3A_377 = arith.minsi %min3A_364, %select_n3A_376 : vector<16xi32>
        %add3A_378 = arith.constant 96 : i32
        %add3A_379 = arith.addi %mul3A_298, %add3A_378 : i32
        %get3A_380 = arith.index_cast %add3A_379 : i32 to index
        %get3A_381 = tpu.vector_load %arg13[%get3A_380] {strides = array<i32>} : memref<20480xf32, #tpu.memory_space<vmem>>, vector<16xf32>,
        %eq3A_382 = vector.broadcast %squeeze3A : f32 to vector<16xf32>
        %eq3A_383 = arith.cmpf oeq, %get3A_381, %eq3A_382 : vector<16xf32>
        %add3A_384 = arith.constant 96 : i32
        %add3A_385 = arith.addi %mul3A_298, %add3A_384 : i32
        %add3A_386 = vector.broadcast %add3A_385 : i32 to vector<16xi32>
        %add3A_387 = arith.addi %iota3A, %add3A_386 : vector<16xi32>
        %broadcast_in_dim3A_388 = vector.broadcast %while3A : i32 to vector<16xi32>
        %select_n3A_389 = arith.select %eq3A_383, %add3A_387, %broadcast_in_dim3A_388 : vector<16xi1>, vector<16xi32>
        %min3A_390 = arith.minsi %min3A_377, %select_n3A_389 : vector<16xi32>
        %add3A_391 = arith.constant 112 : i32
        %add3A_392 = arith.addi %mul3A_298, %add3A_391 : i32
        %get3A_393 = arith.index_cast %add3A_392 : i32 to index
        %get3A_394 = tpu.vector_load %arg13[%get3A_393] {strides = array<i32>} : memref<20480xf32, #tpu.memory_space<vmem>>, vector<16xf32>,
        %eq3A_395 = vector.broadcast %squeeze3A : f32 to vector<16xf32>
        %eq3A_396 = arith.cmpf oeq, %get3A_394, %eq3A_395 : vector<16xf32>
        %add3A_397 = arith.constant 112 : i32
        %add3A_398 = arith.addi %mul3A_298, %add3A_397 : i32
        %add3A_399 = vector.broadcast %add3A_398 : i32 to vector<16xi32>
        %add3A_400 = arith.addi %iota3A, %add3A_399 : vector<16xi32>
        %broadcast_in_dim3A_401 = vector.broadcast %while3A : i32 to vector<16xi32>
        %select_n3A_402 = arith.select %eq3A_396, %add3A_400, %broadcast_in_dim3A_401 : vector<16xi1>, vector<16xi32>
        %min3A_403 = arith.minsi %min3A_390, %select_n3A_402 : vector<16xi32>
        %sort3A_404 = arith.constant dense<true> : vector<16xi1>
        %sort3A_405, %sort3A_406, %sort3A_407 = tpu.sort %min3A_403, %min3A_403 masked %sort3A_404 : (vector<16xi32>, vector<16xi32>, vector<16xi1>) -> (vector<16xi1>, vector<16xi32>, vector<16xi32>)
        %slice3A_408 = vector.extract_strided_slice %sort3A_406 {offsets = [0], sizes = [1], strides = [1]} : vector<16xi32> to vector<1xi32>
        %squeeze3A_409 = vector.extract %slice3A_408[0] : i32 from vector<1xi32>
        %iota3A_410 = tpu.iota {dimensions = array<i32: 0>} : vector<16xi32>
        %eq3A_411 = arith.constant 0 : i32
        %eq3A_412 = vector.broadcast %eq3A_411 : i32 to vector<16xi32>
        %eq3A_413 = arith.cmpi eq, %iota3A_410, %eq3A_412 : vector<16xi32>
        %broadcast_in_dim3A_414 = vector.broadcast %squeeze3A_409 : i32 to vector<16xi32>
        %broadcast_in_dim3A_415 = arith.constant -1.000000e+00 : f32
        %broadcast_in_dim3A_416 = vector.broadcast %broadcast_in_dim3A_415 : f32 to vector<16xf32>
        tpu.vector_store_idx %arg13[%broadcast_in_dim3A_414], %broadcast_in_dim3A_416 masked %eq3A_413 : memref<20480xf32, #tpu.memory_space<vmem>>[vector<16xi32>], vector<16xf32>, vector<16xi1>
        %get3A_417 = arith.index_cast %mul3A_298 : i32 to index
        %get3A_418 = tpu.vector_load %arg13[%get3A_417] {strides = array<i32>} : memref<20480xf32, #tpu.memory_space<vmem>>, vector<16xf32>,
        %add3A_419 = arith.constant 16 : i32
        %add3A_420 = arith.addi %mul3A_298, %add3A_419 : i32
        %get3A_421 = arith.index_cast %add3A_420 : i32 to index
        %get3A_422 = tpu.vector_load %arg13[%get3A_421] {strides = array<i32>} : memref<20480xf32, #tpu.memory_space<vmem>>, vector<16xf32>,
        %max3A_423 = arith.maximumf %get3A_418, %get3A_422 : vector<16xf32>
        %add3A_424 = arith.constant 32 : i32
        %add3A_425 = arith.addi %mul3A_298, %add3A_424 : i32
        %get3A_426 = arith.index_cast %add3A_425 : i32 to index
        %get3A_427 = tpu.vector_load %arg13[%get3A_426] {strides = array<i32>} : memref<20480xf32, #tpu.memory_space<vmem>>, vector<16xf32>,
        %max3A_428 = arith.maximumf %max3A_423, %get3A_427 : vector<16xf32>
        %add3A_429 = arith.constant 48 : i32
        %add3A_430 = arith.addi %mul3A_298, %add3A_429 : i32
        %get3A_431 = arith.index_cast %add3A_430 : i32 to index
        %get3A_432 = tpu.vector_load %arg13[%get3A_431] {strides = array<i32>} : memref<20480xf32, #tpu.memory_space<vmem>>, vector<16xf32>,
        %max3A_433 = arith.maximumf %max3A_428, %get3A_432 : vector<16xf32>
        %add3A_434 = arith.constant 64 : i32
        %add3A_435 = arith.addi %mul3A_298, %add3A_434 : i32
        %get3A_436 = arith.index_cast %add3A_435 : i32 to index
        %get3A_437 = tpu.vector_load %arg13[%get3A_436] {strides = array<i32>} : memref<20480xf32, #tpu.memory_space<vmem>>, vector<16xf32>,
        %max3A_438 = arith.maximumf %max3A_433, %get3A_437 : vector<16xf32>
        %add3A_439 = arith.constant 80 : i32
        %add3A_440 = arith.addi %mul3A_298, %add3A_439 : i32
        %get3A_441 = arith.index_cast %add3A_440 : i32 to index
        %get3A_442 = tpu.vector_load %arg13[%get3A_441] {strides = array<i32>} : memref<20480xf32, #tpu.memory_space<vmem>>, vector<16xf32>,
        %max3A_443 = arith.maximumf %max3A_438, %get3A_442 : vector<16xf32>
        %add3A_444 = arith.constant 96 : i32
        %add3A_445 = arith.addi %mul3A_298, %add3A_444 : i32
        %get3A_446 = arith.index_cast %add3A_445 : i32 to index
        %get3A_447 = tpu.vector_load %arg13[%get3A_446] {strides = array<i32>} : memref<20480xf32, #tpu.memory_space<vmem>>, vector<16xf32>,
        %max3A_448 = arith.maximumf %max3A_443, %get3A_447 : vector<16xf32>
        %add3A_449 = arith.constant 112 : i32
        %add3A_450 = arith.addi %mul3A_298, %add3A_449 : i32
        %get3A_451 = arith.index_cast %add3A_450 : i32 to index
        %get3A_452 = tpu.vector_load %arg13[%get3A_451] {strides = array<i32>} : memref<20480xf32, #tpu.memory_space<vmem>>, vector<16xf32>,
        %max3A_453 = arith.maximumf %max3A_448, %get3A_452 : vector<16xf32>
        %sort3A_454 = arith.constant dense<true> : vector<16xi1>
        %sort3A_455, %sort3A_456, %sort3A_457 = tpu.sort %max3A_453, %max3A_453 masked %sort3A_454 : (vector<16xf32>, vector<16xf32>, vector<16xi1>) -> (vector<16xi1>, vector<16xf32>, vector<16xf32>)
        %slice3A_458 = vector.extract_strided_slice %sort3A_456 {offsets = [15], sizes = [1], strides = [1]} : vector<16xf32> to vector<1xf32>
        %squeeze3A_459 = vector.extract %slice3A_458[0] : f32 from vector<1xf32>
        %iota3A_460 = tpu.iota {dimensions = array<i32: 0>} : vector<16xi32>
        %eq3A_461 = arith.constant 0 : i32
        %eq3A_462 = vector.broadcast %eq3A_461 : i32 to vector<16xi32>
        %eq3A_463 = arith.cmpi eq, %iota3A_460, %eq3A_462 : vector<16xi32>
        %broadcast_in_dim3A_464 = vector.broadcast %squeeze3A_296 : i32 to vector<16xi32>
        %broadcast_in_dim3A_465 = vector.broadcast %squeeze3A_459 : f32 to vector<16xf32>
        tpu.vector_store_idx %arg14[%broadcast_in_dim3A_464], %broadcast_in_dim3A_465 masked %eq3A_463 : memref<160xf32, #tpu.memory_space<vmem>>[vector<16xi32>], vector<16xf32>, vector<16xi1>
        %broadcast_in_dim3A_466 = vector.broadcast %squeeze3A_409 : i32 to vector<16xi32>
        %gather3A = tpu.vector_load_idx %arg9[%broadcast_in_dim3A_466] : memref<20480xf32, #tpu.memory_space<vmem>>[vector<16xi32>], vector<16xf32>,
        %slice3A_467 = vector.extract_strided_slice %gather3A {offsets = [0], sizes = [1], strides = [1]} : vector<16xf32> to vector<1xf32>
        %squeeze3A_468 = vector.extract %slice3A_467[0] : f32 from vector<1xf32>
        %gather3A_469 = tpu.vector_load_idx %arg10[%broadcast_in_dim3A_466] : memref<20480xf32, #tpu.memory_space<vmem>>[vector<16xi32>], vector<16xf32>,
        %slice3A_470 = vector.extract_strided_slice %gather3A_469 {offsets = [0], sizes = [1], strides = [1]} : vector<16xf32> to vector<1xf32>
        %squeeze3A_471 = vector.extract %slice3A_470[0] : f32 from vector<1xf32>
        %gather3A_472 = tpu.vector_load_idx %arg11[%broadcast_in_dim3A_466] : memref<20480xf32, #tpu.memory_space<vmem>>[vector<16xi32>], vector<16xf32>,
        %slice3A_473 = vector.extract_strided_slice %gather3A_472 {offsets = [0], sizes = [1], strides = [1]} : vector<16xf32> to vector<1xf32>
        %squeeze3A_474 = vector.extract %slice3A_473[0] : f32 from vector<1xf32>
        %gather3A_475 = tpu.vector_load_idx %arg12[%broadcast_in_dim3A_466] : memref<20480xf32, #tpu.memory_space<vmem>>[vector<16xi32>], vector<16xf32>,
        %slice3A_476 = vector.extract_strided_slice %gather3A_475 {offsets = [0], sizes = [1], strides = [1]} : vector<16xf32> to vector<1xf32>
        %squeeze3A_477 = vector.extract %slice3A_476[0] : f32 from vector<1xf32>
        %sub3A = arith.subf %squeeze3A_474, %squeeze3A_468 : f32
        %max3A_478 = arith.constant 0.000000e+00 : f32
        %max3A_479 = arith.maximumf %sub3A, %max3A_478 : f32
        %sub3A_480 = arith.subf %squeeze3A_477, %squeeze3A_471 : f32
        %max3A_481 = arith.constant 0.000000e+00 : f32
        %max3A_482 = arith.maximumf %sub3A_480, %max3A_481 : f32
        %mul3A_483 = arith.mulf %max3A_479, %max3A_482 : f32
        %broadcast_in_dim3A_484 = arith.constant 0.000000e+00 : f32
        %broadcast_in_dim3A_485 = vector.broadcast %broadcast_in_dim3A_484 : f32 to vector<16xf32>
        %get3A_486 = arith.constant 0 : index
        %get3A_487 = tpu.vector_load %arg15[%get3A_486] {strides = array<i32>} : memref<112xf32, #tpu.memory_space<vmem>>, vector<16xf32>,
        %get3A_488 = arith.constant 0 : index
        %get3A_489 = tpu.vector_load %arg16[%get3A_488] {strides = array<i32>} : memref<112xf32, #tpu.memory_space<vmem>>, vector<16xf32>,
        %get3A_490 = arith.constant 0 : index
        %get3A_491 = tpu.vector_load %arg17[%get3A_490] {strides = array<i32>} : memref<112xf32, #tpu.memory_space<vmem>>, vector<16xf32>,
        %get3A_492 = arith.constant 0 : index
        %get3A_493 = tpu.vector_load %arg18[%get3A_492] {strides = array<i32>} : memref<112xf32, #tpu.memory_space<vmem>>, vector<16xf32>,
        %get3A_494 = arith.constant 0 : index
        %get3A_495 = tpu.vector_load %arg19[%get3A_494] {strides = array<i32>} : memref<112xf32, #tpu.memory_space<vmem>>, vector<16xf32>,
        %min3A_496 = vector.broadcast %squeeze3A_474 : f32 to vector<16xf32>
        %min3A_497 = arith.minimumf %get3A_491, %min3A_496 : vector<16xf32>
        %max3A_498 = vector.broadcast %squeeze3A_468 : f32 to vector<16xf32>
        %max3A_499 = arith.maximumf %get3A_487, %max3A_498 : vector<16xf32>
        %sub3A_500 = arith.subf %min3A_497, %max3A_499 : vector<16xf32>
        %max3A_501 = arith.constant 0.000000e+00 : f32
        %max3A_502 = vector.broadcast %max3A_501 : f32 to vector<16xf32>
        %max3A_503 = arith.maximumf %sub3A_500, %max3A_502 : vector<16xf32>
        %min3A_504 = vector.broadcast %squeeze3A_477 : f32 to vector<16xf32>
        %min3A_505 = arith.minimumf %get3A_493, %min3A_504 : vector<16xf32>
        %max3A_506 = vector.broadcast %squeeze3A_471 : f32 to vector<16xf32>
        %max3A_507 = arith.maximumf %get3A_489, %max3A_506 : vector<16xf32>
        %sub3A_508 = arith.subf %min3A_505, %max3A_507 : vector<16xf32>
        %max3A_509 = arith.constant 0.000000e+00 : f32
        %max3A_510 = vector.broadcast %max3A_509 : f32 to vector<16xf32>
        %max3A_511 = arith.maximumf %sub3A_508, %max3A_510 : vector<16xf32>
        %mul3A_512 = arith.mulf %max3A_503, %max3A_511 : vector<16xf32>
        %add3A_513 = vector.broadcast %mul3A_483 : f32 to vector<16xf32>
        %add3A_514 = arith.addf %get3A_495, %add3A_513 : vector<16xf32>
        %sub3A_515 = arith.subf %add3A_514, %mul3A_512 : vector<16xf32>
        %add3A_516 = arith.constant 9.99999971E-10 : f32
        %add3A_517 = vector.broadcast %add3A_516 : f32 to vector<16xf32>
        %add3A_518 = arith.addf %sub3A_515, %add3A_517 : vector<16xf32>
        %div3A = arith.divf %mul3A_512, %add3A_518 : vector<16xf32>
        %max3A_519 = arith.maximumf %broadcast_in_dim3A_485, %div3A : vector<16xf32>
        %get3A_520 = arith.constant 16 : index
        %get3A_521 = tpu.vector_load %arg15[%get3A_520] {strides = array<i32>} : memref<112xf32, #tpu.memory_space<vmem>>, vector<16xf32>,
        %get3A_522 = arith.constant 16 : index
        %get3A_523 = tpu.vector_load %arg16[%get3A_522] {strides = array<i32>} : memref<112xf32, #tpu.memory_space<vmem>>, vector<16xf32>,
        %get3A_524 = arith.constant 16 : index
        %get3A_525 = tpu.vector_load %arg17[%get3A_524] {strides = array<i32>} : memref<112xf32, #tpu.memory_space<vmem>>, vector<16xf32>,
        %get3A_526 = arith.constant 16 : index
        %get3A_527 = tpu.vector_load %arg18[%get3A_526] {strides = array<i32>} : memref<112xf32, #tpu.memory_space<vmem>>, vector<16xf32>,
        %get3A_528 = arith.constant 16 : index
        %get3A_529 = tpu.vector_load %arg19[%get3A_528] {strides = array<i32>} : memref<112xf32, #tpu.memory_space<vmem>>, vector<16xf32>,
        %min3A_530 = vector.broadcast %squeeze3A_474 : f32 to vector<16xf32>
        %min3A_531 = arith.minimumf %get3A_525, %min3A_530 : vector<16xf32>
        %max3A_532 = vector.broadcast %squeeze3A_468 : f32 to vector<16xf32>
        %max3A_533 = arith.maximumf %get3A_521, %max3A_532 : vector<16xf32>
        %sub3A_534 = arith.subf %min3A_531, %max3A_533 : vector<16xf32>
        %max3A_535 = arith.constant 0.000000e+00 : f32
        %max3A_536 = vector.broadcast %max3A_535 : f32 to vector<16xf32>
        %max3A_537 = arith.maximumf %sub3A_534, %max3A_536 : vector<16xf32>
        %min3A_538 = vector.broadcast %squeeze3A_477 : f32 to vector<16xf32>
        %min3A_539 = arith.minimumf %get3A_527, %min3A_538 : vector<16xf32>
        %max3A_540 = vector.broadcast %squeeze3A_471 : f32 to vector<16xf32>
        %max3A_541 = arith.maximumf %get3A_523, %max3A_540 : vector<16xf32>
        %sub3A_542 = arith.subf %min3A_539, %max3A_541 : vector<16xf32>
        %max3A_543 = arith.constant 0.000000e+00 : f32
        %max3A_544 = vector.broadcast %max3A_543 : f32 to vector<16xf32>
        %max3A_545 = arith.maximumf %sub3A_542, %max3A_544 : vector<16xf32>
        %mul3A_546 = arith.mulf %max3A_537, %max3A_545 : vector<16xf32>
        %add3A_547 = vector.broadcast %mul3A_483 : f32 to vector<16xf32>
        %add3A_548 = arith.addf %get3A_529, %add3A_547 : vector<16xf32>
        %sub3A_549 = arith.subf %add3A_548, %mul3A_546 : vector<16xf32>
        %add3A_550 = arith.constant 9.99999971E-10 : f32
        %add3A_551 = vector.broadcast %add3A_550 : f32 to vector<16xf32>
        %add3A_552 = arith.addf %sub3A_549, %add3A_551 : vector<16xf32>
        %div3A_553 = arith.divf %mul3A_546, %add3A_552 : vector<16xf32>
        %max3A_554 = arith.maximumf %max3A_519, %div3A_553 : vector<16xf32>
        %get3A_555 = arith.constant 32 : index
        %get3A_556 = tpu.vector_load %arg15[%get3A_555] {strides = array<i32>} : memref<112xf32, #tpu.memory_space<vmem>>, vector<16xf32>,
        %get3A_557 = arith.constant 32 : index
        %get3A_558 = tpu.vector_load %arg16[%get3A_557] {strides = array<i32>} : memref<112xf32, #tpu.memory_space<vmem>>, vector<16xf32>,
        %get3A_559 = arith.constant 32 : index
        %get3A_560 = tpu.vector_load %arg17[%get3A_559] {strides = array<i32>} : memref<112xf32, #tpu.memory_space<vmem>>, vector<16xf32>,
        %get3A_561 = arith.constant 32 : index
        %get3A_562 = tpu.vector_load %arg18[%get3A_561] {strides = array<i32>} : memref<112xf32, #tpu.memory_space<vmem>>, vector<16xf32>,
        %get3A_563 = arith.constant 32 : index
        %get3A_564 = tpu.vector_load %arg19[%get3A_563] {strides = array<i32>} : memref<112xf32, #tpu.memory_space<vmem>>, vector<16xf32>,
        %min3A_565 = vector.broadcast %squeeze3A_474 : f32 to vector<16xf32>
        %min3A_566 = arith.minimumf %get3A_560, %min3A_565 : vector<16xf32>
        %max3A_567 = vector.broadcast %squeeze3A_468 : f32 to vector<16xf32>
        %max3A_568 = arith.maximumf %get3A_556, %max3A_567 : vector<16xf32>
        %sub3A_569 = arith.subf %min3A_566, %max3A_568 : vector<16xf32>
        %max3A_570 = arith.constant 0.000000e+00 : f32
        %max3A_571 = vector.broadcast %max3A_570 : f32 to vector<16xf32>
        %max3A_572 = arith.maximumf %sub3A_569, %max3A_571 : vector<16xf32>
        %min3A_573 = vector.broadcast %squeeze3A_477 : f32 to vector<16xf32>
        %min3A_574 = arith.minimumf %get3A_562, %min3A_573 : vector<16xf32>
        %max3A_575 = vector.broadcast %squeeze3A_471 : f32 to vector<16xf32>
        %max3A_576 = arith.maximumf %get3A_558, %max3A_575 : vector<16xf32>
        %sub3A_577 = arith.subf %min3A_574, %max3A_576 : vector<16xf32>
        %max3A_578 = arith.constant 0.000000e+00 : f32
        %max3A_579 = vector.broadcast %max3A_578 : f32 to vector<16xf32>
        %max3A_580 = arith.maximumf %sub3A_577, %max3A_579 : vector<16xf32>
        %mul3A_581 = arith.mulf %max3A_572, %max3A_580 : vector<16xf32>
        %add3A_582 = vector.broadcast %mul3A_483 : f32 to vector<16xf32>
        %add3A_583 = arith.addf %get3A_564, %add3A_582 : vector<16xf32>
        %sub3A_584 = arith.subf %add3A_583, %mul3A_581 : vector<16xf32>
        %add3A_585 = arith.constant 9.99999971E-10 : f32
        %add3A_586 = vector.broadcast %add3A_585 : f32 to vector<16xf32>
        %add3A_587 = arith.addf %sub3A_584, %add3A_586 : vector<16xf32>
        %div3A_588 = arith.divf %mul3A_581, %add3A_587 : vector<16xf32>
        %max3A_589 = arith.maximumf %max3A_554, %div3A_588 : vector<16xf32>
        %get3A_590 = arith.constant 48 : index
        %get3A_591 = tpu.vector_load %arg15[%get3A_590] {strides = array<i32>} : memref<112xf32, #tpu.memory_space<vmem>>, vector<16xf32>,
        %get3A_592 = arith.constant 48 : index
        %get3A_593 = tpu.vector_load %arg16[%get3A_592] {strides = array<i32>} : memref<112xf32, #tpu.memory_space<vmem>>, vector<16xf32>,
        %get3A_594 = arith.constant 48 : index
        %get3A_595 = tpu.vector_load %arg17[%get3A_594] {strides = array<i32>} : memref<112xf32, #tpu.memory_space<vmem>>, vector<16xf32>,
        %get3A_596 = arith.constant 48 : index
        %get3A_597 = tpu.vector_load %arg18[%get3A_596] {strides = array<i32>} : memref<112xf32, #tpu.memory_space<vmem>>, vector<16xf32>,
        %get3A_598 = arith.constant 48 : index
        %get3A_599 = tpu.vector_load %arg19[%get3A_598] {strides = array<i32>} : memref<112xf32, #tpu.memory_space<vmem>>, vector<16xf32>,
        %min3A_600 = vector.broadcast %squeeze3A_474 : f32 to vector<16xf32>
        %min3A_601 = arith.minimumf %get3A_595, %min3A_600 : vector<16xf32>
        %max3A_602 = vector.broadcast %squeeze3A_468 : f32 to vector<16xf32>
        %max3A_603 = arith.maximumf %get3A_591, %max3A_602 : vector<16xf32>
        %sub3A_604 = arith.subf %min3A_601, %max3A_603 : vector<16xf32>
        %max3A_605 = arith.constant 0.000000e+00 : f32
        %max3A_606 = vector.broadcast %max3A_605 : f32 to vector<16xf32>
        %max3A_607 = arith.maximumf %sub3A_604, %max3A_606 : vector<16xf32>
        %min3A_608 = vector.broadcast %squeeze3A_477 : f32 to vector<16xf32>
        %min3A_609 = arith.minimumf %get3A_597, %min3A_608 : vector<16xf32>
        %max3A_610 = vector.broadcast %squeeze3A_471 : f32 to vector<16xf32>
        %max3A_611 = arith.maximumf %get3A_593, %max3A_610 : vector<16xf32>
        %sub3A_612 = arith.subf %min3A_609, %max3A_611 : vector<16xf32>
        %max3A_613 = arith.constant 0.000000e+00 : f32
        %max3A_614 = vector.broadcast %max3A_613 : f32 to vector<16xf32>
        %max3A_615 = arith.maximumf %sub3A_612, %max3A_614 : vector<16xf32>
        %mul3A_616 = arith.mulf %max3A_607, %max3A_615 : vector<16xf32>
        %add3A_617 = vector.broadcast %mul3A_483 : f32 to vector<16xf32>
        %add3A_618 = arith.addf %get3A_599, %add3A_617 : vector<16xf32>
        %sub3A_619 = arith.subf %add3A_618, %mul3A_616 : vector<16xf32>
        %add3A_620 = arith.constant 9.99999971E-10 : f32
        %add3A_621 = vector.broadcast %add3A_620 : f32 to vector<16xf32>
        %add3A_622 = arith.addf %sub3A_619, %add3A_621 : vector<16xf32>
        %div3A_623 = arith.divf %mul3A_616, %add3A_622 : vector<16xf32>
        %max3A_624 = arith.maximumf %max3A_589, %div3A_623 : vector<16xf32>
        %get3A_625 = arith.constant 64 : index
        %get3A_626 = tpu.vector_load %arg15[%get3A_625] {strides = array<i32>} : memref<112xf32, #tpu.memory_space<vmem>>, vector<16xf32>,
        %get3A_627 = arith.constant 64 : index
        %get3A_628 = tpu.vector_load %arg16[%get3A_627] {strides = array<i32>} : memref<112xf32, #tpu.memory_space<vmem>>, vector<16xf32>,
        %get3A_629 = arith.constant 64 : index
        %get3A_630 = tpu.vector_load %arg17[%get3A_629] {strides = array<i32>} : memref<112xf32, #tpu.memory_space<vmem>>, vector<16xf32>,
        %get3A_631 = arith.constant 64 : index
        %get3A_632 = tpu.vector_load %arg18[%get3A_631] {strides = array<i32>} : memref<112xf32, #tpu.memory_space<vmem>>, vector<16xf32>,
        %get3A_633 = arith.constant 64 : index
        %get3A_634 = tpu.vector_load %arg19[%get3A_633] {strides = array<i32>} : memref<112xf32, #tpu.memory_space<vmem>>, vector<16xf32>,
        %min3A_635 = vector.broadcast %squeeze3A_474 : f32 to vector<16xf32>
        %min3A_636 = arith.minimumf %get3A_630, %min3A_635 : vector<16xf32>
        %max3A_637 = vector.broadcast %squeeze3A_468 : f32 to vector<16xf32>
        %max3A_638 = arith.maximumf %get3A_626, %max3A_637 : vector<16xf32>
        %sub3A_639 = arith.subf %min3A_636, %max3A_638 : vector<16xf32>
        %max3A_640 = arith.constant 0.000000e+00 : f32
        %max3A_641 = vector.broadcast %max3A_640 : f32 to vector<16xf32>
        %max3A_642 = arith.maximumf %sub3A_639, %max3A_641 : vector<16xf32>
        %min3A_643 = vector.broadcast %squeeze3A_477 : f32 to vector<16xf32>
        %min3A_644 = arith.minimumf %get3A_632, %min3A_643 : vector<16xf32>
        %max3A_645 = vector.broadcast %squeeze3A_471 : f32 to vector<16xf32>
        %max3A_646 = arith.maximumf %get3A_628, %max3A_645 : vector<16xf32>
        %sub3A_647 = arith.subf %min3A_644, %max3A_646 : vector<16xf32>
        %max3A_648 = arith.constant 0.000000e+00 : f32
        %max3A_649 = vector.broadcast %max3A_648 : f32 to vector<16xf32>
        %max3A_650 = arith.maximumf %sub3A_647, %max3A_649 : vector<16xf32>
        %mul3A_651 = arith.mulf %max3A_642, %max3A_650 : vector<16xf32>
        %add3A_652 = vector.broadcast %mul3A_483 : f32 to vector<16xf32>
        %add3A_653 = arith.addf %get3A_634, %add3A_652 : vector<16xf32>
        %sub3A_654 = arith.subf %add3A_653, %mul3A_651 : vector<16xf32>
        %add3A_655 = arith.constant 9.99999971E-10 : f32
        %add3A_656 = vector.broadcast %add3A_655 : f32 to vector<16xf32>
        %add3A_657 = arith.addf %sub3A_654, %add3A_656 : vector<16xf32>
        %div3A_658 = arith.divf %mul3A_651, %add3A_657 : vector<16xf32>
        %max3A_659 = arith.maximumf %max3A_624, %div3A_658 : vector<16xf32>
        %get3A_660 = arith.constant 80 : index
        %get3A_661 = tpu.vector_load %arg15[%get3A_660] {strides = array<i32>} : memref<112xf32, #tpu.memory_space<vmem>>, vector<16xf32>,
        %get3A_662 = arith.constant 80 : index
        %get3A_663 = tpu.vector_load %arg16[%get3A_662] {strides = array<i32>} : memref<112xf32, #tpu.memory_space<vmem>>, vector<16xf32>,
        %get3A_664 = arith.constant 80 : index
        %get3A_665 = tpu.vector_load %arg17[%get3A_664] {strides = array<i32>} : memref<112xf32, #tpu.memory_space<vmem>>, vector<16xf32>,
        %get3A_666 = arith.constant 80 : index
        %get3A_667 = tpu.vector_load %arg18[%get3A_666] {strides = array<i32>} : memref<112xf32, #tpu.memory_space<vmem>>, vector<16xf32>,
        %get3A_668 = arith.constant 80 : index
        %get3A_669 = tpu.vector_load %arg19[%get3A_668] {strides = array<i32>} : memref<112xf32, #tpu.memory_space<vmem>>, vector<16xf32>,
        %min3A_670 = vector.broadcast %squeeze3A_474 : f32 to vector<16xf32>
        %min3A_671 = arith.minimumf %get3A_665, %min3A_670 : vector<16xf32>
        %max3A_672 = vector.broadcast %squeeze3A_468 : f32 to vector<16xf32>
        %max3A_673 = arith.maximumf %get3A_661, %max3A_672 : vector<16xf32>
        %sub3A_674 = arith.subf %min3A_671, %max3A_673 : vector<16xf32>
        %max3A_675 = arith.constant 0.000000e+00 : f32
        %max3A_676 = vector.broadcast %max3A_675 : f32 to vector<16xf32>
        %max3A_677 = arith.maximumf %sub3A_674, %max3A_676 : vector<16xf32>
        %min3A_678 = vector.broadcast %squeeze3A_477 : f32 to vector<16xf32>
        %min3A_679 = arith.minimumf %get3A_667, %min3A_678 : vector<16xf32>
        %max3A_680 = vector.broadcast %squeeze3A_471 : f32 to vector<16xf32>
        %max3A_681 = arith.maximumf %get3A_663, %max3A_680 : vector<16xf32>
        %sub3A_682 = arith.subf %min3A_679, %max3A_681 : vector<16xf32>
        %max3A_683 = arith.constant 0.000000e+00 : f32
        %max3A_684 = vector.broadcast %max3A_683 : f32 to vector<16xf32>
        %max3A_685 = arith.maximumf %sub3A_682, %max3A_684 : vector<16xf32>
        %mul3A_686 = arith.mulf %max3A_677, %max3A_685 : vector<16xf32>
        %add3A_687 = vector.broadcast %mul3A_483 : f32 to vector<16xf32>
        %add3A_688 = arith.addf %get3A_669, %add3A_687 : vector<16xf32>
        %sub3A_689 = arith.subf %add3A_688, %mul3A_686 : vector<16xf32>
        %add3A_690 = arith.constant 9.99999971E-10 : f32
        %add3A_691 = vector.broadcast %add3A_690 : f32 to vector<16xf32>
        %add3A_692 = arith.addf %sub3A_689, %add3A_691 : vector<16xf32>
        %div3A_693 = arith.divf %mul3A_686, %add3A_692 : vector<16xf32>
        %max3A_694 = arith.maximumf %max3A_659, %div3A_693 : vector<16xf32>
        %get3A_695 = arith.constant 96 : index
        %get3A_696 = tpu.vector_load %arg15[%get3A_695] {strides = array<i32>} : memref<112xf32, #tpu.memory_space<vmem>>, vector<16xf32>,
        %get3A_697 = arith.constant 96 : index
        %get3A_698 = tpu.vector_load %arg16[%get3A_697] {strides = array<i32>} : memref<112xf32, #tpu.memory_space<vmem>>, vector<16xf32>,
        %get3A_699 = arith.constant 96 : index
        %get3A_700 = tpu.vector_load %arg17[%get3A_699] {strides = array<i32>} : memref<112xf32, #tpu.memory_space<vmem>>, vector<16xf32>,
        %get3A_701 = arith.constant 96 : index
        %get3A_702 = tpu.vector_load %arg18[%get3A_701] {strides = array<i32>} : memref<112xf32, #tpu.memory_space<vmem>>, vector<16xf32>,
        %get3A_703 = arith.constant 96 : index
        %get3A_704 = tpu.vector_load %arg19[%get3A_703] {strides = array<i32>} : memref<112xf32, #tpu.memory_space<vmem>>, vector<16xf32>,
        %min3A_705 = vector.broadcast %squeeze3A_474 : f32 to vector<16xf32>
        %min3A_706 = arith.minimumf %get3A_700, %min3A_705 : vector<16xf32>
        %max3A_707 = vector.broadcast %squeeze3A_468 : f32 to vector<16xf32>
        %max3A_708 = arith.maximumf %get3A_696, %max3A_707 : vector<16xf32>
        %sub3A_709 = arith.subf %min3A_706, %max3A_708 : vector<16xf32>
        %max3A_710 = arith.constant 0.000000e+00 : f32
        %max3A_711 = vector.broadcast %max3A_710 : f32 to vector<16xf32>
        %max3A_712 = arith.maximumf %sub3A_709, %max3A_711 : vector<16xf32>
        %min3A_713 = vector.broadcast %squeeze3A_477 : f32 to vector<16xf32>
        %min3A_714 = arith.minimumf %get3A_702, %min3A_713 : vector<16xf32>
        %max3A_715 = vector.broadcast %squeeze3A_471 : f32 to vector<16xf32>
        %max3A_716 = arith.maximumf %get3A_698, %max3A_715 : vector<16xf32>
        %sub3A_717 = arith.subf %min3A_714, %max3A_716 : vector<16xf32>
        %max3A_718 = arith.constant 0.000000e+00 : f32
        %max3A_719 = vector.broadcast %max3A_718 : f32 to vector<16xf32>
        %max3A_720 = arith.maximumf %sub3A_717, %max3A_719 : vector<16xf32>
        %mul3A_721 = arith.mulf %max3A_712, %max3A_720 : vector<16xf32>
        %add3A_722 = vector.broadcast %mul3A_483 : f32 to vector<16xf32>
        %add3A_723 = arith.addf %get3A_704, %add3A_722 : vector<16xf32>
        %sub3A_724 = arith.subf %add3A_723, %mul3A_721 : vector<16xf32>
        %add3A_725 = arith.constant 9.99999971E-10 : f32
        %add3A_726 = vector.broadcast %add3A_725 : f32 to vector<16xf32>
        %add3A_727 = arith.addf %sub3A_724, %add3A_726 : vector<16xf32>
        %div3A_728 = arith.divf %mul3A_721, %add3A_727 : vector<16xf32>
        %max3A_729 = arith.maximumf %max3A_694, %div3A_728 : vector<16xf32>
        %sort3A_730 = arith.constant dense<true> : vector<16xi1>
        %sort3A_731, %sort3A_732, %sort3A_733 = tpu.sort %max3A_729, %max3A_729 masked %sort3A_730 : (vector<16xf32>, vector<16xf32>, vector<16xi1>) -> (vector<16xi1>, vector<16xf32>, vector<16xf32>)
        %slice3A_734 = vector.extract_strided_slice %sort3A_732 {offsets = [15], sizes = [1], strides = [1]} : vector<16xf32> to vector<1xf32>
        %squeeze3A_735 = vector.extract %slice3A_734[0] : f32 from vector<1xf32>
        %le3A = arith.constant 6.000000e-01 : f32
        %le3A_736 = arith.cmpf ole, %squeeze3A_735, %le3A : f32
        %gt3A = arith.constant 0.000000e+00 : f32
        %gt3A_737 = arith.cmpf ogt, %squeeze3A, %gt3A : f32
        %and3A = arith.andi %le3A_736, %gt3A_737 : i1
        %convert_element_type3A_738 = arith.extui %and3A : i1 to i32
        %cond3A_739 = arith.constant 0 : i32
        %cond3A_740 = arith.cmpi ne, %convert_element_type3A_738, %cond3A_739 : i32
        scf.if %cond3A_740 {
          %iota3A_747 = tpu.iota {dimensions = array<i32: 0>} : vector<16xi32>
          %eq3A_748 = arith.constant 0 : i32
          %eq3A_749 = vector.broadcast %eq3A_748 : i32 to vector<16xi32>
          %eq3A_750 = arith.cmpi eq, %iota3A_747, %eq3A_749 : vector<16xi32>
          %broadcast_in_dim3A_751 = vector.broadcast %while3A_161 : i32 to vector<16xi32>
          %broadcast_in_dim3A_752 = vector.broadcast %squeeze3A_468 : f32 to vector<16xf32>
          tpu.vector_store_idx %arg15[%broadcast_in_dim3A_751], %broadcast_in_dim3A_752 masked %eq3A_750 : memref<112xf32, #tpu.memory_space<vmem>>[vector<16xi32>], vector<16xf32>, vector<16xi1>
          %iota3A_753 = tpu.iota {dimensions = array<i32: 0>} : vector<16xi32>
          %eq3A_754 = arith.constant 0 : i32
          %eq3A_755 = vector.broadcast %eq3A_754 : i32 to vector<16xi32>
          %eq3A_756 = arith.cmpi eq, %iota3A_753, %eq3A_755 : vector<16xi32>
          %broadcast_in_dim3A_757 = vector.broadcast %while3A_161 : i32 to vector<16xi32>
          %broadcast_in_dim3A_758 = vector.broadcast %squeeze3A_471 : f32 to vector<16xf32>
          tpu.vector_store_idx %arg16[%broadcast_in_dim3A_757], %broadcast_in_dim3A_758 masked %eq3A_756 : memref<112xf32, #tpu.memory_space<vmem>>[vector<16xi32>], vector<16xf32>, vector<16xi1>
          %iota3A_759 = tpu.iota {dimensions = array<i32: 0>} : vector<16xi32>
          %eq3A_760 = arith.constant 0 : i32
          %eq3A_761 = vector.broadcast %eq3A_760 : i32 to vector<16xi32>
          %eq3A_762 = arith.cmpi eq, %iota3A_759, %eq3A_761 : vector<16xi32>
          %broadcast_in_dim3A_763 = vector.broadcast %while3A_161 : i32 to vector<16xi32>
          %broadcast_in_dim3A_764 = vector.broadcast %squeeze3A_474 : f32 to vector<16xf32>
          tpu.vector_store_idx %arg17[%broadcast_in_dim3A_763], %broadcast_in_dim3A_764 masked %eq3A_762 : memref<112xf32, #tpu.memory_space<vmem>>[vector<16xi32>], vector<16xf32>, vector<16xi1>
          %iota3A_765 = tpu.iota {dimensions = array<i32: 0>} : vector<16xi32>
          %eq3A_766 = arith.constant 0 : i32
          %eq3A_767 = vector.broadcast %eq3A_766 : i32 to vector<16xi32>
          %eq3A_768 = arith.cmpi eq, %iota3A_765, %eq3A_767 : vector<16xi32>
          %broadcast_in_dim3A_769 = vector.broadcast %while3A_161 : i32 to vector<16xi32>
          %broadcast_in_dim3A_770 = vector.broadcast %squeeze3A_477 : f32 to vector<16xf32>
          tpu.vector_store_idx %arg18[%broadcast_in_dim3A_769], %broadcast_in_dim3A_770 masked %eq3A_768 : memref<112xf32, #tpu.memory_space<vmem>>[vector<16xi32>], vector<16xf32>, vector<16xi1>
          %iota3A_771 = tpu.iota {dimensions = array<i32: 0>} : vector<16xi32>
          %eq3A_772 = arith.constant 0 : i32
          %eq3A_773 = vector.broadcast %eq3A_772 : i32 to vector<16xi32>
          %eq3A_774 = arith.cmpi eq, %iota3A_771, %eq3A_773 : vector<16xi32>
          %broadcast_in_dim3A_775 = vector.broadcast %while3A_161 : i32 to vector<16xi32>
          %broadcast_in_dim3A_776 = vector.broadcast %mul3A_483 : f32 to vector<16xf32>
          tpu.vector_store_idx %arg19[%broadcast_in_dim3A_775], %broadcast_in_dim3A_776 masked %eq3A_774 : memref<112xf32, #tpu.memory_space<vmem>>[vector<16xi32>], vector<16xf32>, vector<16xi1>
          %iota3A_777 = tpu.iota {dimensions = array<i32: 0>} : vector<16xi32>
          %eq3A_778 = arith.constant 0 : i32
          %eq3A_779 = vector.broadcast %eq3A_778 : i32 to vector<16xi32>
          %eq3A_780 = arith.cmpi eq, %iota3A_777, %eq3A_779 : vector<16xi32>
          %eq3A_781 = arith.constant 1 : i32
          %eq3A_782 = vector.broadcast %eq3A_781 : i32 to vector<16xi32>
          %eq3A_783 = arith.cmpi eq, %iota3A_777, %eq3A_782 : vector<16xi32>
          %eq3A_784 = arith.constant 2 : i32
          %eq3A_785 = vector.broadcast %eq3A_784 : i32 to vector<16xi32>
          %eq3A_786 = arith.cmpi eq, %iota3A_777, %eq3A_785 : vector<16xi32>
          %broadcast_in_dim3A_787 = vector.broadcast %squeeze3A_474 : f32 to vector<16xf32>
          %broadcast_in_dim3A_788 = vector.broadcast %squeeze3A_477 : f32 to vector<16xf32>
          %select_n3A_789 = arith.select %eq3A_786, %broadcast_in_dim3A_787, %broadcast_in_dim3A_788 : vector<16xi1>, vector<16xf32>
          %broadcast_in_dim3A_790 = vector.broadcast %squeeze3A_471 : f32 to vector<16xf32>
          %select_n3A_791 = arith.select %eq3A_783, %broadcast_in_dim3A_790, %select_n3A_789 : vector<16xi1>, vector<16xf32>
          %broadcast_in_dim3A_792 = vector.broadcast %squeeze3A_468 : f32 to vector<16xf32>
          %select_n3A_793 = arith.select %eq3A_780, %broadcast_in_dim3A_792, %select_n3A_791 : vector<16xi1>, vector<16xf32>
          %mul3A_794 = arith.constant 4 : i32
          %mul3A_795 = arith.muli %while3A_161, %mul3A_794 : i32
          %broadcast_in_dim3A_796 = vector.broadcast %mul3A_795 : i32 to vector<16xi32>
          %add3A_797 = arith.addi %broadcast_in_dim3A_796, %iota3A_777 : vector<16xi32>
          %lt3A_798 = arith.constant 4 : i32
          %lt3A_799 = vector.broadcast %lt3A_798 : i32 to vector<16xi32>
          %lt3A_800 = arith.cmpi slt, %iota3A_777, %lt3A_799 : vector<16xi32>
          tpu.vector_store_idx %arg20[%add3A_797], %select_n3A_793 masked %lt3A_800 : memref<400xf32, #tpu.memory_space<vmem>>[vector<16xi32>], vector<16xf32>, vector<16xi1>
          %iota3A_801 = tpu.iota {dimensions = array<i32: 0>} : vector<16xi32>
          %eq3A_802 = arith.constant 0 : i32
          %eq3A_803 = vector.broadcast %eq3A_802 : i32 to vector<16xi32>
          %eq3A_804 = arith.cmpi eq, %iota3A_801, %eq3A_803 : vector<16xi32>
          %broadcast_in_dim3A_805 = vector.broadcast %while3A_161 : i32 to vector<16xi32>
          %broadcast_in_dim3A_806 = vector.broadcast %squeeze3A : f32 to vector<16xf32>
          tpu.vector_store_idx %arg21[%broadcast_in_dim3A_805], %broadcast_in_dim3A_806 masked %eq3A_804 : memref<112xf32, #tpu.memory_space<vmem>>[vector<16xi32>], vector<16xf32>, vector<16xi1>
        } else {
        }
        %convert_element_type3A_741 = arith.extui %and3A : i1 to i32
        %add3A_742 = arith.addi %while3A_161, %convert_element_type3A_741 : i32
        %le3A_743 = arith.constant 0.000000e+00 : f32
        %le3A_744 = arith.cmpf ole, %squeeze3A, %le3A_743 : f32
        %jit3A = arith.constant 1 : i32
        %jit3A_745 = arith.constant 0 : i32
        %select_n3A_746 = arith.select %le3A_744, %jit3A, %jit3A_745 : i32
        scf.yield %add3A_742, %select_n3A_746 : i32, i32
      }
      "tpu.region"() ({
        %run_scoped3A = tpu.sem_alloc : memref<!tpu.dma_semaphore, #tpu.memory_space<semaphore_mem>>
        %dma_start3A = arith.constant 0 : i32
        %dma_start3A_161 = tpu.memref_slice %arg7[%add3A_2, %dma_start3A] : memref<80x400xf32, #tpu.memory_space<hbm>> -> memref<1x400xf32, #tpu.memory_space<hbm>>
        %dma_start3A_162 = tpu.memref_squeeze %dma_start3A_161 : memref<1x400xf32, #tpu.memory_space<hbm>> -> memref<400xf32, #tpu.memory_space<hbm>>
        %dma_start3A_163 = arith.constant 0 : i32
        %dma_start3A_164 = tpu.memref_slice %arg7[%add3A_2, %dma_start3A_163] : memref<80x400xf32, #tpu.memory_space<hbm>> -> memref<1x400xf32, #tpu.memory_space<hbm>>
        %dma_start3A_165 = tpu.memref_squeeze %dma_start3A_164 : memref<1x400xf32, #tpu.memory_space<hbm>> -> memref<400xf32, #tpu.memory_space<hbm>>
        tpu.enqueue_dma source(%arg20 : memref<400xf32, #tpu.memory_space<vmem>>) target(%dma_start3A_165 : memref<400xf32, #tpu.memory_space<hbm>>) target_semaphore(%run_scoped3A : memref<!tpu.dma_semaphore, #tpu.memory_space<semaphore_mem>>)
        %dma_wait3A = arith.constant 0 : i32
        %dma_wait3A_166 = tpu.memref_slice %arg7[%add3A_2, %dma_wait3A] : memref<80x400xf32, #tpu.memory_space<hbm>> -> memref<1x400xf32, #tpu.memory_space<hbm>>
        %dma_wait3A_167 = tpu.memref_squeeze %dma_wait3A_166 : memref<1x400xf32, #tpu.memory_space<hbm>> -> memref<400xf32, #tpu.memory_space<hbm>>
        %dma_wait3A_168 = arith.constant 0 : i32
        %dma_wait3A_169 = tpu.memref_slice %arg7[%add3A_2, %dma_wait3A_168] : memref<80x400xf32, #tpu.memory_space<hbm>> -> memref<1x400xf32, #tpu.memory_space<hbm>>
        %dma_wait3A_170 = tpu.memref_squeeze %dma_wait3A_169 : memref<1x400xf32, #tpu.memory_space<hbm>> -> memref<400xf32, #tpu.memory_space<hbm>>
        tpu.wait_dma2 semaphore(%run_scoped3A : memref<!tpu.dma_semaphore, #tpu.memory_space<semaphore_mem>>) src(%arg20 : memref<400xf32, #tpu.memory_space<vmem>>) dst(%dma_wait3A_170 : memref<400xf32, #tpu.memory_space<hbm>>)
        tpu.yield
      }) : () -> ()
      "tpu.region"() ({
        %run_scoped3A = tpu.sem_alloc : memref<!tpu.dma_semaphore, #tpu.memory_space<semaphore_mem>>
        %dma_start3A = arith.constant 0 : i32
        %dma_start3A_161 = tpu.memref_slice %arg8[%add3A_2, %dma_start3A] : memref<80x112xf32, #tpu.memory_space<hbm>> -> memref<1x112xf32, #tpu.memory_space<hbm>>
        %dma_start3A_162 = tpu.memref_squeeze %dma_start3A_161 : memref<1x112xf32, #tpu.memory_space<hbm>> -> memref<112xf32, #tpu.memory_space<hbm>>
        %dma_start3A_163 = arith.constant 0 : i32
        %dma_start3A_164 = tpu.memref_slice %arg8[%add3A_2, %dma_start3A_163] : memref<80x112xf32, #tpu.memory_space<hbm>> -> memref<1x112xf32, #tpu.memory_space<hbm>>
        %dma_start3A_165 = tpu.memref_squeeze %dma_start3A_164 : memref<1x112xf32, #tpu.memory_space<hbm>> -> memref<112xf32, #tpu.memory_space<hbm>>
        tpu.enqueue_dma source(%arg21 : memref<112xf32, #tpu.memory_space<vmem>>) target(%dma_start3A_165 : memref<112xf32, #tpu.memory_space<hbm>>) target_semaphore(%run_scoped3A : memref<!tpu.dma_semaphore, #tpu.memory_space<semaphore_mem>>)
        %dma_wait3A = arith.constant 0 : i32
        %dma_wait3A_166 = tpu.memref_slice %arg8[%add3A_2, %dma_wait3A] : memref<80x112xf32, #tpu.memory_space<hbm>> -> memref<1x112xf32, #tpu.memory_space<hbm>>
        %dma_wait3A_167 = tpu.memref_squeeze %dma_wait3A_166 : memref<1x112xf32, #tpu.memory_space<hbm>> -> memref<112xf32, #tpu.memory_space<hbm>>
        %dma_wait3A_168 = arith.constant 0 : i32
        %dma_wait3A_169 = tpu.memref_slice %arg8[%add3A_2, %dma_wait3A_168] : memref<80x112xf32, #tpu.memory_space<hbm>> -> memref<1x112xf32, #tpu.memory_space<hbm>>
        %dma_wait3A_170 = tpu.memref_squeeze %dma_wait3A_169 : memref<1x112xf32, #tpu.memory_space<hbm>> -> memref<112xf32, #tpu.memory_space<hbm>>
        tpu.wait_dma2 semaphore(%run_scoped3A : memref<!tpu.dma_semaphore, #tpu.memory_space<semaphore_mem>>) src(%arg21 : memref<112xf32, #tpu.memory_space<vmem>>) dst(%dma_wait3A_170 : memref<112xf32, #tpu.memory_space<hbm>>)
        tpu.yield
      }) : () -> ()
    } else {
    }
    %add3A_5 = arith.constant 32 : i32
    %add3A_6 = arith.addi %add3A, %add3A_5 : i32
    %lt3A_7 = arith.constant 80 : i32
    %lt3A_8 = arith.cmpi slt, %add3A_6, %lt3A_7 : i32
    %convert_element_type3A_9 = arith.extui %lt3A_8 : i1 to i32
    %cond3A_10 = arith.constant 0 : i32
    %cond3A_11 = arith.cmpi ne, %convert_element_type3A_9, %cond3A_10 : i32
    scf.if %cond3A_11 {
      "tpu.region"() ({
        %run_scoped3A = tpu.sem_alloc : memref<!tpu.dma_semaphore, #tpu.memory_space<semaphore_mem>>
        %dma_start3A = arith.constant 0 : i32
        %dma_start3A_161 = tpu.memref_slice %arg2[%add3A_6, %dma_start3A] : memref<80x20480xf32, #tpu.memory_space<hbm>> -> memref<1x20480xf32, #tpu.memory_space<hbm>>
        %dma_start3A_162 = tpu.memref_squeeze %dma_start3A_161 : memref<1x20480xf32, #tpu.memory_space<hbm>> -> memref<20480xf32, #tpu.memory_space<hbm>>
        %dma_start3A_163 = arith.constant 0 : i32
        %dma_start3A_164 = tpu.memref_slice %arg2[%add3A_6, %dma_start3A_163] : memref<80x20480xf32, #tpu.memory_space<hbm>> -> memref<1x20480xf32, #tpu.memory_space<hbm>>
        %dma_start3A_165 = tpu.memref_squeeze %dma_start3A_164 : memref<1x20480xf32, #tpu.memory_space<hbm>> -> memref<20480xf32, #tpu.memory_space<hbm>>
        tpu.enqueue_dma source(%dma_start3A_165 : memref<20480xf32, #tpu.memory_space<hbm>>) target(%arg13 : memref<20480xf32, #tpu.memory_space<vmem>>) target_semaphore(%run_scoped3A : memref<!tpu.dma_semaphore, #tpu.memory_space<semaphore_mem>>)
        %dma_wait3A = arith.constant 0 : i32
        %dma_wait3A_166 = tpu.memref_slice %arg2[%add3A_6, %dma_wait3A] : memref<80x20480xf32, #tpu.memory_space<hbm>> -> memref<1x20480xf32, #tpu.memory_space<hbm>>
        %dma_wait3A_167 = tpu.memref_squeeze %dma_wait3A_166 : memref<1x20480xf32, #tpu.memory_space<hbm>> -> memref<20480xf32, #tpu.memory_space<hbm>>
        %dma_wait3A_168 = arith.constant 0 : i32
        %dma_wait3A_169 = tpu.memref_slice %arg2[%add3A_6, %dma_wait3A_168] : memref<80x20480xf32, #tpu.memory_space<hbm>> -> memref<1x20480xf32, #tpu.memory_space<hbm>>
        %dma_wait3A_170 = tpu.memref_squeeze %dma_wait3A_169 : memref<1x20480xf32, #tpu.memory_space<hbm>> -> memref<20480xf32, #tpu.memory_space<hbm>>
        tpu.wait_dma2 semaphore(%run_scoped3A : memref<!tpu.dma_semaphore, #tpu.memory_space<semaphore_mem>>) src(%dma_wait3A_170 : memref<20480xf32, #tpu.memory_space<hbm>>) dst(%arg13 : memref<20480xf32, #tpu.memory_space<vmem>>)
        tpu.yield
      }) : () -> ()
      %broadcast_in_dim3A = arith.constant 0.000000e+00 : f32
      %broadcast_in_dim3A_19 = vector.broadcast %broadcast_in_dim3A : f32 to vector<16xf32>
      %swap3A = arith.constant 0 : index
      %swap3A_20 = tpu.vector_load %arg15[%swap3A] {strides = array<i32>} : memref<112xf32, #tpu.memory_space<vmem>>, vector<16xf32>,
      tpu.vector_store %arg15[%swap3A], %broadcast_in_dim3A_19 {strides = array<i32>} : memref<112xf32, #tpu.memory_space<vmem>>, vector<16xf32>,
      %swap3A_21 = arith.constant 0 : index
      %swap3A_22 = tpu.vector_load %arg16[%swap3A_21] {strides = array<i32>} : memref<112xf32, #tpu.memory_space<vmem>>, vector<16xf32>,
      tpu.vector_store %arg16[%swap3A_21], %broadcast_in_dim3A_19 {strides = array<i32>} : memref<112xf32, #tpu.memory_space<vmem>>, vector<16xf32>,
      %swap3A_23 = arith.constant 0 : index
      %swap3A_24 = tpu.vector_load %arg17[%swap3A_23] {strides = array<i32>} : memref<112xf32, #tpu.memory_space<vmem>>, vector<16xf32>,
      tpu.vector_store %arg17[%swap3A_23], %broadcast_in_dim3A_19 {strides = array<i32>} : memref<112xf32, #tpu.memory_space<vmem>>, vector<16xf32>,
      %swap3A_25 = arith.constant 0 : index
      %swap3A_26 = tpu.vector_load %arg18[%swap3A_25] {strides = array<i32>} : memref<112xf32, #tpu.memory_space<vmem>>, vector<16xf32>,
      tpu.vector_store %arg18[%swap3A_25], %broadcast_in_dim3A_19 {strides = array<i32>} : memref<112xf32, #tpu.memory_space<vmem>>, vector<16xf32>,
      %swap3A_27 = arith.constant 0 : index
      %swap3A_28 = tpu.vector_load %arg19[%swap3A_27] {strides = array<i32>} : memref<112xf32, #tpu.memory_space<vmem>>, vector<16xf32>,
      tpu.vector_store %arg19[%swap3A_27], %broadcast_in_dim3A_19 {strides = array<i32>} : memref<112xf32, #tpu.memory_space<vmem>>, vector<16xf32>,
      %swap3A_29 = arith.constant 0 : index
      %swap3A_30 = tpu.vector_load %arg21[%swap3A_29] {strides = array<i32>} : memref<112xf32, #tpu.memory_space<vmem>>, vector<16xf32>,
      tpu.vector_store %arg21[%swap3A_29], %broadcast_in_dim3A_19 {strides = array<i32>} : memref<112xf32, #tpu.memory_space<vmem>>, vector<16xf32>,
      %swap3A_31 = arith.constant 16 : index
      %swap3A_32 = tpu.vector_load %arg15[%swap3A_31] {strides = array<i32>} : memref<112xf32, #tpu.memory_space<vmem>>, vector<16xf32>,
      tpu.vector_store %arg15[%swap3A_31], %broadcast_in_dim3A_19 {strides = array<i32>} : memref<112xf32, #tpu.memory_space<vmem>>, vector<16xf32>,
      %swap3A_33 = arith.constant 16 : index
      %swap3A_34 = tpu.vector_load %arg16[%swap3A_33] {strides = array<i32>} : memref<112xf32, #tpu.memory_space<vmem>>, vector<16xf32>,
      tpu.vector_store %arg16[%swap3A_33], %broadcast_in_dim3A_19 {strides = array<i32>} : memref<112xf32, #tpu.memory_space<vmem>>, vector<16xf32>,
      %swap3A_35 = arith.constant 16 : index
      %swap3A_36 = tpu.vector_load %arg17[%swap3A_35] {strides = array<i32>} : memref<112xf32, #tpu.memory_space<vmem>>, vector<16xf32>,
      tpu.vector_store %arg17[%swap3A_35], %broadcast_in_dim3A_19 {strides = array<i32>} : memref<112xf32, #tpu.memory_space<vmem>>, vector<16xf32>,
      %swap3A_37 = arith.constant 16 : index
      %swap3A_38 = tpu.vector_load %arg18[%swap3A_37] {strides = array<i32>} : memref<112xf32, #tpu.memory_space<vmem>>, vector<16xf32>,
      tpu.vector_store %arg18[%swap3A_37], %broadcast_in_dim3A_19 {strides = array<i32>} : memref<112xf32, #tpu.memory_space<vmem>>, vector<16xf32>,
      %swap3A_39 = arith.constant 16 : index
      %swap3A_40 = tpu.vector_load %arg19[%swap3A_39] {strides = array<i32>} : memref<112xf32, #tpu.memory_space<vmem>>, vector<16xf32>,
      tpu.vector_store %arg19[%swap3A_39], %broadcast_in_dim3A_19 {strides = array<i32>} : memref<112xf32, #tpu.memory_space<vmem>>, vector<16xf32>,
      %swap3A_41 = arith.constant 16 : index
      %swap3A_42 = tpu.vector_load %arg21[%swap3A_41] {strides = array<i32>} : memref<112xf32, #tpu.memory_space<vmem>>, vector<16xf32>,
      tpu.vector_store %arg21[%swap3A_41], %broadcast_in_dim3A_19 {strides = array<i32>} : memref<112xf32, #tpu.memory_space<vmem>>, vector<16xf32>,
      %swap3A_43 = arith.constant 32 : index
      %swap3A_44 = tpu.vector_load %arg15[%swap3A_43] {strides = array<i32>} : memref<112xf32, #tpu.memory_space<vmem>>, vector<16xf32>,
      tpu.vector_store %arg15[%swap3A_43], %broadcast_in_dim3A_19 {strides = array<i32>} : memref<112xf32, #tpu.memory_space<vmem>>, vector<16xf32>,
      %swap3A_45 = arith.constant 32 : index
      %swap3A_46 = tpu.vector_load %arg16[%swap3A_45] {strides = array<i32>} : memref<112xf32, #tpu.memory_space<vmem>>, vector<16xf32>,
      tpu.vector_store %arg16[%swap3A_45], %broadcast_in_dim3A_19 {strides = array<i32>} : memref<112xf32, #tpu.memory_space<vmem>>, vector<16xf32>,
      %swap3A_47 = arith.constant 32 : index
      %swap3A_48 = tpu.vector_load %arg17[%swap3A_47] {strides = array<i32>} : memref<112xf32, #tpu.memory_space<vmem>>, vector<16xf32>,
      tpu.vector_store %arg17[%swap3A_47], %broadcast_in_dim3A_19 {strides = array<i32>} : memref<112xf32, #tpu.memory_space<vmem>>, vector<16xf32>,
      %swap3A_49 = arith.constant 32 : index
      %swap3A_50 = tpu.vector_load %arg18[%swap3A_49] {strides = array<i32>} : memref<112xf32, #tpu.memory_space<vmem>>, vector<16xf32>,
      tpu.vector_store %arg18[%swap3A_49], %broadcast_in_dim3A_19 {strides = array<i32>} : memref<112xf32, #tpu.memory_space<vmem>>, vector<16xf32>,
      %swap3A_51 = arith.constant 32 : index
      %swap3A_52 = tpu.vector_load %arg19[%swap3A_51] {strides = array<i32>} : memref<112xf32, #tpu.memory_space<vmem>>, vector<16xf32>,
      tpu.vector_store %arg19[%swap3A_51], %broadcast_in_dim3A_19 {strides = array<i32>} : memref<112xf32, #tpu.memory_space<vmem>>, vector<16xf32>,
      %swap3A_53 = arith.constant 32 : index
      %swap3A_54 = tpu.vector_load %arg21[%swap3A_53] {strides = array<i32>} : memref<112xf32, #tpu.memory_space<vmem>>, vector<16xf32>,
      tpu.vector_store %arg21[%swap3A_53], %broadcast_in_dim3A_19 {strides = array<i32>} : memref<112xf32, #tpu.memory_space<vmem>>, vector<16xf32>,
      %swap3A_55 = arith.constant 48 : index
      %swap3A_56 = tpu.vector_load %arg15[%swap3A_55] {strides = array<i32>} : memref<112xf32, #tpu.memory_space<vmem>>, vector<16xf32>,
      tpu.vector_store %arg15[%swap3A_55], %broadcast_in_dim3A_19 {strides = array<i32>} : memref<112xf32, #tpu.memory_space<vmem>>, vector<16xf32>,
      %swap3A_57 = arith.constant 48 : index
      %swap3A_58 = tpu.vector_load %arg16[%swap3A_57] {strides = array<i32>} : memref<112xf32, #tpu.memory_space<vmem>>, vector<16xf32>,
      tpu.vector_store %arg16[%swap3A_57], %broadcast_in_dim3A_19 {strides = array<i32>} : memref<112xf32, #tpu.memory_space<vmem>>, vector<16xf32>,
      %swap3A_59 = arith.constant 48 : index
      %swap3A_60 = tpu.vector_load %arg17[%swap3A_59] {strides = array<i32>} : memref<112xf32, #tpu.memory_space<vmem>>, vector<16xf32>,
      tpu.vector_store %arg17[%swap3A_59], %broadcast_in_dim3A_19 {strides = array<i32>} : memref<112xf32, #tpu.memory_space<vmem>>, vector<16xf32>,
      %swap3A_61 = arith.constant 48 : index
      %swap3A_62 = tpu.vector_load %arg18[%swap3A_61] {strides = array<i32>} : memref<112xf32, #tpu.memory_space<vmem>>, vector<16xf32>,
      tpu.vector_store %arg18[%swap3A_61], %broadcast_in_dim3A_19 {strides = array<i32>} : memref<112xf32, #tpu.memory_space<vmem>>, vector<16xf32>,
      %swap3A_63 = arith.constant 48 : index
      %swap3A_64 = tpu.vector_load %arg19[%swap3A_63] {strides = array<i32>} : memref<112xf32, #tpu.memory_space<vmem>>, vector<16xf32>,
      tpu.vector_store %arg19[%swap3A_63], %broadcast_in_dim3A_19 {strides = array<i32>} : memref<112xf32, #tpu.memory_space<vmem>>, vector<16xf32>,
      %swap3A_65 = arith.constant 48 : index
      %swap3A_66 = tpu.vector_load %arg21[%swap3A_65] {strides = array<i32>} : memref<112xf32, #tpu.memory_space<vmem>>, vector<16xf32>,
      tpu.vector_store %arg21[%swap3A_65], %broadcast_in_dim3A_19 {strides = array<i32>} : memref<112xf32, #tpu.memory_space<vmem>>, vector<16xf32>,
      %swap3A_67 = arith.constant 64 : index
      %swap3A_68 = tpu.vector_load %arg15[%swap3A_67] {strides = array<i32>} : memref<112xf32, #tpu.memory_space<vmem>>, vector<16xf32>,
      tpu.vector_store %arg15[%swap3A_67], %broadcast_in_dim3A_19 {strides = array<i32>} : memref<112xf32, #tpu.memory_space<vmem>>, vector<16xf32>,
      %swap3A_69 = arith.constant 64 : index
      %swap3A_70 = tpu.vector_load %arg16[%swap3A_69] {strides = array<i32>} : memref<112xf32, #tpu.memory_space<vmem>>, vector<16xf32>,
      tpu.vector_store %arg16[%swap3A_69], %broadcast_in_dim3A_19 {strides = array<i32>} : memref<112xf32, #tpu.memory_space<vmem>>, vector<16xf32>,
      %swap3A_71 = arith.constant 64 : index
      %swap3A_72 = tpu.vector_load %arg17[%swap3A_71] {strides = array<i32>} : memref<112xf32, #tpu.memory_space<vmem>>, vector<16xf32>,
      tpu.vector_store %arg17[%swap3A_71], %broadcast_in_dim3A_19 {strides = array<i32>} : memref<112xf32, #tpu.memory_space<vmem>>, vector<16xf32>,
      %swap3A_73 = arith.constant 64 : index
      %swap3A_74 = tpu.vector_load %arg18[%swap3A_73] {strides = array<i32>} : memref<112xf32, #tpu.memory_space<vmem>>, vector<16xf32>,
      tpu.vector_store %arg18[%swap3A_73], %broadcast_in_dim3A_19 {strides = array<i32>} : memref<112xf32, #tpu.memory_space<vmem>>, vector<16xf32>,
      %swap3A_75 = arith.constant 64 : index
      %swap3A_76 = tpu.vector_load %arg19[%swap3A_75] {strides = array<i32>} : memref<112xf32, #tpu.memory_space<vmem>>, vector<16xf32>,
      tpu.vector_store %arg19[%swap3A_75], %broadcast_in_dim3A_19 {strides = array<i32>} : memref<112xf32, #tpu.memory_space<vmem>>, vector<16xf32>,
      %swap3A_77 = arith.constant 64 : index
      %swap3A_78 = tpu.vector_load %arg21[%swap3A_77] {strides = array<i32>} : memref<112xf32, #tpu.memory_space<vmem>>, vector<16xf32>,
      tpu.vector_store %arg21[%swap3A_77], %broadcast_in_dim3A_19 {strides = array<i32>} : memref<112xf32, #tpu.memory_space<vmem>>, vector<16xf32>,
      %swap3A_79 = arith.constant 80 : index
      %swap3A_80 = tpu.vector_load %arg15[%swap3A_79] {strides = array<i32>} : memref<112xf32, #tpu.memory_space<vmem>>, vector<16xf32>,
      tpu.vector_store %arg15[%swap3A_79], %broadcast_in_dim3A_19 {strides = array<i32>} : memref<112xf32, #tpu.memory_space<vmem>>, vector<16xf32>,
      %swap3A_81 = arith.constant 80 : index
      %swap3A_82 = tpu.vector_load %arg16[%swap3A_81] {strides = array<i32>} : memref<112xf32, #tpu.memory_space<vmem>>, vector<16xf32>,
      tpu.vector_store %arg16[%swap3A_81], %broadcast_in_dim3A_19 {strides = array<i32>} : memref<112xf32, #tpu.memory_space<vmem>>, vector<16xf32>,
      %swap3A_83 = arith.constant 80 : index
      %swap3A_84 = tpu.vector_load %arg17[%swap3A_83] {strides = array<i32>} : memref<112xf32, #tpu.memory_space<vmem>>, vector<16xf32>,
      tpu.vector_store %arg17[%swap3A_83], %broadcast_in_dim3A_19 {strides = array<i32>} : memref<112xf32, #tpu.memory_space<vmem>>, vector<16xf32>,
      %swap3A_85 = arith.constant 80 : index
      %swap3A_86 = tpu.vector_load %arg18[%swap3A_85] {strides = array<i32>} : memref<112xf32, #tpu.memory_space<vmem>>, vector<16xf32>,
      tpu.vector_store %arg18[%swap3A_85], %broadcast_in_dim3A_19 {strides = array<i32>} : memref<112xf32, #tpu.memory_space<vmem>>, vector<16xf32>,
      %swap3A_87 = arith.constant 80 : index
      %swap3A_88 = tpu.vector_load %arg19[%swap3A_87] {strides = array<i32>} : memref<112xf32, #tpu.memory_space<vmem>>, vector<16xf32>,
      tpu.vector_store %arg19[%swap3A_87], %broadcast_in_dim3A_19 {strides = array<i32>} : memref<112xf32, #tpu.memory_space<vmem>>, vector<16xf32>,
      %swap3A_89 = arith.constant 80 : index
      %swap3A_90 = tpu.vector_load %arg21[%swap3A_89] {strides = array<i32>} : memref<112xf32, #tpu.memory_space<vmem>>, vector<16xf32>,
      tpu.vector_store %arg21[%swap3A_89], %broadcast_in_dim3A_19 {strides = array<i32>} : memref<112xf32, #tpu.memory_space<vmem>>, vector<16xf32>,
      %swap3A_91 = arith.constant 96 : index
      %swap3A_92 = tpu.vector_load %arg15[%swap3A_91] {strides = array<i32>} : memref<112xf32, #tpu.memory_space<vmem>>, vector<16xf32>,
      tpu.vector_store %arg15[%swap3A_91], %broadcast_in_dim3A_19 {strides = array<i32>} : memref<112xf32, #tpu.memory_space<vmem>>, vector<16xf32>,
      %swap3A_93 = arith.constant 96 : index
      %swap3A_94 = tpu.vector_load %arg16[%swap3A_93] {strides = array<i32>} : memref<112xf32, #tpu.memory_space<vmem>>, vector<16xf32>,
      tpu.vector_store %arg16[%swap3A_93], %broadcast_in_dim3A_19 {strides = array<i32>} : memref<112xf32, #tpu.memory_space<vmem>>, vector<16xf32>,
      %swap3A_95 = arith.constant 96 : index
      %swap3A_96 = tpu.vector_load %arg17[%swap3A_95] {strides = array<i32>} : memref<112xf32, #tpu.memory_space<vmem>>, vector<16xf32>,
      tpu.vector_store %arg17[%swap3A_95], %broadcast_in_dim3A_19 {strides = array<i32>} : memref<112xf32, #tpu.memory_space<vmem>>, vector<16xf32>,
      %swap3A_97 = arith.constant 96 : index
      %swap3A_98 = tpu.vector_load %arg18[%swap3A_97] {strides = array<i32>} : memref<112xf32, #tpu.memory_space<vmem>>, vector<16xf32>,
      tpu.vector_store %arg18[%swap3A_97], %broadcast_in_dim3A_19 {strides = array<i32>} : memref<112xf32, #tpu.memory_space<vmem>>, vector<16xf32>,
      %swap3A_99 = arith.constant 96 : index
      %swap3A_100 = tpu.vector_load %arg19[%swap3A_99] {strides = array<i32>} : memref<112xf32, #tpu.memory_space<vmem>>, vector<16xf32>,
      tpu.vector_store %arg19[%swap3A_99], %broadcast_in_dim3A_19 {strides = array<i32>} : memref<112xf32, #tpu.memory_space<vmem>>, vector<16xf32>,
      %swap3A_101 = arith.constant 96 : index
      %swap3A_102 = tpu.vector_load %arg21[%swap3A_101] {strides = array<i32>} : memref<112xf32, #tpu.memory_space<vmem>>, vector<16xf32>,
      tpu.vector_store %arg21[%swap3A_101], %broadcast_in_dim3A_19 {strides = array<i32>} : memref<112xf32, #tpu.memory_space<vmem>>, vector<16xf32>,
      %swap3A_103 = arith.constant 0 : index
      %swap3A_104 = tpu.vector_load %arg20[%swap3A_103] {strides = array<i32>} : memref<400xf32, #tpu.memory_space<vmem>>, vector<16xf32>,
      tpu.vector_store %arg20[%swap3A_103], %broadcast_in_dim3A_19 {strides = array<i32>} : memref<400xf32, #tpu.memory_space<vmem>>, vector<16xf32>,
      %swap3A_105 = arith.constant 16 : index
      %swap3A_106 = tpu.vector_load %arg20[%swap3A_105] {strides = array<i32>} : memref<400xf32, #tpu.memory_space<vmem>>, vector<16xf32>,
      tpu.vector_store %arg20[%swap3A_105], %broadcast_in_dim3A_19 {strides = array<i32>} : memref<400xf32, #tpu.memory_space<vmem>>, vector<16xf32>,
      %swap3A_107 = arith.constant 32 : index
      %swap3A_108 = tpu.vector_load %arg20[%swap3A_107] {strides = array<i32>} : memref<400xf32, #tpu.memory_space<vmem>>, vector<16xf32>,
      tpu.vector_store %arg20[%swap3A_107], %broadcast_in_dim3A_19 {strides = array<i32>} : memref<400xf32, #tpu.memory_space<vmem>>, vector<16xf32>,
      %swap3A_109 = arith.constant 48 : index
      %swap3A_110 = tpu.vector_load %arg20[%swap3A_109] {strides = array<i32>} : memref<400xf32, #tpu.memory_space<vmem>>, vector<16xf32>,
      tpu.vector_store %arg20[%swap3A_109], %broadcast_in_dim3A_19 {strides = array<i32>} : memref<400xf32, #tpu.memory_space<vmem>>, vector<16xf32>,
      %swap3A_111 = arith.constant 64 : index
      %swap3A_112 = tpu.vector_load %arg20[%swap3A_111] {strides = array<i32>} : memref<400xf32, #tpu.memory_space<vmem>>, vector<16xf32>,
      tpu.vector_store %arg20[%swap3A_111], %broadcast_in_dim3A_19 {strides = array<i32>} : memref<400xf32, #tpu.memory_space<vmem>>, vector<16xf32>,
      %swap3A_113 = arith.constant 80 : index
      %swap3A_114 = tpu.vector_load %arg20[%swap3A_113] {strides = array<i32>} : memref<400xf32, #tpu.memory_space<vmem>>, vector<16xf32>,
      tpu.vector_store %arg20[%swap3A_113], %broadcast_in_dim3A_19 {strides = array<i32>} : memref<400xf32, #tpu.memory_space<vmem>>, vector<16xf32>,
      %swap3A_115 = arith.constant 96 : index
      %swap3A_116 = tpu.vector_load %arg20[%swap3A_115] {strides = array<i32>} : memref<400xf32, #tpu.memory_space<vmem>>, vector<16xf32>,
      tpu.vector_store %arg20[%swap3A_115], %broadcast_in_dim3A_19 {strides = array<i32>} : memref<400xf32, #tpu.memory_space<vmem>>, vector<16xf32>,
      %swap3A_117 = arith.constant 112 : index
      %swap3A_118 = tpu.vector_load %arg20[%swap3A_117] {strides = array<i32>} : memref<400xf32, #tpu.memory_space<vmem>>, vector<16xf32>,
      tpu.vector_store %arg20[%swap3A_117], %broadcast_in_dim3A_19 {strides = array<i32>} : memref<400xf32, #tpu.memory_space<vmem>>, vector<16xf32>,
      %swap3A_119 = arith.constant 128 : index
      %swap3A_120 = tpu.vector_load %arg20[%swap3A_119] {strides = array<i32>} : memref<400xf32, #tpu.memory_space<vmem>>, vector<16xf32>,
      tpu.vector_store %arg20[%swap3A_119], %broadcast_in_dim3A_19 {strides = array<i32>} : memref<400xf32, #tpu.memory_space<vmem>>, vector<16xf32>,
      %swap3A_121 = arith.constant 144 : index
      %swap3A_122 = tpu.vector_load %arg20[%swap3A_121] {strides = array<i32>} : memref<400xf32, #tpu.memory_space<vmem>>, vector<16xf32>,
      tpu.vector_store %arg20[%swap3A_121], %broadcast_in_dim3A_19 {strides = array<i32>} : memref<400xf32, #tpu.memory_space<vmem>>, vector<16xf32>,
      %swap3A_123 = arith.constant 160 : index
      %swap3A_124 = tpu.vector_load %arg20[%swap3A_123] {strides = array<i32>} : memref<400xf32, #tpu.memory_space<vmem>>, vector<16xf32>,
      tpu.vector_store %arg20[%swap3A_123], %broadcast_in_dim3A_19 {strides = array<i32>} : memref<400xf32, #tpu.memory_space<vmem>>, vector<16xf32>,
      %swap3A_125 = arith.constant 176 : index
      %swap3A_126 = tpu.vector_load %arg20[%swap3A_125] {strides = array<i32>} : memref<400xf32, #tpu.memory_space<vmem>>, vector<16xf32>,
      tpu.vector_store %arg20[%swap3A_125], %broadcast_in_dim3A_19 {strides = array<i32>} : memref<400xf32, #tpu.memory_space<vmem>>, vector<16xf32>,
      %swap3A_127 = arith.constant 192 : index
      %swap3A_128 = tpu.vector_load %arg20[%swap3A_127] {strides = array<i32>} : memref<400xf32, #tpu.memory_space<vmem>>, vector<16xf32>,
      tpu.vector_store %arg20[%swap3A_127], %broadcast_in_dim3A_19 {strides = array<i32>} : memref<400xf32, #tpu.memory_space<vmem>>, vector<16xf32>,
      %swap3A_129 = arith.constant 208 : index
      %swap3A_130 = tpu.vector_load %arg20[%swap3A_129] {strides = array<i32>} : memref<400xf32, #tpu.memory_space<vmem>>, vector<16xf32>,
      tpu.vector_store %arg20[%swap3A_129], %broadcast_in_dim3A_19 {strides = array<i32>} : memref<400xf32, #tpu.memory_space<vmem>>, vector<16xf32>,
      %swap3A_131 = arith.constant 224 : index
      %swap3A_132 = tpu.vector_load %arg20[%swap3A_131] {strides = array<i32>} : memref<400xf32, #tpu.memory_space<vmem>>, vector<16xf32>,
      tpu.vector_store %arg20[%swap3A_131], %broadcast_in_dim3A_19 {strides = array<i32>} : memref<400xf32, #tpu.memory_space<vmem>>, vector<16xf32>,
      %swap3A_133 = arith.constant 240 : index
      %swap3A_134 = tpu.vector_load %arg20[%swap3A_133] {strides = array<i32>} : memref<400xf32, #tpu.memory_space<vmem>>, vector<16xf32>,
      tpu.vector_store %arg20[%swap3A_133], %broadcast_in_dim3A_19 {strides = array<i32>} : memref<400xf32, #tpu.memory_space<vmem>>, vector<16xf32>,
      %swap3A_135 = arith.constant 256 : index
      %swap3A_136 = tpu.vector_load %arg20[%swap3A_135] {strides = array<i32>} : memref<400xf32, #tpu.memory_space<vmem>>, vector<16xf32>,
      tpu.vector_store %arg20[%swap3A_135], %broadcast_in_dim3A_19 {strides = array<i32>} : memref<400xf32, #tpu.memory_space<vmem>>, vector<16xf32>,
      %swap3A_137 = arith.constant 272 : index
      %swap3A_138 = tpu.vector_load %arg20[%swap3A_137] {strides = array<i32>} : memref<400xf32, #tpu.memory_space<vmem>>, vector<16xf32>,
      tpu.vector_store %arg20[%swap3A_137], %broadcast_in_dim3A_19 {strides = array<i32>} : memref<400xf32, #tpu.memory_space<vmem>>, vector<16xf32>,
      %swap3A_139 = arith.constant 288 : index
      %swap3A_140 = tpu.vector_load %arg20[%swap3A_139] {strides = array<i32>} : memref<400xf32, #tpu.memory_space<vmem>>, vector<16xf32>,
      tpu.vector_store %arg20[%swap3A_139], %broadcast_in_dim3A_19 {strides = array<i32>} : memref<400xf32, #tpu.memory_space<vmem>>, vector<16xf32>,
      %swap3A_141 = arith.constant 304 : index
      %swap3A_142 = tpu.vector_load %arg20[%swap3A_141] {strides = array<i32>} : memref<400xf32, #tpu.memory_space<vmem>>, vector<16xf32>,
      tpu.vector_store %arg20[%swap3A_141], %broadcast_in_dim3A_19 {strides = array<i32>} : memref<400xf32, #tpu.memory_space<vmem>>, vector<16xf32>,
      %swap3A_143 = arith.constant 320 : index
      %swap3A_144 = tpu.vector_load %arg20[%swap3A_143] {strides = array<i32>} : memref<400xf32, #tpu.memory_space<vmem>>, vector<16xf32>,
      tpu.vector_store %arg20[%swap3A_143], %broadcast_in_dim3A_19 {strides = array<i32>} : memref<400xf32, #tpu.memory_space<vmem>>, vector<16xf32>,
      %swap3A_145 = arith.constant 336 : index
      %swap3A_146 = tpu.vector_load %arg20[%swap3A_145] {strides = array<i32>} : memref<400xf32, #tpu.memory_space<vmem>>, vector<16xf32>,
      tpu.vector_store %arg20[%swap3A_145], %broadcast_in_dim3A_19 {strides = array<i32>} : memref<400xf32, #tpu.memory_space<vmem>>, vector<16xf32>,
      %swap3A_147 = arith.constant 352 : index
      %swap3A_148 = tpu.vector_load %arg20[%swap3A_147] {strides = array<i32>} : memref<400xf32, #tpu.memory_space<vmem>>, vector<16xf32>,
      tpu.vector_store %arg20[%swap3A_147], %broadcast_in_dim3A_19 {strides = array<i32>} : memref<400xf32, #tpu.memory_space<vmem>>, vector<16xf32>,
      %swap3A_149 = arith.constant 368 : index
      %swap3A_150 = tpu.vector_load %arg20[%swap3A_149] {strides = array<i32>} : memref<400xf32, #tpu.memory_space<vmem>>, vector<16xf32>,
      tpu.vector_store %arg20[%swap3A_149], %broadcast_in_dim3A_19 {strides = array<i32>} : memref<400xf32, #tpu.memory_space<vmem>>, vector<16xf32>,
      %swap3A_151 = arith.constant 384 : index
      %swap3A_152 = tpu.vector_load %arg20[%swap3A_151] {strides = array<i32>} : memref<400xf32, #tpu.memory_space<vmem>>, vector<16xf32>,
      tpu.vector_store %arg20[%swap3A_151], %broadcast_in_dim3A_19 {strides = array<i32>} : memref<400xf32, #tpu.memory_space<vmem>>, vector<16xf32>,
      %scan3A = arith.constant 0 : i32
      %scan3A_153 = arith.constant 0 : i32
      %scan3A_154 = arith.constant 160 : i32
      %scan3A_155 = arith.addi %scan3A_153, %scan3A_154 : i32
      %scan3A_156 = arith.constant 1 : i32
      scf.for %scan3A_161 = %scan3A_153 to %scan3A_155 step %scan3A_156  : i32 {
        %mul3A_162 = arith.constant 128 : i32
        %mul3A_163 = arith.muli %scan3A_161, %mul3A_162 : i32
        %get3A = arith.index_cast %mul3A_163 : i32 to index
        %get3A_164 = tpu.vector_load %arg13[%get3A] {strides = array<i32>} : memref<20480xf32, #tpu.memory_space<vmem>>, vector<16xf32>,
        %add3A_165 = arith.constant 16 : i32
        %add3A_166 = arith.addi %mul3A_163, %add3A_165 : i32
        %get3A_167 = arith.index_cast %add3A_166 : i32 to index
        %get3A_168 = tpu.vector_load %arg13[%get3A_167] {strides = array<i32>} : memref<20480xf32, #tpu.memory_space<vmem>>, vector<16xf32>,
        %max3A = arith.maximumf %get3A_164, %get3A_168 : vector<16xf32>
        %add3A_169 = arith.constant 32 : i32
        %add3A_170 = arith.addi %mul3A_163, %add3A_169 : i32
        %get3A_171 = arith.index_cast %add3A_170 : i32 to index
        %get3A_172 = tpu.vector_load %arg13[%get3A_171] {strides = array<i32>} : memref<20480xf32, #tpu.memory_space<vmem>>, vector<16xf32>,
        %max3A_173 = arith.maximumf %max3A, %get3A_172 : vector<16xf32>
        %add3A_174 = arith.constant 48 : i32
        %add3A_175 = arith.addi %mul3A_163, %add3A_174 : i32
        %get3A_176 = arith.index_cast %add3A_175 : i32 to index
        %get3A_177 = tpu.vector_load %arg13[%get3A_176] {strides = array<i32>} : memref<20480xf32, #tpu.memory_space<vmem>>, vector<16xf32>,
        %max3A_178 = arith.maximumf %max3A_173, %get3A_177 : vector<16xf32>
        %add3A_179 = arith.constant 64 : i32
        %add3A_180 = arith.addi %mul3A_163, %add3A_179 : i32
        %get3A_181 = arith.index_cast %add3A_180 : i32 to index
        %get3A_182 = tpu.vector_load %arg13[%get3A_181] {strides = array<i32>} : memref<20480xf32, #tpu.memory_space<vmem>>, vector<16xf32>,
        %max3A_183 = arith.maximumf %max3A_178, %get3A_182 : vector<16xf32>
        %add3A_184 = arith.constant 80 : i32
        %add3A_185 = arith.addi %mul3A_163, %add3A_184 : i32
        %get3A_186 = arith.index_cast %add3A_185 : i32 to index
        %get3A_187 = tpu.vector_load %arg13[%get3A_186] {strides = array<i32>} : memref<20480xf32, #tpu.memory_space<vmem>>, vector<16xf32>,
        %max3A_188 = arith.maximumf %max3A_183, %get3A_187 : vector<16xf32>
        %add3A_189 = arith.constant 96 : i32
        %add3A_190 = arith.addi %mul3A_163, %add3A_189 : i32
        %get3A_191 = arith.index_cast %add3A_190 : i32 to index
        %get3A_192 = tpu.vector_load %arg13[%get3A_191] {strides = array<i32>} : memref<20480xf32, #tpu.memory_space<vmem>>, vector<16xf32>,
        %max3A_193 = arith.maximumf %max3A_188, %get3A_192 : vector<16xf32>
        %add3A_194 = arith.constant 112 : i32
        %add3A_195 = arith.addi %mul3A_163, %add3A_194 : i32
        %get3A_196 = arith.index_cast %add3A_195 : i32 to index
        %get3A_197 = tpu.vector_load %arg13[%get3A_196] {strides = array<i32>} : memref<20480xf32, #tpu.memory_space<vmem>>, vector<16xf32>,
        %max3A_198 = arith.maximumf %max3A_193, %get3A_197 : vector<16xf32>
        %sort3A = arith.constant dense<true> : vector<16xi1>
        %sort3A_199, %sort3A_200, %sort3A_201 = tpu.sort %max3A_198, %max3A_198 masked %sort3A : (vector<16xf32>, vector<16xf32>, vector<16xi1>) -> (vector<16xi1>, vector<16xf32>, vector<16xf32>)
        %slice3A = vector.extract_strided_slice %sort3A_200 {offsets = [15], sizes = [1], strides = [1]} : vector<16xf32> to vector<1xf32>
        %squeeze3A = vector.extract %slice3A[0] : f32 from vector<1xf32>
        %iota3A_202 = tpu.iota {dimensions = array<i32: 0>} : vector<16xi32>
        %eq3A = arith.constant 0 : i32
        %eq3A_203 = vector.broadcast %eq3A : i32 to vector<16xi32>
        %eq3A_204 = arith.cmpi eq, %iota3A_202, %eq3A_203 : vector<16xi32>
        %broadcast_in_dim3A_205 = vector.broadcast %scan3A_161 : i32 to vector<16xi32>
        %broadcast_in_dim3A_206 = vector.broadcast %squeeze3A : f32 to vector<16xf32>
        tpu.vector_store_idx %arg14[%broadcast_in_dim3A_205], %broadcast_in_dim3A_206 masked %eq3A_204 : memref<160xf32, #tpu.memory_space<vmem>>[vector<16xi32>], vector<16xf32>, vector<16xi1>
      }
      %scan3A_157 = arith.constant 160 : i32
      %iota3A = tpu.iota {dimensions = array<i32: 0>} : vector<16xi32>
      %while3A = arith.constant 1073741824 : i32
      %while3A_158 = arith.constant 0 : i32
      %while3A_159 = arith.constant 0 : i32
      %while3A_160:2 = scf.while (%while3A_161 = %while3A_158, %while3A_162 = %while3A_159) : (i32, i32) -> (i32, i32) {
        %lt3A_163 = arith.constant 100 : i32
        %lt3A_164 = arith.cmpi slt, %while3A_161, %lt3A_163 : i32
        %eq3A = arith.constant 0 : i32
        %eq3A_165 = arith.cmpi eq, %while3A_162, %eq3A : i32
        %and3A = arith.andi %lt3A_164, %eq3A_165 : i1
        scf.condition(%and3A) %while3A_161, %while3A_162 : i32, i32
      } do {
      ^bb0(%while3A_161: i32, %while3A_162: i32):
        %get3A = arith.constant 0 : index
        %get3A_163 = tpu.vector_load %arg14[%get3A] {strides = array<i32>} : memref<160xf32, #tpu.memory_space<vmem>>, vector<16xf32>,
        %get3A_164 = arith.constant 16 : index
        %get3A_165 = tpu.vector_load %arg14[%get3A_164] {strides = array<i32>} : memref<160xf32, #tpu.memory_space<vmem>>, vector<16xf32>,
        %max3A = arith.maximumf %get3A_163, %get3A_165 : vector<16xf32>
        %get3A_166 = arith.constant 32 : index
        %get3A_167 = tpu.vector_load %arg14[%get3A_166] {strides = array<i32>} : memref<160xf32, #tpu.memory_space<vmem>>, vector<16xf32>,
        %max3A_168 = arith.maximumf %max3A, %get3A_167 : vector<16xf32>
        %get3A_169 = arith.constant 48 : index
        %get3A_170 = tpu.vector_load %arg14[%get3A_169] {strides = array<i32>} : memref<160xf32, #tpu.memory_space<vmem>>, vector<16xf32>,
        %max3A_171 = arith.maximumf %max3A_168, %get3A_170 : vector<16xf32>
        %get3A_172 = arith.constant 64 : index
        %get3A_173 = tpu.vector_load %arg14[%get3A_172] {strides = array<i32>} : memref<160xf32, #tpu.memory_space<vmem>>, vector<16xf32>,
        %max3A_174 = arith.maximumf %max3A_171, %get3A_173 : vector<16xf32>
        %get3A_175 = arith.constant 80 : index
        %get3A_176 = tpu.vector_load %arg14[%get3A_175] {strides = array<i32>} : memref<160xf32, #tpu.memory_space<vmem>>, vector<16xf32>,
        %max3A_177 = arith.maximumf %max3A_174, %get3A_176 : vector<16xf32>
        %get3A_178 = arith.constant 96 : index
        %get3A_179 = tpu.vector_load %arg14[%get3A_178] {strides = array<i32>} : memref<160xf32, #tpu.memory_space<vmem>>, vector<16xf32>,
        %max3A_180 = arith.maximumf %max3A_177, %get3A_179 : vector<16xf32>
        %get3A_181 = arith.constant 112 : index
        %get3A_182 = tpu.vector_load %arg14[%get3A_181] {strides = array<i32>} : memref<160xf32, #tpu.memory_space<vmem>>, vector<16xf32>,
        %max3A_183 = arith.maximumf %max3A_180, %get3A_182 : vector<16xf32>
        %get3A_184 = arith.constant 128 : index
        %get3A_185 = tpu.vector_load %arg14[%get3A_184] {strides = array<i32>} : memref<160xf32, #tpu.memory_space<vmem>>, vector<16xf32>,
        %max3A_186 = arith.maximumf %max3A_183, %get3A_185 : vector<16xf32>
        %get3A_187 = arith.constant 144 : index
        %get3A_188 = tpu.vector_load %arg14[%get3A_187] {strides = array<i32>} : memref<160xf32, #tpu.memory_space<vmem>>, vector<16xf32>,
        %max3A_189 = arith.maximumf %max3A_186, %get3A_188 : vector<16xf32>
        %sort3A = arith.constant dense<true> : vector<16xi1>
        %sort3A_190, %sort3A_191, %sort3A_192 = tpu.sort %max3A_189, %max3A_189 masked %sort3A : (vector<16xf32>, vector<16xf32>, vector<16xi1>) -> (vector<16xi1>, vector<16xf32>, vector<16xf32>)
        %slice3A = vector.extract_strided_slice %sort3A_191 {offsets = [15], sizes = [1], strides = [1]} : vector<16xf32> to vector<1xf32>
        %squeeze3A = vector.extract %slice3A[0] : f32 from vector<1xf32>
        %broadcast_in_dim3A_193 = vector.broadcast %while3A : i32 to vector<16xi32>
        %get3A_194 = arith.constant 0 : index
        %get3A_195 = tpu.vector_load %arg14[%get3A_194] {strides = array<i32>} : memref<160xf32, #tpu.memory_space<vmem>>, vector<16xf32>,
        %eq3A = vector.broadcast %squeeze3A : f32 to vector<16xf32>
        %eq3A_196 = arith.cmpf oeq, %get3A_195, %eq3A : vector<16xf32>
        %add3A_197 = arith.constant 0 : i32
        %add3A_198 = vector.broadcast %add3A_197 : i32 to vector<16xi32>
        %add3A_199 = arith.addi %iota3A, %add3A_198 : vector<16xi32>
        %broadcast_in_dim3A_200 = vector.broadcast %while3A : i32 to vector<16xi32>
        %select_n3A = arith.select %eq3A_196, %add3A_199, %broadcast_in_dim3A_200 : vector<16xi1>, vector<16xi32>
        %min3A = arith.minsi %broadcast_in_dim3A_193, %select_n3A : vector<16xi32>
        %get3A_201 = arith.constant 16 : index
        %get3A_202 = tpu.vector_load %arg14[%get3A_201] {strides = array<i32>} : memref<160xf32, #tpu.memory_space<vmem>>, vector<16xf32>,
        %eq3A_203 = vector.broadcast %squeeze3A : f32 to vector<16xf32>
        %eq3A_204 = arith.cmpf oeq, %get3A_202, %eq3A_203 : vector<16xf32>
        %add3A_205 = arith.constant 16 : i32
        %add3A_206 = vector.broadcast %add3A_205 : i32 to vector<16xi32>
        %add3A_207 = arith.addi %iota3A, %add3A_206 : vector<16xi32>
        %broadcast_in_dim3A_208 = vector.broadcast %while3A : i32 to vector<16xi32>
        %select_n3A_209 = arith.select %eq3A_204, %add3A_207, %broadcast_in_dim3A_208 : vector<16xi1>, vector<16xi32>
        %min3A_210 = arith.minsi %min3A, %select_n3A_209 : vector<16xi32>
        %get3A_211 = arith.constant 32 : index
        %get3A_212 = tpu.vector_load %arg14[%get3A_211] {strides = array<i32>} : memref<160xf32, #tpu.memory_space<vmem>>, vector<16xf32>,
        %eq3A_213 = vector.broadcast %squeeze3A : f32 to vector<16xf32>
        %eq3A_214 = arith.cmpf oeq, %get3A_212, %eq3A_213 : vector<16xf32>
        %add3A_215 = arith.constant 32 : i32
        %add3A_216 = vector.broadcast %add3A_215 : i32 to vector<16xi32>
        %add3A_217 = arith.addi %iota3A, %add3A_216 : vector<16xi32>
        %broadcast_in_dim3A_218 = vector.broadcast %while3A : i32 to vector<16xi32>
        %select_n3A_219 = arith.select %eq3A_214, %add3A_217, %broadcast_in_dim3A_218 : vector<16xi1>, vector<16xi32>
        %min3A_220 = arith.minsi %min3A_210, %select_n3A_219 : vector<16xi32>
        %get3A_221 = arith.constant 48 : index
        %get3A_222 = tpu.vector_load %arg14[%get3A_221] {strides = array<i32>} : memref<160xf32, #tpu.memory_space<vmem>>, vector<16xf32>,
        %eq3A_223 = vector.broadcast %squeeze3A : f32 to vector<16xf32>
        %eq3A_224 = arith.cmpf oeq, %get3A_222, %eq3A_223 : vector<16xf32>
        %add3A_225 = arith.constant 48 : i32
        %add3A_226 = vector.broadcast %add3A_225 : i32 to vector<16xi32>
        %add3A_227 = arith.addi %iota3A, %add3A_226 : vector<16xi32>
        %broadcast_in_dim3A_228 = vector.broadcast %while3A : i32 to vector<16xi32>
        %select_n3A_229 = arith.select %eq3A_224, %add3A_227, %broadcast_in_dim3A_228 : vector<16xi1>, vector<16xi32>
        %min3A_230 = arith.minsi %min3A_220, %select_n3A_229 : vector<16xi32>
        %get3A_231 = arith.constant 64 : index
        %get3A_232 = tpu.vector_load %arg14[%get3A_231] {strides = array<i32>} : memref<160xf32, #tpu.memory_space<vmem>>, vector<16xf32>,
        %eq3A_233 = vector.broadcast %squeeze3A : f32 to vector<16xf32>
        %eq3A_234 = arith.cmpf oeq, %get3A_232, %eq3A_233 : vector<16xf32>
        %add3A_235 = arith.constant 64 : i32
        %add3A_236 = vector.broadcast %add3A_235 : i32 to vector<16xi32>
        %add3A_237 = arith.addi %iota3A, %add3A_236 : vector<16xi32>
        %broadcast_in_dim3A_238 = vector.broadcast %while3A : i32 to vector<16xi32>
        %select_n3A_239 = arith.select %eq3A_234, %add3A_237, %broadcast_in_dim3A_238 : vector<16xi1>, vector<16xi32>
        %min3A_240 = arith.minsi %min3A_230, %select_n3A_239 : vector<16xi32>
        %get3A_241 = arith.constant 80 : index
        %get3A_242 = tpu.vector_load %arg14[%get3A_241] {strides = array<i32>} : memref<160xf32, #tpu.memory_space<vmem>>, vector<16xf32>,
        %eq3A_243 = vector.broadcast %squeeze3A : f32 to vector<16xf32>
        %eq3A_244 = arith.cmpf oeq, %get3A_242, %eq3A_243 : vector<16xf32>
        %add3A_245 = arith.constant 80 : i32
        %add3A_246 = vector.broadcast %add3A_245 : i32 to vector<16xi32>
        %add3A_247 = arith.addi %iota3A, %add3A_246 : vector<16xi32>
        %broadcast_in_dim3A_248 = vector.broadcast %while3A : i32 to vector<16xi32>
        %select_n3A_249 = arith.select %eq3A_244, %add3A_247, %broadcast_in_dim3A_248 : vector<16xi1>, vector<16xi32>
        %min3A_250 = arith.minsi %min3A_240, %select_n3A_249 : vector<16xi32>
        %get3A_251 = arith.constant 96 : index
        %get3A_252 = tpu.vector_load %arg14[%get3A_251] {strides = array<i32>} : memref<160xf32, #tpu.memory_space<vmem>>, vector<16xf32>,
        %eq3A_253 = vector.broadcast %squeeze3A : f32 to vector<16xf32>
        %eq3A_254 = arith.cmpf oeq, %get3A_252, %eq3A_253 : vector<16xf32>
        %add3A_255 = arith.constant 96 : i32
        %add3A_256 = vector.broadcast %add3A_255 : i32 to vector<16xi32>
        %add3A_257 = arith.addi %iota3A, %add3A_256 : vector<16xi32>
        %broadcast_in_dim3A_258 = vector.broadcast %while3A : i32 to vector<16xi32>
        %select_n3A_259 = arith.select %eq3A_254, %add3A_257, %broadcast_in_dim3A_258 : vector<16xi1>, vector<16xi32>
        %min3A_260 = arith.minsi %min3A_250, %select_n3A_259 : vector<16xi32>
        %get3A_261 = arith.constant 112 : index
        %get3A_262 = tpu.vector_load %arg14[%get3A_261] {strides = array<i32>} : memref<160xf32, #tpu.memory_space<vmem>>, vector<16xf32>,
        %eq3A_263 = vector.broadcast %squeeze3A : f32 to vector<16xf32>
        %eq3A_264 = arith.cmpf oeq, %get3A_262, %eq3A_263 : vector<16xf32>
        %add3A_265 = arith.constant 112 : i32
        %add3A_266 = vector.broadcast %add3A_265 : i32 to vector<16xi32>
        %add3A_267 = arith.addi %iota3A, %add3A_266 : vector<16xi32>
        %broadcast_in_dim3A_268 = vector.broadcast %while3A : i32 to vector<16xi32>
        %select_n3A_269 = arith.select %eq3A_264, %add3A_267, %broadcast_in_dim3A_268 : vector<16xi1>, vector<16xi32>
        %min3A_270 = arith.minsi %min3A_260, %select_n3A_269 : vector<16xi32>
        %get3A_271 = arith.constant 128 : index
        %get3A_272 = tpu.vector_load %arg14[%get3A_271] {strides = array<i32>} : memref<160xf32, #tpu.memory_space<vmem>>, vector<16xf32>,
        %eq3A_273 = vector.broadcast %squeeze3A : f32 to vector<16xf32>
        %eq3A_274 = arith.cmpf oeq, %get3A_272, %eq3A_273 : vector<16xf32>
        %add3A_275 = arith.constant 128 : i32
        %add3A_276 = vector.broadcast %add3A_275 : i32 to vector<16xi32>
        %add3A_277 = arith.addi %iota3A, %add3A_276 : vector<16xi32>
        %broadcast_in_dim3A_278 = vector.broadcast %while3A : i32 to vector<16xi32>
        %select_n3A_279 = arith.select %eq3A_274, %add3A_277, %broadcast_in_dim3A_278 : vector<16xi1>, vector<16xi32>
        %min3A_280 = arith.minsi %min3A_270, %select_n3A_279 : vector<16xi32>
        %get3A_281 = arith.constant 144 : index
        %get3A_282 = tpu.vector_load %arg14[%get3A_281] {strides = array<i32>} : memref<160xf32, #tpu.memory_space<vmem>>, vector<16xf32>,
        %eq3A_283 = vector.broadcast %squeeze3A : f32 to vector<16xf32>
        %eq3A_284 = arith.cmpf oeq, %get3A_282, %eq3A_283 : vector<16xf32>
        %add3A_285 = arith.constant 144 : i32
        %add3A_286 = vector.broadcast %add3A_285 : i32 to vector<16xi32>
        %add3A_287 = arith.addi %iota3A, %add3A_286 : vector<16xi32>
        %broadcast_in_dim3A_288 = vector.broadcast %while3A : i32 to vector<16xi32>
        %select_n3A_289 = arith.select %eq3A_284, %add3A_287, %broadcast_in_dim3A_288 : vector<16xi1>, vector<16xi32>
        %min3A_290 = arith.minsi %min3A_280, %select_n3A_289 : vector<16xi32>
        %sort3A_291 = arith.constant dense<true> : vector<16xi1>
        %sort3A_292, %sort3A_293, %sort3A_294 = tpu.sort %min3A_290, %min3A_290 masked %sort3A_291 : (vector<16xi32>, vector<16xi32>, vector<16xi1>) -> (vector<16xi1>, vector<16xi32>, vector<16xi32>)
        %slice3A_295 = vector.extract_strided_slice %sort3A_293 {offsets = [0], sizes = [1], strides = [1]} : vector<16xi32> to vector<1xi32>
        %squeeze3A_296 = vector.extract %slice3A_295[0] : i32 from vector<1xi32>
        %mul3A_297 = arith.constant 128 : i32
        %mul3A_298 = arith.muli %squeeze3A_296, %mul3A_297 : i32
        %broadcast_in_dim3A_299 = vector.broadcast %while3A : i32 to vector<16xi32>
        %add3A_300 = arith.constant 0 : i32
        %add3A_301 = arith.addi %mul3A_298, %add3A_300 : i32
        %get3A_302 = arith.index_cast %add3A_301 : i32 to index
        %get3A_303 = tpu.vector_load %arg13[%get3A_302] {strides = array<i32>} : memref<20480xf32, #tpu.memory_space<vmem>>, vector<16xf32>,
        %eq3A_304 = vector.broadcast %squeeze3A : f32 to vector<16xf32>
        %eq3A_305 = arith.cmpf oeq, %get3A_303, %eq3A_304 : vector<16xf32>
        %add3A_306 = arith.constant 0 : i32
        %add3A_307 = arith.addi %mul3A_298, %add3A_306 : i32
        %add3A_308 = vector.broadcast %add3A_307 : i32 to vector<16xi32>
        %add3A_309 = arith.addi %iota3A, %add3A_308 : vector<16xi32>
        %broadcast_in_dim3A_310 = vector.broadcast %while3A : i32 to vector<16xi32>
        %select_n3A_311 = arith.select %eq3A_305, %add3A_309, %broadcast_in_dim3A_310 : vector<16xi1>, vector<16xi32>
        %min3A_312 = arith.minsi %broadcast_in_dim3A_299, %select_n3A_311 : vector<16xi32>
        %add3A_313 = arith.constant 16 : i32
        %add3A_314 = arith.addi %mul3A_298, %add3A_313 : i32
        %get3A_315 = arith.index_cast %add3A_314 : i32 to index
        %get3A_316 = tpu.vector_load %arg13[%get3A_315] {strides = array<i32>} : memref<20480xf32, #tpu.memory_space<vmem>>, vector<16xf32>,
        %eq3A_317 = vector.broadcast %squeeze3A : f32 to vector<16xf32>
        %eq3A_318 = arith.cmpf oeq, %get3A_316, %eq3A_317 : vector<16xf32>
        %add3A_319 = arith.constant 16 : i32
        %add3A_320 = arith.addi %mul3A_298, %add3A_319 : i32
        %add3A_321 = vector.broadcast %add3A_320 : i32 to vector<16xi32>
        %add3A_322 = arith.addi %iota3A, %add3A_321 : vector<16xi32>
        %broadcast_in_dim3A_323 = vector.broadcast %while3A : i32 to vector<16xi32>
        %select_n3A_324 = arith.select %eq3A_318, %add3A_322, %broadcast_in_dim3A_323 : vector<16xi1>, vector<16xi32>
        %min3A_325 = arith.minsi %min3A_312, %select_n3A_324 : vector<16xi32>
        %add3A_326 = arith.constant 32 : i32
        %add3A_327 = arith.addi %mul3A_298, %add3A_326 : i32
        %get3A_328 = arith.index_cast %add3A_327 : i32 to index
        %get3A_329 = tpu.vector_load %arg13[%get3A_328] {strides = array<i32>} : memref<20480xf32, #tpu.memory_space<vmem>>, vector<16xf32>,
        %eq3A_330 = vector.broadcast %squeeze3A : f32 to vector<16xf32>
        %eq3A_331 = arith.cmpf oeq, %get3A_329, %eq3A_330 : vector<16xf32>
        %add3A_332 = arith.constant 32 : i32
        %add3A_333 = arith.addi %mul3A_298, %add3A_332 : i32
        %add3A_334 = vector.broadcast %add3A_333 : i32 to vector<16xi32>
        %add3A_335 = arith.addi %iota3A, %add3A_334 : vector<16xi32>
        %broadcast_in_dim3A_336 = vector.broadcast %while3A : i32 to vector<16xi32>
        %select_n3A_337 = arith.select %eq3A_331, %add3A_335, %broadcast_in_dim3A_336 : vector<16xi1>, vector<16xi32>
        %min3A_338 = arith.minsi %min3A_325, %select_n3A_337 : vector<16xi32>
        %add3A_339 = arith.constant 48 : i32
        %add3A_340 = arith.addi %mul3A_298, %add3A_339 : i32
        %get3A_341 = arith.index_cast %add3A_340 : i32 to index
        %get3A_342 = tpu.vector_load %arg13[%get3A_341] {strides = array<i32>} : memref<20480xf32, #tpu.memory_space<vmem>>, vector<16xf32>,
        %eq3A_343 = vector.broadcast %squeeze3A : f32 to vector<16xf32>
        %eq3A_344 = arith.cmpf oeq, %get3A_342, %eq3A_343 : vector<16xf32>
        %add3A_345 = arith.constant 48 : i32
        %add3A_346 = arith.addi %mul3A_298, %add3A_345 : i32
        %add3A_347 = vector.broadcast %add3A_346 : i32 to vector<16xi32>
        %add3A_348 = arith.addi %iota3A, %add3A_347 : vector<16xi32>
        %broadcast_in_dim3A_349 = vector.broadcast %while3A : i32 to vector<16xi32>
        %select_n3A_350 = arith.select %eq3A_344, %add3A_348, %broadcast_in_dim3A_349 : vector<16xi1>, vector<16xi32>
        %min3A_351 = arith.minsi %min3A_338, %select_n3A_350 : vector<16xi32>
        %add3A_352 = arith.constant 64 : i32
        %add3A_353 = arith.addi %mul3A_298, %add3A_352 : i32
        %get3A_354 = arith.index_cast %add3A_353 : i32 to index
        %get3A_355 = tpu.vector_load %arg13[%get3A_354] {strides = array<i32>} : memref<20480xf32, #tpu.memory_space<vmem>>, vector<16xf32>,
        %eq3A_356 = vector.broadcast %squeeze3A : f32 to vector<16xf32>
        %eq3A_357 = arith.cmpf oeq, %get3A_355, %eq3A_356 : vector<16xf32>
        %add3A_358 = arith.constant 64 : i32
        %add3A_359 = arith.addi %mul3A_298, %add3A_358 : i32
        %add3A_360 = vector.broadcast %add3A_359 : i32 to vector<16xi32>
        %add3A_361 = arith.addi %iota3A, %add3A_360 : vector<16xi32>
        %broadcast_in_dim3A_362 = vector.broadcast %while3A : i32 to vector<16xi32>
        %select_n3A_363 = arith.select %eq3A_357, %add3A_361, %broadcast_in_dim3A_362 : vector<16xi1>, vector<16xi32>
        %min3A_364 = arith.minsi %min3A_351, %select_n3A_363 : vector<16xi32>
        %add3A_365 = arith.constant 80 : i32
        %add3A_366 = arith.addi %mul3A_298, %add3A_365 : i32
        %get3A_367 = arith.index_cast %add3A_366 : i32 to index
        %get3A_368 = tpu.vector_load %arg13[%get3A_367] {strides = array<i32>} : memref<20480xf32, #tpu.memory_space<vmem>>, vector<16xf32>,
        %eq3A_369 = vector.broadcast %squeeze3A : f32 to vector<16xf32>
        %eq3A_370 = arith.cmpf oeq, %get3A_368, %eq3A_369 : vector<16xf32>
        %add3A_371 = arith.constant 80 : i32
        %add3A_372 = arith.addi %mul3A_298, %add3A_371 : i32
        %add3A_373 = vector.broadcast %add3A_372 : i32 to vector<16xi32>
        %add3A_374 = arith.addi %iota3A, %add3A_373 : vector<16xi32>
        %broadcast_in_dim3A_375 = vector.broadcast %while3A : i32 to vector<16xi32>
        %select_n3A_376 = arith.select %eq3A_370, %add3A_374, %broadcast_in_dim3A_375 : vector<16xi1>, vector<16xi32>
        %min3A_377 = arith.minsi %min3A_364, %select_n3A_376 : vector<16xi32>
        %add3A_378 = arith.constant 96 : i32
        %add3A_379 = arith.addi %mul3A_298, %add3A_378 : i32
        %get3A_380 = arith.index_cast %add3A_379 : i32 to index
        %get3A_381 = tpu.vector_load %arg13[%get3A_380] {strides = array<i32>} : memref<20480xf32, #tpu.memory_space<vmem>>, vector<16xf32>,
        %eq3A_382 = vector.broadcast %squeeze3A : f32 to vector<16xf32>
        %eq3A_383 = arith.cmpf oeq, %get3A_381, %eq3A_382 : vector<16xf32>
        %add3A_384 = arith.constant 96 : i32
        %add3A_385 = arith.addi %mul3A_298, %add3A_384 : i32
        %add3A_386 = vector.broadcast %add3A_385 : i32 to vector<16xi32>
        %add3A_387 = arith.addi %iota3A, %add3A_386 : vector<16xi32>
        %broadcast_in_dim3A_388 = vector.broadcast %while3A : i32 to vector<16xi32>
        %select_n3A_389 = arith.select %eq3A_383, %add3A_387, %broadcast_in_dim3A_388 : vector<16xi1>, vector<16xi32>
        %min3A_390 = arith.minsi %min3A_377, %select_n3A_389 : vector<16xi32>
        %add3A_391 = arith.constant 112 : i32
        %add3A_392 = arith.addi %mul3A_298, %add3A_391 : i32
        %get3A_393 = arith.index_cast %add3A_392 : i32 to index
        %get3A_394 = tpu.vector_load %arg13[%get3A_393] {strides = array<i32>} : memref<20480xf32, #tpu.memory_space<vmem>>, vector<16xf32>,
        %eq3A_395 = vector.broadcast %squeeze3A : f32 to vector<16xf32>
        %eq3A_396 = arith.cmpf oeq, %get3A_394, %eq3A_395 : vector<16xf32>
        %add3A_397 = arith.constant 112 : i32
        %add3A_398 = arith.addi %mul3A_298, %add3A_397 : i32
        %add3A_399 = vector.broadcast %add3A_398 : i32 to vector<16xi32>
        %add3A_400 = arith.addi %iota3A, %add3A_399 : vector<16xi32>
        %broadcast_in_dim3A_401 = vector.broadcast %while3A : i32 to vector<16xi32>
        %select_n3A_402 = arith.select %eq3A_396, %add3A_400, %broadcast_in_dim3A_401 : vector<16xi1>, vector<16xi32>
        %min3A_403 = arith.minsi %min3A_390, %select_n3A_402 : vector<16xi32>
        %sort3A_404 = arith.constant dense<true> : vector<16xi1>
        %sort3A_405, %sort3A_406, %sort3A_407 = tpu.sort %min3A_403, %min3A_403 masked %sort3A_404 : (vector<16xi32>, vector<16xi32>, vector<16xi1>) -> (vector<16xi1>, vector<16xi32>, vector<16xi32>)
        %slice3A_408 = vector.extract_strided_slice %sort3A_406 {offsets = [0], sizes = [1], strides = [1]} : vector<16xi32> to vector<1xi32>
        %squeeze3A_409 = vector.extract %slice3A_408[0] : i32 from vector<1xi32>
        %iota3A_410 = tpu.iota {dimensions = array<i32: 0>} : vector<16xi32>
        %eq3A_411 = arith.constant 0 : i32
        %eq3A_412 = vector.broadcast %eq3A_411 : i32 to vector<16xi32>
        %eq3A_413 = arith.cmpi eq, %iota3A_410, %eq3A_412 : vector<16xi32>
        %broadcast_in_dim3A_414 = vector.broadcast %squeeze3A_409 : i32 to vector<16xi32>
        %broadcast_in_dim3A_415 = arith.constant -1.000000e+00 : f32
        %broadcast_in_dim3A_416 = vector.broadcast %broadcast_in_dim3A_415 : f32 to vector<16xf32>
        tpu.vector_store_idx %arg13[%broadcast_in_dim3A_414], %broadcast_in_dim3A_416 masked %eq3A_413 : memref<20480xf32, #tpu.memory_space<vmem>>[vector<16xi32>], vector<16xf32>, vector<16xi1>
        %get3A_417 = arith.index_cast %mul3A_298 : i32 to index
        %get3A_418 = tpu.vector_load %arg13[%get3A_417] {strides = array<i32>} : memref<20480xf32, #tpu.memory_space<vmem>>, vector<16xf32>,
        %add3A_419 = arith.constant 16 : i32
        %add3A_420 = arith.addi %mul3A_298, %add3A_419 : i32
        %get3A_421 = arith.index_cast %add3A_420 : i32 to index
        %get3A_422 = tpu.vector_load %arg13[%get3A_421] {strides = array<i32>} : memref<20480xf32, #tpu.memory_space<vmem>>, vector<16xf32>,
        %max3A_423 = arith.maximumf %get3A_418, %get3A_422 : vector<16xf32>
        %add3A_424 = arith.constant 32 : i32
        %add3A_425 = arith.addi %mul3A_298, %add3A_424 : i32
        %get3A_426 = arith.index_cast %add3A_425 : i32 to index
        %get3A_427 = tpu.vector_load %arg13[%get3A_426] {strides = array<i32>} : memref<20480xf32, #tpu.memory_space<vmem>>, vector<16xf32>,
        %max3A_428 = arith.maximumf %max3A_423, %get3A_427 : vector<16xf32>
        %add3A_429 = arith.constant 48 : i32
        %add3A_430 = arith.addi %mul3A_298, %add3A_429 : i32
        %get3A_431 = arith.index_cast %add3A_430 : i32 to index
        %get3A_432 = tpu.vector_load %arg13[%get3A_431] {strides = array<i32>} : memref<20480xf32, #tpu.memory_space<vmem>>, vector<16xf32>,
        %max3A_433 = arith.maximumf %max3A_428, %get3A_432 : vector<16xf32>
        %add3A_434 = arith.constant 64 : i32
        %add3A_435 = arith.addi %mul3A_298, %add3A_434 : i32
        %get3A_436 = arith.index_cast %add3A_435 : i32 to index
        %get3A_437 = tpu.vector_load %arg13[%get3A_436] {strides = array<i32>} : memref<20480xf32, #tpu.memory_space<vmem>>, vector<16xf32>,
        %max3A_438 = arith.maximumf %max3A_433, %get3A_437 : vector<16xf32>
        %add3A_439 = arith.constant 80 : i32
        %add3A_440 = arith.addi %mul3A_298, %add3A_439 : i32
        %get3A_441 = arith.index_cast %add3A_440 : i32 to index
        %get3A_442 = tpu.vector_load %arg13[%get3A_441] {strides = array<i32>} : memref<20480xf32, #tpu.memory_space<vmem>>, vector<16xf32>,
        %max3A_443 = arith.maximumf %max3A_438, %get3A_442 : vector<16xf32>
        %add3A_444 = arith.constant 96 : i32
        %add3A_445 = arith.addi %mul3A_298, %add3A_444 : i32
        %get3A_446 = arith.index_cast %add3A_445 : i32 to index
        %get3A_447 = tpu.vector_load %arg13[%get3A_446] {strides = array<i32>} : memref<20480xf32, #tpu.memory_space<vmem>>, vector<16xf32>,
        %max3A_448 = arith.maximumf %max3A_443, %get3A_447 : vector<16xf32>
        %add3A_449 = arith.constant 112 : i32
        %add3A_450 = arith.addi %mul3A_298, %add3A_449 : i32
        %get3A_451 = arith.index_cast %add3A_450 : i32 to index
        %get3A_452 = tpu.vector_load %arg13[%get3A_451] {strides = array<i32>} : memref<20480xf32, #tpu.memory_space<vmem>>, vector<16xf32>,
        %max3A_453 = arith.maximumf %max3A_448, %get3A_452 : vector<16xf32>
        %sort3A_454 = arith.constant dense<true> : vector<16xi1>
        %sort3A_455, %sort3A_456, %sort3A_457 = tpu.sort %max3A_453, %max3A_453 masked %sort3A_454 : (vector<16xf32>, vector<16xf32>, vector<16xi1>) -> (vector<16xi1>, vector<16xf32>, vector<16xf32>)
        %slice3A_458 = vector.extract_strided_slice %sort3A_456 {offsets = [15], sizes = [1], strides = [1]} : vector<16xf32> to vector<1xf32>
        %squeeze3A_459 = vector.extract %slice3A_458[0] : f32 from vector<1xf32>
        %iota3A_460 = tpu.iota {dimensions = array<i32: 0>} : vector<16xi32>
        %eq3A_461 = arith.constant 0 : i32
        %eq3A_462 = vector.broadcast %eq3A_461 : i32 to vector<16xi32>
        %eq3A_463 = arith.cmpi eq, %iota3A_460, %eq3A_462 : vector<16xi32>
        %broadcast_in_dim3A_464 = vector.broadcast %squeeze3A_296 : i32 to vector<16xi32>
        %broadcast_in_dim3A_465 = vector.broadcast %squeeze3A_459 : f32 to vector<16xf32>
        tpu.vector_store_idx %arg14[%broadcast_in_dim3A_464], %broadcast_in_dim3A_465 masked %eq3A_463 : memref<160xf32, #tpu.memory_space<vmem>>[vector<16xi32>], vector<16xf32>, vector<16xi1>
        %broadcast_in_dim3A_466 = vector.broadcast %squeeze3A_409 : i32 to vector<16xi32>
        %gather3A = tpu.vector_load_idx %arg9[%broadcast_in_dim3A_466] : memref<20480xf32, #tpu.memory_space<vmem>>[vector<16xi32>], vector<16xf32>,
        %slice3A_467 = vector.extract_strided_slice %gather3A {offsets = [0], sizes = [1], strides = [1]} : vector<16xf32> to vector<1xf32>
        %squeeze3A_468 = vector.extract %slice3A_467[0] : f32 from vector<1xf32>
        %gather3A_469 = tpu.vector_load_idx %arg10[%broadcast_in_dim3A_466] : memref<20480xf32, #tpu.memory_space<vmem>>[vector<16xi32>], vector<16xf32>,
        %slice3A_470 = vector.extract_strided_slice %gather3A_469 {offsets = [0], sizes = [1], strides = [1]} : vector<16xf32> to vector<1xf32>
        %squeeze3A_471 = vector.extract %slice3A_470[0] : f32 from vector<1xf32>
        %gather3A_472 = tpu.vector_load_idx %arg11[%broadcast_in_dim3A_466] : memref<20480xf32, #tpu.memory_space<vmem>>[vector<16xi32>], vector<16xf32>,
        %slice3A_473 = vector.extract_strided_slice %gather3A_472 {offsets = [0], sizes = [1], strides = [1]} : vector<16xf32> to vector<1xf32>
        %squeeze3A_474 = vector.extract %slice3A_473[0] : f32 from vector<1xf32>
        %gather3A_475 = tpu.vector_load_idx %arg12[%broadcast_in_dim3A_466] : memref<20480xf32, #tpu.memory_space<vmem>>[vector<16xi32>], vector<16xf32>,
        %slice3A_476 = vector.extract_strided_slice %gather3A_475 {offsets = [0], sizes = [1], strides = [1]} : vector<16xf32> to vector<1xf32>
        %squeeze3A_477 = vector.extract %slice3A_476[0] : f32 from vector<1xf32>
        %sub3A = arith.subf %squeeze3A_474, %squeeze3A_468 : f32
        %max3A_478 = arith.constant 0.000000e+00 : f32
        %max3A_479 = arith.maximumf %sub3A, %max3A_478 : f32
        %sub3A_480 = arith.subf %squeeze3A_477, %squeeze3A_471 : f32
        %max3A_481 = arith.constant 0.000000e+00 : f32
        %max3A_482 = arith.maximumf %sub3A_480, %max3A_481 : f32
        %mul3A_483 = arith.mulf %max3A_479, %max3A_482 : f32
        %broadcast_in_dim3A_484 = arith.constant 0.000000e+00 : f32
        %broadcast_in_dim3A_485 = vector.broadcast %broadcast_in_dim3A_484 : f32 to vector<16xf32>
        %get3A_486 = arith.constant 0 : index
        %get3A_487 = tpu.vector_load %arg15[%get3A_486] {strides = array<i32>} : memref<112xf32, #tpu.memory_space<vmem>>, vector<16xf32>,
        %get3A_488 = arith.constant 0 : index
        %get3A_489 = tpu.vector_load %arg16[%get3A_488] {strides = array<i32>} : memref<112xf32, #tpu.memory_space<vmem>>, vector<16xf32>,
        %get3A_490 = arith.constant 0 : index
        %get3A_491 = tpu.vector_load %arg17[%get3A_490] {strides = array<i32>} : memref<112xf32, #tpu.memory_space<vmem>>, vector<16xf32>,
        %get3A_492 = arith.constant 0 : index
        %get3A_493 = tpu.vector_load %arg18[%get3A_492] {strides = array<i32>} : memref<112xf32, #tpu.memory_space<vmem>>, vector<16xf32>,
        %get3A_494 = arith.constant 0 : index
        %get3A_495 = tpu.vector_load %arg19[%get3A_494] {strides = array<i32>} : memref<112xf32, #tpu.memory_space<vmem>>, vector<16xf32>,
        %min3A_496 = vector.broadcast %squeeze3A_474 : f32 to vector<16xf32>
        %min3A_497 = arith.minimumf %get3A_491, %min3A_496 : vector<16xf32>
        %max3A_498 = vector.broadcast %squeeze3A_468 : f32 to vector<16xf32>
        %max3A_499 = arith.maximumf %get3A_487, %max3A_498 : vector<16xf32>
        %sub3A_500 = arith.subf %min3A_497, %max3A_499 : vector<16xf32>
        %max3A_501 = arith.constant 0.000000e+00 : f32
        %max3A_502 = vector.broadcast %max3A_501 : f32 to vector<16xf32>
        %max3A_503 = arith.maximumf %sub3A_500, %max3A_502 : vector<16xf32>
        %min3A_504 = vector.broadcast %squeeze3A_477 : f32 to vector<16xf32>
        %min3A_505 = arith.minimumf %get3A_493, %min3A_504 : vector<16xf32>
        %max3A_506 = vector.broadcast %squeeze3A_471 : f32 to vector<16xf32>
        %max3A_507 = arith.maximumf %get3A_489, %max3A_506 : vector<16xf32>
        %sub3A_508 = arith.subf %min3A_505, %max3A_507 : vector<16xf32>
        %max3A_509 = arith.constant 0.000000e+00 : f32
        %max3A_510 = vector.broadcast %max3A_509 : f32 to vector<16xf32>
        %max3A_511 = arith.maximumf %sub3A_508, %max3A_510 : vector<16xf32>
        %mul3A_512 = arith.mulf %max3A_503, %max3A_511 : vector<16xf32>
        %add3A_513 = vector.broadcast %mul3A_483 : f32 to vector<16xf32>
        %add3A_514 = arith.addf %get3A_495, %add3A_513 : vector<16xf32>
        %sub3A_515 = arith.subf %add3A_514, %mul3A_512 : vector<16xf32>
        %add3A_516 = arith.constant 9.99999971E-10 : f32
        %add3A_517 = vector.broadcast %add3A_516 : f32 to vector<16xf32>
        %add3A_518 = arith.addf %sub3A_515, %add3A_517 : vector<16xf32>
        %div3A = arith.divf %mul3A_512, %add3A_518 : vector<16xf32>
        %max3A_519 = arith.maximumf %broadcast_in_dim3A_485, %div3A : vector<16xf32>
        %get3A_520 = arith.constant 16 : index
        %get3A_521 = tpu.vector_load %arg15[%get3A_520] {strides = array<i32>} : memref<112xf32, #tpu.memory_space<vmem>>, vector<16xf32>,
        %get3A_522 = arith.constant 16 : index
        %get3A_523 = tpu.vector_load %arg16[%get3A_522] {strides = array<i32>} : memref<112xf32, #tpu.memory_space<vmem>>, vector<16xf32>,
        %get3A_524 = arith.constant 16 : index
        %get3A_525 = tpu.vector_load %arg17[%get3A_524] {strides = array<i32>} : memref<112xf32, #tpu.memory_space<vmem>>, vector<16xf32>,
        %get3A_526 = arith.constant 16 : index
        %get3A_527 = tpu.vector_load %arg18[%get3A_526] {strides = array<i32>} : memref<112xf32, #tpu.memory_space<vmem>>, vector<16xf32>,
        %get3A_528 = arith.constant 16 : index
        %get3A_529 = tpu.vector_load %arg19[%get3A_528] {strides = array<i32>} : memref<112xf32, #tpu.memory_space<vmem>>, vector<16xf32>,
        %min3A_530 = vector.broadcast %squeeze3A_474 : f32 to vector<16xf32>
        %min3A_531 = arith.minimumf %get3A_525, %min3A_530 : vector<16xf32>
        %max3A_532 = vector.broadcast %squeeze3A_468 : f32 to vector<16xf32>
        %max3A_533 = arith.maximumf %get3A_521, %max3A_532 : vector<16xf32>
        %sub3A_534 = arith.subf %min3A_531, %max3A_533 : vector<16xf32>
        %max3A_535 = arith.constant 0.000000e+00 : f32
        %max3A_536 = vector.broadcast %max3A_535 : f32 to vector<16xf32>
        %max3A_537 = arith.maximumf %sub3A_534, %max3A_536 : vector<16xf32>
        %min3A_538 = vector.broadcast %squeeze3A_477 : f32 to vector<16xf32>
        %min3A_539 = arith.minimumf %get3A_527, %min3A_538 : vector<16xf32>
        %max3A_540 = vector.broadcast %squeeze3A_471 : f32 to vector<16xf32>
        %max3A_541 = arith.maximumf %get3A_523, %max3A_540 : vector<16xf32>
        %sub3A_542 = arith.subf %min3A_539, %max3A_541 : vector<16xf32>
        %max3A_543 = arith.constant 0.000000e+00 : f32
        %max3A_544 = vector.broadcast %max3A_543 : f32 to vector<16xf32>
        %max3A_545 = arith.maximumf %sub3A_542, %max3A_544 : vector<16xf32>
        %mul3A_546 = arith.mulf %max3A_537, %max3A_545 : vector<16xf32>
        %add3A_547 = vector.broadcast %mul3A_483 : f32 to vector<16xf32>
        %add3A_548 = arith.addf %get3A_529, %add3A_547 : vector<16xf32>
        %sub3A_549 = arith.subf %add3A_548, %mul3A_546 : vector<16xf32>
        %add3A_550 = arith.constant 9.99999971E-10 : f32
        %add3A_551 = vector.broadcast %add3A_550 : f32 to vector<16xf32>
        %add3A_552 = arith.addf %sub3A_549, %add3A_551 : vector<16xf32>
        %div3A_553 = arith.divf %mul3A_546, %add3A_552 : vector<16xf32>
        %max3A_554 = arith.maximumf %max3A_519, %div3A_553 : vector<16xf32>
        %get3A_555 = arith.constant 32 : index
        %get3A_556 = tpu.vector_load %arg15[%get3A_555] {strides = array<i32>} : memref<112xf32, #tpu.memory_space<vmem>>, vector<16xf32>,
        %get3A_557 = arith.constant 32 : index
        %get3A_558 = tpu.vector_load %arg16[%get3A_557] {strides = array<i32>} : memref<112xf32, #tpu.memory_space<vmem>>, vector<16xf32>,
        %get3A_559 = arith.constant 32 : index
        %get3A_560 = tpu.vector_load %arg17[%get3A_559] {strides = array<i32>} : memref<112xf32, #tpu.memory_space<vmem>>, vector<16xf32>,
        %get3A_561 = arith.constant 32 : index
        %get3A_562 = tpu.vector_load %arg18[%get3A_561] {strides = array<i32>} : memref<112xf32, #tpu.memory_space<vmem>>, vector<16xf32>,
        %get3A_563 = arith.constant 32 : index
        %get3A_564 = tpu.vector_load %arg19[%get3A_563] {strides = array<i32>} : memref<112xf32, #tpu.memory_space<vmem>>, vector<16xf32>,
        %min3A_565 = vector.broadcast %squeeze3A_474 : f32 to vector<16xf32>
        %min3A_566 = arith.minimumf %get3A_560, %min3A_565 : vector<16xf32>
        %max3A_567 = vector.broadcast %squeeze3A_468 : f32 to vector<16xf32>
        %max3A_568 = arith.maximumf %get3A_556, %max3A_567 : vector<16xf32>
        %sub3A_569 = arith.subf %min3A_566, %max3A_568 : vector<16xf32>
        %max3A_570 = arith.constant 0.000000e+00 : f32
        %max3A_571 = vector.broadcast %max3A_570 : f32 to vector<16xf32>
        %max3A_572 = arith.maximumf %sub3A_569, %max3A_571 : vector<16xf32>
        %min3A_573 = vector.broadcast %squeeze3A_477 : f32 to vector<16xf32>
        %min3A_574 = arith.minimumf %get3A_562, %min3A_573 : vector<16xf32>
        %max3A_575 = vector.broadcast %squeeze3A_471 : f32 to vector<16xf32>
        %max3A_576 = arith.maximumf %get3A_558, %max3A_575 : vector<16xf32>
        %sub3A_577 = arith.subf %min3A_574, %max3A_576 : vector<16xf32>
        %max3A_578 = arith.constant 0.000000e+00 : f32
        %max3A_579 = vector.broadcast %max3A_578 : f32 to vector<16xf32>
        %max3A_580 = arith.maximumf %sub3A_577, %max3A_579 : vector<16xf32>
        %mul3A_581 = arith.mulf %max3A_572, %max3A_580 : vector<16xf32>
        %add3A_582 = vector.broadcast %mul3A_483 : f32 to vector<16xf32>
        %add3A_583 = arith.addf %get3A_564, %add3A_582 : vector<16xf32>
        %sub3A_584 = arith.subf %add3A_583, %mul3A_581 : vector<16xf32>
        %add3A_585 = arith.constant 9.99999971E-10 : f32
        %add3A_586 = vector.broadcast %add3A_585 : f32 to vector<16xf32>
        %add3A_587 = arith.addf %sub3A_584, %add3A_586 : vector<16xf32>
        %div3A_588 = arith.divf %mul3A_581, %add3A_587 : vector<16xf32>
        %max3A_589 = arith.maximumf %max3A_554, %div3A_588 : vector<16xf32>
        %get3A_590 = arith.constant 48 : index
        %get3A_591 = tpu.vector_load %arg15[%get3A_590] {strides = array<i32>} : memref<112xf32, #tpu.memory_space<vmem>>, vector<16xf32>,
        %get3A_592 = arith.constant 48 : index
        %get3A_593 = tpu.vector_load %arg16[%get3A_592] {strides = array<i32>} : memref<112xf32, #tpu.memory_space<vmem>>, vector<16xf32>,
        %get3A_594 = arith.constant 48 : index
        %get3A_595 = tpu.vector_load %arg17[%get3A_594] {strides = array<i32>} : memref<112xf32, #tpu.memory_space<vmem>>, vector<16xf32>,
        %get3A_596 = arith.constant 48 : index
        %get3A_597 = tpu.vector_load %arg18[%get3A_596] {strides = array<i32>} : memref<112xf32, #tpu.memory_space<vmem>>, vector<16xf32>,
        %get3A_598 = arith.constant 48 : index
        %get3A_599 = tpu.vector_load %arg19[%get3A_598] {strides = array<i32>} : memref<112xf32, #tpu.memory_space<vmem>>, vector<16xf32>,
        %min3A_600 = vector.broadcast %squeeze3A_474 : f32 to vector<16xf32>
        %min3A_601 = arith.minimumf %get3A_595, %min3A_600 : vector<16xf32>
        %max3A_602 = vector.broadcast %squeeze3A_468 : f32 to vector<16xf32>
        %max3A_603 = arith.maximumf %get3A_591, %max3A_602 : vector<16xf32>
        %sub3A_604 = arith.subf %min3A_601, %max3A_603 : vector<16xf32>
        %max3A_605 = arith.constant 0.000000e+00 : f32
        %max3A_606 = vector.broadcast %max3A_605 : f32 to vector<16xf32>
        %max3A_607 = arith.maximumf %sub3A_604, %max3A_606 : vector<16xf32>
        %min3A_608 = vector.broadcast %squeeze3A_477 : f32 to vector<16xf32>
        %min3A_609 = arith.minimumf %get3A_597, %min3A_608 : vector<16xf32>
        %max3A_610 = vector.broadcast %squeeze3A_471 : f32 to vector<16xf32>
        %max3A_611 = arith.maximumf %get3A_593, %max3A_610 : vector<16xf32>
        %sub3A_612 = arith.subf %min3A_609, %max3A_611 : vector<16xf32>
        %max3A_613 = arith.constant 0.000000e+00 : f32
        %max3A_614 = vector.broadcast %max3A_613 : f32 to vector<16xf32>
        %max3A_615 = arith.maximumf %sub3A_612, %max3A_614 : vector<16xf32>
        %mul3A_616 = arith.mulf %max3A_607, %max3A_615 : vector<16xf32>
        %add3A_617 = vector.broadcast %mul3A_483 : f32 to vector<16xf32>
        %add3A_618 = arith.addf %get3A_599, %add3A_617 : vector<16xf32>
        %sub3A_619 = arith.subf %add3A_618, %mul3A_616 : vector<16xf32>
        %add3A_620 = arith.constant 9.99999971E-10 : f32
        %add3A_621 = vector.broadcast %add3A_620 : f32 to vector<16xf32>
        %add3A_622 = arith.addf %sub3A_619, %add3A_621 : vector<16xf32>
        %div3A_623 = arith.divf %mul3A_616, %add3A_622 : vector<16xf32>
        %max3A_624 = arith.maximumf %max3A_589, %div3A_623 : vector<16xf32>
        %get3A_625 = arith.constant 64 : index
        %get3A_626 = tpu.vector_load %arg15[%get3A_625] {strides = array<i32>} : memref<112xf32, #tpu.memory_space<vmem>>, vector<16xf32>,
        %get3A_627 = arith.constant 64 : index
        %get3A_628 = tpu.vector_load %arg16[%get3A_627] {strides = array<i32>} : memref<112xf32, #tpu.memory_space<vmem>>, vector<16xf32>,
        %get3A_629 = arith.constant 64 : index
        %get3A_630 = tpu.vector_load %arg17[%get3A_629] {strides = array<i32>} : memref<112xf32, #tpu.memory_space<vmem>>, vector<16xf32>,
        %get3A_631 = arith.constant 64 : index
        %get3A_632 = tpu.vector_load %arg18[%get3A_631] {strides = array<i32>} : memref<112xf32, #tpu.memory_space<vmem>>, vector<16xf32>,
        %get3A_633 = arith.constant 64 : index
        %get3A_634 = tpu.vector_load %arg19[%get3A_633] {strides = array<i32>} : memref<112xf32, #tpu.memory_space<vmem>>, vector<16xf32>,
        %min3A_635 = vector.broadcast %squeeze3A_474 : f32 to vector<16xf32>
        %min3A_636 = arith.minimumf %get3A_630, %min3A_635 : vector<16xf32>
        %max3A_637 = vector.broadcast %squeeze3A_468 : f32 to vector<16xf32>
        %max3A_638 = arith.maximumf %get3A_626, %max3A_637 : vector<16xf32>
        %sub3A_639 = arith.subf %min3A_636, %max3A_638 : vector<16xf32>
        %max3A_640 = arith.constant 0.000000e+00 : f32
        %max3A_641 = vector.broadcast %max3A_640 : f32 to vector<16xf32>
        %max3A_642 = arith.maximumf %sub3A_639, %max3A_641 : vector<16xf32>
        %min3A_643 = vector.broadcast %squeeze3A_477 : f32 to vector<16xf32>
        %min3A_644 = arith.minimumf %get3A_632, %min3A_643 : vector<16xf32>
        %max3A_645 = vector.broadcast %squeeze3A_471 : f32 to vector<16xf32>
        %max3A_646 = arith.maximumf %get3A_628, %max3A_645 : vector<16xf32>
        %sub3A_647 = arith.subf %min3A_644, %max3A_646 : vector<16xf32>
        %max3A_648 = arith.constant 0.000000e+00 : f32
        %max3A_649 = vector.broadcast %max3A_648 : f32 to vector<16xf32>
        %max3A_650 = arith.maximumf %sub3A_647, %max3A_649 : vector<16xf32>
        %mul3A_651 = arith.mulf %max3A_642, %max3A_650 : vector<16xf32>
        %add3A_652 = vector.broadcast %mul3A_483 : f32 to vector<16xf32>
        %add3A_653 = arith.addf %get3A_634, %add3A_652 : vector<16xf32>
        %sub3A_654 = arith.subf %add3A_653, %mul3A_651 : vector<16xf32>
        %add3A_655 = arith.constant 9.99999971E-10 : f32
        %add3A_656 = vector.broadcast %add3A_655 : f32 to vector<16xf32>
        %add3A_657 = arith.addf %sub3A_654, %add3A_656 : vector<16xf32>
        %div3A_658 = arith.divf %mul3A_651, %add3A_657 : vector<16xf32>
        %max3A_659 = arith.maximumf %max3A_624, %div3A_658 : vector<16xf32>
        %get3A_660 = arith.constant 80 : index
        %get3A_661 = tpu.vector_load %arg15[%get3A_660] {strides = array<i32>} : memref<112xf32, #tpu.memory_space<vmem>>, vector<16xf32>,
        %get3A_662 = arith.constant 80 : index
        %get3A_663 = tpu.vector_load %arg16[%get3A_662] {strides = array<i32>} : memref<112xf32, #tpu.memory_space<vmem>>, vector<16xf32>,
        %get3A_664 = arith.constant 80 : index
        %get3A_665 = tpu.vector_load %arg17[%get3A_664] {strides = array<i32>} : memref<112xf32, #tpu.memory_space<vmem>>, vector<16xf32>,
        %get3A_666 = arith.constant 80 : index
        %get3A_667 = tpu.vector_load %arg18[%get3A_666] {strides = array<i32>} : memref<112xf32, #tpu.memory_space<vmem>>, vector<16xf32>,
        %get3A_668 = arith.constant 80 : index
        %get3A_669 = tpu.vector_load %arg19[%get3A_668] {strides = array<i32>} : memref<112xf32, #tpu.memory_space<vmem>>, vector<16xf32>,
        %min3A_670 = vector.broadcast %squeeze3A_474 : f32 to vector<16xf32>
        %min3A_671 = arith.minimumf %get3A_665, %min3A_670 : vector<16xf32>
        %max3A_672 = vector.broadcast %squeeze3A_468 : f32 to vector<16xf32>
        %max3A_673 = arith.maximumf %get3A_661, %max3A_672 : vector<16xf32>
        %sub3A_674 = arith.subf %min3A_671, %max3A_673 : vector<16xf32>
        %max3A_675 = arith.constant 0.000000e+00 : f32
        %max3A_676 = vector.broadcast %max3A_675 : f32 to vector<16xf32>
        %max3A_677 = arith.maximumf %sub3A_674, %max3A_676 : vector<16xf32>
        %min3A_678 = vector.broadcast %squeeze3A_477 : f32 to vector<16xf32>
        %min3A_679 = arith.minimumf %get3A_667, %min3A_678 : vector<16xf32>
        %max3A_680 = vector.broadcast %squeeze3A_471 : f32 to vector<16xf32>
        %max3A_681 = arith.maximumf %get3A_663, %max3A_680 : vector<16xf32>
        %sub3A_682 = arith.subf %min3A_679, %max3A_681 : vector<16xf32>
        %max3A_683 = arith.constant 0.000000e+00 : f32
        %max3A_684 = vector.broadcast %max3A_683 : f32 to vector<16xf32>
        %max3A_685 = arith.maximumf %sub3A_682, %max3A_684 : vector<16xf32>
        %mul3A_686 = arith.mulf %max3A_677, %max3A_685 : vector<16xf32>
        %add3A_687 = vector.broadcast %mul3A_483 : f32 to vector<16xf32>
        %add3A_688 = arith.addf %get3A_669, %add3A_687 : vector<16xf32>
        %sub3A_689 = arith.subf %add3A_688, %mul3A_686 : vector<16xf32>
        %add3A_690 = arith.constant 9.99999971E-10 : f32
        %add3A_691 = vector.broadcast %add3A_690 : f32 to vector<16xf32>
        %add3A_692 = arith.addf %sub3A_689, %add3A_691 : vector<16xf32>
        %div3A_693 = arith.divf %mul3A_686, %add3A_692 : vector<16xf32>
        %max3A_694 = arith.maximumf %max3A_659, %div3A_693 : vector<16xf32>
        %get3A_695 = arith.constant 96 : index
        %get3A_696 = tpu.vector_load %arg15[%get3A_695] {strides = array<i32>} : memref<112xf32, #tpu.memory_space<vmem>>, vector<16xf32>,
        %get3A_697 = arith.constant 96 : index
        %get3A_698 = tpu.vector_load %arg16[%get3A_697] {strides = array<i32>} : memref<112xf32, #tpu.memory_space<vmem>>, vector<16xf32>,
        %get3A_699 = arith.constant 96 : index
        %get3A_700 = tpu.vector_load %arg17[%get3A_699] {strides = array<i32>} : memref<112xf32, #tpu.memory_space<vmem>>, vector<16xf32>,
        %get3A_701 = arith.constant 96 : index
        %get3A_702 = tpu.vector_load %arg18[%get3A_701] {strides = array<i32>} : memref<112xf32, #tpu.memory_space<vmem>>, vector<16xf32>,
        %get3A_703 = arith.constant 96 : index
        %get3A_704 = tpu.vector_load %arg19[%get3A_703] {strides = array<i32>} : memref<112xf32, #tpu.memory_space<vmem>>, vector<16xf32>,
        %min3A_705 = vector.broadcast %squeeze3A_474 : f32 to vector<16xf32>
        %min3A_706 = arith.minimumf %get3A_700, %min3A_705 : vector<16xf32>
        %max3A_707 = vector.broadcast %squeeze3A_468 : f32 to vector<16xf32>
        %max3A_708 = arith.maximumf %get3A_696, %max3A_707 : vector<16xf32>
        %sub3A_709 = arith.subf %min3A_706, %max3A_708 : vector<16xf32>
        %max3A_710 = arith.constant 0.000000e+00 : f32
        %max3A_711 = vector.broadcast %max3A_710 : f32 to vector<16xf32>
        %max3A_712 = arith.maximumf %sub3A_709, %max3A_711 : vector<16xf32>
        %min3A_713 = vector.broadcast %squeeze3A_477 : f32 to vector<16xf32>
        %min3A_714 = arith.minimumf %get3A_702, %min3A_713 : vector<16xf32>
        %max3A_715 = vector.broadcast %squeeze3A_471 : f32 to vector<16xf32>
        %max3A_716 = arith.maximumf %get3A_698, %max3A_715 : vector<16xf32>
        %sub3A_717 = arith.subf %min3A_714, %max3A_716 : vector<16xf32>
        %max3A_718 = arith.constant 0.000000e+00 : f32
        %max3A_719 = vector.broadcast %max3A_718 : f32 to vector<16xf32>
        %max3A_720 = arith.maximumf %sub3A_717, %max3A_719 : vector<16xf32>
        %mul3A_721 = arith.mulf %max3A_712, %max3A_720 : vector<16xf32>
        %add3A_722 = vector.broadcast %mul3A_483 : f32 to vector<16xf32>
        %add3A_723 = arith.addf %get3A_704, %add3A_722 : vector<16xf32>
        %sub3A_724 = arith.subf %add3A_723, %mul3A_721 : vector<16xf32>
        %add3A_725 = arith.constant 9.99999971E-10 : f32
        %add3A_726 = vector.broadcast %add3A_725 : f32 to vector<16xf32>
        %add3A_727 = arith.addf %sub3A_724, %add3A_726 : vector<16xf32>
        %div3A_728 = arith.divf %mul3A_721, %add3A_727 : vector<16xf32>
        %max3A_729 = arith.maximumf %max3A_694, %div3A_728 : vector<16xf32>
        %sort3A_730 = arith.constant dense<true> : vector<16xi1>
        %sort3A_731, %sort3A_732, %sort3A_733 = tpu.sort %max3A_729, %max3A_729 masked %sort3A_730 : (vector<16xf32>, vector<16xf32>, vector<16xi1>) -> (vector<16xi1>, vector<16xf32>, vector<16xf32>)
        %slice3A_734 = vector.extract_strided_slice %sort3A_732 {offsets = [15], sizes = [1], strides = [1]} : vector<16xf32> to vector<1xf32>
        %squeeze3A_735 = vector.extract %slice3A_734[0] : f32 from vector<1xf32>
        %le3A = arith.constant 6.000000e-01 : f32
        %le3A_736 = arith.cmpf ole, %squeeze3A_735, %le3A : f32
        %gt3A = arith.constant 0.000000e+00 : f32
        %gt3A_737 = arith.cmpf ogt, %squeeze3A, %gt3A : f32
        %and3A = arith.andi %le3A_736, %gt3A_737 : i1
        %convert_element_type3A_738 = arith.extui %and3A : i1 to i32
        %cond3A_739 = arith.constant 0 : i32
        %cond3A_740 = arith.cmpi ne, %convert_element_type3A_738, %cond3A_739 : i32
        scf.if %cond3A_740 {
          %iota3A_747 = tpu.iota {dimensions = array<i32: 0>} : vector<16xi32>
          %eq3A_748 = arith.constant 0 : i32
          %eq3A_749 = vector.broadcast %eq3A_748 : i32 to vector<16xi32>
          %eq3A_750 = arith.cmpi eq, %iota3A_747, %eq3A_749 : vector<16xi32>
          %broadcast_in_dim3A_751 = vector.broadcast %while3A_161 : i32 to vector<16xi32>
          %broadcast_in_dim3A_752 = vector.broadcast %squeeze3A_468 : f32 to vector<16xf32>
          tpu.vector_store_idx %arg15[%broadcast_in_dim3A_751], %broadcast_in_dim3A_752 masked %eq3A_750 : memref<112xf32, #tpu.memory_space<vmem>>[vector<16xi32>], vector<16xf32>, vector<16xi1>
          %iota3A_753 = tpu.iota {dimensions = array<i32: 0>} : vector<16xi32>
          %eq3A_754 = arith.constant 0 : i32
          %eq3A_755 = vector.broadcast %eq3A_754 : i32 to vector<16xi32>
          %eq3A_756 = arith.cmpi eq, %iota3A_753, %eq3A_755 : vector<16xi32>
          %broadcast_in_dim3A_757 = vector.broadcast %while3A_161 : i32 to vector<16xi32>
          %broadcast_in_dim3A_758 = vector.broadcast %squeeze3A_471 : f32 to vector<16xf32>
          tpu.vector_store_idx %arg16[%broadcast_in_dim3A_757], %broadcast_in_dim3A_758 masked %eq3A_756 : memref<112xf32, #tpu.memory_space<vmem>>[vector<16xi32>], vector<16xf32>, vector<16xi1>
          %iota3A_759 = tpu.iota {dimensions = array<i32: 0>} : vector<16xi32>
          %eq3A_760 = arith.constant 0 : i32
          %eq3A_761 = vector.broadcast %eq3A_760 : i32 to vector<16xi32>
          %eq3A_762 = arith.cmpi eq, %iota3A_759, %eq3A_761 : vector<16xi32>
          %broadcast_in_dim3A_763 = vector.broadcast %while3A_161 : i32 to vector<16xi32>
          %broadcast_in_dim3A_764 = vector.broadcast %squeeze3A_474 : f32 to vector<16xf32>
          tpu.vector_store_idx %arg17[%broadcast_in_dim3A_763], %broadcast_in_dim3A_764 masked %eq3A_762 : memref<112xf32, #tpu.memory_space<vmem>>[vector<16xi32>], vector<16xf32>, vector<16xi1>
          %iota3A_765 = tpu.iota {dimensions = array<i32: 0>} : vector<16xi32>
          %eq3A_766 = arith.constant 0 : i32
          %eq3A_767 = vector.broadcast %eq3A_766 : i32 to vector<16xi32>
          %eq3A_768 = arith.cmpi eq, %iota3A_765, %eq3A_767 : vector<16xi32>
          %broadcast_in_dim3A_769 = vector.broadcast %while3A_161 : i32 to vector<16xi32>
          %broadcast_in_dim3A_770 = vector.broadcast %squeeze3A_477 : f32 to vector<16xf32>
          tpu.vector_store_idx %arg18[%broadcast_in_dim3A_769], %broadcast_in_dim3A_770 masked %eq3A_768 : memref<112xf32, #tpu.memory_space<vmem>>[vector<16xi32>], vector<16xf32>, vector<16xi1>
          %iota3A_771 = tpu.iota {dimensions = array<i32: 0>} : vector<16xi32>
          %eq3A_772 = arith.constant 0 : i32
          %eq3A_773 = vector.broadcast %eq3A_772 : i32 to vector<16xi32>
          %eq3A_774 = arith.cmpi eq, %iota3A_771, %eq3A_773 : vector<16xi32>
          %broadcast_in_dim3A_775 = vector.broadcast %while3A_161 : i32 to vector<16xi32>
          %broadcast_in_dim3A_776 = vector.broadcast %mul3A_483 : f32 to vector<16xf32>
          tpu.vector_store_idx %arg19[%broadcast_in_dim3A_775], %broadcast_in_dim3A_776 masked %eq3A_774 : memref<112xf32, #tpu.memory_space<vmem>>[vector<16xi32>], vector<16xf32>, vector<16xi1>
          %iota3A_777 = tpu.iota {dimensions = array<i32: 0>} : vector<16xi32>
          %eq3A_778 = arith.constant 0 : i32
          %eq3A_779 = vector.broadcast %eq3A_778 : i32 to vector<16xi32>
          %eq3A_780 = arith.cmpi eq, %iota3A_777, %eq3A_779 : vector<16xi32>
          %eq3A_781 = arith.constant 1 : i32
          %eq3A_782 = vector.broadcast %eq3A_781 : i32 to vector<16xi32>
          %eq3A_783 = arith.cmpi eq, %iota3A_777, %eq3A_782 : vector<16xi32>
          %eq3A_784 = arith.constant 2 : i32
          %eq3A_785 = vector.broadcast %eq3A_784 : i32 to vector<16xi32>
          %eq3A_786 = arith.cmpi eq, %iota3A_777, %eq3A_785 : vector<16xi32>
          %broadcast_in_dim3A_787 = vector.broadcast %squeeze3A_474 : f32 to vector<16xf32>
          %broadcast_in_dim3A_788 = vector.broadcast %squeeze3A_477 : f32 to vector<16xf32>
          %select_n3A_789 = arith.select %eq3A_786, %broadcast_in_dim3A_787, %broadcast_in_dim3A_788 : vector<16xi1>, vector<16xf32>
          %broadcast_in_dim3A_790 = vector.broadcast %squeeze3A_471 : f32 to vector<16xf32>
          %select_n3A_791 = arith.select %eq3A_783, %broadcast_in_dim3A_790, %select_n3A_789 : vector<16xi1>, vector<16xf32>
          %broadcast_in_dim3A_792 = vector.broadcast %squeeze3A_468 : f32 to vector<16xf32>
          %select_n3A_793 = arith.select %eq3A_780, %broadcast_in_dim3A_792, %select_n3A_791 : vector<16xi1>, vector<16xf32>
          %mul3A_794 = arith.constant 4 : i32
          %mul3A_795 = arith.muli %while3A_161, %mul3A_794 : i32
          %broadcast_in_dim3A_796 = vector.broadcast %mul3A_795 : i32 to vector<16xi32>
          %add3A_797 = arith.addi %broadcast_in_dim3A_796, %iota3A_777 : vector<16xi32>
          %lt3A_798 = arith.constant 4 : i32
          %lt3A_799 = vector.broadcast %lt3A_798 : i32 to vector<16xi32>
          %lt3A_800 = arith.cmpi slt, %iota3A_777, %lt3A_799 : vector<16xi32>
          tpu.vector_store_idx %arg20[%add3A_797], %select_n3A_793 masked %lt3A_800 : memref<400xf32, #tpu.memory_space<vmem>>[vector<16xi32>], vector<16xf32>, vector<16xi1>
          %iota3A_801 = tpu.iota {dimensions = array<i32: 0>} : vector<16xi32>
          %eq3A_802 = arith.constant 0 : i32
          %eq3A_803 = vector.broadcast %eq3A_802 : i32 to vector<16xi32>
          %eq3A_804 = arith.cmpi eq, %iota3A_801, %eq3A_803 : vector<16xi32>
          %broadcast_in_dim3A_805 = vector.broadcast %while3A_161 : i32 to vector<16xi32>
          %broadcast_in_dim3A_806 = vector.broadcast %squeeze3A : f32 to vector<16xf32>
          tpu.vector_store_idx %arg21[%broadcast_in_dim3A_805], %broadcast_in_dim3A_806 masked %eq3A_804 : memref<112xf32, #tpu.memory_space<vmem>>[vector<16xi32>], vector<16xf32>, vector<16xi1>
        } else {
        }
        %convert_element_type3A_741 = arith.extui %and3A : i1 to i32
        %add3A_742 = arith.addi %while3A_161, %convert_element_type3A_741 : i32
        %le3A_743 = arith.constant 0.000000e+00 : f32
        %le3A_744 = arith.cmpf ole, %squeeze3A, %le3A_743 : f32
        %jit3A = arith.constant 1 : i32
        %jit3A_745 = arith.constant 0 : i32
        %select_n3A_746 = arith.select %le3A_744, %jit3A, %jit3A_745 : i32
        scf.yield %add3A_742, %select_n3A_746 : i32, i32
      }
      "tpu.region"() ({
        %run_scoped3A = tpu.sem_alloc : memref<!tpu.dma_semaphore, #tpu.memory_space<semaphore_mem>>
        %dma_start3A = arith.constant 0 : i32
        %dma_start3A_161 = tpu.memref_slice %arg7[%add3A_6, %dma_start3A] : memref<80x400xf32, #tpu.memory_space<hbm>> -> memref<1x400xf32, #tpu.memory_space<hbm>>
        %dma_start3A_162 = tpu.memref_squeeze %dma_start3A_161 : memref<1x400xf32, #tpu.memory_space<hbm>> -> memref<400xf32, #tpu.memory_space<hbm>>
        %dma_start3A_163 = arith.constant 0 : i32
        %dma_start3A_164 = tpu.memref_slice %arg7[%add3A_6, %dma_start3A_163] : memref<80x400xf32, #tpu.memory_space<hbm>> -> memref<1x400xf32, #tpu.memory_space<hbm>>
        %dma_start3A_165 = tpu.memref_squeeze %dma_start3A_164 : memref<1x400xf32, #tpu.memory_space<hbm>> -> memref<400xf32, #tpu.memory_space<hbm>>
        tpu.enqueue_dma source(%arg20 : memref<400xf32, #tpu.memory_space<vmem>>) target(%dma_start3A_165 : memref<400xf32, #tpu.memory_space<hbm>>) target_semaphore(%run_scoped3A : memref<!tpu.dma_semaphore, #tpu.memory_space<semaphore_mem>>)
        %dma_wait3A = arith.constant 0 : i32
        %dma_wait3A_166 = tpu.memref_slice %arg7[%add3A_6, %dma_wait3A] : memref<80x400xf32, #tpu.memory_space<hbm>> -> memref<1x400xf32, #tpu.memory_space<hbm>>
        %dma_wait3A_167 = tpu.memref_squeeze %dma_wait3A_166 : memref<1x400xf32, #tpu.memory_space<hbm>> -> memref<400xf32, #tpu.memory_space<hbm>>
        %dma_wait3A_168 = arith.constant 0 : i32
        %dma_wait3A_169 = tpu.memref_slice %arg7[%add3A_6, %dma_wait3A_168] : memref<80x400xf32, #tpu.memory_space<hbm>> -> memref<1x400xf32, #tpu.memory_space<hbm>>
        %dma_wait3A_170 = tpu.memref_squeeze %dma_wait3A_169 : memref<1x400xf32, #tpu.memory_space<hbm>> -> memref<400xf32, #tpu.memory_space<hbm>>
        tpu.wait_dma2 semaphore(%run_scoped3A : memref<!tpu.dma_semaphore, #tpu.memory_space<semaphore_mem>>) src(%arg20 : memref<400xf32, #tpu.memory_space<vmem>>) dst(%dma_wait3A_170 : memref<400xf32, #tpu.memory_space<hbm>>)
        tpu.yield
      }) : () -> ()
      "tpu.region"() ({
        %run_scoped3A = tpu.sem_alloc : memref<!tpu.dma_semaphore, #tpu.memory_space<semaphore_mem>>
        %dma_start3A = arith.constant 0 : i32
        %dma_start3A_161 = tpu.memref_slice %arg8[%add3A_6, %dma_start3A] : memref<80x112xf32, #tpu.memory_space<hbm>> -> memref<1x112xf32, #tpu.memory_space<hbm>>
        %dma_start3A_162 = tpu.memref_squeeze %dma_start3A_161 : memref<1x112xf32, #tpu.memory_space<hbm>> -> memref<112xf32, #tpu.memory_space<hbm>>
        %dma_start3A_163 = arith.constant 0 : i32
        %dma_start3A_164 = tpu.memref_slice %arg8[%add3A_6, %dma_start3A_163] : memref<80x112xf32, #tpu.memory_space<hbm>> -> memref<1x112xf32, #tpu.memory_space<hbm>>
        %dma_start3A_165 = tpu.memref_squeeze %dma_start3A_164 : memref<1x112xf32, #tpu.memory_space<hbm>> -> memref<112xf32, #tpu.memory_space<hbm>>
        tpu.enqueue_dma source(%arg21 : memref<112xf32, #tpu.memory_space<vmem>>) target(%dma_start3A_165 : memref<112xf32, #tpu.memory_space<hbm>>) target_semaphore(%run_scoped3A : memref<!tpu.dma_semaphore, #tpu.memory_space<semaphore_mem>>)
        %dma_wait3A = arith.constant 0 : i32
        %dma_wait3A_166 = tpu.memref_slice %arg8[%add3A_6, %dma_wait3A] : memref<80x112xf32, #tpu.memory_space<hbm>> -> memref<1x112xf32, #tpu.memory_space<hbm>>
        %dma_wait3A_167 = tpu.memref_squeeze %dma_wait3A_166 : memref<1x112xf32, #tpu.memory_space<hbm>> -> memref<112xf32, #tpu.memory_space<hbm>>
        %dma_wait3A_168 = arith.constant 0 : i32
        %dma_wait3A_169 = tpu.memref_slice %arg8[%add3A_6, %dma_wait3A_168] : memref<80x112xf32, #tpu.memory_space<hbm>> -> memref<1x112xf32, #tpu.memory_space<hbm>>
        %dma_wait3A_170 = tpu.memref_squeeze %dma_wait3A_169 : memref<1x112xf32, #tpu.memory_space<hbm>> -> memref<112xf32, #tpu.memory_space<hbm>>
        tpu.wait_dma2 semaphore(%run_scoped3A : memref<!tpu.dma_semaphore, #tpu.memory_space<semaphore_mem>>) src(%arg21 : memref<112xf32, #tpu.memory_space<vmem>>) dst(%dma_wait3A_170 : memref<112xf32, #tpu.memory_space<hbm>>)
        tpu.yield
      }) : () -> ()
    } else {
    }
    %add3A_12 = arith.constant 64 : i32
    %add3A_13 = arith.addi %add3A, %add3A_12 : i32
    %lt3A_14 = arith.constant 80 : i32
    %lt3A_15 = arith.cmpi slt, %add3A_13, %lt3A_14 : i32
    %convert_element_type3A_16 = arith.extui %lt3A_15 : i1 to i32
    %cond3A_17 = arith.constant 0 : i32
    %cond3A_18 = arith.cmpi ne, %convert_element_type3A_16, %cond3A_17 : i32
    scf.if %cond3A_18 {
      "tpu.region"() ({
        %run_scoped3A = tpu.sem_alloc : memref<!tpu.dma_semaphore, #tpu.memory_space<semaphore_mem>>
        %dma_start3A = arith.constant 0 : i32
        %dma_start3A_161 = tpu.memref_slice %arg2[%add3A_13, %dma_start3A] : memref<80x20480xf32, #tpu.memory_space<hbm>> -> memref<1x20480xf32, #tpu.memory_space<hbm>>
        %dma_start3A_162 = tpu.memref_squeeze %dma_start3A_161 : memref<1x20480xf32, #tpu.memory_space<hbm>> -> memref<20480xf32, #tpu.memory_space<hbm>>
        %dma_start3A_163 = arith.constant 0 : i32
        %dma_start3A_164 = tpu.memref_slice %arg2[%add3A_13, %dma_start3A_163] : memref<80x20480xf32, #tpu.memory_space<hbm>> -> memref<1x20480xf32, #tpu.memory_space<hbm>>
        %dma_start3A_165 = tpu.memref_squeeze %dma_start3A_164 : memref<1x20480xf32, #tpu.memory_space<hbm>> -> memref<20480xf32, #tpu.memory_space<hbm>>
        tpu.enqueue_dma source(%dma_start3A_165 : memref<20480xf32, #tpu.memory_space<hbm>>) target(%arg13 : memref<20480xf32, #tpu.memory_space<vmem>>) target_semaphore(%run_scoped3A : memref<!tpu.dma_semaphore, #tpu.memory_space<semaphore_mem>>)
        %dma_wait3A = arith.constant 0 : i32
        %dma_wait3A_166 = tpu.memref_slice %arg2[%add3A_13, %dma_wait3A] : memref<80x20480xf32, #tpu.memory_space<hbm>> -> memref<1x20480xf32, #tpu.memory_space<hbm>>
        %dma_wait3A_167 = tpu.memref_squeeze %dma_wait3A_166 : memref<1x20480xf32, #tpu.memory_space<hbm>> -> memref<20480xf32, #tpu.memory_space<hbm>>
        %dma_wait3A_168 = arith.constant 0 : i32
        %dma_wait3A_169 = tpu.memref_slice %arg2[%add3A_13, %dma_wait3A_168] : memref<80x20480xf32, #tpu.memory_space<hbm>> -> memref<1x20480xf32, #tpu.memory_space<hbm>>
        %dma_wait3A_170 = tpu.memref_squeeze %dma_wait3A_169 : memref<1x20480xf32, #tpu.memory_space<hbm>> -> memref<20480xf32, #tpu.memory_space<hbm>>
        tpu.wait_dma2 semaphore(%run_scoped3A : memref<!tpu.dma_semaphore, #tpu.memory_space<semaphore_mem>>) src(%dma_wait3A_170 : memref<20480xf32, #tpu.memory_space<hbm>>) dst(%arg13 : memref<20480xf32, #tpu.memory_space<vmem>>)
        tpu.yield
      }) : () -> ()
      %broadcast_in_dim3A = arith.constant 0.000000e+00 : f32
      %broadcast_in_dim3A_19 = vector.broadcast %broadcast_in_dim3A : f32 to vector<16xf32>
      %swap3A = arith.constant 0 : index
      %swap3A_20 = tpu.vector_load %arg15[%swap3A] {strides = array<i32>} : memref<112xf32, #tpu.memory_space<vmem>>, vector<16xf32>,
      tpu.vector_store %arg15[%swap3A], %broadcast_in_dim3A_19 {strides = array<i32>} : memref<112xf32, #tpu.memory_space<vmem>>, vector<16xf32>,
      %swap3A_21 = arith.constant 0 : index
      %swap3A_22 = tpu.vector_load %arg16[%swap3A_21] {strides = array<i32>} : memref<112xf32, #tpu.memory_space<vmem>>, vector<16xf32>,
      tpu.vector_store %arg16[%swap3A_21], %broadcast_in_dim3A_19 {strides = array<i32>} : memref<112xf32, #tpu.memory_space<vmem>>, vector<16xf32>,
      %swap3A_23 = arith.constant 0 : index
      %swap3A_24 = tpu.vector_load %arg17[%swap3A_23] {strides = array<i32>} : memref<112xf32, #tpu.memory_space<vmem>>, vector<16xf32>,
      tpu.vector_store %arg17[%swap3A_23], %broadcast_in_dim3A_19 {strides = array<i32>} : memref<112xf32, #tpu.memory_space<vmem>>, vector<16xf32>,
      %swap3A_25 = arith.constant 0 : index
      %swap3A_26 = tpu.vector_load %arg18[%swap3A_25] {strides = array<i32>} : memref<112xf32, #tpu.memory_space<vmem>>, vector<16xf32>,
      tpu.vector_store %arg18[%swap3A_25], %broadcast_in_dim3A_19 {strides = array<i32>} : memref<112xf32, #tpu.memory_space<vmem>>, vector<16xf32>,
      %swap3A_27 = arith.constant 0 : index
      %swap3A_28 = tpu.vector_load %arg19[%swap3A_27] {strides = array<i32>} : memref<112xf32, #tpu.memory_space<vmem>>, vector<16xf32>,
      tpu.vector_store %arg19[%swap3A_27], %broadcast_in_dim3A_19 {strides = array<i32>} : memref<112xf32, #tpu.memory_space<vmem>>, vector<16xf32>,
      %swap3A_29 = arith.constant 0 : index
      %swap3A_30 = tpu.vector_load %arg21[%swap3A_29] {strides = array<i32>} : memref<112xf32, #tpu.memory_space<vmem>>, vector<16xf32>,
      tpu.vector_store %arg21[%swap3A_29], %broadcast_in_dim3A_19 {strides = array<i32>} : memref<112xf32, #tpu.memory_space<vmem>>, vector<16xf32>,
      %swap3A_31 = arith.constant 16 : index
      %swap3A_32 = tpu.vector_load %arg15[%swap3A_31] {strides = array<i32>} : memref<112xf32, #tpu.memory_space<vmem>>, vector<16xf32>,
      tpu.vector_store %arg15[%swap3A_31], %broadcast_in_dim3A_19 {strides = array<i32>} : memref<112xf32, #tpu.memory_space<vmem>>, vector<16xf32>,
      %swap3A_33 = arith.constant 16 : index
      %swap3A_34 = tpu.vector_load %arg16[%swap3A_33] {strides = array<i32>} : memref<112xf32, #tpu.memory_space<vmem>>, vector<16xf32>,
      tpu.vector_store %arg16[%swap3A_33], %broadcast_in_dim3A_19 {strides = array<i32>} : memref<112xf32, #tpu.memory_space<vmem>>, vector<16xf32>,
      %swap3A_35 = arith.constant 16 : index
      %swap3A_36 = tpu.vector_load %arg17[%swap3A_35] {strides = array<i32>} : memref<112xf32, #tpu.memory_space<vmem>>, vector<16xf32>,
      tpu.vector_store %arg17[%swap3A_35], %broadcast_in_dim3A_19 {strides = array<i32>} : memref<112xf32, #tpu.memory_space<vmem>>, vector<16xf32>,
      %swap3A_37 = arith.constant 16 : index
      %swap3A_38 = tpu.vector_load %arg18[%swap3A_37] {strides = array<i32>} : memref<112xf32, #tpu.memory_space<vmem>>, vector<16xf32>,
      tpu.vector_store %arg18[%swap3A_37], %broadcast_in_dim3A_19 {strides = array<i32>} : memref<112xf32, #tpu.memory_space<vmem>>, vector<16xf32>,
      %swap3A_39 = arith.constant 16 : index
      %swap3A_40 = tpu.vector_load %arg19[%swap3A_39] {strides = array<i32>} : memref<112xf32, #tpu.memory_space<vmem>>, vector<16xf32>,
      tpu.vector_store %arg19[%swap3A_39], %broadcast_in_dim3A_19 {strides = array<i32>} : memref<112xf32, #tpu.memory_space<vmem>>, vector<16xf32>,
      %swap3A_41 = arith.constant 16 : index
      %swap3A_42 = tpu.vector_load %arg21[%swap3A_41] {strides = array<i32>} : memref<112xf32, #tpu.memory_space<vmem>>, vector<16xf32>,
      tpu.vector_store %arg21[%swap3A_41], %broadcast_in_dim3A_19 {strides = array<i32>} : memref<112xf32, #tpu.memory_space<vmem>>, vector<16xf32>,
      %swap3A_43 = arith.constant 32 : index
      %swap3A_44 = tpu.vector_load %arg15[%swap3A_43] {strides = array<i32>} : memref<112xf32, #tpu.memory_space<vmem>>, vector<16xf32>,
      tpu.vector_store %arg15[%swap3A_43], %broadcast_in_dim3A_19 {strides = array<i32>} : memref<112xf32, #tpu.memory_space<vmem>>, vector<16xf32>,
      %swap3A_45 = arith.constant 32 : index
      %swap3A_46 = tpu.vector_load %arg16[%swap3A_45] {strides = array<i32>} : memref<112xf32, #tpu.memory_space<vmem>>, vector<16xf32>,
      tpu.vector_store %arg16[%swap3A_45], %broadcast_in_dim3A_19 {strides = array<i32>} : memref<112xf32, #tpu.memory_space<vmem>>, vector<16xf32>,
      %swap3A_47 = arith.constant 32 : index
      %swap3A_48 = tpu.vector_load %arg17[%swap3A_47] {strides = array<i32>} : memref<112xf32, #tpu.memory_space<vmem>>, vector<16xf32>,
      tpu.vector_store %arg17[%swap3A_47], %broadcast_in_dim3A_19 {strides = array<i32>} : memref<112xf32, #tpu.memory_space<vmem>>, vector<16xf32>,
      %swap3A_49 = arith.constant 32 : index
      %swap3A_50 = tpu.vector_load %arg18[%swap3A_49] {strides = array<i32>} : memref<112xf32, #tpu.memory_space<vmem>>, vector<16xf32>,
      tpu.vector_store %arg18[%swap3A_49], %broadcast_in_dim3A_19 {strides = array<i32>} : memref<112xf32, #tpu.memory_space<vmem>>, vector<16xf32>,
      %swap3A_51 = arith.constant 32 : index
      %swap3A_52 = tpu.vector_load %arg19[%swap3A_51] {strides = array<i32>} : memref<112xf32, #tpu.memory_space<vmem>>, vector<16xf32>,
      tpu.vector_store %arg19[%swap3A_51], %broadcast_in_dim3A_19 {strides = array<i32>} : memref<112xf32, #tpu.memory_space<vmem>>, vector<16xf32>,
      %swap3A_53 = arith.constant 32 : index
      %swap3A_54 = tpu.vector_load %arg21[%swap3A_53] {strides = array<i32>} : memref<112xf32, #tpu.memory_space<vmem>>, vector<16xf32>,
      tpu.vector_store %arg21[%swap3A_53], %broadcast_in_dim3A_19 {strides = array<i32>} : memref<112xf32, #tpu.memory_space<vmem>>, vector<16xf32>,
      %swap3A_55 = arith.constant 48 : index
      %swap3A_56 = tpu.vector_load %arg15[%swap3A_55] {strides = array<i32>} : memref<112xf32, #tpu.memory_space<vmem>>, vector<16xf32>,
      tpu.vector_store %arg15[%swap3A_55], %broadcast_in_dim3A_19 {strides = array<i32>} : memref<112xf32, #tpu.memory_space<vmem>>, vector<16xf32>,
      %swap3A_57 = arith.constant 48 : index
      %swap3A_58 = tpu.vector_load %arg16[%swap3A_57] {strides = array<i32>} : memref<112xf32, #tpu.memory_space<vmem>>, vector<16xf32>,
      tpu.vector_store %arg16[%swap3A_57], %broadcast_in_dim3A_19 {strides = array<i32>} : memref<112xf32, #tpu.memory_space<vmem>>, vector<16xf32>,
      %swap3A_59 = arith.constant 48 : index
      %swap3A_60 = tpu.vector_load %arg17[%swap3A_59] {strides = array<i32>} : memref<112xf32, #tpu.memory_space<vmem>>, vector<16xf32>,
      tpu.vector_store %arg17[%swap3A_59], %broadcast_in_dim3A_19 {strides = array<i32>} : memref<112xf32, #tpu.memory_space<vmem>>, vector<16xf32>,
      %swap3A_61 = arith.constant 48 : index
      %swap3A_62 = tpu.vector_load %arg18[%swap3A_61] {strides = array<i32>} : memref<112xf32, #tpu.memory_space<vmem>>, vector<16xf32>,
      tpu.vector_store %arg18[%swap3A_61], %broadcast_in_dim3A_19 {strides = array<i32>} : memref<112xf32, #tpu.memory_space<vmem>>, vector<16xf32>,
      %swap3A_63 = arith.constant 48 : index
      %swap3A_64 = tpu.vector_load %arg19[%swap3A_63] {strides = array<i32>} : memref<112xf32, #tpu.memory_space<vmem>>, vector<16xf32>,
      tpu.vector_store %arg19[%swap3A_63], %broadcast_in_dim3A_19 {strides = array<i32>} : memref<112xf32, #tpu.memory_space<vmem>>, vector<16xf32>,
      %swap3A_65 = arith.constant 48 : index
      %swap3A_66 = tpu.vector_load %arg21[%swap3A_65] {strides = array<i32>} : memref<112xf32, #tpu.memory_space<vmem>>, vector<16xf32>,
      tpu.vector_store %arg21[%swap3A_65], %broadcast_in_dim3A_19 {strides = array<i32>} : memref<112xf32, #tpu.memory_space<vmem>>, vector<16xf32>,
      %swap3A_67 = arith.constant 64 : index
      %swap3A_68 = tpu.vector_load %arg15[%swap3A_67] {strides = array<i32>} : memref<112xf32, #tpu.memory_space<vmem>>, vector<16xf32>,
      tpu.vector_store %arg15[%swap3A_67], %broadcast_in_dim3A_19 {strides = array<i32>} : memref<112xf32, #tpu.memory_space<vmem>>, vector<16xf32>,
      %swap3A_69 = arith.constant 64 : index
      %swap3A_70 = tpu.vector_load %arg16[%swap3A_69] {strides = array<i32>} : memref<112xf32, #tpu.memory_space<vmem>>, vector<16xf32>,
      tpu.vector_store %arg16[%swap3A_69], %broadcast_in_dim3A_19 {strides = array<i32>} : memref<112xf32, #tpu.memory_space<vmem>>, vector<16xf32>,
      %swap3A_71 = arith.constant 64 : index
      %swap3A_72 = tpu.vector_load %arg17[%swap3A_71] {strides = array<i32>} : memref<112xf32, #tpu.memory_space<vmem>>, vector<16xf32>,
      tpu.vector_store %arg17[%swap3A_71], %broadcast_in_dim3A_19 {strides = array<i32>} : memref<112xf32, #tpu.memory_space<vmem>>, vector<16xf32>,
      %swap3A_73 = arith.constant 64 : index
      %swap3A_74 = tpu.vector_load %arg18[%swap3A_73] {strides = array<i32>} : memref<112xf32, #tpu.memory_space<vmem>>, vector<16xf32>,
      tpu.vector_store %arg18[%swap3A_73], %broadcast_in_dim3A_19 {strides = array<i32>} : memref<112xf32, #tpu.memory_space<vmem>>, vector<16xf32>,
      %swap3A_75 = arith.constant 64 : index
      %swap3A_76 = tpu.vector_load %arg19[%swap3A_75] {strides = array<i32>} : memref<112xf32, #tpu.memory_space<vmem>>, vector<16xf32>,
      tpu.vector_store %arg19[%swap3A_75], %broadcast_in_dim3A_19 {strides = array<i32>} : memref<112xf32, #tpu.memory_space<vmem>>, vector<16xf32>,
      %swap3A_77 = arith.constant 64 : index
      %swap3A_78 = tpu.vector_load %arg21[%swap3A_77] {strides = array<i32>} : memref<112xf32, #tpu.memory_space<vmem>>, vector<16xf32>,
      tpu.vector_store %arg21[%swap3A_77], %broadcast_in_dim3A_19 {strides = array<i32>} : memref<112xf32, #tpu.memory_space<vmem>>, vector<16xf32>,
      %swap3A_79 = arith.constant 80 : index
      %swap3A_80 = tpu.vector_load %arg15[%swap3A_79] {strides = array<i32>} : memref<112xf32, #tpu.memory_space<vmem>>, vector<16xf32>,
      tpu.vector_store %arg15[%swap3A_79], %broadcast_in_dim3A_19 {strides = array<i32>} : memref<112xf32, #tpu.memory_space<vmem>>, vector<16xf32>,
      %swap3A_81 = arith.constant 80 : index
      %swap3A_82 = tpu.vector_load %arg16[%swap3A_81] {strides = array<i32>} : memref<112xf32, #tpu.memory_space<vmem>>, vector<16xf32>,
      tpu.vector_store %arg16[%swap3A_81], %broadcast_in_dim3A_19 {strides = array<i32>} : memref<112xf32, #tpu.memory_space<vmem>>, vector<16xf32>,
      %swap3A_83 = arith.constant 80 : index
      %swap3A_84 = tpu.vector_load %arg17[%swap3A_83] {strides = array<i32>} : memref<112xf32, #tpu.memory_space<vmem>>, vector<16xf32>,
      tpu.vector_store %arg17[%swap3A_83], %broadcast_in_dim3A_19 {strides = array<i32>} : memref<112xf32, #tpu.memory_space<vmem>>, vector<16xf32>,
      %swap3A_85 = arith.constant 80 : index
      %swap3A_86 = tpu.vector_load %arg18[%swap3A_85] {strides = array<i32>} : memref<112xf32, #tpu.memory_space<vmem>>, vector<16xf32>,
      tpu.vector_store %arg18[%swap3A_85], %broadcast_in_dim3A_19 {strides = array<i32>} : memref<112xf32, #tpu.memory_space<vmem>>, vector<16xf32>,
      %swap3A_87 = arith.constant 80 : index
      %swap3A_88 = tpu.vector_load %arg19[%swap3A_87] {strides = array<i32>} : memref<112xf32, #tpu.memory_space<vmem>>, vector<16xf32>,
      tpu.vector_store %arg19[%swap3A_87], %broadcast_in_dim3A_19 {strides = array<i32>} : memref<112xf32, #tpu.memory_space<vmem>>, vector<16xf32>,
      %swap3A_89 = arith.constant 80 : index
      %swap3A_90 = tpu.vector_load %arg21[%swap3A_89] {strides = array<i32>} : memref<112xf32, #tpu.memory_space<vmem>>, vector<16xf32>,
      tpu.vector_store %arg21[%swap3A_89], %broadcast_in_dim3A_19 {strides = array<i32>} : memref<112xf32, #tpu.memory_space<vmem>>, vector<16xf32>,
      %swap3A_91 = arith.constant 96 : index
      %swap3A_92 = tpu.vector_load %arg15[%swap3A_91] {strides = array<i32>} : memref<112xf32, #tpu.memory_space<vmem>>, vector<16xf32>,
      tpu.vector_store %arg15[%swap3A_91], %broadcast_in_dim3A_19 {strides = array<i32>} : memref<112xf32, #tpu.memory_space<vmem>>, vector<16xf32>,
      %swap3A_93 = arith.constant 96 : index
      %swap3A_94 = tpu.vector_load %arg16[%swap3A_93] {strides = array<i32>} : memref<112xf32, #tpu.memory_space<vmem>>, vector<16xf32>,
      tpu.vector_store %arg16[%swap3A_93], %broadcast_in_dim3A_19 {strides = array<i32>} : memref<112xf32, #tpu.memory_space<vmem>>, vector<16xf32>,
      %swap3A_95 = arith.constant 96 : index
      %swap3A_96 = tpu.vector_load %arg17[%swap3A_95] {strides = array<i32>} : memref<112xf32, #tpu.memory_space<vmem>>, vector<16xf32>,
      tpu.vector_store %arg17[%swap3A_95], %broadcast_in_dim3A_19 {strides = array<i32>} : memref<112xf32, #tpu.memory_space<vmem>>, vector<16xf32>,
      %swap3A_97 = arith.constant 96 : index
      %swap3A_98 = tpu.vector_load %arg18[%swap3A_97] {strides = array<i32>} : memref<112xf32, #tpu.memory_space<vmem>>, vector<16xf32>,
      tpu.vector_store %arg18[%swap3A_97], %broadcast_in_dim3A_19 {strides = array<i32>} : memref<112xf32, #tpu.memory_space<vmem>>, vector<16xf32>,
      %swap3A_99 = arith.constant 96 : index
      %swap3A_100 = tpu.vector_load %arg19[%swap3A_99] {strides = array<i32>} : memref<112xf32, #tpu.memory_space<vmem>>, vector<16xf32>,
      tpu.vector_store %arg19[%swap3A_99], %broadcast_in_dim3A_19 {strides = array<i32>} : memref<112xf32, #tpu.memory_space<vmem>>, vector<16xf32>,
      %swap3A_101 = arith.constant 96 : index
      %swap3A_102 = tpu.vector_load %arg21[%swap3A_101] {strides = array<i32>} : memref<112xf32, #tpu.memory_space<vmem>>, vector<16xf32>,
      tpu.vector_store %arg21[%swap3A_101], %broadcast_in_dim3A_19 {strides = array<i32>} : memref<112xf32, #tpu.memory_space<vmem>>, vector<16xf32>,
      %swap3A_103 = arith.constant 0 : index
      %swap3A_104 = tpu.vector_load %arg20[%swap3A_103] {strides = array<i32>} : memref<400xf32, #tpu.memory_space<vmem>>, vector<16xf32>,
      tpu.vector_store %arg20[%swap3A_103], %broadcast_in_dim3A_19 {strides = array<i32>} : memref<400xf32, #tpu.memory_space<vmem>>, vector<16xf32>,
      %swap3A_105 = arith.constant 16 : index
      %swap3A_106 = tpu.vector_load %arg20[%swap3A_105] {strides = array<i32>} : memref<400xf32, #tpu.memory_space<vmem>>, vector<16xf32>,
      tpu.vector_store %arg20[%swap3A_105], %broadcast_in_dim3A_19 {strides = array<i32>} : memref<400xf32, #tpu.memory_space<vmem>>, vector<16xf32>,
      %swap3A_107 = arith.constant 32 : index
      %swap3A_108 = tpu.vector_load %arg20[%swap3A_107] {strides = array<i32>} : memref<400xf32, #tpu.memory_space<vmem>>, vector<16xf32>,
      tpu.vector_store %arg20[%swap3A_107], %broadcast_in_dim3A_19 {strides = array<i32>} : memref<400xf32, #tpu.memory_space<vmem>>, vector<16xf32>,
      %swap3A_109 = arith.constant 48 : index
      %swap3A_110 = tpu.vector_load %arg20[%swap3A_109] {strides = array<i32>} : memref<400xf32, #tpu.memory_space<vmem>>, vector<16xf32>,
      tpu.vector_store %arg20[%swap3A_109], %broadcast_in_dim3A_19 {strides = array<i32>} : memref<400xf32, #tpu.memory_space<vmem>>, vector<16xf32>,
      %swap3A_111 = arith.constant 64 : index
      %swap3A_112 = tpu.vector_load %arg20[%swap3A_111] {strides = array<i32>} : memref<400xf32, #tpu.memory_space<vmem>>, vector<16xf32>,
      tpu.vector_store %arg20[%swap3A_111], %broadcast_in_dim3A_19 {strides = array<i32>} : memref<400xf32, #tpu.memory_space<vmem>>, vector<16xf32>,
      %swap3A_113 = arith.constant 80 : index
      %swap3A_114 = tpu.vector_load %arg20[%swap3A_113] {strides = array<i32>} : memref<400xf32, #tpu.memory_space<vmem>>, vector<16xf32>,
      tpu.vector_store %arg20[%swap3A_113], %broadcast_in_dim3A_19 {strides = array<i32>} : memref<400xf32, #tpu.memory_space<vmem>>, vector<16xf32>,
      %swap3A_115 = arith.constant 96 : index
      %swap3A_116 = tpu.vector_load %arg20[%swap3A_115] {strides = array<i32>} : memref<400xf32, #tpu.memory_space<vmem>>, vector<16xf32>,
      tpu.vector_store %arg20[%swap3A_115], %broadcast_in_dim3A_19 {strides = array<i32>} : memref<400xf32, #tpu.memory_space<vmem>>, vector<16xf32>,
      %swap3A_117 = arith.constant 112 : index
      %swap3A_118 = tpu.vector_load %arg20[%swap3A_117] {strides = array<i32>} : memref<400xf32, #tpu.memory_space<vmem>>, vector<16xf32>,
      tpu.vector_store %arg20[%swap3A_117], %broadcast_in_dim3A_19 {strides = array<i32>} : memref<400xf32, #tpu.memory_space<vmem>>, vector<16xf32>,
      %swap3A_119 = arith.constant 128 : index
      %swap3A_120 = tpu.vector_load %arg20[%swap3A_119] {strides = array<i32>} : memref<400xf32, #tpu.memory_space<vmem>>, vector<16xf32>,
      tpu.vector_store %arg20[%swap3A_119], %broadcast_in_dim3A_19 {strides = array<i32>} : memref<400xf32, #tpu.memory_space<vmem>>, vector<16xf32>,
      %swap3A_121 = arith.constant 144 : index
      %swap3A_122 = tpu.vector_load %arg20[%swap3A_121] {strides = array<i32>} : memref<400xf32, #tpu.memory_space<vmem>>, vector<16xf32>,
      tpu.vector_store %arg20[%swap3A_121], %broadcast_in_dim3A_19 {strides = array<i32>} : memref<400xf32, #tpu.memory_space<vmem>>, vector<16xf32>,
      %swap3A_123 = arith.constant 160 : index
      %swap3A_124 = tpu.vector_load %arg20[%swap3A_123] {strides = array<i32>} : memref<400xf32, #tpu.memory_space<vmem>>, vector<16xf32>,
      tpu.vector_store %arg20[%swap3A_123], %broadcast_in_dim3A_19 {strides = array<i32>} : memref<400xf32, #tpu.memory_space<vmem>>, vector<16xf32>,
      %swap3A_125 = arith.constant 176 : index
      %swap3A_126 = tpu.vector_load %arg20[%swap3A_125] {strides = array<i32>} : memref<400xf32, #tpu.memory_space<vmem>>, vector<16xf32>,
      tpu.vector_store %arg20[%swap3A_125], %broadcast_in_dim3A_19 {strides = array<i32>} : memref<400xf32, #tpu.memory_space<vmem>>, vector<16xf32>,
      %swap3A_127 = arith.constant 192 : index
      %swap3A_128 = tpu.vector_load %arg20[%swap3A_127] {strides = array<i32>} : memref<400xf32, #tpu.memory_space<vmem>>, vector<16xf32>,
      tpu.vector_store %arg20[%swap3A_127], %broadcast_in_dim3A_19 {strides = array<i32>} : memref<400xf32, #tpu.memory_space<vmem>>, vector<16xf32>,
      %swap3A_129 = arith.constant 208 : index
      %swap3A_130 = tpu.vector_load %arg20[%swap3A_129] {strides = array<i32>} : memref<400xf32, #tpu.memory_space<vmem>>, vector<16xf32>,
      tpu.vector_store %arg20[%swap3A_129], %broadcast_in_dim3A_19 {strides = array<i32>} : memref<400xf32, #tpu.memory_space<vmem>>, vector<16xf32>,
      %swap3A_131 = arith.constant 224 : index
      %swap3A_132 = tpu.vector_load %arg20[%swap3A_131] {strides = array<i32>} : memref<400xf32, #tpu.memory_space<vmem>>, vector<16xf32>,
      tpu.vector_store %arg20[%swap3A_131], %broadcast_in_dim3A_19 {strides = array<i32>} : memref<400xf32, #tpu.memory_space<vmem>>, vector<16xf32>,
      %swap3A_133 = arith.constant 240 : index
      %swap3A_134 = tpu.vector_load %arg20[%swap3A_133] {strides = array<i32>} : memref<400xf32, #tpu.memory_space<vmem>>, vector<16xf32>,
      tpu.vector_store %arg20[%swap3A_133], %broadcast_in_dim3A_19 {strides = array<i32>} : memref<400xf32, #tpu.memory_space<vmem>>, vector<16xf32>,
      %swap3A_135 = arith.constant 256 : index
      %swap3A_136 = tpu.vector_load %arg20[%swap3A_135] {strides = array<i32>} : memref<400xf32, #tpu.memory_space<vmem>>, vector<16xf32>,
      tpu.vector_store %arg20[%swap3A_135], %broadcast_in_dim3A_19 {strides = array<i32>} : memref<400xf32, #tpu.memory_space<vmem>>, vector<16xf32>,
      %swap3A_137 = arith.constant 272 : index
      %swap3A_138 = tpu.vector_load %arg20[%swap3A_137] {strides = array<i32>} : memref<400xf32, #tpu.memory_space<vmem>>, vector<16xf32>,
      tpu.vector_store %arg20[%swap3A_137], %broadcast_in_dim3A_19 {strides = array<i32>} : memref<400xf32, #tpu.memory_space<vmem>>, vector<16xf32>,
      %swap3A_139 = arith.constant 288 : index
      %swap3A_140 = tpu.vector_load %arg20[%swap3A_139] {strides = array<i32>} : memref<400xf32, #tpu.memory_space<vmem>>, vector<16xf32>,
      tpu.vector_store %arg20[%swap3A_139], %broadcast_in_dim3A_19 {strides = array<i32>} : memref<400xf32, #tpu.memory_space<vmem>>, vector<16xf32>,
      %swap3A_141 = arith.constant 304 : index
      %swap3A_142 = tpu.vector_load %arg20[%swap3A_141] {strides = array<i32>} : memref<400xf32, #tpu.memory_space<vmem>>, vector<16xf32>,
      tpu.vector_store %arg20[%swap3A_141], %broadcast_in_dim3A_19 {strides = array<i32>} : memref<400xf32, #tpu.memory_space<vmem>>, vector<16xf32>,
      %swap3A_143 = arith.constant 320 : index
      %swap3A_144 = tpu.vector_load %arg20[%swap3A_143] {strides = array<i32>} : memref<400xf32, #tpu.memory_space<vmem>>, vector<16xf32>,
      tpu.vector_store %arg20[%swap3A_143], %broadcast_in_dim3A_19 {strides = array<i32>} : memref<400xf32, #tpu.memory_space<vmem>>, vector<16xf32>,
      %swap3A_145 = arith.constant 336 : index
      %swap3A_146 = tpu.vector_load %arg20[%swap3A_145] {strides = array<i32>} : memref<400xf32, #tpu.memory_space<vmem>>, vector<16xf32>,
      tpu.vector_store %arg20[%swap3A_145], %broadcast_in_dim3A_19 {strides = array<i32>} : memref<400xf32, #tpu.memory_space<vmem>>, vector<16xf32>,
      %swap3A_147 = arith.constant 352 : index
      %swap3A_148 = tpu.vector_load %arg20[%swap3A_147] {strides = array<i32>} : memref<400xf32, #tpu.memory_space<vmem>>, vector<16xf32>,
      tpu.vector_store %arg20[%swap3A_147], %broadcast_in_dim3A_19 {strides = array<i32>} : memref<400xf32, #tpu.memory_space<vmem>>, vector<16xf32>,
      %swap3A_149 = arith.constant 368 : index
      %swap3A_150 = tpu.vector_load %arg20[%swap3A_149] {strides = array<i32>} : memref<400xf32, #tpu.memory_space<vmem>>, vector<16xf32>,
      tpu.vector_store %arg20[%swap3A_149], %broadcast_in_dim3A_19 {strides = array<i32>} : memref<400xf32, #tpu.memory_space<vmem>>, vector<16xf32>,
      %swap3A_151 = arith.constant 384 : index
      %swap3A_152 = tpu.vector_load %arg20[%swap3A_151] {strides = array<i32>} : memref<400xf32, #tpu.memory_space<vmem>>, vector<16xf32>,
      tpu.vector_store %arg20[%swap3A_151], %broadcast_in_dim3A_19 {strides = array<i32>} : memref<400xf32, #tpu.memory_space<vmem>>, vector<16xf32>,
      %scan3A = arith.constant 0 : i32
      %scan3A_153 = arith.constant 0 : i32
      %scan3A_154 = arith.constant 160 : i32
      %scan3A_155 = arith.addi %scan3A_153, %scan3A_154 : i32
      %scan3A_156 = arith.constant 1 : i32
      scf.for %scan3A_161 = %scan3A_153 to %scan3A_155 step %scan3A_156  : i32 {
        %mul3A_162 = arith.constant 128 : i32
        %mul3A_163 = arith.muli %scan3A_161, %mul3A_162 : i32
        %get3A = arith.index_cast %mul3A_163 : i32 to index
        %get3A_164 = tpu.vector_load %arg13[%get3A] {strides = array<i32>} : memref<20480xf32, #tpu.memory_space<vmem>>, vector<16xf32>,
        %add3A_165 = arith.constant 16 : i32
        %add3A_166 = arith.addi %mul3A_163, %add3A_165 : i32
        %get3A_167 = arith.index_cast %add3A_166 : i32 to index
        %get3A_168 = tpu.vector_load %arg13[%get3A_167] {strides = array<i32>} : memref<20480xf32, #tpu.memory_space<vmem>>, vector<16xf32>,
        %max3A = arith.maximumf %get3A_164, %get3A_168 : vector<16xf32>
        %add3A_169 = arith.constant 32 : i32
        %add3A_170 = arith.addi %mul3A_163, %add3A_169 : i32
        %get3A_171 = arith.index_cast %add3A_170 : i32 to index
        %get3A_172 = tpu.vector_load %arg13[%get3A_171] {strides = array<i32>} : memref<20480xf32, #tpu.memory_space<vmem>>, vector<16xf32>,
        %max3A_173 = arith.maximumf %max3A, %get3A_172 : vector<16xf32>
        %add3A_174 = arith.constant 48 : i32
        %add3A_175 = arith.addi %mul3A_163, %add3A_174 : i32
        %get3A_176 = arith.index_cast %add3A_175 : i32 to index
        %get3A_177 = tpu.vector_load %arg13[%get3A_176] {strides = array<i32>} : memref<20480xf32, #tpu.memory_space<vmem>>, vector<16xf32>,
        %max3A_178 = arith.maximumf %max3A_173, %get3A_177 : vector<16xf32>
        %add3A_179 = arith.constant 64 : i32
        %add3A_180 = arith.addi %mul3A_163, %add3A_179 : i32
        %get3A_181 = arith.index_cast %add3A_180 : i32 to index
        %get3A_182 = tpu.vector_load %arg13[%get3A_181] {strides = array<i32>} : memref<20480xf32, #tpu.memory_space<vmem>>, vector<16xf32>,
        %max3A_183 = arith.maximumf %max3A_178, %get3A_182 : vector<16xf32>
        %add3A_184 = arith.constant 80 : i32
        %add3A_185 = arith.addi %mul3A_163, %add3A_184 : i32
        %get3A_186 = arith.index_cast %add3A_185 : i32 to index
        %get3A_187 = tpu.vector_load %arg13[%get3A_186] {strides = array<i32>} : memref<20480xf32, #tpu.memory_space<vmem>>, vector<16xf32>,
        %max3A_188 = arith.maximumf %max3A_183, %get3A_187 : vector<16xf32>
        %add3A_189 = arith.constant 96 : i32
        %add3A_190 = arith.addi %mul3A_163, %add3A_189 : i32
        %get3A_191 = arith.index_cast %add3A_190 : i32 to index
        %get3A_192 = tpu.vector_load %arg13[%get3A_191] {strides = array<i32>} : memref<20480xf32, #tpu.memory_space<vmem>>, vector<16xf32>,
        %max3A_193 = arith.maximumf %max3A_188, %get3A_192 : vector<16xf32>
        %add3A_194 = arith.constant 112 : i32
        %add3A_195 = arith.addi %mul3A_163, %add3A_194 : i32
        %get3A_196 = arith.index_cast %add3A_195 : i32 to index
        %get3A_197 = tpu.vector_load %arg13[%get3A_196] {strides = array<i32>} : memref<20480xf32, #tpu.memory_space<vmem>>, vector<16xf32>,
        %max3A_198 = arith.maximumf %max3A_193, %get3A_197 : vector<16xf32>
        %sort3A = arith.constant dense<true> : vector<16xi1>
        %sort3A_199, %sort3A_200, %sort3A_201 = tpu.sort %max3A_198, %max3A_198 masked %sort3A : (vector<16xf32>, vector<16xf32>, vector<16xi1>) -> (vector<16xi1>, vector<16xf32>, vector<16xf32>)
        %slice3A = vector.extract_strided_slice %sort3A_200 {offsets = [15], sizes = [1], strides = [1]} : vector<16xf32> to vector<1xf32>
        %squeeze3A = vector.extract %slice3A[0] : f32 from vector<1xf32>
        %iota3A_202 = tpu.iota {dimensions = array<i32: 0>} : vector<16xi32>
        %eq3A = arith.constant 0 : i32
        %eq3A_203 = vector.broadcast %eq3A : i32 to vector<16xi32>
        %eq3A_204 = arith.cmpi eq, %iota3A_202, %eq3A_203 : vector<16xi32>
        %broadcast_in_dim3A_205 = vector.broadcast %scan3A_161 : i32 to vector<16xi32>
        %broadcast_in_dim3A_206 = vector.broadcast %squeeze3A : f32 to vector<16xf32>
        tpu.vector_store_idx %arg14[%broadcast_in_dim3A_205], %broadcast_in_dim3A_206 masked %eq3A_204 : memref<160xf32, #tpu.memory_space<vmem>>[vector<16xi32>], vector<16xf32>, vector<16xi1>
      }
      %scan3A_157 = arith.constant 160 : i32
      %iota3A = tpu.iota {dimensions = array<i32: 0>} : vector<16xi32>
      %while3A = arith.constant 1073741824 : i32
      %while3A_158 = arith.constant 0 : i32
      %while3A_159 = arith.constant 0 : i32
      %while3A_160:2 = scf.while (%while3A_161 = %while3A_158, %while3A_162 = %while3A_159) : (i32, i32) -> (i32, i32) {
        %lt3A_163 = arith.constant 100 : i32
        %lt3A_164 = arith.cmpi slt, %while3A_161, %lt3A_163 : i32
        %eq3A = arith.constant 0 : i32
        %eq3A_165 = arith.cmpi eq, %while3A_162, %eq3A : i32
        %and3A = arith.andi %lt3A_164, %eq3A_165 : i1
        scf.condition(%and3A) %while3A_161, %while3A_162 : i32, i32
      } do {
      ^bb0(%while3A_161: i32, %while3A_162: i32):
        %get3A = arith.constant 0 : index
        %get3A_163 = tpu.vector_load %arg14[%get3A] {strides = array<i32>} : memref<160xf32, #tpu.memory_space<vmem>>, vector<16xf32>,
        %get3A_164 = arith.constant 16 : index
        %get3A_165 = tpu.vector_load %arg14[%get3A_164] {strides = array<i32>} : memref<160xf32, #tpu.memory_space<vmem>>, vector<16xf32>,
        %max3A = arith.maximumf %get3A_163, %get3A_165 : vector<16xf32>
        %get3A_166 = arith.constant 32 : index
        %get3A_167 = tpu.vector_load %arg14[%get3A_166] {strides = array<i32>} : memref<160xf32, #tpu.memory_space<vmem>>, vector<16xf32>,
        %max3A_168 = arith.maximumf %max3A, %get3A_167 : vector<16xf32>
        %get3A_169 = arith.constant 48 : index
        %get3A_170 = tpu.vector_load %arg14[%get3A_169] {strides = array<i32>} : memref<160xf32, #tpu.memory_space<vmem>>, vector<16xf32>,
        %max3A_171 = arith.maximumf %max3A_168, %get3A_170 : vector<16xf32>
        %get3A_172 = arith.constant 64 : index
        %get3A_173 = tpu.vector_load %arg14[%get3A_172] {strides = array<i32>} : memref<160xf32, #tpu.memory_space<vmem>>, vector<16xf32>,
        %max3A_174 = arith.maximumf %max3A_171, %get3A_173 : vector<16xf32>
        %get3A_175 = arith.constant 80 : index
        %get3A_176 = tpu.vector_load %arg14[%get3A_175] {strides = array<i32>} : memref<160xf32, #tpu.memory_space<vmem>>, vector<16xf32>,
        %max3A_177 = arith.maximumf %max3A_174, %get3A_176 : vector<16xf32>
        %get3A_178 = arith.constant 96 : index
        %get3A_179 = tpu.vector_load %arg14[%get3A_178] {strides = array<i32>} : memref<160xf32, #tpu.memory_space<vmem>>, vector<16xf32>,
        %max3A_180 = arith.maximumf %max3A_177, %get3A_179 : vector<16xf32>
        %get3A_181 = arith.constant 112 : index
        %get3A_182 = tpu.vector_load %arg14[%get3A_181] {strides = array<i32>} : memref<160xf32, #tpu.memory_space<vmem>>, vector<16xf32>,
        %max3A_183 = arith.maximumf %max3A_180, %get3A_182 : vector<16xf32>
        %get3A_184 = arith.constant 128 : index
        %get3A_185 = tpu.vector_load %arg14[%get3A_184] {strides = array<i32>} : memref<160xf32, #tpu.memory_space<vmem>>, vector<16xf32>,
        %max3A_186 = arith.maximumf %max3A_183, %get3A_185 : vector<16xf32>
        %get3A_187 = arith.constant 144 : index
        %get3A_188 = tpu.vector_load %arg14[%get3A_187] {strides = array<i32>} : memref<160xf32, #tpu.memory_space<vmem>>, vector<16xf32>,
        %max3A_189 = arith.maximumf %max3A_186, %get3A_188 : vector<16xf32>
        %sort3A = arith.constant dense<true> : vector<16xi1>
        %sort3A_190, %sort3A_191, %sort3A_192 = tpu.sort %max3A_189, %max3A_189 masked %sort3A : (vector<16xf32>, vector<16xf32>, vector<16xi1>) -> (vector<16xi1>, vector<16xf32>, vector<16xf32>)
        %slice3A = vector.extract_strided_slice %sort3A_191 {offsets = [15], sizes = [1], strides = [1]} : vector<16xf32> to vector<1xf32>
        %squeeze3A = vector.extract %slice3A[0] : f32 from vector<1xf32>
        %broadcast_in_dim3A_193 = vector.broadcast %while3A : i32 to vector<16xi32>
        %get3A_194 = arith.constant 0 : index
        %get3A_195 = tpu.vector_load %arg14[%get3A_194] {strides = array<i32>} : memref<160xf32, #tpu.memory_space<vmem>>, vector<16xf32>,
        %eq3A = vector.broadcast %squeeze3A : f32 to vector<16xf32>
        %eq3A_196 = arith.cmpf oeq, %get3A_195, %eq3A : vector<16xf32>
        %add3A_197 = arith.constant 0 : i32
        %add3A_198 = vector.broadcast %add3A_197 : i32 to vector<16xi32>
        %add3A_199 = arith.addi %iota3A, %add3A_198 : vector<16xi32>
        %broadcast_in_dim3A_200 = vector.broadcast %while3A : i32 to vector<16xi32>
        %select_n3A = arith.select %eq3A_196, %add3A_199, %broadcast_in_dim3A_200 : vector<16xi1>, vector<16xi32>
        %min3A = arith.minsi %broadcast_in_dim3A_193, %select_n3A : vector<16xi32>
        %get3A_201 = arith.constant 16 : index
        %get3A_202 = tpu.vector_load %arg14[%get3A_201] {strides = array<i32>} : memref<160xf32, #tpu.memory_space<vmem>>, vector<16xf32>,
        %eq3A_203 = vector.broadcast %squeeze3A : f32 to vector<16xf32>
        %eq3A_204 = arith.cmpf oeq, %get3A_202, %eq3A_203 : vector<16xf32>
        %add3A_205 = arith.constant 16 : i32
        %add3A_206 = vector.broadcast %add3A_205 : i32 to vector<16xi32>
        %add3A_207 = arith.addi %iota3A, %add3A_206 : vector<16xi32>
        %broadcast_in_dim3A_208 = vector.broadcast %while3A : i32 to vector<16xi32>
        %select_n3A_209 = arith.select %eq3A_204, %add3A_207, %broadcast_in_dim3A_208 : vector<16xi1>, vector<16xi32>
        %min3A_210 = arith.minsi %min3A, %select_n3A_209 : vector<16xi32>
        %get3A_211 = arith.constant 32 : index
        %get3A_212 = tpu.vector_load %arg14[%get3A_211] {strides = array<i32>} : memref<160xf32, #tpu.memory_space<vmem>>, vector<16xf32>,
        %eq3A_213 = vector.broadcast %squeeze3A : f32 to vector<16xf32>
        %eq3A_214 = arith.cmpf oeq, %get3A_212, %eq3A_213 : vector<16xf32>
        %add3A_215 = arith.constant 32 : i32
        %add3A_216 = vector.broadcast %add3A_215 : i32 to vector<16xi32>
        %add3A_217 = arith.addi %iota3A, %add3A_216 : vector<16xi32>
        %broadcast_in_dim3A_218 = vector.broadcast %while3A : i32 to vector<16xi32>
        %select_n3A_219 = arith.select %eq3A_214, %add3A_217, %broadcast_in_dim3A_218 : vector<16xi1>, vector<16xi32>
        %min3A_220 = arith.minsi %min3A_210, %select_n3A_219 : vector<16xi32>
        %get3A_221 = arith.constant 48 : index
        %get3A_222 = tpu.vector_load %arg14[%get3A_221] {strides = array<i32>} : memref<160xf32, #tpu.memory_space<vmem>>, vector<16xf32>,
        %eq3A_223 = vector.broadcast %squeeze3A : f32 to vector<16xf32>
        %eq3A_224 = arith.cmpf oeq, %get3A_222, %eq3A_223 : vector<16xf32>
        %add3A_225 = arith.constant 48 : i32
        %add3A_226 = vector.broadcast %add3A_225 : i32 to vector<16xi32>
        %add3A_227 = arith.addi %iota3A, %add3A_226 : vector<16xi32>
        %broadcast_in_dim3A_228 = vector.broadcast %while3A : i32 to vector<16xi32>
        %select_n3A_229 = arith.select %eq3A_224, %add3A_227, %broadcast_in_dim3A_228 : vector<16xi1>, vector<16xi32>
        %min3A_230 = arith.minsi %min3A_220, %select_n3A_229 : vector<16xi32>
        %get3A_231 = arith.constant 64 : index
        %get3A_232 = tpu.vector_load %arg14[%get3A_231] {strides = array<i32>} : memref<160xf32, #tpu.memory_space<vmem>>, vector<16xf32>,
        %eq3A_233 = vector.broadcast %squeeze3A : f32 to vector<16xf32>
        %eq3A_234 = arith.cmpf oeq, %get3A_232, %eq3A_233 : vector<16xf32>
        %add3A_235 = arith.constant 64 : i32
        %add3A_236 = vector.broadcast %add3A_235 : i32 to vector<16xi32>
        %add3A_237 = arith.addi %iota3A, %add3A_236 : vector<16xi32>
        %broadcast_in_dim3A_238 = vector.broadcast %while3A : i32 to vector<16xi32>
        %select_n3A_239 = arith.select %eq3A_234, %add3A_237, %broadcast_in_dim3A_238 : vector<16xi1>, vector<16xi32>
        %min3A_240 = arith.minsi %min3A_230, %select_n3A_239 : vector<16xi32>
        %get3A_241 = arith.constant 80 : index
        %get3A_242 = tpu.vector_load %arg14[%get3A_241] {strides = array<i32>} : memref<160xf32, #tpu.memory_space<vmem>>, vector<16xf32>,
        %eq3A_243 = vector.broadcast %squeeze3A : f32 to vector<16xf32>
        %eq3A_244 = arith.cmpf oeq, %get3A_242, %eq3A_243 : vector<16xf32>
        %add3A_245 = arith.constant 80 : i32
        %add3A_246 = vector.broadcast %add3A_245 : i32 to vector<16xi32>
        %add3A_247 = arith.addi %iota3A, %add3A_246 : vector<16xi32>
        %broadcast_in_dim3A_248 = vector.broadcast %while3A : i32 to vector<16xi32>
        %select_n3A_249 = arith.select %eq3A_244, %add3A_247, %broadcast_in_dim3A_248 : vector<16xi1>, vector<16xi32>
        %min3A_250 = arith.minsi %min3A_240, %select_n3A_249 : vector<16xi32>
        %get3A_251 = arith.constant 96 : index
        %get3A_252 = tpu.vector_load %arg14[%get3A_251] {strides = array<i32>} : memref<160xf32, #tpu.memory_space<vmem>>, vector<16xf32>,
        %eq3A_253 = vector.broadcast %squeeze3A : f32 to vector<16xf32>
        %eq3A_254 = arith.cmpf oeq, %get3A_252, %eq3A_253 : vector<16xf32>
        %add3A_255 = arith.constant 96 : i32
        %add3A_256 = vector.broadcast %add3A_255 : i32 to vector<16xi32>
        %add3A_257 = arith.addi %iota3A, %add3A_256 : vector<16xi32>
        %broadcast_in_dim3A_258 = vector.broadcast %while3A : i32 to vector<16xi32>
        %select_n3A_259 = arith.select %eq3A_254, %add3A_257, %broadcast_in_dim3A_258 : vector<16xi1>, vector<16xi32>
        %min3A_260 = arith.minsi %min3A_250, %select_n3A_259 : vector<16xi32>
        %get3A_261 = arith.constant 112 : index
        %get3A_262 = tpu.vector_load %arg14[%get3A_261] {strides = array<i32>} : memref<160xf32, #tpu.memory_space<vmem>>, vector<16xf32>,
        %eq3A_263 = vector.broadcast %squeeze3A : f32 to vector<16xf32>
        %eq3A_264 = arith.cmpf oeq, %get3A_262, %eq3A_263 : vector<16xf32>
        %add3A_265 = arith.constant 112 : i32
        %add3A_266 = vector.broadcast %add3A_265 : i32 to vector<16xi32>
        %add3A_267 = arith.addi %iota3A, %add3A_266 : vector<16xi32>
        %broadcast_in_dim3A_268 = vector.broadcast %while3A : i32 to vector<16xi32>
        %select_n3A_269 = arith.select %eq3A_264, %add3A_267, %broadcast_in_dim3A_268 : vector<16xi1>, vector<16xi32>
        %min3A_270 = arith.minsi %min3A_260, %select_n3A_269 : vector<16xi32>
        %get3A_271 = arith.constant 128 : index
        %get3A_272 = tpu.vector_load %arg14[%get3A_271] {strides = array<i32>} : memref<160xf32, #tpu.memory_space<vmem>>, vector<16xf32>,
        %eq3A_273 = vector.broadcast %squeeze3A : f32 to vector<16xf32>
        %eq3A_274 = arith.cmpf oeq, %get3A_272, %eq3A_273 : vector<16xf32>
        %add3A_275 = arith.constant 128 : i32
        %add3A_276 = vector.broadcast %add3A_275 : i32 to vector<16xi32>
        %add3A_277 = arith.addi %iota3A, %add3A_276 : vector<16xi32>
        %broadcast_in_dim3A_278 = vector.broadcast %while3A : i32 to vector<16xi32>
        %select_n3A_279 = arith.select %eq3A_274, %add3A_277, %broadcast_in_dim3A_278 : vector<16xi1>, vector<16xi32>
        %min3A_280 = arith.minsi %min3A_270, %select_n3A_279 : vector<16xi32>
        %get3A_281 = arith.constant 144 : index
        %get3A_282 = tpu.vector_load %arg14[%get3A_281] {strides = array<i32>} : memref<160xf32, #tpu.memory_space<vmem>>, vector<16xf32>,
        %eq3A_283 = vector.broadcast %squeeze3A : f32 to vector<16xf32>
        %eq3A_284 = arith.cmpf oeq, %get3A_282, %eq3A_283 : vector<16xf32>
        %add3A_285 = arith.constant 144 : i32
        %add3A_286 = vector.broadcast %add3A_285 : i32 to vector<16xi32>
        %add3A_287 = arith.addi %iota3A, %add3A_286 : vector<16xi32>
        %broadcast_in_dim3A_288 = vector.broadcast %while3A : i32 to vector<16xi32>
        %select_n3A_289 = arith.select %eq3A_284, %add3A_287, %broadcast_in_dim3A_288 : vector<16xi1>, vector<16xi32>
        %min3A_290 = arith.minsi %min3A_280, %select_n3A_289 : vector<16xi32>
        %sort3A_291 = arith.constant dense<true> : vector<16xi1>
        %sort3A_292, %sort3A_293, %sort3A_294 = tpu.sort %min3A_290, %min3A_290 masked %sort3A_291 : (vector<16xi32>, vector<16xi32>, vector<16xi1>) -> (vector<16xi1>, vector<16xi32>, vector<16xi32>)
        %slice3A_295 = vector.extract_strided_slice %sort3A_293 {offsets = [0], sizes = [1], strides = [1]} : vector<16xi32> to vector<1xi32>
        %squeeze3A_296 = vector.extract %slice3A_295[0] : i32 from vector<1xi32>
        %mul3A_297 = arith.constant 128 : i32
        %mul3A_298 = arith.muli %squeeze3A_296, %mul3A_297 : i32
        %broadcast_in_dim3A_299 = vector.broadcast %while3A : i32 to vector<16xi32>
        %add3A_300 = arith.constant 0 : i32
        %add3A_301 = arith.addi %mul3A_298, %add3A_300 : i32
        %get3A_302 = arith.index_cast %add3A_301 : i32 to index
        %get3A_303 = tpu.vector_load %arg13[%get3A_302] {strides = array<i32>} : memref<20480xf32, #tpu.memory_space<vmem>>, vector<16xf32>,
        %eq3A_304 = vector.broadcast %squeeze3A : f32 to vector<16xf32>
        %eq3A_305 = arith.cmpf oeq, %get3A_303, %eq3A_304 : vector<16xf32>
        %add3A_306 = arith.constant 0 : i32
        %add3A_307 = arith.addi %mul3A_298, %add3A_306 : i32
        %add3A_308 = vector.broadcast %add3A_307 : i32 to vector<16xi32>
        %add3A_309 = arith.addi %iota3A, %add3A_308 : vector<16xi32>
        %broadcast_in_dim3A_310 = vector.broadcast %while3A : i32 to vector<16xi32>
        %select_n3A_311 = arith.select %eq3A_305, %add3A_309, %broadcast_in_dim3A_310 : vector<16xi1>, vector<16xi32>
        %min3A_312 = arith.minsi %broadcast_in_dim3A_299, %select_n3A_311 : vector<16xi32>
        %add3A_313 = arith.constant 16 : i32
        %add3A_314 = arith.addi %mul3A_298, %add3A_313 : i32
        %get3A_315 = arith.index_cast %add3A_314 : i32 to index
        %get3A_316 = tpu.vector_load %arg13[%get3A_315] {strides = array<i32>} : memref<20480xf32, #tpu.memory_space<vmem>>, vector<16xf32>,
        %eq3A_317 = vector.broadcast %squeeze3A : f32 to vector<16xf32>
        %eq3A_318 = arith.cmpf oeq, %get3A_316, %eq3A_317 : vector<16xf32>
        %add3A_319 = arith.constant 16 : i32
        %add3A_320 = arith.addi %mul3A_298, %add3A_319 : i32
        %add3A_321 = vector.broadcast %add3A_320 : i32 to vector<16xi32>
        %add3A_322 = arith.addi %iota3A, %add3A_321 : vector<16xi32>
        %broadcast_in_dim3A_323 = vector.broadcast %while3A : i32 to vector<16xi32>
        %select_n3A_324 = arith.select %eq3A_318, %add3A_322, %broadcast_in_dim3A_323 : vector<16xi1>, vector<16xi32>
        %min3A_325 = arith.minsi %min3A_312, %select_n3A_324 : vector<16xi32>
        %add3A_326 = arith.constant 32 : i32
        %add3A_327 = arith.addi %mul3A_298, %add3A_326 : i32
        %get3A_328 = arith.index_cast %add3A_327 : i32 to index
        %get3A_329 = tpu.vector_load %arg13[%get3A_328] {strides = array<i32>} : memref<20480xf32, #tpu.memory_space<vmem>>, vector<16xf32>,
        %eq3A_330 = vector.broadcast %squeeze3A : f32 to vector<16xf32>
        %eq3A_331 = arith.cmpf oeq, %get3A_329, %eq3A_330 : vector<16xf32>
        %add3A_332 = arith.constant 32 : i32
        %add3A_333 = arith.addi %mul3A_298, %add3A_332 : i32
        %add3A_334 = vector.broadcast %add3A_333 : i32 to vector<16xi32>
        %add3A_335 = arith.addi %iota3A, %add3A_334 : vector<16xi32>
        %broadcast_in_dim3A_336 = vector.broadcast %while3A : i32 to vector<16xi32>
        %select_n3A_337 = arith.select %eq3A_331, %add3A_335, %broadcast_in_dim3A_336 : vector<16xi1>, vector<16xi32>
        %min3A_338 = arith.minsi %min3A_325, %select_n3A_337 : vector<16xi32>
        %add3A_339 = arith.constant 48 : i32
        %add3A_340 = arith.addi %mul3A_298, %add3A_339 : i32
        %get3A_341 = arith.index_cast %add3A_340 : i32 to index
        %get3A_342 = tpu.vector_load %arg13[%get3A_341] {strides = array<i32>} : memref<20480xf32, #tpu.memory_space<vmem>>, vector<16xf32>,
        %eq3A_343 = vector.broadcast %squeeze3A : f32 to vector<16xf32>
        %eq3A_344 = arith.cmpf oeq, %get3A_342, %eq3A_343 : vector<16xf32>
        %add3A_345 = arith.constant 48 : i32
        %add3A_346 = arith.addi %mul3A_298, %add3A_345 : i32
        %add3A_347 = vector.broadcast %add3A_346 : i32 to vector<16xi32>
        %add3A_348 = arith.addi %iota3A, %add3A_347 : vector<16xi32>
        %broadcast_in_dim3A_349 = vector.broadcast %while3A : i32 to vector<16xi32>
        %select_n3A_350 = arith.select %eq3A_344, %add3A_348, %broadcast_in_dim3A_349 : vector<16xi1>, vector<16xi32>
        %min3A_351 = arith.minsi %min3A_338, %select_n3A_350 : vector<16xi32>
        %add3A_352 = arith.constant 64 : i32
        %add3A_353 = arith.addi %mul3A_298, %add3A_352 : i32
        %get3A_354 = arith.index_cast %add3A_353 : i32 to index
        %get3A_355 = tpu.vector_load %arg13[%get3A_354] {strides = array<i32>} : memref<20480xf32, #tpu.memory_space<vmem>>, vector<16xf32>,
        %eq3A_356 = vector.broadcast %squeeze3A : f32 to vector<16xf32>
        %eq3A_357 = arith.cmpf oeq, %get3A_355, %eq3A_356 : vector<16xf32>
        %add3A_358 = arith.constant 64 : i32
        %add3A_359 = arith.addi %mul3A_298, %add3A_358 : i32
        %add3A_360 = vector.broadcast %add3A_359 : i32 to vector<16xi32>
        %add3A_361 = arith.addi %iota3A, %add3A_360 : vector<16xi32>
        %broadcast_in_dim3A_362 = vector.broadcast %while3A : i32 to vector<16xi32>
        %select_n3A_363 = arith.select %eq3A_357, %add3A_361, %broadcast_in_dim3A_362 : vector<16xi1>, vector<16xi32>
        %min3A_364 = arith.minsi %min3A_351, %select_n3A_363 : vector<16xi32>
        %add3A_365 = arith.constant 80 : i32
        %add3A_366 = arith.addi %mul3A_298, %add3A_365 : i32
        %get3A_367 = arith.index_cast %add3A_366 : i32 to index
        %get3A_368 = tpu.vector_load %arg13[%get3A_367] {strides = array<i32>} : memref<20480xf32, #tpu.memory_space<vmem>>, vector<16xf32>,
        %eq3A_369 = vector.broadcast %squeeze3A : f32 to vector<16xf32>
        %eq3A_370 = arith.cmpf oeq, %get3A_368, %eq3A_369 : vector<16xf32>
        %add3A_371 = arith.constant 80 : i32
        %add3A_372 = arith.addi %mul3A_298, %add3A_371 : i32
        %add3A_373 = vector.broadcast %add3A_372 : i32 to vector<16xi32>
        %add3A_374 = arith.addi %iota3A, %add3A_373 : vector<16xi32>
        %broadcast_in_dim3A_375 = vector.broadcast %while3A : i32 to vector<16xi32>
        %select_n3A_376 = arith.select %eq3A_370, %add3A_374, %broadcast_in_dim3A_375 : vector<16xi1>, vector<16xi32>
        %min3A_377 = arith.minsi %min3A_364, %select_n3A_376 : vector<16xi32>
        %add3A_378 = arith.constant 96 : i32
        %add3A_379 = arith.addi %mul3A_298, %add3A_378 : i32
        %get3A_380 = arith.index_cast %add3A_379 : i32 to index
        %get3A_381 = tpu.vector_load %arg13[%get3A_380] {strides = array<i32>} : memref<20480xf32, #tpu.memory_space<vmem>>, vector<16xf32>,
        %eq3A_382 = vector.broadcast %squeeze3A : f32 to vector<16xf32>
        %eq3A_383 = arith.cmpf oeq, %get3A_381, %eq3A_382 : vector<16xf32>
        %add3A_384 = arith.constant 96 : i32
        %add3A_385 = arith.addi %mul3A_298, %add3A_384 : i32
        %add3A_386 = vector.broadcast %add3A_385 : i32 to vector<16xi32>
        %add3A_387 = arith.addi %iota3A, %add3A_386 : vector<16xi32>
        %broadcast_in_dim3A_388 = vector.broadcast %while3A : i32 to vector<16xi32>
        %select_n3A_389 = arith.select %eq3A_383, %add3A_387, %broadcast_in_dim3A_388 : vector<16xi1>, vector<16xi32>
        %min3A_390 = arith.minsi %min3A_377, %select_n3A_389 : vector<16xi32>
        %add3A_391 = arith.constant 112 : i32
        %add3A_392 = arith.addi %mul3A_298, %add3A_391 : i32
        %get3A_393 = arith.index_cast %add3A_392 : i32 to index
        %get3A_394 = tpu.vector_load %arg13[%get3A_393] {strides = array<i32>} : memref<20480xf32, #tpu.memory_space<vmem>>, vector<16xf32>,
        %eq3A_395 = vector.broadcast %squeeze3A : f32 to vector<16xf32>
        %eq3A_396 = arith.cmpf oeq, %get3A_394, %eq3A_395 : vector<16xf32>
        %add3A_397 = arith.constant 112 : i32
        %add3A_398 = arith.addi %mul3A_298, %add3A_397 : i32
        %add3A_399 = vector.broadcast %add3A_398 : i32 to vector<16xi32>
        %add3A_400 = arith.addi %iota3A, %add3A_399 : vector<16xi32>
        %broadcast_in_dim3A_401 = vector.broadcast %while3A : i32 to vector<16xi32>
        %select_n3A_402 = arith.select %eq3A_396, %add3A_400, %broadcast_in_dim3A_401 : vector<16xi1>, vector<16xi32>
        %min3A_403 = arith.minsi %min3A_390, %select_n3A_402 : vector<16xi32>
        %sort3A_404 = arith.constant dense<true> : vector<16xi1>
        %sort3A_405, %sort3A_406, %sort3A_407 = tpu.sort %min3A_403, %min3A_403 masked %sort3A_404 : (vector<16xi32>, vector<16xi32>, vector<16xi1>) -> (vector<16xi1>, vector<16xi32>, vector<16xi32>)
        %slice3A_408 = vector.extract_strided_slice %sort3A_406 {offsets = [0], sizes = [1], strides = [1]} : vector<16xi32> to vector<1xi32>
        %squeeze3A_409 = vector.extract %slice3A_408[0] : i32 from vector<1xi32>
        %iota3A_410 = tpu.iota {dimensions = array<i32: 0>} : vector<16xi32>
        %eq3A_411 = arith.constant 0 : i32
        %eq3A_412 = vector.broadcast %eq3A_411 : i32 to vector<16xi32>
        %eq3A_413 = arith.cmpi eq, %iota3A_410, %eq3A_412 : vector<16xi32>
        %broadcast_in_dim3A_414 = vector.broadcast %squeeze3A_409 : i32 to vector<16xi32>
        %broadcast_in_dim3A_415 = arith.constant -1.000000e+00 : f32
        %broadcast_in_dim3A_416 = vector.broadcast %broadcast_in_dim3A_415 : f32 to vector<16xf32>
        tpu.vector_store_idx %arg13[%broadcast_in_dim3A_414], %broadcast_in_dim3A_416 masked %eq3A_413 : memref<20480xf32, #tpu.memory_space<vmem>>[vector<16xi32>], vector<16xf32>, vector<16xi1>
        %get3A_417 = arith.index_cast %mul3A_298 : i32 to index
        %get3A_418 = tpu.vector_load %arg13[%get3A_417] {strides = array<i32>} : memref<20480xf32, #tpu.memory_space<vmem>>, vector<16xf32>,
        %add3A_419 = arith.constant 16 : i32
        %add3A_420 = arith.addi %mul3A_298, %add3A_419 : i32
        %get3A_421 = arith.index_cast %add3A_420 : i32 to index
        %get3A_422 = tpu.vector_load %arg13[%get3A_421] {strides = array<i32>} : memref<20480xf32, #tpu.memory_space<vmem>>, vector<16xf32>,
        %max3A_423 = arith.maximumf %get3A_418, %get3A_422 : vector<16xf32>
        %add3A_424 = arith.constant 32 : i32
        %add3A_425 = arith.addi %mul3A_298, %add3A_424 : i32
        %get3A_426 = arith.index_cast %add3A_425 : i32 to index
        %get3A_427 = tpu.vector_load %arg13[%get3A_426] {strides = array<i32>} : memref<20480xf32, #tpu.memory_space<vmem>>, vector<16xf32>,
        %max3A_428 = arith.maximumf %max3A_423, %get3A_427 : vector<16xf32>
        %add3A_429 = arith.constant 48 : i32
        %add3A_430 = arith.addi %mul3A_298, %add3A_429 : i32
        %get3A_431 = arith.index_cast %add3A_430 : i32 to index
        %get3A_432 = tpu.vector_load %arg13[%get3A_431] {strides = array<i32>} : memref<20480xf32, #tpu.memory_space<vmem>>, vector<16xf32>,
        %max3A_433 = arith.maximumf %max3A_428, %get3A_432 : vector<16xf32>
        %add3A_434 = arith.constant 64 : i32
        %add3A_435 = arith.addi %mul3A_298, %add3A_434 : i32
        %get3A_436 = arith.index_cast %add3A_435 : i32 to index
        %get3A_437 = tpu.vector_load %arg13[%get3A_436] {strides = array<i32>} : memref<20480xf32, #tpu.memory_space<vmem>>, vector<16xf32>,
        %max3A_438 = arith.maximumf %max3A_433, %get3A_437 : vector<16xf32>
        %add3A_439 = arith.constant 80 : i32
        %add3A_440 = arith.addi %mul3A_298, %add3A_439 : i32
        %get3A_441 = arith.index_cast %add3A_440 : i32 to index
        %get3A_442 = tpu.vector_load %arg13[%get3A_441] {strides = array<i32>} : memref<20480xf32, #tpu.memory_space<vmem>>, vector<16xf32>,
        %max3A_443 = arith.maximumf %max3A_438, %get3A_442 : vector<16xf32>
        %add3A_444 = arith.constant 96 : i32
        %add3A_445 = arith.addi %mul3A_298, %add3A_444 : i32
        %get3A_446 = arith.index_cast %add3A_445 : i32 to index
        %get3A_447 = tpu.vector_load %arg13[%get3A_446] {strides = array<i32>} : memref<20480xf32, #tpu.memory_space<vmem>>, vector<16xf32>,
        %max3A_448 = arith.maximumf %max3A_443, %get3A_447 : vector<16xf32>
        %add3A_449 = arith.constant 112 : i32
        %add3A_450 = arith.addi %mul3A_298, %add3A_449 : i32
        %get3A_451 = arith.index_cast %add3A_450 : i32 to index
        %get3A_452 = tpu.vector_load %arg13[%get3A_451] {strides = array<i32>} : memref<20480xf32, #tpu.memory_space<vmem>>, vector<16xf32>,
        %max3A_453 = arith.maximumf %max3A_448, %get3A_452 : vector<16xf32>
        %sort3A_454 = arith.constant dense<true> : vector<16xi1>
        %sort3A_455, %sort3A_456, %sort3A_457 = tpu.sort %max3A_453, %max3A_453 masked %sort3A_454 : (vector<16xf32>, vector<16xf32>, vector<16xi1>) -> (vector<16xi1>, vector<16xf32>, vector<16xf32>)
        %slice3A_458 = vector.extract_strided_slice %sort3A_456 {offsets = [15], sizes = [1], strides = [1]} : vector<16xf32> to vector<1xf32>
        %squeeze3A_459 = vector.extract %slice3A_458[0] : f32 from vector<1xf32>
        %iota3A_460 = tpu.iota {dimensions = array<i32: 0>} : vector<16xi32>
        %eq3A_461 = arith.constant 0 : i32
        %eq3A_462 = vector.broadcast %eq3A_461 : i32 to vector<16xi32>
        %eq3A_463 = arith.cmpi eq, %iota3A_460, %eq3A_462 : vector<16xi32>
        %broadcast_in_dim3A_464 = vector.broadcast %squeeze3A_296 : i32 to vector<16xi32>
        %broadcast_in_dim3A_465 = vector.broadcast %squeeze3A_459 : f32 to vector<16xf32>
        tpu.vector_store_idx %arg14[%broadcast_in_dim3A_464], %broadcast_in_dim3A_465 masked %eq3A_463 : memref<160xf32, #tpu.memory_space<vmem>>[vector<16xi32>], vector<16xf32>, vector<16xi1>
        %broadcast_in_dim3A_466 = vector.broadcast %squeeze3A_409 : i32 to vector<16xi32>
        %gather3A = tpu.vector_load_idx %arg9[%broadcast_in_dim3A_466] : memref<20480xf32, #tpu.memory_space<vmem>>[vector<16xi32>], vector<16xf32>,
        %slice3A_467 = vector.extract_strided_slice %gather3A {offsets = [0], sizes = [1], strides = [1]} : vector<16xf32> to vector<1xf32>
        %squeeze3A_468 = vector.extract %slice3A_467[0] : f32 from vector<1xf32>
        %gather3A_469 = tpu.vector_load_idx %arg10[%broadcast_in_dim3A_466] : memref<20480xf32, #tpu.memory_space<vmem>>[vector<16xi32>], vector<16xf32>,
        %slice3A_470 = vector.extract_strided_slice %gather3A_469 {offsets = [0], sizes = [1], strides = [1]} : vector<16xf32> to vector<1xf32>
        %squeeze3A_471 = vector.extract %slice3A_470[0] : f32 from vector<1xf32>
        %gather3A_472 = tpu.vector_load_idx %arg11[%broadcast_in_dim3A_466] : memref<20480xf32, #tpu.memory_space<vmem>>[vector<16xi32>], vector<16xf32>,
        %slice3A_473 = vector.extract_strided_slice %gather3A_472 {offsets = [0], sizes = [1], strides = [1]} : vector<16xf32> to vector<1xf32>
        %squeeze3A_474 = vector.extract %slice3A_473[0] : f32 from vector<1xf32>
        %gather3A_475 = tpu.vector_load_idx %arg12[%broadcast_in_dim3A_466] : memref<20480xf32, #tpu.memory_space<vmem>>[vector<16xi32>], vector<16xf32>,
        %slice3A_476 = vector.extract_strided_slice %gather3A_475 {offsets = [0], sizes = [1], strides = [1]} : vector<16xf32> to vector<1xf32>
        %squeeze3A_477 = vector.extract %slice3A_476[0] : f32 from vector<1xf32>
        %sub3A = arith.subf %squeeze3A_474, %squeeze3A_468 : f32
        %max3A_478 = arith.constant 0.000000e+00 : f32
        %max3A_479 = arith.maximumf %sub3A, %max3A_478 : f32
        %sub3A_480 = arith.subf %squeeze3A_477, %squeeze3A_471 : f32
        %max3A_481 = arith.constant 0.000000e+00 : f32
        %max3A_482 = arith.maximumf %sub3A_480, %max3A_481 : f32
        %mul3A_483 = arith.mulf %max3A_479, %max3A_482 : f32
        %broadcast_in_dim3A_484 = arith.constant 0.000000e+00 : f32
        %broadcast_in_dim3A_485 = vector.broadcast %broadcast_in_dim3A_484 : f32 to vector<16xf32>
        %get3A_486 = arith.constant 0 : index
        %get3A_487 = tpu.vector_load %arg15[%get3A_486] {strides = array<i32>} : memref<112xf32, #tpu.memory_space<vmem>>, vector<16xf32>,
        %get3A_488 = arith.constant 0 : index
        %get3A_489 = tpu.vector_load %arg16[%get3A_488] {strides = array<i32>} : memref<112xf32, #tpu.memory_space<vmem>>, vector<16xf32>,
        %get3A_490 = arith.constant 0 : index
        %get3A_491 = tpu.vector_load %arg17[%get3A_490] {strides = array<i32>} : memref<112xf32, #tpu.memory_space<vmem>>, vector<16xf32>,
        %get3A_492 = arith.constant 0 : index
        %get3A_493 = tpu.vector_load %arg18[%get3A_492] {strides = array<i32>} : memref<112xf32, #tpu.memory_space<vmem>>, vector<16xf32>,
        %get3A_494 = arith.constant 0 : index
        %get3A_495 = tpu.vector_load %arg19[%get3A_494] {strides = array<i32>} : memref<112xf32, #tpu.memory_space<vmem>>, vector<16xf32>,
        %min3A_496 = vector.broadcast %squeeze3A_474 : f32 to vector<16xf32>
        %min3A_497 = arith.minimumf %get3A_491, %min3A_496 : vector<16xf32>
        %max3A_498 = vector.broadcast %squeeze3A_468 : f32 to vector<16xf32>
        %max3A_499 = arith.maximumf %get3A_487, %max3A_498 : vector<16xf32>
        %sub3A_500 = arith.subf %min3A_497, %max3A_499 : vector<16xf32>
        %max3A_501 = arith.constant 0.000000e+00 : f32
        %max3A_502 = vector.broadcast %max3A_501 : f32 to vector<16xf32>
        %max3A_503 = arith.maximumf %sub3A_500, %max3A_502 : vector<16xf32>
        %min3A_504 = vector.broadcast %squeeze3A_477 : f32 to vector<16xf32>
        %min3A_505 = arith.minimumf %get3A_493, %min3A_504 : vector<16xf32>
        %max3A_506 = vector.broadcast %squeeze3A_471 : f32 to vector<16xf32>
        %max3A_507 = arith.maximumf %get3A_489, %max3A_506 : vector<16xf32>
        %sub3A_508 = arith.subf %min3A_505, %max3A_507 : vector<16xf32>
        %max3A_509 = arith.constant 0.000000e+00 : f32
        %max3A_510 = vector.broadcast %max3A_509 : f32 to vector<16xf32>
        %max3A_511 = arith.maximumf %sub3A_508, %max3A_510 : vector<16xf32>
        %mul3A_512 = arith.mulf %max3A_503, %max3A_511 : vector<16xf32>
        %add3A_513 = vector.broadcast %mul3A_483 : f32 to vector<16xf32>
        %add3A_514 = arith.addf %get3A_495, %add3A_513 : vector<16xf32>
        %sub3A_515 = arith.subf %add3A_514, %mul3A_512 : vector<16xf32>
        %add3A_516 = arith.constant 9.99999971E-10 : f32
        %add3A_517 = vector.broadcast %add3A_516 : f32 to vector<16xf32>
        %add3A_518 = arith.addf %sub3A_515, %add3A_517 : vector<16xf32>
        %div3A = arith.divf %mul3A_512, %add3A_518 : vector<16xf32>
        %max3A_519 = arith.maximumf %broadcast_in_dim3A_485, %div3A : vector<16xf32>
        %get3A_520 = arith.constant 16 : index
        %get3A_521 = tpu.vector_load %arg15[%get3A_520] {strides = array<i32>} : memref<112xf32, #tpu.memory_space<vmem>>, vector<16xf32>,
        %get3A_522 = arith.constant 16 : index
        %get3A_523 = tpu.vector_load %arg16[%get3A_522] {strides = array<i32>} : memref<112xf32, #tpu.memory_space<vmem>>, vector<16xf32>,
        %get3A_524 = arith.constant 16 : index
        %get3A_525 = tpu.vector_load %arg17[%get3A_524] {strides = array<i32>} : memref<112xf32, #tpu.memory_space<vmem>>, vector<16xf32>,
        %get3A_526 = arith.constant 16 : index
        %get3A_527 = tpu.vector_load %arg18[%get3A_526] {strides = array<i32>} : memref<112xf32, #tpu.memory_space<vmem>>, vector<16xf32>,
        %get3A_528 = arith.constant 16 : index
        %get3A_529 = tpu.vector_load %arg19[%get3A_528] {strides = array<i32>} : memref<112xf32, #tpu.memory_space<vmem>>, vector<16xf32>,
        %min3A_530 = vector.broadcast %squeeze3A_474 : f32 to vector<16xf32>
        %min3A_531 = arith.minimumf %get3A_525, %min3A_530 : vector<16xf32>
        %max3A_532 = vector.broadcast %squeeze3A_468 : f32 to vector<16xf32>
        %max3A_533 = arith.maximumf %get3A_521, %max3A_532 : vector<16xf32>
        %sub3A_534 = arith.subf %min3A_531, %max3A_533 : vector<16xf32>
        %max3A_535 = arith.constant 0.000000e+00 : f32
        %max3A_536 = vector.broadcast %max3A_535 : f32 to vector<16xf32>
        %max3A_537 = arith.maximumf %sub3A_534, %max3A_536 : vector<16xf32>
        %min3A_538 = vector.broadcast %squeeze3A_477 : f32 to vector<16xf32>
        %min3A_539 = arith.minimumf %get3A_527, %min3A_538 : vector<16xf32>
        %max3A_540 = vector.broadcast %squeeze3A_471 : f32 to vector<16xf32>
        %max3A_541 = arith.maximumf %get3A_523, %max3A_540 : vector<16xf32>
        %sub3A_542 = arith.subf %min3A_539, %max3A_541 : vector<16xf32>
        %max3A_543 = arith.constant 0.000000e+00 : f32
        %max3A_544 = vector.broadcast %max3A_543 : f32 to vector<16xf32>
        %max3A_545 = arith.maximumf %sub3A_542, %max3A_544 : vector<16xf32>
        %mul3A_546 = arith.mulf %max3A_537, %max3A_545 : vector<16xf32>
        %add3A_547 = vector.broadcast %mul3A_483 : f32 to vector<16xf32>
        %add3A_548 = arith.addf %get3A_529, %add3A_547 : vector<16xf32>
        %sub3A_549 = arith.subf %add3A_548, %mul3A_546 : vector<16xf32>
        %add3A_550 = arith.constant 9.99999971E-10 : f32
        %add3A_551 = vector.broadcast %add3A_550 : f32 to vector<16xf32>
        %add3A_552 = arith.addf %sub3A_549, %add3A_551 : vector<16xf32>
        %div3A_553 = arith.divf %mul3A_546, %add3A_552 : vector<16xf32>
        %max3A_554 = arith.maximumf %max3A_519, %div3A_553 : vector<16xf32>
        %get3A_555 = arith.constant 32 : index
        %get3A_556 = tpu.vector_load %arg15[%get3A_555] {strides = array<i32>} : memref<112xf32, #tpu.memory_space<vmem>>, vector<16xf32>,
        %get3A_557 = arith.constant 32 : index
        %get3A_558 = tpu.vector_load %arg16[%get3A_557] {strides = array<i32>} : memref<112xf32, #tpu.memory_space<vmem>>, vector<16xf32>,
        %get3A_559 = arith.constant 32 : index
        %get3A_560 = tpu.vector_load %arg17[%get3A_559] {strides = array<i32>} : memref<112xf32, #tpu.memory_space<vmem>>, vector<16xf32>,
        %get3A_561 = arith.constant 32 : index
        %get3A_562 = tpu.vector_load %arg18[%get3A_561] {strides = array<i32>} : memref<112xf32, #tpu.memory_space<vmem>>, vector<16xf32>,
        %get3A_563 = arith.constant 32 : index
        %get3A_564 = tpu.vector_load %arg19[%get3A_563] {strides = array<i32>} : memref<112xf32, #tpu.memory_space<vmem>>, vector<16xf32>,
        %min3A_565 = vector.broadcast %squeeze3A_474 : f32 to vector<16xf32>
        %min3A_566 = arith.minimumf %get3A_560, %min3A_565 : vector<16xf32>
        %max3A_567 = vector.broadcast %squeeze3A_468 : f32 to vector<16xf32>
        %max3A_568 = arith.maximumf %get3A_556, %max3A_567 : vector<16xf32>
        %sub3A_569 = arith.subf %min3A_566, %max3A_568 : vector<16xf32>
        %max3A_570 = arith.constant 0.000000e+00 : f32
        %max3A_571 = vector.broadcast %max3A_570 : f32 to vector<16xf32>
        %max3A_572 = arith.maximumf %sub3A_569, %max3A_571 : vector<16xf32>
        %min3A_573 = vector.broadcast %squeeze3A_477 : f32 to vector<16xf32>
        %min3A_574 = arith.minimumf %get3A_562, %min3A_573 : vector<16xf32>
        %max3A_575 = vector.broadcast %squeeze3A_471 : f32 to vector<16xf32>
        %max3A_576 = arith.maximumf %get3A_558, %max3A_575 : vector<16xf32>
        %sub3A_577 = arith.subf %min3A_574, %max3A_576 : vector<16xf32>
        %max3A_578 = arith.constant 0.000000e+00 : f32
        %max3A_579 = vector.broadcast %max3A_578 : f32 to vector<16xf32>
        %max3A_580 = arith.maximumf %sub3A_577, %max3A_579 : vector<16xf32>
        %mul3A_581 = arith.mulf %max3A_572, %max3A_580 : vector<16xf32>
        %add3A_582 = vector.broadcast %mul3A_483 : f32 to vector<16xf32>
        %add3A_583 = arith.addf %get3A_564, %add3A_582 : vector<16xf32>
        %sub3A_584 = arith.subf %add3A_583, %mul3A_581 : vector<16xf32>
        %add3A_585 = arith.constant 9.99999971E-10 : f32
        %add3A_586 = vector.broadcast %add3A_585 : f32 to vector<16xf32>
        %add3A_587 = arith.addf %sub3A_584, %add3A_586 : vector<16xf32>
        %div3A_588 = arith.divf %mul3A_581, %add3A_587 : vector<16xf32>
        %max3A_589 = arith.maximumf %max3A_554, %div3A_588 : vector<16xf32>
        %get3A_590 = arith.constant 48 : index
        %get3A_591 = tpu.vector_load %arg15[%get3A_590] {strides = array<i32>} : memref<112xf32, #tpu.memory_space<vmem>>, vector<16xf32>,
        %get3A_592 = arith.constant 48 : index
        %get3A_593 = tpu.vector_load %arg16[%get3A_592] {strides = array<i32>} : memref<112xf32, #tpu.memory_space<vmem>>, vector<16xf32>,
        %get3A_594 = arith.constant 48 : index
        %get3A_595 = tpu.vector_load %arg17[%get3A_594] {strides = array<i32>} : memref<112xf32, #tpu.memory_space<vmem>>, vector<16xf32>,
        %get3A_596 = arith.constant 48 : index
        %get3A_597 = tpu.vector_load %arg18[%get3A_596] {strides = array<i32>} : memref<112xf32, #tpu.memory_space<vmem>>, vector<16xf32>,
        %get3A_598 = arith.constant 48 : index
        %get3A_599 = tpu.vector_load %arg19[%get3A_598] {strides = array<i32>} : memref<112xf32, #tpu.memory_space<vmem>>, vector<16xf32>,
        %min3A_600 = vector.broadcast %squeeze3A_474 : f32 to vector<16xf32>
        %min3A_601 = arith.minimumf %get3A_595, %min3A_600 : vector<16xf32>
        %max3A_602 = vector.broadcast %squeeze3A_468 : f32 to vector<16xf32>
        %max3A_603 = arith.maximumf %get3A_591, %max3A_602 : vector<16xf32>
        %sub3A_604 = arith.subf %min3A_601, %max3A_603 : vector<16xf32>
        %max3A_605 = arith.constant 0.000000e+00 : f32
        %max3A_606 = vector.broadcast %max3A_605 : f32 to vector<16xf32>
        %max3A_607 = arith.maximumf %sub3A_604, %max3A_606 : vector<16xf32>
        %min3A_608 = vector.broadcast %squeeze3A_477 : f32 to vector<16xf32>
        %min3A_609 = arith.minimumf %get3A_597, %min3A_608 : vector<16xf32>
        %max3A_610 = vector.broadcast %squeeze3A_471 : f32 to vector<16xf32>
        %max3A_611 = arith.maximumf %get3A_593, %max3A_610 : vector<16xf32>
        %sub3A_612 = arith.subf %min3A_609, %max3A_611 : vector<16xf32>
        %max3A_613 = arith.constant 0.000000e+00 : f32
        %max3A_614 = vector.broadcast %max3A_613 : f32 to vector<16xf32>
        %max3A_615 = arith.maximumf %sub3A_612, %max3A_614 : vector<16xf32>
        %mul3A_616 = arith.mulf %max3A_607, %max3A_615 : vector<16xf32>
        %add3A_617 = vector.broadcast %mul3A_483 : f32 to vector<16xf32>
        %add3A_618 = arith.addf %get3A_599, %add3A_617 : vector<16xf32>
        %sub3A_619 = arith.subf %add3A_618, %mul3A_616 : vector<16xf32>
        %add3A_620 = arith.constant 9.99999971E-10 : f32
        %add3A_621 = vector.broadcast %add3A_620 : f32 to vector<16xf32>
        %add3A_622 = arith.addf %sub3A_619, %add3A_621 : vector<16xf32>
        %div3A_623 = arith.divf %mul3A_616, %add3A_622 : vector<16xf32>
        %max3A_624 = arith.maximumf %max3A_589, %div3A_623 : vector<16xf32>
        %get3A_625 = arith.constant 64 : index
        %get3A_626 = tpu.vector_load %arg15[%get3A_625] {strides = array<i32>} : memref<112xf32, #tpu.memory_space<vmem>>, vector<16xf32>,
        %get3A_627 = arith.constant 64 : index
        %get3A_628 = tpu.vector_load %arg16[%get3A_627] {strides = array<i32>} : memref<112xf32, #tpu.memory_space<vmem>>, vector<16xf32>,
        %get3A_629 = arith.constant 64 : index
        %get3A_630 = tpu.vector_load %arg17[%get3A_629] {strides = array<i32>} : memref<112xf32, #tpu.memory_space<vmem>>, vector<16xf32>,
        %get3A_631 = arith.constant 64 : index
        %get3A_632 = tpu.vector_load %arg18[%get3A_631] {strides = array<i32>} : memref<112xf32, #tpu.memory_space<vmem>>, vector<16xf32>,
        %get3A_633 = arith.constant 64 : index
        %get3A_634 = tpu.vector_load %arg19[%get3A_633] {strides = array<i32>} : memref<112xf32, #tpu.memory_space<vmem>>, vector<16xf32>,
        %min3A_635 = vector.broadcast %squeeze3A_474 : f32 to vector<16xf32>
        %min3A_636 = arith.minimumf %get3A_630, %min3A_635 : vector<16xf32>
        %max3A_637 = vector.broadcast %squeeze3A_468 : f32 to vector<16xf32>
        %max3A_638 = arith.maximumf %get3A_626, %max3A_637 : vector<16xf32>
        %sub3A_639 = arith.subf %min3A_636, %max3A_638 : vector<16xf32>
        %max3A_640 = arith.constant 0.000000e+00 : f32
        %max3A_641 = vector.broadcast %max3A_640 : f32 to vector<16xf32>
        %max3A_642 = arith.maximumf %sub3A_639, %max3A_641 : vector<16xf32>
        %min3A_643 = vector.broadcast %squeeze3A_477 : f32 to vector<16xf32>
        %min3A_644 = arith.minimumf %get3A_632, %min3A_643 : vector<16xf32>
        %max3A_645 = vector.broadcast %squeeze3A_471 : f32 to vector<16xf32>
        %max3A_646 = arith.maximumf %get3A_628, %max3A_645 : vector<16xf32>
        %sub3A_647 = arith.subf %min3A_644, %max3A_646 : vector<16xf32>
        %max3A_648 = arith.constant 0.000000e+00 : f32
        %max3A_649 = vector.broadcast %max3A_648 : f32 to vector<16xf32>
        %max3A_650 = arith.maximumf %sub3A_647, %max3A_649 : vector<16xf32>
        %mul3A_651 = arith.mulf %max3A_642, %max3A_650 : vector<16xf32>
        %add3A_652 = vector.broadcast %mul3A_483 : f32 to vector<16xf32>
        %add3A_653 = arith.addf %get3A_634, %add3A_652 : vector<16xf32>
        %sub3A_654 = arith.subf %add3A_653, %mul3A_651 : vector<16xf32>
        %add3A_655 = arith.constant 9.99999971E-10 : f32
        %add3A_656 = vector.broadcast %add3A_655 : f32 to vector<16xf32>
        %add3A_657 = arith.addf %sub3A_654, %add3A_656 : vector<16xf32>
        %div3A_658 = arith.divf %mul3A_651, %add3A_657 : vector<16xf32>
        %max3A_659 = arith.maximumf %max3A_624, %div3A_658 : vector<16xf32>
        %get3A_660 = arith.constant 80 : index
        %get3A_661 = tpu.vector_load %arg15[%get3A_660] {strides = array<i32>} : memref<112xf32, #tpu.memory_space<vmem>>, vector<16xf32>,
        %get3A_662 = arith.constant 80 : index
        %get3A_663 = tpu.vector_load %arg16[%get3A_662] {strides = array<i32>} : memref<112xf32, #tpu.memory_space<vmem>>, vector<16xf32>,
        %get3A_664 = arith.constant 80 : index
        %get3A_665 = tpu.vector_load %arg17[%get3A_664] {strides = array<i32>} : memref<112xf32, #tpu.memory_space<vmem>>, vector<16xf32>,
        %get3A_666 = arith.constant 80 : index
        %get3A_667 = tpu.vector_load %arg18[%get3A_666] {strides = array<i32>} : memref<112xf32, #tpu.memory_space<vmem>>, vector<16xf32>,
        %get3A_668 = arith.constant 80 : index
        %get3A_669 = tpu.vector_load %arg19[%get3A_668] {strides = array<i32>} : memref<112xf32, #tpu.memory_space<vmem>>, vector<16xf32>,
        %min3A_670 = vector.broadcast %squeeze3A_474 : f32 to vector<16xf32>
        %min3A_671 = arith.minimumf %get3A_665, %min3A_670 : vector<16xf32>
        %max3A_672 = vector.broadcast %squeeze3A_468 : f32 to vector<16xf32>
        %max3A_673 = arith.maximumf %get3A_661, %max3A_672 : vector<16xf32>
        %sub3A_674 = arith.subf %min3A_671, %max3A_673 : vector<16xf32>
        %max3A_675 = arith.constant 0.000000e+00 : f32
        %max3A_676 = vector.broadcast %max3A_675 : f32 to vector<16xf32>
        %max3A_677 = arith.maximumf %sub3A_674, %max3A_676 : vector<16xf32>
        %min3A_678 = vector.broadcast %squeeze3A_477 : f32 to vector<16xf32>
        %min3A_679 = arith.minimumf %get3A_667, %min3A_678 : vector<16xf32>
        %max3A_680 = vector.broadcast %squeeze3A_471 : f32 to vector<16xf32>
        %max3A_681 = arith.maximumf %get3A_663, %max3A_680 : vector<16xf32>
        %sub3A_682 = arith.subf %min3A_679, %max3A_681 : vector<16xf32>
        %max3A_683 = arith.constant 0.000000e+00 : f32
        %max3A_684 = vector.broadcast %max3A_683 : f32 to vector<16xf32>
        %max3A_685 = arith.maximumf %sub3A_682, %max3A_684 : vector<16xf32>
        %mul3A_686 = arith.mulf %max3A_677, %max3A_685 : vector<16xf32>
        %add3A_687 = vector.broadcast %mul3A_483 : f32 to vector<16xf32>
        %add3A_688 = arith.addf %get3A_669, %add3A_687 : vector<16xf32>
        %sub3A_689 = arith.subf %add3A_688, %mul3A_686 : vector<16xf32>
        %add3A_690 = arith.constant 9.99999971E-10 : f32
        %add3A_691 = vector.broadcast %add3A_690 : f32 to vector<16xf32>
        %add3A_692 = arith.addf %sub3A_689, %add3A_691 : vector<16xf32>
        %div3A_693 = arith.divf %mul3A_686, %add3A_692 : vector<16xf32>
        %max3A_694 = arith.maximumf %max3A_659, %div3A_693 : vector<16xf32>
        %get3A_695 = arith.constant 96 : index
        %get3A_696 = tpu.vector_load %arg15[%get3A_695] {strides = array<i32>} : memref<112xf32, #tpu.memory_space<vmem>>, vector<16xf32>,
        %get3A_697 = arith.constant 96 : index
        %get3A_698 = tpu.vector_load %arg16[%get3A_697] {strides = array<i32>} : memref<112xf32, #tpu.memory_space<vmem>>, vector<16xf32>,
        %get3A_699 = arith.constant 96 : index
        %get3A_700 = tpu.vector_load %arg17[%get3A_699] {strides = array<i32>} : memref<112xf32, #tpu.memory_space<vmem>>, vector<16xf32>,
        %get3A_701 = arith.constant 96 : index
        %get3A_702 = tpu.vector_load %arg18[%get3A_701] {strides = array<i32>} : memref<112xf32, #tpu.memory_space<vmem>>, vector<16xf32>,
        %get3A_703 = arith.constant 96 : index
        %get3A_704 = tpu.vector_load %arg19[%get3A_703] {strides = array<i32>} : memref<112xf32, #tpu.memory_space<vmem>>, vector<16xf32>,
        %min3A_705 = vector.broadcast %squeeze3A_474 : f32 to vector<16xf32>
        %min3A_706 = arith.minimumf %get3A_700, %min3A_705 : vector<16xf32>
        %max3A_707 = vector.broadcast %squeeze3A_468 : f32 to vector<16xf32>
        %max3A_708 = arith.maximumf %get3A_696, %max3A_707 : vector<16xf32>
        %sub3A_709 = arith.subf %min3A_706, %max3A_708 : vector<16xf32>
        %max3A_710 = arith.constant 0.000000e+00 : f32
        %max3A_711 = vector.broadcast %max3A_710 : f32 to vector<16xf32>
        %max3A_712 = arith.maximumf %sub3A_709, %max3A_711 : vector<16xf32>
        %min3A_713 = vector.broadcast %squeeze3A_477 : f32 to vector<16xf32>
        %min3A_714 = arith.minimumf %get3A_702, %min3A_713 : vector<16xf32>
        %max3A_715 = vector.broadcast %squeeze3A_471 : f32 to vector<16xf32>
        %max3A_716 = arith.maximumf %get3A_698, %max3A_715 : vector<16xf32>
        %sub3A_717 = arith.subf %min3A_714, %max3A_716 : vector<16xf32>
        %max3A_718 = arith.constant 0.000000e+00 : f32
        %max3A_719 = vector.broadcast %max3A_718 : f32 to vector<16xf32>
        %max3A_720 = arith.maximumf %sub3A_717, %max3A_719 : vector<16xf32>
        %mul3A_721 = arith.mulf %max3A_712, %max3A_720 : vector<16xf32>
        %add3A_722 = vector.broadcast %mul3A_483 : f32 to vector<16xf32>
        %add3A_723 = arith.addf %get3A_704, %add3A_722 : vector<16xf32>
        %sub3A_724 = arith.subf %add3A_723, %mul3A_721 : vector<16xf32>
        %add3A_725 = arith.constant 9.99999971E-10 : f32
        %add3A_726 = vector.broadcast %add3A_725 : f32 to vector<16xf32>
        %add3A_727 = arith.addf %sub3A_724, %add3A_726 : vector<16xf32>
        %div3A_728 = arith.divf %mul3A_721, %add3A_727 : vector<16xf32>
        %max3A_729 = arith.maximumf %max3A_694, %div3A_728 : vector<16xf32>
        %sort3A_730 = arith.constant dense<true> : vector<16xi1>
        %sort3A_731, %sort3A_732, %sort3A_733 = tpu.sort %max3A_729, %max3A_729 masked %sort3A_730 : (vector<16xf32>, vector<16xf32>, vector<16xi1>) -> (vector<16xi1>, vector<16xf32>, vector<16xf32>)
        %slice3A_734 = vector.extract_strided_slice %sort3A_732 {offsets = [15], sizes = [1], strides = [1]} : vector<16xf32> to vector<1xf32>
        %squeeze3A_735 = vector.extract %slice3A_734[0] : f32 from vector<1xf32>
        %le3A = arith.constant 6.000000e-01 : f32
        %le3A_736 = arith.cmpf ole, %squeeze3A_735, %le3A : f32
        %gt3A = arith.constant 0.000000e+00 : f32
        %gt3A_737 = arith.cmpf ogt, %squeeze3A, %gt3A : f32
        %and3A = arith.andi %le3A_736, %gt3A_737 : i1
        %convert_element_type3A_738 = arith.extui %and3A : i1 to i32
        %cond3A_739 = arith.constant 0 : i32
        %cond3A_740 = arith.cmpi ne, %convert_element_type3A_738, %cond3A_739 : i32
        scf.if %cond3A_740 {
          %iota3A_747 = tpu.iota {dimensions = array<i32: 0>} : vector<16xi32>
          %eq3A_748 = arith.constant 0 : i32
          %eq3A_749 = vector.broadcast %eq3A_748 : i32 to vector<16xi32>
          %eq3A_750 = arith.cmpi eq, %iota3A_747, %eq3A_749 : vector<16xi32>
          %broadcast_in_dim3A_751 = vector.broadcast %while3A_161 : i32 to vector<16xi32>
          %broadcast_in_dim3A_752 = vector.broadcast %squeeze3A_468 : f32 to vector<16xf32>
          tpu.vector_store_idx %arg15[%broadcast_in_dim3A_751], %broadcast_in_dim3A_752 masked %eq3A_750 : memref<112xf32, #tpu.memory_space<vmem>>[vector<16xi32>], vector<16xf32>, vector<16xi1>
          %iota3A_753 = tpu.iota {dimensions = array<i32: 0>} : vector<16xi32>
          %eq3A_754 = arith.constant 0 : i32
          %eq3A_755 = vector.broadcast %eq3A_754 : i32 to vector<16xi32>
          %eq3A_756 = arith.cmpi eq, %iota3A_753, %eq3A_755 : vector<16xi32>
          %broadcast_in_dim3A_757 = vector.broadcast %while3A_161 : i32 to vector<16xi32>
          %broadcast_in_dim3A_758 = vector.broadcast %squeeze3A_471 : f32 to vector<16xf32>
          tpu.vector_store_idx %arg16[%broadcast_in_dim3A_757], %broadcast_in_dim3A_758 masked %eq3A_756 : memref<112xf32, #tpu.memory_space<vmem>>[vector<16xi32>], vector<16xf32>, vector<16xi1>
          %iota3A_759 = tpu.iota {dimensions = array<i32: 0>} : vector<16xi32>
          %eq3A_760 = arith.constant 0 : i32
          %eq3A_761 = vector.broadcast %eq3A_760 : i32 to vector<16xi32>
          %eq3A_762 = arith.cmpi eq, %iota3A_759, %eq3A_761 : vector<16xi32>
          %broadcast_in_dim3A_763 = vector.broadcast %while3A_161 : i32 to vector<16xi32>
          %broadcast_in_dim3A_764 = vector.broadcast %squeeze3A_474 : f32 to vector<16xf32>
          tpu.vector_store_idx %arg17[%broadcast_in_dim3A_763], %broadcast_in_dim3A_764 masked %eq3A_762 : memref<112xf32, #tpu.memory_space<vmem>>[vector<16xi32>], vector<16xf32>, vector<16xi1>
          %iota3A_765 = tpu.iota {dimensions = array<i32: 0>} : vector<16xi32>
          %eq3A_766 = arith.constant 0 : i32
          %eq3A_767 = vector.broadcast %eq3A_766 : i32 to vector<16xi32>
          %eq3A_768 = arith.cmpi eq, %iota3A_765, %eq3A_767 : vector<16xi32>
          %broadcast_in_dim3A_769 = vector.broadcast %while3A_161 : i32 to vector<16xi32>
          %broadcast_in_dim3A_770 = vector.broadcast %squeeze3A_477 : f32 to vector<16xf32>
          tpu.vector_store_idx %arg18[%broadcast_in_dim3A_769], %broadcast_in_dim3A_770 masked %eq3A_768 : memref<112xf32, #tpu.memory_space<vmem>>[vector<16xi32>], vector<16xf32>, vector<16xi1>
          %iota3A_771 = tpu.iota {dimensions = array<i32: 0>} : vector<16xi32>
          %eq3A_772 = arith.constant 0 : i32
          %eq3A_773 = vector.broadcast %eq3A_772 : i32 to vector<16xi32>
          %eq3A_774 = arith.cmpi eq, %iota3A_771, %eq3A_773 : vector<16xi32>
          %broadcast_in_dim3A_775 = vector.broadcast %while3A_161 : i32 to vector<16xi32>
          %broadcast_in_dim3A_776 = vector.broadcast %mul3A_483 : f32 to vector<16xf32>
          tpu.vector_store_idx %arg19[%broadcast_in_dim3A_775], %broadcast_in_dim3A_776 masked %eq3A_774 : memref<112xf32, #tpu.memory_space<vmem>>[vector<16xi32>], vector<16xf32>, vector<16xi1>
          %iota3A_777 = tpu.iota {dimensions = array<i32: 0>} : vector<16xi32>
          %eq3A_778 = arith.constant 0 : i32
          %eq3A_779 = vector.broadcast %eq3A_778 : i32 to vector<16xi32>
          %eq3A_780 = arith.cmpi eq, %iota3A_777, %eq3A_779 : vector<16xi32>
          %eq3A_781 = arith.constant 1 : i32
          %eq3A_782 = vector.broadcast %eq3A_781 : i32 to vector<16xi32>
          %eq3A_783 = arith.cmpi eq, %iota3A_777, %eq3A_782 : vector<16xi32>
          %eq3A_784 = arith.constant 2 : i32
          %eq3A_785 = vector.broadcast %eq3A_784 : i32 to vector<16xi32>
          %eq3A_786 = arith.cmpi eq, %iota3A_777, %eq3A_785 : vector<16xi32>
          %broadcast_in_dim3A_787 = vector.broadcast %squeeze3A_474 : f32 to vector<16xf32>
          %broadcast_in_dim3A_788 = vector.broadcast %squeeze3A_477 : f32 to vector<16xf32>
          %select_n3A_789 = arith.select %eq3A_786, %broadcast_in_dim3A_787, %broadcast_in_dim3A_788 : vector<16xi1>, vector<16xf32>
          %broadcast_in_dim3A_790 = vector.broadcast %squeeze3A_471 : f32 to vector<16xf32>
          %select_n3A_791 = arith.select %eq3A_783, %broadcast_in_dim3A_790, %select_n3A_789 : vector<16xi1>, vector<16xf32>
          %broadcast_in_dim3A_792 = vector.broadcast %squeeze3A_468 : f32 to vector<16xf32>
          %select_n3A_793 = arith.select %eq3A_780, %broadcast_in_dim3A_792, %select_n3A_791 : vector<16xi1>, vector<16xf32>
          %mul3A_794 = arith.constant 4 : i32
          %mul3A_795 = arith.muli %while3A_161, %mul3A_794 : i32
          %broadcast_in_dim3A_796 = vector.broadcast %mul3A_795 : i32 to vector<16xi32>
          %add3A_797 = arith.addi %broadcast_in_dim3A_796, %iota3A_777 : vector<16xi32>
          %lt3A_798 = arith.constant 4 : i32
          %lt3A_799 = vector.broadcast %lt3A_798 : i32 to vector<16xi32>
          %lt3A_800 = arith.cmpi slt, %iota3A_777, %lt3A_799 : vector<16xi32>
          tpu.vector_store_idx %arg20[%add3A_797], %select_n3A_793 masked %lt3A_800 : memref<400xf32, #tpu.memory_space<vmem>>[vector<16xi32>], vector<16xf32>, vector<16xi1>
          %iota3A_801 = tpu.iota {dimensions = array<i32: 0>} : vector<16xi32>
          %eq3A_802 = arith.constant 0 : i32
          %eq3A_803 = vector.broadcast %eq3A_802 : i32 to vector<16xi32>
          %eq3A_804 = arith.cmpi eq, %iota3A_801, %eq3A_803 : vector<16xi32>
          %broadcast_in_dim3A_805 = vector.broadcast %while3A_161 : i32 to vector<16xi32>
          %broadcast_in_dim3A_806 = vector.broadcast %squeeze3A : f32 to vector<16xf32>
          tpu.vector_store_idx %arg21[%broadcast_in_dim3A_805], %broadcast_in_dim3A_806 masked %eq3A_804 : memref<112xf32, #tpu.memory_space<vmem>>[vector<16xi32>], vector<16xf32>, vector<16xi1>
        } else {
        }
        %convert_element_type3A_741 = arith.extui %and3A : i1 to i32
        %add3A_742 = arith.addi %while3A_161, %convert_element_type3A_741 : i32
        %le3A_743 = arith.constant 0.000000e+00 : f32
        %le3A_744 = arith.cmpf ole, %squeeze3A, %le3A_743 : f32
        %jit3A = arith.constant 1 : i32
        %jit3A_745 = arith.constant 0 : i32
        %select_n3A_746 = arith.select %le3A_744, %jit3A, %jit3A_745 : i32
        scf.yield %add3A_742, %select_n3A_746 : i32, i32
      }
      "tpu.region"() ({
        %run_scoped3A = tpu.sem_alloc : memref<!tpu.dma_semaphore, #tpu.memory_space<semaphore_mem>>
        %dma_start3A = arith.constant 0 : i32
        %dma_start3A_161 = tpu.memref_slice %arg7[%add3A_13, %dma_start3A] : memref<80x400xf32, #tpu.memory_space<hbm>> -> memref<1x400xf32, #tpu.memory_space<hbm>>
        %dma_start3A_162 = tpu.memref_squeeze %dma_start3A_161 : memref<1x400xf32, #tpu.memory_space<hbm>> -> memref<400xf32, #tpu.memory_space<hbm>>
        %dma_start3A_163 = arith.constant 0 : i32
        %dma_start3A_164 = tpu.memref_slice %arg7[%add3A_13, %dma_start3A_163] : memref<80x400xf32, #tpu.memory_space<hbm>> -> memref<1x400xf32, #tpu.memory_space<hbm>>
        %dma_start3A_165 = tpu.memref_squeeze %dma_start3A_164 : memref<1x400xf32, #tpu.memory_space<hbm>> -> memref<400xf32, #tpu.memory_space<hbm>>
        tpu.enqueue_dma source(%arg20 : memref<400xf32, #tpu.memory_space<vmem>>) target(%dma_start3A_165 : memref<400xf32, #tpu.memory_space<hbm>>) target_semaphore(%run_scoped3A : memref<!tpu.dma_semaphore, #tpu.memory_space<semaphore_mem>>)
        %dma_wait3A = arith.constant 0 : i32
        %dma_wait3A_166 = tpu.memref_slice %arg7[%add3A_13, %dma_wait3A] : memref<80x400xf32, #tpu.memory_space<hbm>> -> memref<1x400xf32, #tpu.memory_space<hbm>>
        %dma_wait3A_167 = tpu.memref_squeeze %dma_wait3A_166 : memref<1x400xf32, #tpu.memory_space<hbm>> -> memref<400xf32, #tpu.memory_space<hbm>>
        %dma_wait3A_168 = arith.constant 0 : i32
        %dma_wait3A_169 = tpu.memref_slice %arg7[%add3A_13, %dma_wait3A_168] : memref<80x400xf32, #tpu.memory_space<hbm>> -> memref<1x400xf32, #tpu.memory_space<hbm>>
        %dma_wait3A_170 = tpu.memref_squeeze %dma_wait3A_169 : memref<1x400xf32, #tpu.memory_space<hbm>> -> memref<400xf32, #tpu.memory_space<hbm>>
        tpu.wait_dma2 semaphore(%run_scoped3A : memref<!tpu.dma_semaphore, #tpu.memory_space<semaphore_mem>>) src(%arg20 : memref<400xf32, #tpu.memory_space<vmem>>) dst(%dma_wait3A_170 : memref<400xf32, #tpu.memory_space<hbm>>)
        tpu.yield
      }) : () -> ()
      "tpu.region"() ({
        %run_scoped3A = tpu.sem_alloc : memref<!tpu.dma_semaphore, #tpu.memory_space<semaphore_mem>>
        %dma_start3A = arith.constant 0 : i32
        %dma_start3A_161 = tpu.memref_slice %arg8[%add3A_13, %dma_start3A] : memref<80x112xf32, #tpu.memory_space<hbm>> -> memref<1x112xf32, #tpu.memory_space<hbm>>
        %dma_start3A_162 = tpu.memref_squeeze %dma_start3A_161 : memref<1x112xf32, #tpu.memory_space<hbm>> -> memref<112xf32, #tpu.memory_space<hbm>>
        %dma_start3A_163 = arith.constant 0 : i32
        %dma_start3A_164 = tpu.memref_slice %arg8[%add3A_13, %dma_start3A_163] : memref<80x112xf32, #tpu.memory_space<hbm>> -> memref<1x112xf32, #tpu.memory_space<hbm>>
        %dma_start3A_165 = tpu.memref_squeeze %dma_start3A_164 : memref<1x112xf32, #tpu.memory_space<hbm>> -> memref<112xf32, #tpu.memory_space<hbm>>
        tpu.enqueue_dma source(%arg21 : memref<112xf32, #tpu.memory_space<vmem>>) target(%dma_start3A_165 : memref<112xf32, #tpu.memory_space<hbm>>) target_semaphore(%run_scoped3A : memref<!tpu.dma_semaphore, #tpu.memory_space<semaphore_mem>>)
        %dma_wait3A = arith.constant 0 : i32
        %dma_wait3A_166 = tpu.memref_slice %arg8[%add3A_13, %dma_wait3A] : memref<80x112xf32, #tpu.memory_space<hbm>> -> memref<1x112xf32, #tpu.memory_space<hbm>>
        %dma_wait3A_167 = tpu.memref_squeeze %dma_wait3A_166 : memref<1x112xf32, #tpu.memory_space<hbm>> -> memref<112xf32, #tpu.memory_space<hbm>>
        %dma_wait3A_168 = arith.constant 0 : i32
        %dma_wait3A_169 = tpu.memref_slice %arg8[%add3A_13, %dma_wait3A_168] : memref<80x112xf32, #tpu.memory_space<hbm>> -> memref<1x112xf32, #tpu.memory_space<hbm>>
        %dma_wait3A_170 = tpu.memref_squeeze %dma_wait3A_169 : memref<1x112xf32, #tpu.memory_space<hbm>> -> memref<112xf32, #tpu.memory_space<hbm>>
        tpu.wait_dma2 semaphore(%run_scoped3A : memref<!tpu.dma_semaphore, #tpu.memory_space<semaphore_mem>>) src(%arg21 : memref<112xf32, #tpu.memory_space<vmem>>) dst(%dma_wait3A_170 : memref<112xf32, #tpu.memory_space<hbm>>)
        tpu.yield
      }) : () -> ()
    } else {
    }
    return
  }
}

module attributes {stable_mosaic.version = 14 : i64} {
  func.func @_score_body(%arg0: i32, %arg1: memref<16x160x128xf32, #tpu.memory_space<vmem>>, %arg2: memref<16x160x128xf32, #tpu.memory_space<vmem>>) attributes {dimension_semantics = [#tpu.dimension_semantics<arbitrary>], iteration_bounds = array<i64: 5>, scalar_prefetch = 0 : i64, scratch_operands = 0 : i64, tpu.core_type = #tpu.core_type<tc>, window_params = [{transform_indices = @transform_0, window_bounds = array<i64: 16, 160, 128>}, {transform_indices = @transform_1, window_bounds = array<i64: 16, 160, 128>}]} {
    %get3A = arith.constant 0 : index
    %get3A_0 = arith.constant 0 : index
    %get3A_1 = arith.constant 0 : index
    %get3A_2 = vector.load %arg1[%get3A, %get3A_0, %get3A_1] : memref<16x160x128xf32, #tpu.memory_space<vmem>>, vector<16x160x128xf32>
    %logistic3A = arith.negf %get3A_2 : vector<16x160x128xf32>
    %logistic3A_3 = math.exp %logistic3A : vector<16x160x128xf32>
    %logistic3A_4 = arith.constant 1.000000e+00 : f32
    %logistic3A_5 = vector.broadcast %logistic3A_4 : f32 to vector<16x160x128xf32>
    %logistic3A_6 = arith.addf %logistic3A_5, %logistic3A_3 : vector<16x160x128xf32>
    %logistic3A_7 = arith.divf %logistic3A_5, %logistic3A_6 : vector<16x160x128xf32>
    %gt3A = arith.constant 3.000000e-01 : f32
    %gt3A_8 = vector.broadcast %gt3A : f32 to vector<16x160x128xf32>
    %gt3A_9 = arith.cmpf ogt, %logistic3A_7, %gt3A_8 : vector<16x160x128xf32>
    %jit3A = arith.constant -1.000000e+00 : f32
    %broadcast_in_dim3A = vector.broadcast %jit3A : f32 to vector<16x160x128xf32>
    %select_n3A = arith.select %gt3A_9, %logistic3A_7, %broadcast_in_dim3A : vector<16x160x128xi1>, vector<16x160x128xf32>
    %swap3A = arith.constant 0 : index
    %swap3A_10 = arith.constant 0 : index
    %swap3A_11 = arith.constant 0 : index
    %swap3A_12 = vector.load %arg2[%swap3A, %swap3A_10, %swap3A_11] : memref<16x160x128xf32, #tpu.memory_space<vmem>>, vector<16x160x128xf32>
    tpu.vector_store %arg2[%swap3A, %swap3A_10, %swap3A_11], %select_n3A {strides = array<i32>} : memref<16x160x128xf32, #tpu.memory_space<vmem>>, vector<16x160x128xf32>,
    return
  }
  func.func @transform_0(%arg0: i32) -> (i32, i32, i32) {
    %c0_i32 = arith.constant 0 : i32
    %c0_i32_0 = arith.constant 0 : i32
    %c0_i32_1 = arith.constant 0 : i32
    return %arg0, %c0_i32, %c0_i32_0 : i32, i32, i32
  }
  func.func @transform_1(%arg0: i32) -> (i32, i32, i32) {
    %c0_i32 = arith.constant 0 : i32
    %c0_i32_0 = arith.constant 0 : i32
    %c0_i32_1 = arith.constant 0 : i32
    return %arg0, %c0_i32, %c0_i32_0 : i32, i32, i32
  }
}

module attributes {stable_mosaic.version = 14 : i64} {
  func.func @_decode_body(%arg0: memref<160x128xf32, #tpu.memory_space<vmem>>, %arg1: memref<160x128xf32, #tpu.memory_space<vmem>>, %arg2: memref<160x128xf32, #tpu.memory_space<vmem>>, %arg3: memref<160x128xf32, #tpu.memory_space<vmem>>, %arg4: memref<160x128xf32, #tpu.memory_space<vmem>>, %arg5: memref<160x128xf32, #tpu.memory_space<vmem>>, %arg6: memref<160x128xf32, #tpu.memory_space<vmem>>, %arg7: memref<160x128xf32, #tpu.memory_space<vmem>>, %arg8: memref<160x128xf32, #tpu.memory_space<vmem>>, %arg9: memref<160x128xf32, #tpu.memory_space<vmem>>, %arg10: memref<160x128xf32, #tpu.memory_space<vmem>>, %arg11: memref<160x128xf32, #tpu.memory_space<vmem>>) attributes {dimension_semantics = [], scalar_prefetch = 0 : i64, scratch_operands = 0 : i64, tpu.core_type = #tpu.core_type<tc>} {
    %get3A = arith.constant 0 : index
    %get3A_0 = arith.constant 0 : index
    %get3A_1 = vector.load %arg0[%get3A, %get3A_0] : memref<160x128xf32, #tpu.memory_space<vmem>>, vector<160x128xf32>
    %get3A_2 = arith.constant 0 : index
    %get3A_3 = arith.constant 0 : index
    %get3A_4 = vector.load %arg6[%get3A_2, %get3A_3] : memref<160x128xf32, #tpu.memory_space<vmem>>, vector<160x128xf32>
    %mul3A = arith.mulf %get3A_1, %get3A_4 : vector<160x128xf32>
    %get3A_5 = arith.constant 0 : index
    %get3A_6 = arith.constant 0 : index
    %get3A_7 = vector.load %arg4[%get3A_5, %get3A_6] : memref<160x128xf32, #tpu.memory_space<vmem>>, vector<160x128xf32>
    %add3A = arith.addf %mul3A, %get3A_7 : vector<160x128xf32>
    %get3A_8 = arith.constant 0 : index
    %get3A_9 = arith.constant 0 : index
    %get3A_10 = vector.load %arg1[%get3A_8, %get3A_9] : memref<160x128xf32, #tpu.memory_space<vmem>>, vector<160x128xf32>
    %get3A_11 = arith.constant 0 : index
    %get3A_12 = arith.constant 0 : index
    %get3A_13 = vector.load %arg7[%get3A_11, %get3A_12] : memref<160x128xf32, #tpu.memory_space<vmem>>, vector<160x128xf32>
    %mul3A_14 = arith.mulf %get3A_10, %get3A_13 : vector<160x128xf32>
    %get3A_15 = arith.constant 0 : index
    %get3A_16 = arith.constant 0 : index
    %get3A_17 = vector.load %arg5[%get3A_15, %get3A_16] : memref<160x128xf32, #tpu.memory_space<vmem>>, vector<160x128xf32>
    %add3A_18 = arith.addf %mul3A_14, %get3A_17 : vector<160x128xf32>
    %get3A_19 = arith.constant 0 : index
    %get3A_20 = arith.constant 0 : index
    %get3A_21 = vector.load %arg2[%get3A_19, %get3A_20] : memref<160x128xf32, #tpu.memory_space<vmem>>, vector<160x128xf32>
    %exp3A = math.exp %get3A_21 : vector<160x128xf32>
    %get3A_22 = arith.constant 0 : index
    %get3A_23 = arith.constant 0 : index
    %get3A_24 = vector.load %arg6[%get3A_22, %get3A_23] : memref<160x128xf32, #tpu.memory_space<vmem>>, vector<160x128xf32>
    %mul3A_25 = arith.mulf %exp3A, %get3A_24 : vector<160x128xf32>
    %get3A_26 = arith.constant 0 : index
    %get3A_27 = arith.constant 0 : index
    %get3A_28 = vector.load %arg3[%get3A_26, %get3A_27] : memref<160x128xf32, #tpu.memory_space<vmem>>, vector<160x128xf32>
    %exp3A_29 = math.exp %get3A_28 : vector<160x128xf32>
    %get3A_30 = arith.constant 0 : index
    %get3A_31 = arith.constant 0 : index
    %get3A_32 = vector.load %arg7[%get3A_30, %get3A_31] : memref<160x128xf32, #tpu.memory_space<vmem>>, vector<160x128xf32>
    %mul3A_33 = arith.mulf %exp3A_29, %get3A_32 : vector<160x128xf32>
    %div3A = arith.constant 2.000000e+00 : f32
    %div3A_34 = vector.broadcast %div3A : f32 to vector<160x128xf32>
    %div3A_35 = arith.divf %mul3A_25, %div3A_34 : vector<160x128xf32>
    %sub3A = arith.subf %add3A, %div3A_35 : vector<160x128xf32>
    %swap3A = arith.constant 0 : index
    %swap3A_36 = arith.constant 0 : index
    %swap3A_37 = vector.load %arg8[%swap3A, %swap3A_36] : memref<160x128xf32, #tpu.memory_space<vmem>>, vector<160x128xf32>
    tpu.vector_store %arg8[%swap3A, %swap3A_36], %sub3A {strides = array<i32>} : memref<160x128xf32, #tpu.memory_space<vmem>>, vector<160x128xf32>,
    %div3A_38 = arith.constant 2.000000e+00 : f32
    %div3A_39 = vector.broadcast %div3A_38 : f32 to vector<160x128xf32>
    %div3A_40 = arith.divf %mul3A_33, %div3A_39 : vector<160x128xf32>
    %sub3A_41 = arith.subf %add3A_18, %div3A_40 : vector<160x128xf32>
    %swap3A_42 = arith.constant 0 : index
    %swap3A_43 = arith.constant 0 : index
    %swap3A_44 = vector.load %arg9[%swap3A_42, %swap3A_43] : memref<160x128xf32, #tpu.memory_space<vmem>>, vector<160x128xf32>
    tpu.vector_store %arg9[%swap3A_42, %swap3A_43], %sub3A_41 {strides = array<i32>} : memref<160x128xf32, #tpu.memory_space<vmem>>, vector<160x128xf32>,
    %div3A_45 = arith.constant 2.000000e+00 : f32
    %div3A_46 = vector.broadcast %div3A_45 : f32 to vector<160x128xf32>
    %div3A_47 = arith.divf %mul3A_25, %div3A_46 : vector<160x128xf32>
    %add3A_48 = arith.addf %add3A, %div3A_47 : vector<160x128xf32>
    %swap3A_49 = arith.constant 0 : index
    %swap3A_50 = arith.constant 0 : index
    %swap3A_51 = vector.load %arg10[%swap3A_49, %swap3A_50] : memref<160x128xf32, #tpu.memory_space<vmem>>, vector<160x128xf32>
    tpu.vector_store %arg10[%swap3A_49, %swap3A_50], %add3A_48 {strides = array<i32>} : memref<160x128xf32, #tpu.memory_space<vmem>>, vector<160x128xf32>,
    %div3A_52 = arith.constant 2.000000e+00 : f32
    %div3A_53 = vector.broadcast %div3A_52 : f32 to vector<160x128xf32>
    %div3A_54 = arith.divf %mul3A_33, %div3A_53 : vector<160x128xf32>
    %add3A_55 = arith.addf %add3A_18, %div3A_54 : vector<160x128xf32>
    %swap3A_56 = arith.constant 0 : index
    %swap3A_57 = arith.constant 0 : index
    %swap3A_58 = vector.load %arg11[%swap3A_56, %swap3A_57] : memref<160x128xf32, #tpu.memory_space<vmem>>, vector<160x128xf32>
    tpu.vector_store %arg11[%swap3A_56, %swap3A_57], %add3A_55 {strides = array<i32>} : memref<160x128xf32, #tpu.memory_space<vmem>>, vector<160x128xf32>,
    return
  }
}

</mosaic_0001>

<sc_bundles>
// kernel: kernel.5.cloned.1.call-start
scs
__scs_entry_jumppad:
0x0: {  	(pc) =	sbr.rel $0x88, $3  }
0x1: {  	(tag) =	ssettag $0x0;
	lr =	simm.s32 $0x1  }
0x2: {  	[smem:$0x3F9E] =	sst lr;
	_ =	strace $0xD0000000  }
0x3: {  	_ = 	snop  }
0x4: {  	_ = 	snop  }
0x5: {  	_ = 	snop  }
0x6: {  	_ = 	snop  }
0x7: {  	_ = 	snop  }
__scs_overlays_trampoline_lowered:
0x8: {  	[smem:$0x3FAD] =	sst s0  }
0x9: {  	[smem:$0x3FAE] =	sst s1  }
0xa: {  	[smem:$0x3FAF] =	sst s2  }
0xb: {  	[smem:$0x3FB0] =	sst s3  }
0xc: {  	[smem:$0x3FB1] =	sst s4  }
0xd: {  	[smem:$0x3FB2] =	sst s5  }
0xe: {  	[smem:$0x3FB3] =	sst s6  }
0xf: {  	[smem:$0x3FB4] =	sst s7  }
0x10: {  	[smem:$0x3FB5] =	sst s8  }
0x11: {  	[smem:$0x3FB6] =	sst s9;
	s0 =	simm.s32 @!p0 $0x0  }
0x12: {  	s1 =	sld [smem:$0x3F9C];
	s0 =	simm.s32 @p0 $0x1  }
0x13: {  	[smem:$0x3FB7] =	sst s0;
	s0 =	simm.s32 @!p1 $0x0  }
0x14: {  	s2 =	sld [smem:$0x3F9B];
	s0 =	simm.s32 @p1 $0x1  }
0x15: {  	[smem:$0x3FB8] =	sst s0;
	s0 =	simm.s32 @!p2 $0x0  }
0x16: {  	s3 =	sld [smem:$0x3FDB];
	s0 =	simm.s32 @p2 $0x1  }
0x17: {  	s4 =	simm.s32 $0x1BF5;
	[smem:$0x3FBA] =	sst s0  }
0x18: {  	s0 =	sld [smem:$0x3F9D];
	_ =	swait.ge [sflag:s4], $0x0  }
0x19: {  	s7 =	sld [smem:$0x3F9E]  }
0x1a: {  	s8 =	sadd.s32 $0xFFFFE003, lr  }
0x1b: {  	s9 =	sadd.s32 $0xFFFFFEF7, lr;
	s5 =	simm.s32 $0xFFFFFFFF;
	p2 =	slt.u32 s8, $0xFFFFF086  }
0x1c: {  	p1 =	slt.u32 s9, $0xF7A;
	s5 =	simm.s32 @!p2 $0x0  }
0x1d: {  	s5 =	simm.s32 @p1 $0x1;
	p0 =	seq.s32 s7, s2  }
0x1e: {  	s7 =	smul.u32 @!p0 $0xF7A, s2;
	p2 =	seq.s32 @!p0 s5, $0x0  }
0x1f: {  	s9 =	smul.u32 $0xF7A, s1;
	s8 =	simm.s32 @!p0 $0x1BF5;
	p2 =	por !p2, p0  }
0x20: {  	[sflag:s8] =	ssyncset.s32 @!p0 $0xFFFFF086;
	s6 =	sadd.s32 @!p0 s3, s7;
	s7 =	simm.s32 @!p0 $0x108  }
0x21: {  	s3 =	sadd.s32 s3, s9;
	s6 =	sadd.s32 @!p0 $0x88, s6;
	s7 =	simm.s32 @p2 $0x1082  }
0x22: {  	[simem:s7], [sflag:s8] =	dma.local @!p0 [hbm:s6], $0xF7A  }
0x23: {  	s9 =	sor.u32 $0xD0000000, s2;
	s6 =	simm.s32 $0x108;
	_ =	swait.ge @!p0 [sflag:s8], $0x0  }
0x24: {  	s3 =	sadd.s32 $0x88, s3;
	s6 =	simm.s32 @!p1 $0x1082;
	[sflag:s4] =	ssyncset.s32 $0xFFFFF086  }
0x25: {  	[simem:s6], [sflag:s4] =	dma.local [hbm:s3], $0xF7A  }
0x26: {  	[smem:$0x3F9E] =	sst s1;
	(tag) =	ssettag s2;
	_ =	strace s9  }
0x27: {  	s1 =	sld [smem:$0x3FAE]  }
0x28: {  	s2 =	sld [smem:$0x3FAF]  }
0x29: {  	s4 =	sld [smem:$0x3FB1]  }
0x2a: {  	p0 =	seq.s32 s5, $0x0;
	s5 =	sld [smem:$0x3FB2]  }
0x2b: {  	s6 =	sld [smem:$0x3FB3]  }
0x2c: {  	s7 =	sld [smem:$0x3FB4]  }
0x2d: {  	s3 =	simm.s32 $0x108;
	s8 =	sld [smem:$0x3FB5]  }
0x2e: {  	s3 =	simm.s32 @!p0 $0x1082;
	s9 =	sld [smem:$0x3FB6]  }
0x2f: {  	lr =	sadd.s32 s0, s3;
	s0 =	sld [smem:$0x3FAD]  }
0x30: {  	s3 =	sld [smem:$0x3FB0]  }
0x31: {  	[smem:$0x3FB9] =	sst s10  }
0x32: {  	s10 =	sld [smem:$0x3FB7];
	_ =	sdelay $0x3  }
0x33: {  	p0 =	seq.s32 s10, $0x1;
	s10 =	sld [smem:$0x3FB9];
	_ =	sdelay $0x3  }
0x34: {  	[smem:$0x3FB9] =	sst s10  }
0x35: {  	s10 =	sld [smem:$0x3FB8];
	_ =	sdelay $0x3  }
0x36: {  	p1 =	seq.s32 s10, $0x1;
	s10 =	sld [smem:$0x3FB9];
	_ =	sdelay $0x3  }
0x37: {  	[smem:$0x3FB9] =	sst s10  }
0x38: {  	s10 =	sld [smem:$0x3FBA]  }
0x39: {  	_ = 	snop;
	(pc) =	sbr.ind lr, $3  }
0x3a: {  	_ = 	snop  }
0x3b: {  	_ = 	snop  }
0x3c: {  	p2 =	seq.s32 s10, $0x1;
	s10 =	sld [smem:$0x3FB9]  }
0x3d: {  	_ =	shalt  }
0x3e: {  	_ =	shalt  }
0x3f: {  	_ =	shalt  }
0x40: {  	_ =	shalt  }
0x41: {  	_ =	shalt  }
0x42: {  	_ =	shalt  }
0x43: {  	_ =	shalt  }
0x44: {  	_ =	shalt  }
0x45: {  	_ =	shalt  }
0x46: {  	_ =	shalt  }
0x47: {  	_ =	shalt  }
0x48: {  	_ =	shalt  }
0x49: {  	_ =	shalt  }
0x4a: {  	_ =	shalt  }
0x4b: {  	_ =	shalt  }
0x4c: {  	_ =	shalt  }
0x4d: {  	_ =	shalt  }
0x4e: {  	_ =	shalt  }
0x4f: {  	_ =	shalt  }
0x50: {  	_ =	shalt  }
0x51: {  	_ =	shalt  }
0x52: {  	_ =	shalt  }
0x53: {  	_ =	shalt  }
0x54: {  	_ =	shalt  }
0x55: {  	_ =	shalt  }
0x56: {  	_ =	shalt  }
0x57: {  	_ =	shalt  }
0x58: {  	_ =	shalt  }
0x59: {  	_ =	shalt  }
0x5a: {  	_ =	shalt  }
0x5b: {  	_ =	shalt  }
0x5c: {  	_ =	shalt  }
0x5d: {  	_ =	shalt  }
0x5e: {  	_ =	shalt  }
0x5f: {  	_ =	shalt  }
0x60: {  	_ =	shalt  }
0x61: {  	_ =	shalt  }
0x62: {  	_ =	shalt  }
0x63: {  	_ =	shalt  }
0x64: {  	_ =	shalt  }
0x65: {  	_ =	shalt  }
0x66: {  	_ =	shalt  }
0x67: {  	_ =	shalt  }
0x68: {  	_ =	shalt  }
0x69: {  	_ =	shalt  }
0x6a: {  	_ =	shalt  }
0x6b: {  	_ =	shalt  }
0x6c: {  	_ =	shalt  }
0x6d: {  	_ =	shalt  }
0x6e: {  	_ =	shalt  }
0x6f: {  	_ =	shalt  }
0x70: {  	_ =	shalt  }
0x71: {  	_ =	shalt  }
0x72: {  	_ =	shalt  }
0x73: {  	_ =	shalt  }
0x74: {  	_ =	shalt  }
0x75: {  	_ =	shalt  }
0x76: {  	_ =	shalt  }
0x77: {  	_ =	shalt  }
0x78: {  	_ =	shalt  }
0x79: {  	_ =	shalt  }
0x7a: {  	_ =	shalt  }
0x7b: {  	_ =	shalt  }
0x7c: {  	_ =	shalt  }
0x7d: {  	_ =	shalt  }
0x7e: {  	_ =	shalt  }
0x7f: {  	_ =	shalt  }
0x80: {  	_ =	shalt  }
0x81: {  	_ =	shalt  }
0x82: {  	_ =	shalt  }
0x83: {  	_ =	shalt  }
0x84: {  	_ =	shalt  }
0x85: {  	_ =	shalt  }
0x86: {  	_ =	shalt  }
0x87: {  	_ =	shalt  }
.Lfunc_end0:
.L_simem_size_0:
called_computation_lowered:
.L_overlay_start_0:
0x88: {  	s2 =	sld [smem:$0x3FD9]  }
0x89: {  	s3 =	sld [smem:$0x3FFE];
	_ =	sdelay $0x1  }
0x8a: {  	s1 =	srdreg.scid  }
0x8b: {  	s0 =	sand.u32 $0x1, s1  }
0x8c: {  	s14 =	sshll.u32 s0, $0xA;
	s2 =	sadd.s32 s3, s2  }
0x8d: {  	s2 =	sadd.s32 s2, s14  }
0x8e: {  	[smem:$0x3FC5] =	sst s2  }
0x8f: {  	_ = 	snop  }
0x90: {  	s2 =	sld [smem:$0x3FD0];
	_ =	sdelay $0x2  }
0x91: {  	s15 =	simm.s32 $0xA;
	s4 =	simm.s32 $0x10  }
0x92: {  	[smem:s4], [sflag:s15] =	dma.local [hbm:s2], $0x1  }
0x93: {  	_ =	swait.eq [sflag:s15], $0x1  }
0x94: {  	[sflag:s15] =	ssyncset.done $0x0  }
0x95: {  	s16 =	sld [smem:$0x10];
	[sflag:s15] =	ssyncadd.s32 $0xFFFFFFFF  }
0x96: {  	s17 =	sld [smem:$0x12];
	(tm) =	ssettm $0x1  }
0x97: {  	s18 =	sld [smem:$0x3FFB];
	_ =	sdelay $0x3  }
0x98: {  	_ =	strace s18  }
0x99: {  	s4 =	sld [smem:$0x3FFC];
	_ =	sdelay $0x3  }
0x9a: {  	_ =	strace s4  }
0x9b: {  	s4 =	sld [smem:$0x3FFD];
	_ =	sdelay $0x3  }
0x9c: {  	_ =	strace s4  }
0x9d: {  	_ =	strace $0x8FFFFFFF  }
0x9e: {  	s19 =	sld [smem:$0x3FDB];
	_ =	sdelay $0x1  }
0x9f: {  	s5 =	simm.s32 $_scs_section_size  }
0xa0: {  	s6 =	simm.s32 $_size__tile_overlayer_lowered;
	s7 =	simm.s32 $_tile_overlayer_lowered  }
0xa1: {  	s22 =	simm.s32 $0x1BFF;
	s21 =	sshll.u32 s7, $0x1;
	s4 =	sadd.s32 s5, s19  }
0xa2: {  	s8 =	simm.s32 $0x0;
	s20 =	sshll.u32 s6, $0x1;
	s6 =	sadd.s32 s21, s4  }
0xa3: {  	[timem:s8], [sflag:s22] =	dma.local [hbm:s6], s20  }
0xa4: {  	_ =	swait.ge [sflag:s22], s20  }
0xa5: {  	s5 =	ssub.s32 $0x0, s20;
	[sflag:s22] =	ssyncset.done $0x0  }
0xa6: {  	[sflag:s22] =	ssyncadd.s32 s5;
	_ =	sdelay $0x1  }
0xa7: {  	s23 =	simm.s32 $0x1B8B  }
0xa8: {  	_ =	swait.ge [sflag:s23], $0x1  }
0xa9: {  	[sflag:s23] =	ssyncset.done $0x0  }
0xaa: {  	s25 =	simm.s32 $0x1B8E;
	s24 =	sld [smem:$0x3FFE];
	[sflag:s23] =	ssyncadd.s32 $0xFFFFFFFF  }
0xab: {  	s26 =	simm.s32 $execute0_lowered;
	[smem:$0x3FD2] =	sst s25  }
0xac: {  	s6 =	sshll.u32 s26, $0x1;
	_ =	strace $0x80000046;
	[dreg:$0x1] =	wrdreg $0xFFFFFFFF  }
0xad: {  	s28 =	simm.s32 $_size_execute0_lowered;
	s4 =	sadd.s32 s4, s6;
	[dreg:$0x0] =	wrdreg $0x0  }
0xae: {  	s6 =	sshll.u32 s28, $0x1;
	[dreg:$0x2] =	wrdreg s4  }
0xaf: {  	[dreg:$0x3] =	wrdreg s6  }
0xb0: {  	[dreg:$0x4] =	wrdreg $0xC0  }
0xb1: {  	_ =	task [dreg:s8], $0x5FFFF  }
0xb2: {  	[dreg:$0x1] =	wrdreg $0xFFFFFFFF  }
0xb3: {  	[dreg:$0x0] =	wrdreg $0x60  }
0xb4: {  	[dreg:$0x2] =	wrdreg s24  }
0xb5: {  	[dreg:$0x3] =	wrdreg s16  }
0xb6: {  	[dreg:$0x4] =	wrdreg s17  }
0xb7: {  	[dreg:$0x5] =	wrdreg $0x9  }
0xb8: {  	_ =	task.clear_ibuf [dreg:s8], $0x6FFFF;
	_ =	strace $0x90000046  }
0xb9: {  	s29 =	simm.s32 $0x9;
	_ =	strace $0x80000048  }
0xba: {  	_ =	swait.ge [sflag:s29], $0x1  }
0xbb: {  	[sflag:s29] =	ssyncadd.s32 $0xFFFFFFFF  }
0xbc: {  	_ =	strace $0x90000048  }
0xbd: {  	_ =	sfence  }
0xbe: {  	s30 =	sld [smem:$0x0];
	_ =	sdelay $0x2  }
0xbf: {  	s31 =	sshll.u32 s1, $0xD;
	s1 =	sshrl.u32 s1, $0x2  }
0xc0: {  	s3 =	sand.u32 $0x4000, s31;
	s1 =	sadd.s32 s1, s30  }
0xc1: {  	s0 =	sor.u32 s3, s0;
	s1 =	sshll.u32 s1, $0x11  }
0xc2: {  	s0 =	sor.u32 s1, s0  }
0xc3: {  	s0 =	sadd.s32 $0x8F2B, s0  }
0xc4: {  	[sflag:s0] =	ssyncadd.remote.s32 $0x1  }
0xc5: {  	_ =	sfence.sel $0xFFFF  }
0xc6: {  	[dreg:$0x0] =	wrdreg $0xFFFFFFFF;
	(pc) =	sbr.abs _section_cstart, $3  }
0xc7: {  	[dreg:$0x1] =	wrdreg $0xFFFFFFFF  }
0xc8: {  	_ =	task.clear_ibuf [dreg:s8], $0x2FFFF;
	_ =	strace $0x9FFFFFFF  }
0xc9: {  	(tm) =	ssettm $0x7FFFFFFF  }
tec
execute0_lowered:
.L_overlay_start_1:
0x0: {  	(tag) =	ssettag $0x1  }
0x1: {  	s0 =	rddreg [dreg:$0x0]  }
0x2: {  	s14 =	rddreg [dreg:$0x1]  }
0x3: {  	s15 =	rddreg [dreg:$0x2];
	s1 =	simm.s32 $0x0;
	s4 =	srdreg.scid  }
0x4: {  	s2 =	stileid.u32;
	s28 =	simm.s32 $0x0;
	[smem:$0x7FF] =	sst s1  }
0x5: {  	s3 =	sadd.s32 $0x32000, s0;
	s5 =	sand.u32 $0x1, s4;
	s10 =	sshrl.u32 s2, $0x2  }
0x6: {  	s21 =	sshll.u32 s2, $0x8;
	s4 =	sadd.s32 $0x32A00, s0;
	p0 =	sgt.u32 s2, $0x7  }
0x7: {  	_ =	strace $0x80000047;
	s6 =	sshll.u32 s5, $0x7;
	s7 =	sand.u32 $0x300, s21  }
0x8: {  	s8 =	smul.u32 $0x28000, s10;
	s9 =	ssub.s32 $0x2, s5;
	s5 =	sadd.s32 $0x33400, s0  }
0x9: {  	s24 =	sshll.u32 s10, $0xC;
	s25 =	sshll.u32 s10, $0xA;
	s11 =	sor.u32 $0x4, s10  }
0xa: {  	s18 =	sor.u32 $0x8, s10;
	s21 =	simm.s32 $0x80;
	s13 =	sor.u32 s6, s7  }
0xb: {  	s22 =	sshrl.u32 s9, $0x1;
	s6 =	sadd.s32 $0x33E00, s0;
	s12 =	smul.u32 $0x28000, s11  }
0xc: {  	s17 =	sshll.u32 s11, $0xC;
	s11 =	sshll.u32 s11, $0xA;
	s20 =	smul.u32 $0x28000, s18  }
0xd: {  	s29 =	sshll.u32 s18, $0xC;
	s18 =	sshll.u32 s18, $0xA;
	s8 =	sor.u32 s8, s13  }
0xe: {  	s16 =	ssub.s32 s9, s22;
	s9 =	sor.u32 s25, s13;
	s17 =	sor.u32 s13, s17  }
0xf: {  	s11 =	sor.u32 s13, s11;
	s18 =	sor.u32 s13, s18;
	s22 =	simm.s32 $0x400  }
0x10: {  	s25 =	simm.s32 $0x19380;
	s23 =	sshrl.u32 s8, $0x3;
	s8 =	sor.u32 s24, s13  }
0x11: {  	s9 =	sshrl.u32 s9, $0x3;
	s12 =	sor.u32 s13, s12;
	s17 =	sshrl.u32 s17, $0x3  }
0x12: {  	s19 =	sshrl.u32 s11, $0x3;
	s26 =	sor.u32 s13, s20;
	s31 =	sshrl.u32 s18, $0x3  }
0x13: {  	s16 =	smax.u32 s16, $0x1;
	s18 =	simm.s32 $0x5000;
	s20 =	simm.s32 $0xF000  }
0x14: {  	s24 =	simm.s32 $0x19000;
	s7 =	sadd.s32 s0, s23;
	s8 =	sshrl.u32 s8, $0x3  }
0x15: {  	s9 =	sadd.s32 s15, s9;
	s12 =	sshrl.u32 s12, $0x3;
	s11 =	sadd.s32 s14, s17  }
.Ltmp0:
0x16: {  	s17 =	sshrl.u32 s26, $0x3;
	s23 =	simm.s32 $0x14000;
	(pc) =	sbr.rel .LBB2_1-.Ltmp0, $4  }
0x17: {  	v0 =	vlaneseq.u32;
	v1 =	vimm.f32 $0.0e+00;
	v11 =	vimm.f32 $-1.000000000e+00;
	s26 =	simm.s32 $0x19580;
	s8 =	sadd.s32 s14, s8;
	s10 =	sadd.s32 s0, s12  }
0x18: {  	v2 =	vor.u32 $0x90, v0;
	v3 =	vor.u32 $0x80, v0;
	v4 =	vor.u32 $0x70, v0;
	s12 =	sadd.s32 s15, s19;
	s19 =	sor.u32 s13, s29;
	s0 =	sadd.s32 s0, s17  }
0x19: {  	v5 =	vor.u32 $0x60, v0;
	v6 =	vor.u32 $0x50, v0;
	v7 =	vor.u32 $0x40, v0;
	s15 =	sadd.s32 s15, s31;
	s17 =	simm.s32 $0x1;
	s30 =	sshrl.u32 s19, $0x3  }
0x1a: {  	v8 =	vor.u32 $0x30, v0;
	v9 =	vor.u32 $0x20, v0;
	v10 =	vor.u32 $0x10, v0;
	[dreg:$0x4] =	wrdreg s0;
	s19 =	simm.s32 $0xA000;
	s14 =	sadd.s32 s14, s30  }
.LBB2_14:
0x1b: {  	[hbm4b:s14+s21] =	stream.strided.scatter [tilespmem:s25], [sflag:$0x1], $0x200, s22, s21, $0x38;
	[tilespmem:$0x19600] =	vst v63  }
0x1c: {  	_ =	swait.ge [sflag:s17], $0x200  }
0x1d: {  	[sflag:s17] =	ssyncset.done $0x0  }
0x1e: {  	[sflag:s17] =	ssyncadd.s32 $0xFFFFFE00  }
0x1f: {  	[hbm4b:s15+s1] =	stream.linear.scatter [tilespmem:s26], [sflag:$0x1], $0x80, $0x38;
	[tilespmem:$0x19600] =	vst v63  }
0x20: {  	_ =	swait.ge [sflag:s17], $0x80  }
0x21: {  	[sflag:s17] =	ssyncset.done $0x0  }
0x22: {  	[sflag:s17] =	ssyncadd.s32 $0xFFFFFF80  }
.LBB2_15:
0x23: {  	s28 =	sadd.s32 $0x1, s28  }
0x24: {  	p1 =	sne.s32 s28, s16  }
.Ltmp1:
0x25: {  	_ = 	snop;
	(pc) =	sbr.rel @!p1 .LBB2_16-.Ltmp1, $1  }
0x26: {  	_ =	sdelay $0x3  }
.LBB2_1:
0x27: {  	[tilespmem:s1], [sflag:$0x1] =	stream.linear.gather [hbm4b:s3+s1], $0x5000, $0x38;
	[tilespmem:$0x19600] =	vst v63  }
0x28: {  	_ =	swait.ge [sflag:s17], $0x5000  }
0x29: {  	[sflag:s17] =	ssyncset.done $0x0  }
0x2a: {  	[sflag:s17] =	ssyncadd.s32 $0xFFFFB000  }
0x2b: {  	[tilespmem:s18], [sflag:$0x1] =	stream.linear.gather [hbm4b:s4+s1], $0x5000, $0x38;
	[tilespmem:$0x19600] =	vst v63  }
0x2c: {  	_ =	swait.ge [sflag:s17], $0x5000  }
0x2d: {  	[sflag:s17] =	ssyncset.done $0x0  }
0x2e: {  	[sflag:s17] =	ssyncadd.s32 $0xFFFFB000  }
0x2f: {  	[tilespmem:s19], [sflag:$0x1] =	stream.linear.gather [hbm4b:s5+s1], $0x5000, $0x38;
	[tilespmem:$0x19600] =	vst v63  }
0x30: {  	_ =	swait.ge [sflag:s17], $0x5000  }
0x31: {  	[sflag:s17] =	ssyncset.done $0x0  }
0x32: {  	[sflag:s17] =	ssyncadd.s32 $0xFFFFB000  }
0x33: {  	[tilespmem:s20], [sflag:$0x1] =	stream.linear.gather [hbm4b:s6+s1], $0x5000, $0x38;
	[tilespmem:$0x19600] =	vst v63  }
0x34: {  	_ =	swait.ge [sflag:s17], $0x5000  }
0x35: {  	[sflag:s17] =	ssyncset.done $0x0  }
0x36: {  	[sflag:s17] =	ssyncadd.s32 $0xFFFFB000  }
0x37: {  	[tilespmem:s23], [sflag:$0x1] =	stream.strided.gather [hbm4b:s7+s21], $0x5000, s22, s21, $0x38;
	[tilespmem:$0x19600] =	vst v63  }
0x38: {  	_ =	swait.ge [sflag:s17], $0x5000  }
0x39: {  	[sflag:s17] =	ssyncset.done $0x0  }
0x3a: {  	[sflag:s17] =	ssyncadd.s32 $0xFFFFB000  }
0x3b: {  	[tilespmem:$0x19100] =	vst v1  }
0x3c: {  	[tilespmem:$0x19180] =	vst v1  }
0x3d: {  	[tilespmem:$0x19200] =	vst v1  }
0x3e: {  	[tilespmem:$0x19280] =	vst v1  }
0x3f: {  	[tilespmem:$0x19300] =	vst v1  }
0x40: {  	[tilespmem:$0x19580] =	vst v1  }
0x41: {  	[tilespmem:$0x19110] =	vst v1  }
0x42: {  	[tilespmem:$0x19190] =	vst v1  }
0x43: {  	[tilespmem:$0x19210] =	vst v1  }
0x44: {  	[tilespmem:$0x19290] =	vst v1  }
0x45: {  	[tilespmem:$0x19310] =	vst v1  }
0x46: {  	[tilespmem:$0x19590] =	vst v1  }
0x47: {  	[tilespmem:$0x19120] =	vst v1  }
0x48: {  	[tilespmem:$0x191A0] =	vst v1  }
0x49: {  	[tilespmem:$0x19220] =	vst v1  }
0x4a: {  	[tilespmem:$0x192A0] =	vst v1  }
0x4b: {  	[tilespmem:$0x19320] =	vst v1  }
0x4c: {  	[tilespmem:$0x195A0] =	vst v1  }
0x4d: {  	[tilespmem:$0x19130] =	vst v1  }
0x4e: {  	[tilespmem:$0x191B0] =	vst v1  }
0x4f: {  	[tilespmem:$0x19230] =	vst v1  }
0x50: {  	[tilespmem:$0x192B0] =	vst v1  }
0x51: {  	[tilespmem:$0x19330] =	vst v1  }
0x52: {  	[tilespmem:$0x195B0] =	vst v1  }
0x53: {  	[tilespmem:$0x19140] =	vst v1  }
0x54: {  	[tilespmem:$0x191C0] =	vst v1  }
0x55: {  	[tilespmem:$0x19240] =	vst v1  }
0x56: {  	[tilespmem:$0x192C0] =	vst v1  }
0x57: {  	[tilespmem:$0x19340] =	vst v1  }
0x58: {  	[tilespmem:$0x195C0] =	vst v1  }
0x59: {  	[tilespmem:$0x19150] =	vst v1  }
0x5a: {  	[tilespmem:$0x191D0] =	vst v1  }
0x5b: {  	[tilespmem:$0x19250] =	vst v1  }
0x5c: {  	[tilespmem:$0x192D0] =	vst v1  }
0x5d: {  	[tilespmem:$0x19350] =	vst v1  }
0x5e: {  	[tilespmem:$0x195D0] =	vst v1  }
0x5f: {  	[tilespmem:$0x19160] =	vst v1  }
0x60: {  	[tilespmem:$0x191E0] =	vst v1  }
0x61: {  	[tilespmem:$0x19260] =	vst v1  }
0x62: {  	[tilespmem:$0x192E0] =	vst v1  }
0x63: {  	[tilespmem:$0x19360] =	vst v1  }
0x64: {  	[tilespmem:$0x195E0] =	vst v1  }
0x65: {  	[tilespmem:$0x19380] =	vst v1  }
0x66: {  	[tilespmem:$0x19390] =	vst v1  }
0x67: {  	[tilespmem:$0x193A0] =	vst v1  }
0x68: {  	[tilespmem:$0x193B0] =	vst v1  }
0x69: {  	[tilespmem:$0x193C0] =	vst v1  }
0x6a: {  	[tilespmem:$0x193D0] =	vst v1  }
0x6b: {  	[tilespmem:$0x193E0] =	vst v1  }
0x6c: {  	[tilespmem:$0x193F0] =	vst v1  }
0x6d: {  	[tilespmem:$0x19400] =	vst v1  }
0x6e: {  	[tilespmem:$0x19410] =	vst v1  }
0x6f: {  	[tilespmem:$0x19420] =	vst v1  }
0x70: {  	[tilespmem:$0x19430] =	vst v1  }
0x71: {  	[tilespmem:$0x19440] =	vst v1  }
0x72: {  	[tilespmem:$0x19450] =	vst v1  }
0x73: {  	[tilespmem:$0x19460] =	vst v1  }
0x74: {  	[tilespmem:$0x19470] =	vst v1  }
0x75: {  	[tilespmem:$0x19480] =	vst v1  }
0x76: {  	[tilespmem:$0x19490] =	vst v1  }
0x77: {  	[tilespmem:$0x194A0] =	vst v1  }
0x78: {  	[tilespmem:$0x194B0] =	vst v1  }
0x79: {  	[tilespmem:$0x194C0] =	vst v1  }
0x7a: {  	[tilespmem:$0x194D0] =	vst v1  }
0x7b: {  	[tilespmem:$0x194E0] =	vst v1  }
0x7c: {  	[tilespmem:$0x194F0] =	vst v1  }
0x7d: {  	s30 =	simm.s32 $0x14040;
	[tilespmem:$0x19500] =	vst v1  }
0x7e: {  	v12 =	vld [tilespmem:s30+$0xFFFFFFD0]  }
0x7f: {  	s31 =	simm.s32 $0x1;
	s29 =	simm.s32 $0x0;
	v13 =	vld [tilespmem:s30+$0xFFFFFFC0]  }
.LBB2_2:
0x80: {  	p1 =	sne.s32 s31, $0x9F;
	v14 =	vld [tilespmem:s30+$0xFFFFFFE0]  }
0x81: {  	v15 =	vld [tilespmem:s30+$0xFFFFFFF0]  }
0x82: {  	v16 =	vld [tilespmem:s30+$0x0]  }
0x83: {  	v17 =	vld [tilespmem:s30+$0x10]  }
0x84: {  	v12 =	vmax.f32 v13, v12;
	v13 =	vld [tilespmem:s30+$0x20]  }
0x85: {  	v12 =	vmax.f32 v12, v14;
	v14 =	vld [tilespmem:s30+$0x30]  }
0x86: {  	v12 =	vmax.f32 v12, v15  }
0x87: {  	v12 =	vmax.f32 v12, v16  }
0x88: {  	v12 =	vmax.f32 v12, v17  }
0x89: {  	v12 =	vmax.f32 v12, v13  }
0x8a: {  	v12 =	vmax.f32 v12, v14  }
0x8b: {  	(xrf1) =	vsort.ascd.msk.f32 $0xffff, v12, v12;
	_ =	sdelay $0xb  }
0x8c: {  	v12 =	vmov s29;
	s29 =	smov.u32 s31;
	_ =	sdelay $0x1  }
0x8d: {  	v13, _, _ =	vpop (xrf1)  }
.Ltmp2:
0x8e: {  	v13 =	vbroadcast v13, $0xF;
	(pc) =	sbr.rel @p1 .LBB2_2-.Ltmp2, $4  }
0x8f: {  	_ = 	snop  }
0x90: {  	s30 =	sadd.s32 $0x80, s30;
	[tilespmem:v12+s24+$0x0] =	vst.idx.msk $0x1, v13  }
0x91: {  	v12 =	vld [tilespmem:s30+$0xFFFFFFD0]  }
0x92: {  	s31 =	sadd.s32 $0x1, s31;
	v13 =	vld [tilespmem:s30+$0xFFFFFFC0]  }
0x93: {  	v14 =	vld [tilespmem:s30+$0xFFFFFFE0]  }
0x94: {  	v15 =	vld [tilespmem:s30+$0xFFFFFFF0]  }
0x95: {  	v16 =	vld [tilespmem:s30+$0x0]  }
0x96: {  	v17 =	vld [tilespmem:s30+$0x10]  }
0x97: {  	v60 =	vld [tilespmem:s30+$0x20];
	v12 =	vmax.f32 v13, v12  }
0x98: {  	v61 =	vld [tilespmem:s30+$0x30];
	v12 =	vmax.f32 v12, v14  }
0x99: {  	v12 =	vmax.f32 v12, v15  }
0x9a: {  	v12 =	vmax.f32 v12, v16  }
0x9b: {  	v12 =	vmax.f32 v12, v17  }
0x9c: {  	v12 =	vmax.f32 v12, v60  }
0x9d: {  	v12 =	vmax.f32 v12, v61  }
0x9e: {  	(xrf1) =	vsort.ascd.msk.f32 $0xffff, v12, v12;
	_ =	sdelay $0xb  }
0x9f: {  	v62 =	vmov s29;
	_ =	sdelay $0x1  }
0xa0: {  	v63, _, _ =	vpop (xrf1)  }
0xa1: {  	v13 =	vbroadcast v63, $0xF;
	_ =	sdelay $0x1  }
0xa2: {  	s29 =	simm.s32 $0x0;
	[tilespmem:v62+s24+$0x0] =	vst.idx.msk $0x1, v13  }
.LBB2_4:
0xa3: {  	v13 =	vld [tilespmem:$0x19000]  }
0xa4: {  	v14 =	vld [tilespmem:$0x19010]  }
0xa5: {  	v15 =	vld [tilespmem:$0x19020]  }
0xa6: {  	v16 =	vld [tilespmem:$0x19030]  }
0xa7: {  	v17 =	vld [tilespmem:$0x19040]  }
0xa8: {  	v18 =	vld [tilespmem:$0x19050]  }
0xa9: {  	v19 =	vld [tilespmem:$0x19060];
	v12 =	vmax.f32 v13, v14  }
0xaa: {  	v20 =	vld [tilespmem:$0x19070];
	v12 =	vmax.f32 v12, v15  }
0xab: {  	v21 =	vld [tilespmem:$0x19080];
	v12 =	vmax.f32 v12, v16  }
0xac: {  	v22 =	vld [tilespmem:$0x19090];
	v12 =	vmax.f32 v12, v17  }
0xad: {  	v12 =	vmax.f32 v12, v18  }
0xae: {  	v12 =	vmax.f32 v12, v19  }
0xaf: {  	v12 =	vmax.f32 v12, v20  }
0xb0: {  	v12 =	vmax.f32 v12, v21  }
0xb1: {  	v12 =	vmax.f32 v12, v22  }
0xb2: {  	(xrf1) =	vsort.ascd.msk.f32 $0xffff, v12, v12;
	_ =	sdelay $0xd  }
0xb3: {  	v23, _, _ =	vpop (xrf1)  }
0xb4: {  	v12 =	vbroadcast v23, $0xF;
	_ =	sdelay $0x1  }
0xb5: {  	vm0 =	veq.f32 v22, v12  }
0xb6: {  	vm1 =	veq.f32 v21, v12;
	v40 =	vnsel vm0, $0x40000000, v2  }
0xb7: {  	vm11 =	veq.f32 v20, v12;
	v41 =	vsel vm1, v3, v40  }
0xb8: {  	vm12 =	veq.f32 v19, v12;
	v42 =	vsel vm11, v4, v41  }
0xb9: {  	vm13 =	veq.f32 v18, v12;
	v43 =	vsel vm12, v5, v42  }
0xba: {  	vm14 =	veq.f32 v17, v12;
	v44 =	vsel vm13, v6, v43  }
0xbb: {  	vm15 =	veq.f32 v16, v12;
	v45 =	vsel vm14, v7, v44  }
0xbc: {  	vm4 =	veq.f32 v15, v12;
	v46 =	vsel vm15, v8, v45  }
0xbd: {  	vm5 =	veq.f32 v14, v12;
	v47 =	vsel vm4, v9, v46  }
0xbe: {  	vm6 =	veq.f32 v13, v12;
	v48 =	vsel vm5, v10, v47  }
0xbf: {  	v13 =	vsel vm6, v0, v48  }
0xc0: {  	(xrf1) =	vsort.ascd.msk.u32 $0xffff, v13, v13;
	_ =	sdelay $0xd  }
0xc1: {  	(v2sf) =	vpush v23, $0xF;
	v13, _, _ =	vpop (xrf1)  }
0xc2: {  	(v2sf) =	vpush v13, $0x0;
	_ =	sdelay $0xd  }
0xc3: {  	s30 =	spop (v2sf)  }
0xc4: {  	s0 =	spop (v2sf)  }
0xc5: {  	s31 =	sshll.u32 s0, $0x9  }
0xc6: {  	s31 =	sshra.s32 s31, $0x2  }
0xc7: {  	v49 =	vld [tilespmem:s31+$0x14000];
	_ =	sdelay $0x1  }
0xc8: {  	s0 =	sshll.u32 s0, $0x7;
	v50 =	vld [tilespmem:s31+$0x14010]  }
0xc9: {  	v51 =	vor.u32 s0, v0;
	v52 =	vld [tilespmem:s31+$0x14020]  }
0xca: {  	vm7 =	vlt.s32 v51, $0x40000000  }
0xcb: {  	s2 =	sor.u32 $0x10, s0;
	v54 =	vld [tilespmem:s31+$0x14030];
	v53 =	vnsel vm7, $0x40000000, v51;
	vm8 =	veq.f32 v49, v12  }
0xcc: {  	s13 =	sor.u32 $0x20, s0;
	v55 =	vor.u32 s2, v0;
	v14 =	vnsel vm8, $0x40000000, v53  }
0xcd: {  	v56 =	vld [tilespmem:s31+$0x14040];
	v57 =	vor.u32 s13, v0;
	vm1 =	vlt.s32 v14, v55  }
0xce: {  	vm9 =	veq.f32 v50, v12;
	vm10 =	veq.f32 v52, v12;
	v18 =	vsel vm1, v14, v55  }
0xcf: {  	s13 =	sor.u32 $0x30, s0;
	v58 =	vld [tilespmem:s31+$0x14050];
	v17 =	vnsel vm10, $0x40000000, v57;
	v14 =	vsel vm9, v18, v14  }
0xd0: {  	v59 =	vor.u32 s13, v0;
	vm11 =	veq.f32 v54, v12;
	vm0 =	vlt.s32 v14, v17  }
0xd1: {  	v60 =	vld [tilespmem:s31+$0x14060];
	s13 =	sor.u32 $0x40, s0;
	v16 =	vnsel vm11, $0x40000000, v59;
	v14 =	vsel vm0, v14, v17  }
0xd2: {  	v61 =	vor.u32 s13, v0;
	vm12 =	veq.f32 v56, v12;
	vm0 =	vlt.s32 v14, v16  }
0xd3: {  	v62 =	vld [tilespmem:s31+$0x14070];
	s13 =	sor.u32 $0x50, s0;
	v15 =	vnsel vm12, $0x40000000, v61;
	v14 =	vsel vm0, v14, v16  }
0xd4: {  	v63 =	vor.u32 s13, v0;
	vm13 =	veq.f32 v58, v12;
	vm0 =	vlt.s32 v14, v15  }
0xd5: {  	s13 =	sor.u32 $0x60, s0;
	v21 =	vnsel vm13, $0x40000000, v63;
	v14 =	vsel vm0, v14, v15  }
0xd6: {  	v22 =	vor.u32 s13, v0;
	vm14 =	veq.f32 v60, v12;
	vm0 =	vlt.s32 v14, v21  }
0xd7: {  	s0 =	sor.u32 $0x70, s0;
	v23 =	vnsel vm14, $0x40000000, v22;
	v14 =	vsel vm0, v14, v21  }
0xd8: {  	v24 =	vor.u32 s0, v0;
	vm15 =	veq.f32 v62, v12;
	vm0 =	vlt.s32 v14, v23  }
0xd9: {  	v25 =	vnsel vm15, $0x40000000, v24;
	v14 =	vsel vm0, v14, v23  }
0xda: {  	vm0 =	vlt.s32 v14, v25  }
0xdb: {  	v14 =	vsel vm0, v14, v25  }
0xdc: {  	(xrf1) =	vsort.ascd.msk.u32 $0xffff, v14, v14;
	_ =	sdelay $0xd  }
0xdd: {  	v14, _, _ =	vpop (xrf1)  }
0xde: {  	v14 =	vbroadcast v14, $0x0;
	_ =	sdelay $0x5  }
0xdf: {  	[tilespmem:v14+s23+$0x0] =	vst.idx.msk $0x1, v11  }
0xe0: {  	v26 =	vld [tilespmem:s31+$0x14000]  }
0xe1: {  	v27 =	vld [tilespmem:s31+$0x14010]  }
0xe2: {  	v28 =	vld [tilespmem:s31+$0x14020]  }
0xe3: {  	v29 =	vld [tilespmem:s31+$0x14030]  }
0xe4: {  	v30 =	vld [tilespmem:s31+$0x14040]  }
0xe5: {  	v31 =	vld [tilespmem:s31+$0x14050]  }
0xe6: {  	v32 =	vld [tilespmem:s31+$0x14060];
	v15 =	vmax.f32 v26, v27  }
0xe7: {  	v33 =	vld [tilespmem:s31+$0x14070];
	v15 =	vmax.f32 v15, v28  }
0xe8: {  	v15 =	vmax.f32 v15, v29  }
0xe9: {  	v15 =	vmax.f32 v15, v30  }
0xea: {  	v15 =	vmax.f32 v15, v31  }
0xeb: {  	v15 =	vmax.f32 v15, v32  }
0xec: {  	v15 =	vmax.f32 v15, v33  }
0xed: {  	(xrf1) =	vsort.ascd.msk.f32 $0xffff, v15, v15;
	_ =	sdelay $0xa  }
0xee: {  	v13 =	vbroadcast v13, $0x0;
	_ =	sdelay $0x2  }
0xef: {  	v15, _, _ =	vpop (xrf1)  }
0xf0: {  	v15 =	vbroadcast v15, $0xF;
	_ =	sdelay $0x1  }
0xf1: {  	[tilespmem:v13+s24+$0x0] =	vst.idx.msk $0x1, v15  }
0xf2: {  	v13 =	vld.idx.msk [tilespmem:v14+s1+$0x0], $0xffff  }
0xf3: {  	v34 =	vld.idx.msk [tilespmem:v14+s18+$0x0], $0xffff  }
0xf4: {  	v15 =	vld.idx.msk [tilespmem:v14+s19+$0x0], $0xffff  }
0xf5: {  	v14 =	vld.idx.msk [tilespmem:v14+s20+$0x0], $0xffff  }
0xf6: {  	v35 =	vld [tilespmem:$0x19100]  }
0xf7: {  	v36 =	vld [tilespmem:$0x19180]  }
0xf8: {  	v37 =	vld [tilespmem:$0x19200]  }
0xf9: {  	v38 =	vld [tilespmem:$0x19280]  }
0xfa: {  	v24 =	vld [tilespmem:$0x19110]  }
0xfb: {  	v25 =	vld [tilespmem:$0x19190]  }
0xfc: {  	v26 =	vld [tilespmem:$0x19210]  }
0xfd: {  	v27 =	vld [tilespmem:$0x19290];
	(v2sf) =	vpush v13, $0x0  }
0xfe: {  	v28 =	vld [tilespmem:$0x19120];
	(v2sf) =	vpush v34, $0x0  }
0xff: {  	v29 =	vld [tilespmem:$0x191A0];
	(v2sf) =	vpush v15, $0x0  }
0x100: {  	v41 =	vld [tilespmem:$0x19220];
	(v2sf) =	vpush v14, $0x0  }
0x101: {  	v44 =	vld [tilespmem:$0x19130]  }
0x102: {  	v31 =	vld [tilespmem:$0x191B0]  }
0x103: {  	v32 =	vld [tilespmem:$0x19230]  }
0x104: {  	v33 =	vld [tilespmem:$0x192B0]  }
0x105: {  	v48 =	vld [tilespmem:$0x19240];
	v17 =	vbroadcast v13, $0x0;
	v16 =	vbroadcast v14, $0x0  }
0x106: {  	v55 =	vld [tilespmem:$0x192D0]  }
0x107: {  	v46 =	vld [tilespmem:$0x191C0];
	v15 =	vbroadcast v15, $0x0;
	v19 =	vmax.f32 v35, v17;
	v22 =	vmin.f32 v38, v16  }
0x108: {  	v50 =	vld [tilespmem:$0x192C0];
	v24 =	vmax.f32 v24, v17;
	v45 =	vmin.f32 v27, v16;
	v47 =	vmax.f32 v28, v17  }
0x109: {  	v51 =	vld [tilespmem:$0x19150];
	v23 =	vmax.f32 v44, v17;
	v56 =	vmin.f32 v33, v16;
	v14 =	vbroadcast v34, $0x0  }
0x10a: {  	v59 =	vld [tilespmem:$0x191E0];
	v21 =	vmin.f32 v37, v15;
	v26 =	vmin.f32 v26, v15;
	v54 =	vmin.f32 v32, v15  }
0x10b: {  	v42 =	vld [tilespmem:$0x192A0];
	v28 =	vmin.f32 v48, v15;
	v37 =	vmin.f32 v55, v16;
	v20 =	vmax.f32 v36, v14  }
0x10c: {  	v61 =	vld [tilespmem:$0x192E0];
	v19 =	vsub.f32 v21, v19;
	v24 =	vsub.f32 v26, v24;
	v25 =	vmax.f32 v25, v14;
	s0 =	spop (v2sf)  }
0x10d: {  	v21 =	vmin.f32 v41, v15;
	v49 =	vmax.f32 v29, v14;
	v31 =	vmax.f32 v31, v14;
	s2 =	spop (v2sf)  }
0x10e: {  	v34 =	vld [tilespmem:$0x19140];
	v29 =	vmin.f32 v50, v16;
	v27 =	vmax.f32 v46, v14;
	v26 =	vmax.f32 v51, v17;
	s31 =	spop (v2sf)  }
0x10f: {  	v39 =	vld [tilespmem:$0x19300];
	v41 =	vmax.f32 v59, v14;
	v20 =	vsub.f32 v22, v20;
	v25 =	vsub.f32 v45, v25;
	s13 =	spop (v2sf);
	s0 =	ssub.f32 s31, s0  }
0x110: {  	v40 =	vld [tilespmem:$0x19310];
	v21 =	vsub.f32 v21, v47;
	v22 =	vmin.f32 v42, v16;
	v27 =	vsub.f32 v29, v27;
	s2 =	ssub.f32 s13, s2  }
0x111: {  	v30 =	vld [tilespmem:$0x19320];
	v29 =	vmin.f32 v61, v16;
	v19 =	vmax.f32 v19, $0.0e+00;
	v24 =	vmax.f32 v24, $0.0e+00  }
0x112: {  	v60 =	vld [tilespmem:$0x19260];
	v22 =	vsub.f32 v22, v49;
	v29 =	vsub.f32 v29, v41;
	v20 =	vmax.f32 v20, $0.0e+00;
	s0 =	smax.f32 s0, $0.0e+00;
	s2 =	smax.f32 s2, $0.0e+00  }
0x113: {  	v57 =	vld [tilespmem:$0x19160];
	v25 =	vmax.f32 v25, $0.0e+00;
	v21 =	vmax.f32 v21, $0.0e+00;
	v58 =	vmax.f32 v34, v17;
	s31 =	smul.f32 s2, s0  }
0x114: {  	v38 =	vld [tilespmem:$0x19340];
	v27 =	vmax.f32 v27, $0.0e+00;
	v19 =	vmul.f32 v20, v19;
	v22 =	vmax.f32 v22, $0.0e+00  }
0x115: {  	v42 =	vld [tilespmem:$0x19360];
	v28 =	vsub.f32 v28, v58;
	v29 =	vmax.f32 v29, $0.0e+00;
	v43 =	vadd.f32 s31, v39  }
0x116: {  	v52 =	vld [tilespmem:$0x191D0];
	v21 =	vmul.f32 v22, v21;
	v22 =	vsub.f32 v54, v23;
	v23 =	vsub.f32 v56, v31  }
0x117: {  	v53 =	vld [tilespmem:$0x19250];
	v31 =	vmin.f32 v60, v15;
	v28 =	vmax.f32 v28, $0.0e+00;
	v20 =	vsub.f32 v43, v19  }
0x118: {  	v22 =	vmax.f32 v22, $0.0e+00;
	v23 =	vmax.f32 v23, $0.0e+00;
	v18 =	vadd.f32 s31, v40  }
0x119: {  	v63 =	vld [tilespmem:$0x19330];
	v27 =	vmul.f32 v27, v28;
	v30 =	vadd.f32 s31, v30;
	v20 =	vadd.f32 $9.999999710e-10, v20  }
0x11a: {  	v39 =	vmax.f32 v57, v17;
	v40 =	vld [tilespmem:$0x19350];
	v44 =	vadd.f32 s31, v38;
	v47 =	vadd.f32 s31, v42  }
0x11b: {  	v31 =	vsub.f32 v31, v39;
	v36 =	vsub.f32 v30, v21;
	(erf) = vrcp.f32 v20  }
0x11c: {  	v20 =	vmul.f32 v25, v24;
	v25 =	vmin.f32 v53, v15;
	v24 =	vmax.f32 v52, v14  }
0x11d: {  	v22 =	vmul.f32 v23, v22;
	v62 =	vsub.f32 v25, v26;
	v24 =	vsub.f32 v37, v24  }
0x11e: {  	v46 =	vmax.f32 v31, $0.0e+00;
	v25 =	vadd.f32 s31, v63;
	v18 =	vsub.f32 v18, v20  }
0x11f: {  	v45 =	vadd.f32 s31, v40;
	v23 =	vmax.f32 v62, $0.0e+00;
	v24 =	vmax.f32 v24, $0.0e+00  }
0x120: {  	v43 =	vsub.f32 v25, v22;
	v18 =	vadd.f32 $9.999999710e-10, v18;
	v23 =	vmul.f32 v24, v23  }
0x121: {  	v29 =	vmul.f32 v29, v46;
	v26 =	vadd.f32 $9.999999710e-10, v36;
	v25 =	vsub.f32 v44, v27  }
0x122: {  	v48 =	vadd.f32 $9.999999710e-10, v43;
	(erf) = vrcp.f32 v18;
	v49 =	vsub.f32 v45, v23  }
0x123: {  	v50 =	vsub.f32 v47, v29;
	v25 =	vadd.f32 $9.999999710e-10, v25;
	(erf) = vrcp.f32 v26  }
0x124: {  	(erf) = vrcp.f32 v48;
	v51 =	vadd.f32 $9.999999710e-10, v49  }
0x125: {  	v52 =	vadd.f32 $9.999999710e-10, v50;
	(erf) = vrcp.f32 v25  }
0x126: {  	(erf) = vrcp.f32 v51  }
0x127: {  	(erf) = vrcp.f32 v52;
	_ =	sdelay $0x2  }
0x128: {  	v53 =	vpop (erf)  }
0x129: {  	v18 =	vmul.f32 v53, v19;
	v54 =	vpop (erf)  }
0x12a: {  	v55 =	vpop (erf);
	v20 =	vmul.f32 v54, v20  }
0x12b: {  	v18 =	vmax.f32 v18, $0.0e+00;
	v56 =	vpop (erf);
	v19 =	vmul.f32 v55, v21  }
0x12c: {  	v57 =	vpop (erf);
	v18 =	vmax.f32 v18, v20;
	v58 =	vmul.f32 v56, v22  }
0x12d: {  	v59 =	vpop (erf);
	v18 =	vmax.f32 v18, v19;
	v60 =	vmul.f32 v57, v27  }
0x12e: {  	v18 =	vmax.f32 v18, v58;
	v61 =	vmul.f32 v59, v23;
	v62 =	vpop (erf)  }
0x12f: {  	v18 =	vmax.f32 v18, v60;
	v63 =	vmul.f32 v62, v29  }
0x130: {  	v18 =	vmax.f32 v18, v61  }
0x131: {  	v18 =	vmax.f32 v18, v63  }
0x132: {  	(xrf1) =	vsort.ascd.msk.f32 $0xffff, v18, v18;
	_ =	sdelay $0xd  }
0x133: {  	v18, _, _ =	vpop (xrf1)  }
0x134: {  	(v2sf) =	vpush v18, $0xF;
	_ =	sdelay $0xe  }
0x135: {  	s13 =	spop (v2sf)  }
0x136: {  	p2 =	sgt.f32 s30, $0.0e+00;
	p1 =	sle.f32 s13, $6.000000240e-01  }
0x137: {  	_ = 	snop  }
0x138: {  	p1 =	por !p2, !p1  }
0x139: {  	p1 =	por !p1, !p1  }
0x13a: {  	s13 =	simm.s32 $0x1;
	v18 =	vmov @p1 s29  }
0x13b: {  	s13 =	simm.s32 @!p1 $0x0  }
0x13c: {  	s2 =	sshll.u32 @p1 s29, $0x2;
	s29 =	sadd.s32 s13, s29  }
0x13d: {  	p2 =	sgt.u32 s29, $0x63  }
0x13e: {  	s0 =	simm.s32 @p1 $0x19100;
	v19 =	vlaneseq.u32 @p1;
	p3 =	sle.f32 @!p2 s30, $0.0e+00  }
0x13f: {  	[tilespmem:v18+s0+$0x0] =	vst.idx.msk @p1 $0x1, v17;
	s0 =	simm.s32 @p1 $0x19180;
	v17 =	vadd.s32 @p1 s2, v19  }
0x140: {  	vm0 =	vcmask @p1 $0x3F0C;
	p2 =	por p2, p3;
	[tilespmem:v18+s0+$0x0] =	vst.idx.msk @p1 $0x1, v14;
	s0 =	simm.s32 @p1 $0x19200  }
.Ltmp3:
0x141: {  	[tilespmem:v18+s0+$0x0] =	vst.idx.msk @p1 $0x1, v15;
	s0 =	simm.s32 @p1 $0x19280;
	v15 =	vsel @p1 vm0, v16, v15;
	vm0 =	vcmask @p1 $0x3F08;
	(pc) =	sbr.rel @!p2 .LBB2_4-.Ltmp3, $4  }
0x142: {  	vm1 =	vmmov @p1 $0x1;
	v19 =	vmov s31;
	[tilespmem:v18+s0+$0x0] =	vst.idx.msk @p1 $0x1, v16;
	s0 =	simm.s32 @p1 $0x19300;
	v14 =	vsel @p1 vm0, v15, v14  }
0x143: {  	[tilespmem:v18+s0+$0x0] =	vst.idx.msk @p1 $0x1, v19;
	v13 =	vsel @p1 vm1, v13, v14;
	s0 =	simm.s32 @p1 $0x19380  }
0x144: {  	[tilespmem:v17+s0+$0x0] =	vst.idx.msk @p1 $0xf, v13;
	s0 =	simm.s32 @p1 $0x19580  }
0x145: {  	[tilespmem:v18+s0+$0x0] =	vst.idx.msk @p1 $0x1, v12  }
0x146: {  	[hbm4b:s8+s21] =	stream.strided.scatter [tilespmem:s25], [sflag:$0x1], $0x200, s22, s21, $0x38;
	[tilespmem:$0x19600] =	vst v63  }
0x147: {  	_ =	swait.ge [sflag:s17], $0x200  }
0x148: {  	[sflag:s17] =	ssyncset.done $0x0  }
0x149: {  	s29 =	simm.s32 $0x0;
	[sflag:s17] =	ssyncadd.s32 $0xFFFFFE00  }
0x14a: {  	[hbm4b:s9+s29] =	stream.linear.scatter [tilespmem:s26], [sflag:$0x1], $0x80, $0x38;
	[tilespmem:$0x19600] =	vst v63  }
0x14b: {  	_ =	swait.ge [sflag:s17], $0x80  }
0x14c: {  	[sflag:s17] =	ssyncset.done $0x0  }
0x14d: {  	[sflag:s17] =	ssyncadd.s32 $0xFFFFFF80  }
0x14e: {  	[tilespmem:s23], [sflag:$0x1] =	stream.strided.gather [hbm4b:s10+s21], $0x5000, s22, s21, $0x38;
	[tilespmem:$0x19600] =	vst v63  }
0x14f: {  	_ =	swait.ge [sflag:s17], $0x5000  }
0x150: {  	[sflag:s17] =	ssyncset.done $0x0  }
0x151: {  	[sflag:s17] =	ssyncadd.s32 $0xFFFFB000  }
0x152: {  	[tilespmem:$0x19100] =	vst v1  }
0x153: {  	[tilespmem:$0x19180] =	vst v1  }
0x154: {  	[tilespmem:$0x19200] =	vst v1  }
0x155: {  	[tilespmem:$0x19280] =	vst v1  }
0x156: {  	[tilespmem:$0x19300] =	vst v1  }
0x157: {  	[tilespmem:$0x19580] =	vst v1  }
0x158: {  	[tilespmem:$0x19110] =	vst v1  }
0x159: {  	[tilespmem:$0x19190] =	vst v1  }
0x15a: {  	[tilespmem:$0x19210] =	vst v1  }
0x15b: {  	[tilespmem:$0x19290] =	vst v1  }
0x15c: {  	[tilespmem:$0x19310] =	vst v1  }
0x15d: {  	[tilespmem:$0x19590] =	vst v1  }
0x15e: {  	[tilespmem:$0x19120] =	vst v1  }
0x15f: {  	[tilespmem:$0x191A0] =	vst v1  }
0x160: {  	[tilespmem:$0x19220] =	vst v1  }
0x161: {  	[tilespmem:$0x192A0] =	vst v1  }
0x162: {  	[tilespmem:$0x19320] =	vst v1  }
0x163: {  	[tilespmem:$0x195A0] =	vst v1  }
0x164: {  	[tilespmem:$0x19130] =	vst v1  }
0x165: {  	[tilespmem:$0x191B0] =	vst v1  }
0x166: {  	[tilespmem:$0x19230] =	vst v1  }
0x167: {  	[tilespmem:$0x192B0] =	vst v1  }
0x168: {  	[tilespmem:$0x19330] =	vst v1  }
0x169: {  	[tilespmem:$0x195B0] =	vst v1  }
0x16a: {  	[tilespmem:$0x19140] =	vst v1  }
0x16b: {  	[tilespmem:$0x191C0] =	vst v1  }
0x16c: {  	[tilespmem:$0x19240] =	vst v1  }
0x16d: {  	[tilespmem:$0x192C0] =	vst v1  }
0x16e: {  	[tilespmem:$0x19340] =	vst v1  }
0x16f: {  	[tilespmem:$0x195C0] =	vst v1  }
0x170: {  	[tilespmem:$0x19150] =	vst v1  }
0x171: {  	[tilespmem:$0x191D0] =	vst v1  }
0x172: {  	[tilespmem:$0x19250] =	vst v1  }
0x173: {  	[tilespmem:$0x192D0] =	vst v1  }
0x174: {  	[tilespmem:$0x19350] =	vst v1  }
0x175: {  	[tilespmem:$0x195D0] =	vst v1  }
0x176: {  	[tilespmem:$0x19160] =	vst v1  }
0x177: {  	[tilespmem:$0x191E0] =	vst v1  }
0x178: {  	[tilespmem:$0x19260] =	vst v1  }
0x179: {  	[tilespmem:$0x192E0] =	vst v1  }
0x17a: {  	[tilespmem:$0x19360] =	vst v1  }
0x17b: {  	[tilespmem:$0x195E0] =	vst v1  }
0x17c: {  	[tilespmem:$0x19380] =	vst v1  }
0x17d: {  	[tilespmem:$0x19390] =	vst v1  }
0x17e: {  	[tilespmem:$0x193A0] =	vst v1  }
0x17f: {  	[tilespmem:$0x193B0] =	vst v1  }
0x180: {  	[tilespmem:$0x193C0] =	vst v1  }
0x181: {  	[tilespmem:$0x193D0] =	vst v1  }
0x182: {  	[tilespmem:$0x193E0] =	vst v1  }
0x183: {  	[tilespmem:$0x193F0] =	vst v1  }
0x184: {  	[tilespmem:$0x19400] =	vst v1  }
0x185: {  	[tilespmem:$0x19410] =	vst v1  }
0x186: {  	[tilespmem:$0x19420] =	vst v1  }
0x187: {  	[tilespmem:$0x19430] =	vst v1  }
0x188: {  	[tilespmem:$0x19440] =	vst v1  }
0x189: {  	[tilespmem:$0x19450] =	vst v1  }
0x18a: {  	[tilespmem:$0x19460] =	vst v1  }
0x18b: {  	[tilespmem:$0x19470] =	vst v1  }
0x18c: {  	[tilespmem:$0x19480] =	vst v1  }
0x18d: {  	[tilespmem:$0x19490] =	vst v1  }
0x18e: {  	[tilespmem:$0x194A0] =	vst v1  }
0x18f: {  	[tilespmem:$0x194B0] =	vst v1  }
0x190: {  	[tilespmem:$0x194C0] =	vst v1  }
0x191: {  	[tilespmem:$0x194D0] =	vst v1  }
0x192: {  	[tilespmem:$0x194E0] =	vst v1  }
0x193: {  	[tilespmem:$0x194F0] =	vst v1  }
0x194: {  	s31 =	simm.s32 $0x14040;
	[tilespmem:$0x19500] =	vst v1  }
0x195: {  	v12 =	vld [tilespmem:s31+$0xFFFFFFD0]  }
0x196: {  	s0 =	simm.s32 $0x1;
	s30 =	simm.s32 $0x0;
	v13 =	vld [tilespmem:s31+$0xFFFFFFC0]  }
.LBB2_6:
0x197: {  	p1 =	sne.s32 s0, $0x9F;
	v14 =	vld [tilespmem:s31+$0xFFFFFFE0]  }
0x198: {  	v15 =	vld [tilespmem:s31+$0xFFFFFFF0]  }
0x199: {  	v16 =	vld [tilespmem:s31+$0x0]  }
0x19a: {  	v17 =	vld [tilespmem:s31+$0x10]  }
0x19b: {  	v12 =	vmax.f32 v13, v12;
	v13 =	vld [tilespmem:s31+$0x20]  }
0x19c: {  	v12 =	vmax.f32 v12, v14;
	v14 =	vld [tilespmem:s31+$0x30]  }
0x19d: {  	v12 =	vmax.f32 v12, v15  }
0x19e: {  	v12 =	vmax.f32 v12, v16  }
0x19f: {  	v12 =	vmax.f32 v12, v17  }
0x1a0: {  	v12 =	vmax.f32 v12, v13  }
0x1a1: {  	v12 =	vmax.f32 v12, v14  }
0x1a2: {  	(xrf1) =	vsort.ascd.msk.f32 $0xffff, v12, v12;
	_ =	sdelay $0xb  }
0x1a3: {  	v12 =	vmov s30;
	s30 =	smov.u32 s0;
	_ =	sdelay $0x1  }
0x1a4: {  	v13, _, _ =	vpop (xrf1)  }
.Ltmp4:
0x1a5: {  	v13 =	vbroadcast v13, $0xF;
	(pc) =	sbr.rel @p1 .LBB2_6-.Ltmp4, $4  }
0x1a6: {  	_ = 	snop  }
0x1a7: {  	s31 =	sadd.s32 $0x80, s31;
	[tilespmem:v12+s24+$0x0] =	vst.idx.msk $0x1, v13  }
0x1a8: {  	v12 =	vld [tilespmem:s31+$0xFFFFFFD0]  }
0x1a9: {  	s0 =	sadd.s32 $0x1, s0;
	v13 =	vld [tilespmem:s31+$0xFFFFFFC0]  }
0x1aa: {  	v14 =	vld [tilespmem:s31+$0xFFFFFFE0]  }
0x1ab: {  	v15 =	vld [tilespmem:s31+$0xFFFFFFF0]  }
0x1ac: {  	v16 =	vld [tilespmem:s31+$0x0]  }
0x1ad: {  	v17 =	vld [tilespmem:s31+$0x10]  }
0x1ae: {  	v60 =	vld [tilespmem:s31+$0x20];
	v12 =	vmax.f32 v13, v12  }
0x1af: {  	v61 =	vld [tilespmem:s31+$0x30];
	v12 =	vmax.f32 v12, v14  }
0x1b0: {  	v12 =	vmax.f32 v12, v15  }
0x1b1: {  	v12 =	vmax.f32 v12, v16  }
0x1b2: {  	v12 =	vmax.f32 v12, v17  }
0x1b3: {  	v12 =	vmax.f32 v12, v60  }
0x1b4: {  	v12 =	vmax.f32 v12, v61  }
0x1b5: {  	(xrf1) =	vsort.ascd.msk.f32 $0xffff, v12, v12;
	_ =	sdelay $0xb  }
0x1b6: {  	v62 =	vmov s30;
	_ =	sdelay $0x1  }
0x1b7: {  	v63, _, _ =	vpop (xrf1)  }
0x1b8: {  	v13 =	vbroadcast v63, $0xF;
	_ =	sdelay $0x1  }
0x1b9: {  	[tilespmem:v62+s24+$0x0] =	vst.idx.msk $0x1, v13  }
.LBB2_8:
0x1ba: {  	v13 =	vld [tilespmem:$0x19000]  }
0x1bb: {  	v14 =	vld [tilespmem:$0x19010]  }
0x1bc: {  	v15 =	vld [tilespmem:$0x19020]  }
0x1bd: {  	v16 =	vld [tilespmem:$0x19030]  }
0x1be: {  	v17 =	vld [tilespmem:$0x19040]  }
0x1bf: {  	v18 =	vld [tilespmem:$0x19050]  }
0x1c0: {  	v19 =	vld [tilespmem:$0x19060];
	v12 =	vmax.f32 v13, v14  }
0x1c1: {  	v20 =	vld [tilespmem:$0x19070];
	v12 =	vmax.f32 v12, v15  }
0x1c2: {  	v21 =	vld [tilespmem:$0x19080];
	v12 =	vmax.f32 v12, v16  }
0x1c3: {  	v22 =	vld [tilespmem:$0x19090];
	v12 =	vmax.f32 v12, v17  }
0x1c4: {  	v12 =	vmax.f32 v12, v18  }
0x1c5: {  	v12 =	vmax.f32 v12, v19  }
0x1c6: {  	v12 =	vmax.f32 v12, v20  }
0x1c7: {  	v12 =	vmax.f32 v12, v21  }
0x1c8: {  	v12 =	vmax.f32 v12, v22  }
0x1c9: {  	(xrf1) =	vsort.ascd.msk.f32 $0xffff, v12, v12;
	_ =	sdelay $0xd  }
0x1ca: {  	v23, _, _ =	vpop (xrf1)  }
0x1cb: {  	v12 =	vbroadcast v23, $0xF;
	_ =	sdelay $0x1  }
0x1cc: {  	vm0 =	veq.f32 v22, v12  }
0x1cd: {  	vm1 =	veq.f32 v21, v12;
	v40 =	vnsel vm0, $0x40000000, v2  }
0x1ce: {  	vm11 =	veq.f32 v20, v12;
	v41 =	vsel vm1, v3, v40  }
0x1cf: {  	vm12 =	veq.f32 v19, v12;
	v42 =	vsel vm11, v4, v41  }
0x1d0: {  	vm13 =	veq.f32 v18, v12;
	v43 =	vsel vm12, v5, v42  }
0x1d1: {  	vm14 =	veq.f32 v17, v12;
	v44 =	vsel vm13, v6, v43  }
0x1d2: {  	vm15 =	veq.f32 v16, v12;
	v45 =	vsel vm14, v7, v44  }
0x1d3: {  	vm4 =	veq.f32 v15, v12;
	v46 =	vsel vm15, v8, v45  }
0x1d4: {  	vm5 =	veq.f32 v14, v12;
	v47 =	vsel vm4, v9, v46  }
0x1d5: {  	vm6 =	veq.f32 v13, v12;
	v48 =	vsel vm5, v10, v47  }
0x1d6: {  	v13 =	vsel vm6, v0, v48  }
0x1d7: {  	(xrf1) =	vsort.ascd.msk.u32 $0xffff, v13, v13;
	_ =	sdelay $0xd  }
0x1d8: {  	(v2sf) =	vpush v23, $0xF;
	v13, _, _ =	vpop (xrf1)  }
0x1d9: {  	(v2sf) =	vpush v13, $0x0;
	_ =	sdelay $0xd  }
0x1da: {  	s30 =	spop (v2sf)  }
0x1db: {  	s0 =	spop (v2sf)  }
0x1dc: {  	s2 =	sshll.u32 s0, $0x9  }
0x1dd: {  	s31 =	sshra.s32 s2, $0x2  }
0x1de: {  	v49 =	vld [tilespmem:s31+$0x14000];
	_ =	sdelay $0x1  }
0x1df: {  	s0 =	sshll.u32 s0, $0x7;
	v50 =	vld [tilespmem:s31+$0x14010]  }
0x1e0: {  	v51 =	vor.u32 s0, v0;
	v52 =	vld [tilespmem:s31+$0x14020]  }
0x1e1: {  	vm7 =	vlt.s32 v51, $0x40000000  }
0x1e2: {  	s13 =	sor.u32 $0x10, s0;
	v54 =	vld [tilespmem:s31+$0x14030];
	v53 =	vnsel vm7, $0x40000000, v51;
	vm8 =	veq.f32 v49, v12  }
0x1e3: {  	v55 =	vor.u32 s13, v0;
	s13 =	sor.u32 $0x20, s0;
	v14 =	vnsel vm8, $0x40000000, v53  }
0x1e4: {  	v56 =	vld [tilespmem:s31+$0x14040];
	v57 =	vor.u32 s13, v0;
	vm1 =	vlt.s32 v14, v55  }
0x1e5: {  	vm9 =	veq.f32 v50, v12;
	vm10 =	veq.f32 v52, v12;
	v18 =	vsel vm1, v14, v55  }
0x1e6: {  	v58 =	vld [tilespmem:s31+$0x14050];
	s13 =	sor.u32 $0x30, s0;
	v17 =	vnsel vm10, $0x40000000, v57;
	v14 =	vsel vm9, v18, v14  }
0x1e7: {  	v59 =	vor.u32 s13, v0;
	vm11 =	veq.f32 v54, v12;
	vm0 =	vlt.s32 v14, v17  }
0x1e8: {  	v60 =	vld [tilespmem:s31+$0x14060];
	s13 =	sor.u32 $0x40, s0;
	v16 =	vnsel vm11, $0x40000000, v59;
	v14 =	vsel vm0, v14, v17  }
0x1e9: {  	v61 =	vor.u32 s13, v0;
	vm12 =	veq.f32 v56, v12;
	vm0 =	vlt.s32 v14, v16  }
0x1ea: {  	v62 =	vld [tilespmem:s31+$0x14070];
	s13 =	sor.u32 $0x50, s0;
	v15 =	vnsel vm12, $0x40000000, v61;
	v14 =	vsel vm0, v14, v16  }
0x1eb: {  	v63 =	vor.u32 s13, v0;
	vm13 =	veq.f32 v58, v12;
	vm0 =	vlt.s32 v14, v15  }
0x1ec: {  	s13 =	sor.u32 $0x60, s0;
	v21 =	vnsel vm13, $0x40000000, v63;
	v14 =	vsel vm0, v14, v15  }
0x1ed: {  	vm14 =	veq.f32 v60, v12;
	v22 =	vor.u32 s13, v0;
	vm0 =	vlt.s32 v14, v21  }
0x1ee: {  	s0 =	sor.u32 $0x70, s0;
	v23 =	vnsel vm14, $0x40000000, v22;
	v14 =	vsel vm0, v14, v21  }
0x1ef: {  	vm15 =	veq.f32 v62, v12;
	v24 =	vor.u32 s0, v0;
	vm0 =	vlt.s32 v14, v23  }
0x1f0: {  	v25 =	vnsel vm15, $0x40000000, v24;
	v14 =	vsel vm0, v14, v23  }
0x1f1: {  	vm0 =	vlt.s32 v14, v25  }
0x1f2: {  	v14 =	vsel vm0, v14, v25  }
0x1f3: {  	(xrf1) =	vsort.ascd.msk.u32 $0xffff, v14, v14;
	_ =	sdelay $0xd  }
0x1f4: {  	v14, _, _ =	vpop (xrf1)  }
0x1f5: {  	v14 =	vbroadcast v14, $0x0;
	_ =	sdelay $0x5  }
0x1f6: {  	[tilespmem:v14+s23+$0x0] =	vst.idx.msk $0x1, v11  }
0x1f7: {  	v26 =	vld [tilespmem:s31+$0x14000]  }
0x1f8: {  	v27 =	vld [tilespmem:s31+$0x14010]  }
0x1f9: {  	v28 =	vld [tilespmem:s31+$0x14020]  }
0x1fa: {  	v29 =	vld [tilespmem:s31+$0x14030]  }
0x1fb: {  	v30 =	vld [tilespmem:s31+$0x14040]  }
0x1fc: {  	v31 =	vld [tilespmem:s31+$0x14050]  }
0x1fd: {  	v32 =	vld [tilespmem:s31+$0x14060];
	v15 =	vmax.f32 v26, v27  }
0x1fe: {  	v33 =	vld [tilespmem:s31+$0x14070];
	v15 =	vmax.f32 v15, v28  }
0x1ff: {  	v15 =	vmax.f32 v15, v29  }
0x200: {  	v15 =	vmax.f32 v15, v30  }
0x201: {  	v15 =	vmax.f32 v15, v31  }
0x202: {  	v15 =	vmax.f32 v15, v32  }
0x203: {  	v15 =	vmax.f32 v15, v33  }
0x204: {  	(xrf1) =	vsort.ascd.msk.f32 $0xffff, v15, v15;
	_ =	sdelay $0xa  }
0x205: {  	v13 =	vbroadcast v13, $0x0;
	_ =	sdelay $0x2  }
0x206: {  	v15, _, _ =	vpop (xrf1)  }
0x207: {  	v15 =	vbroadcast v15, $0xF;
	_ =	sdelay $0x1  }
0x208: {  	[tilespmem:v13+s24+$0x0] =	vst.idx.msk $0x1, v15  }
0x209: {  	v13 =	vld.idx.msk [tilespmem:v14+s1+$0x0], $0xffff  }
0x20a: {  	v34 =	vld.idx.msk [tilespmem:v14+s18+$0x0], $0xffff  }
0x20b: {  	v15 =	vld.idx.msk [tilespmem:v14+s19+$0x0], $0xffff  }
0x20c: {  	v14 =	vld.idx.msk [tilespmem:v14+s20+$0x0], $0xffff  }
0x20d: {  	v35 =	vld [tilespmem:$0x19100]  }
0x20e: {  	v36 =	vld [tilespmem:$0x19180]  }
0x20f: {  	v37 =	vld [tilespmem:$0x19200]  }
0x210: {  	v38 =	vld [tilespmem:$0x19280]  }
0x211: {  	v24 =	vld [tilespmem:$0x19110]  }
0x212: {  	v25 =	vld [tilespmem:$0x19190]  }
0x213: {  	v26 =	vld [tilespmem:$0x19210]  }
0x214: {  	v27 =	vld [tilespmem:$0x19290];
	(v2sf) =	vpush v13, $0x0  }
0x215: {  	v28 =	vld [tilespmem:$0x19120];
	(v2sf) =	vpush v34, $0x0  }
0x216: {  	v29 =	vld [tilespmem:$0x191A0];
	(v2sf) =	vpush v15, $0x0  }
0x217: {  	v41 =	vld [tilespmem:$0x19220];
	(v2sf) =	vpush v14, $0x0  }
0x218: {  	v44 =	vld [tilespmem:$0x19130]  }
0x219: {  	v31 =	vld [tilespmem:$0x191B0]  }
0x21a: {  	v32 =	vld [tilespmem:$0x19230]  }
0x21b: {  	v33 =	vld [tilespmem:$0x192B0]  }
0x21c: {  	v48 =	vld [tilespmem:$0x19240];
	v17 =	vbroadcast v13, $0x0;
	v16 =	vbroadcast v14, $0x0  }
0x21d: {  	v55 =	vld [tilespmem:$0x192D0]  }
0x21e: {  	v46 =	vld [tilespmem:$0x191C0];
	v15 =	vbroadcast v15, $0x0;
	v19 =	vmax.f32 v35, v17;
	v22 =	vmin.f32 v38, v16  }
0x21f: {  	v50 =	vld [tilespmem:$0x192C0];
	v24 =	vmax.f32 v24, v17;
	v45 =	vmin.f32 v27, v16;
	v47 =	vmax.f32 v28, v17  }
0x220: {  	v51 =	vld [tilespmem:$0x19150];
	v23 =	vmax.f32 v44, v17;
	v56 =	vmin.f32 v33, v16;
	v14 =	vbroadcast v34, $0x0  }
0x221: {  	v59 =	vld [tilespmem:$0x191E0];
	v21 =	vmin.f32 v37, v15;
	v26 =	vmin.f32 v26, v15;
	v54 =	vmin.f32 v32, v15  }
0x222: {  	v42 =	vld [tilespmem:$0x192A0];
	v28 =	vmin.f32 v48, v15;
	v37 =	vmin.f32 v55, v16;
	v20 =	vmax.f32 v36, v14  }
0x223: {  	v61 =	vld [tilespmem:$0x192E0];
	v19 =	vsub.f32 v21, v19;
	v24 =	vsub.f32 v26, v24;
	v25 =	vmax.f32 v25, v14;
	s0 =	spop (v2sf)  }
0x224: {  	v21 =	vmin.f32 v41, v15;
	v49 =	vmax.f32 v29, v14;
	v31 =	vmax.f32 v31, v14;
	s2 =	spop (v2sf)  }
0x225: {  	v34 =	vld [tilespmem:$0x19140];
	v29 =	vmin.f32 v50, v16;
	v27 =	vmax.f32 v46, v14;
	v26 =	vmax.f32 v51, v17;
	s13 =	spop (v2sf)  }
0x226: {  	v39 =	vld [tilespmem:$0x19300];
	v41 =	vmax.f32 v59, v14;
	v20 =	vsub.f32 v22, v20;
	v25 =	vsub.f32 v45, v25;
	s31 =	spop (v2sf);
	s0 =	ssub.f32 s13, s0  }
0x227: {  	v40 =	vld [tilespmem:$0x19310];
	v21 =	vsub.f32 v21, v47;
	v22 =	vmin.f32 v42, v16;
	v27 =	vsub.f32 v29, v27;
	s2 =	ssub.f32 s31, s2  }
0x228: {  	v30 =	vld [tilespmem:$0x19320];
	v29 =	vmin.f32 v61, v16;
	v19 =	vmax.f32 v19, $0.0e+00;
	v24 =	vmax.f32 v24, $0.0e+00  }
0x229: {  	v60 =	vld [tilespmem:$0x19260];
	v22 =	vsub.f32 v22, v49;
	v29 =	vsub.f32 v29, v41;
	v20 =	vmax.f32 v20, $0.0e+00;
	s0 =	smax.f32 s0, $0.0e+00;
	s2 =	smax.f32 s2, $0.0e+00  }
0x22a: {  	v57 =	vld [tilespmem:$0x19160];
	v25 =	vmax.f32 v25, $0.0e+00;
	v21 =	vmax.f32 v21, $0.0e+00;
	v58 =	vmax.f32 v34, v17;
	s31 =	smul.f32 s2, s0  }
0x22b: {  	v38 =	vld [tilespmem:$0x19340];
	v27 =	vmax.f32 v27, $0.0e+00;
	v19 =	vmul.f32 v20, v19;
	v22 =	vmax.f32 v22, $0.0e+00  }
0x22c: {  	v42 =	vld [tilespmem:$0x19360];
	v28 =	vsub.f32 v28, v58;
	v29 =	vmax.f32 v29, $0.0e+00;
	v43 =	vadd.f32 s31, v39  }
0x22d: {  	v52 =	vld [tilespmem:$0x191D0];
	v21 =	vmul.f32 v22, v21;
	v22 =	vsub.f32 v54, v23;
	v23 =	vsub.f32 v56, v31  }
0x22e: {  	v53 =	vld [tilespmem:$0x19250];
	v31 =	vmin.f32 v60, v15;
	v28 =	vmax.f32 v28, $0.0e+00;
	v20 =	vsub.f32 v43, v19  }
0x22f: {  	v22 =	vmax.f32 v22, $0.0e+00;
	v23 =	vmax.f32 v23, $0.0e+00;
	v18 =	vadd.f32 s31, v40  }
0x230: {  	v63 =	vld [tilespmem:$0x19330];
	v27 =	vmul.f32 v27, v28;
	v30 =	vadd.f32 s31, v30;
	v20 =	vadd.f32 $9.999999710e-10, v20  }
0x231: {  	v39 =	vmax.f32 v57, v17;
	v40 =	vld [tilespmem:$0x19350];
	v44 =	vadd.f32 s31, v38;
	v47 =	vadd.f32 s31, v42  }
0x232: {  	v31 =	vsub.f32 v31, v39;
	v36 =	vsub.f32 v30, v21;
	(erf) = vrcp.f32 v20  }
0x233: {  	v20 =	vmul.f32 v25, v24;
	v25 =	vmin.f32 v53, v15;
	v24 =	vmax.f32 v52, v14  }
0x234: {  	v22 =	vmul.f32 v23, v22;
	v62 =	vsub.f32 v25, v26;
	v24 =	vsub.f32 v37, v24  }
0x235: {  	v46 =	vmax.f32 v31, $0.0e+00;
	v25 =	vadd.f32 s31, v63;
	v18 =	vsub.f32 v18, v20  }
0x236: {  	v45 =	vadd.f32 s31, v40;
	v23 =	vmax.f32 v62, $0.0e+00;
	v24 =	vmax.f32 v24, $0.0e+00  }
0x237: {  	v43 =	vsub.f32 v25, v22;
	v18 =	vadd.f32 $9.999999710e-10, v18;
	v23 =	vmul.f32 v24, v23  }
0x238: {  	v29 =	vmul.f32 v29, v46;
	v26 =	vadd.f32 $9.999999710e-10, v36;
	v25 =	vsub.f32 v44, v27  }
0x239: {  	v48 =	vadd.f32 $9.999999710e-10, v43;
	(erf) = vrcp.f32 v18;
	v49 =	vsub.f32 v45, v23  }
0x23a: {  	v50 =	vsub.f32 v47, v29;
	v25 =	vadd.f32 $9.999999710e-10, v25;
	(erf) = vrcp.f32 v26  }
0x23b: {  	(erf) = vrcp.f32 v48;
	v51 =	vadd.f32 $9.999999710e-10, v49  }
0x23c: {  	v52 =	vadd.f32 $9.999999710e-10, v50;
	(erf) = vrcp.f32 v25  }
0x23d: {  	(erf) = vrcp.f32 v51  }
0x23e: {  	(erf) = vrcp.f32 v52;
	_ =	sdelay $0x2  }
0x23f: {  	v53 =	vpop (erf)  }
0x240: {  	v18 =	vmul.f32 v53, v19;
	v54 =	vpop (erf)  }
0x241: {  	v55 =	vpop (erf);
	v20 =	vmul.f32 v54, v20  }
0x242: {  	v18 =	vmax.f32 v18, $0.0e+00;
	v56 =	vpop (erf);
	v19 =	vmul.f32 v55, v21  }
0x243: {  	v57 =	vpop (erf);
	v18 =	vmax.f32 v18, v20;
	v58 =	vmul.f32 v56, v22  }
0x244: {  	v59 =	vpop (erf);
	v18 =	vmax.f32 v18, v19;
	v60 =	vmul.f32 v57, v27  }
0x245: {  	v18 =	vmax.f32 v18, v58;
	v61 =	vmul.f32 v59, v23;
	v62 =	vpop (erf)  }
0x246: {  	v18 =	vmax.f32 v18, v60;
	v63 =	vmul.f32 v62, v29  }
0x247: {  	v18 =	vmax.f32 v18, v61  }
0x248: {  	v18 =	vmax.f32 v18, v63  }
0x249: {  	(xrf1) =	vsort.ascd.msk.f32 $0xffff, v18, v18;
	_ =	sdelay $0xd  }
0x24a: {  	v18, _, _ =	vpop (xrf1)  }
0x24b: {  	(v2sf) =	vpush v18, $0xF;
	_ =	sdelay $0xe  }
0x24c: {  	s13 =	spop (v2sf)  }
0x24d: {  	p2 =	sgt.f32 s30, $0.0e+00;
	p1 =	sle.f32 s13, $6.000000240e-01  }
0x24e: {  	_ = 	snop  }
0x24f: {  	p1 =	por !p2, !p1  }
0x250: {  	p1 =	por !p1, !p1  }
0x251: {  	s13 =	simm.s32 $0x1;
	v18 =	vmov @p1 s29  }
0x252: {  	s13 =	simm.s32 @!p1 $0x0  }
0x253: {  	s2 =	sshll.u32 @p1 s29, $0x2;
	s29 =	sadd.s32 s13, s29  }
0x254: {  	p2 =	sgt.u32 s29, $0x63  }
0x255: {  	s0 =	simm.s32 @p1 $0x19100;
	v19 =	vlaneseq.u32 @p1;
	p3 =	sle.f32 @!p2 s30, $0.0e+00  }
0x256: {  	[tilespmem:v18+s0+$0x0] =	vst.idx.msk @p1 $0x1, v17;
	s0 =	simm.s32 @p1 $0x19180;
	v17 =	vadd.s32 @p1 s2, v19  }
0x257: {  	vm0 =	vcmask @p1 $0x3F0C;
	p2 =	por p2, p3;
	[tilespmem:v18+s0+$0x0] =	vst.idx.msk @p1 $0x1, v14;
	s0 =	simm.s32 @p1 $0x19200  }
.Ltmp5:
0x258: {  	[tilespmem:v18+s0+$0x0] =	vst.idx.msk @p1 $0x1, v15;
	s0 =	simm.s32 @p1 $0x19280;
	v15 =	vsel @p1 vm0, v16, v15;
	vm0 =	vcmask @p1 $0x3F08;
	(pc) =	sbr.rel @!p2 .LBB2_8-.Ltmp5, $4  }
0x259: {  	vm1 =	vmmov @p1 $0x1;
	v19 =	vmov s31;
	[tilespmem:v18+s0+$0x0] =	vst.idx.msk @p1 $0x1, v16;
	s0 =	simm.s32 @p1 $0x19300;
	v14 =	vsel @p1 vm0, v15, v14  }
0x25a: {  	[tilespmem:v18+s0+$0x0] =	vst.idx.msk @p1 $0x1, v19;
	v13 =	vsel @p1 vm1, v13, v14;
	s0 =	simm.s32 @p1 $0x19380  }
0x25b: {  	[tilespmem:v17+s0+$0x0] =	vst.idx.msk @p1 $0xf, v13;
	s0 =	simm.s32 @p1 $0x19580  }
0x25c: {  	[tilespmem:v18+s0+$0x0] =	vst.idx.msk @p1 $0x1, v12  }
0x25d: {  	[hbm4b:s11+s21] =	stream.strided.scatter [tilespmem:s25], [sflag:$0x1], $0x200, s22, s21, $0x38;
	[tilespmem:$0x19600] =	vst v63  }
0x25e: {  	_ =	swait.ge [sflag:s17], $0x200  }
0x25f: {  	[sflag:s17] =	ssyncset.done $0x0  }
.Ltmp6:
0x260: {  	[sflag:s17] =	ssyncadd.s32 $0xFFFFFE00;
	(pc) =	sbr.rel @p0 .LBB2_15-.Ltmp6, $4  }
0x261: {  	[hbm4b:s12+s1] =	stream.linear.scatter [tilespmem:s26], [sflag:$0x1], $0x80, $0x38;
	[tilespmem:$0x19600] =	vst v63  }
0x262: {  	_ =	swait.ge [sflag:s17], $0x80  }
0x263: {  	[sflag:s17] =	ssyncset.done $0x0  }
0x264: {  	[sflag:s17] =	ssyncadd.s32 $0xFFFFFF80  }
0x265: {  	s0 =	rddreg [dreg:$0x4]  }
0x266: {  	[tilespmem:s23], [sflag:$0x1] =	stream.strided.gather [hbm4b:s0+s21], $0x5000, s22, s21, $0x38;
	[tilespmem:$0x19600] =	vst v63  }
0x267: {  	_ =	swait.ge [sflag:s17], $0x5000  }
0x268: {  	[sflag:s17] =	ssyncset.done $0x0  }
0x269: {  	[sflag:s17] =	ssyncadd.s32 $0xFFFFB000  }
0x26a: {  	[tilespmem:$0x19100] =	vst v1  }
0x26b: {  	[tilespmem:$0x19180] =	vst v1  }
0x26c: {  	[tilespmem:$0x19200] =	vst v1  }
0x26d: {  	[tilespmem:$0x19280] =	vst v1  }
0x26e: {  	[tilespmem:$0x19300] =	vst v1  }
0x26f: {  	[tilespmem:$0x19580] =	vst v1  }
0x270: {  	[tilespmem:$0x19110] =	vst v1  }
0x271: {  	[tilespmem:$0x19190] =	vst v1  }
0x272: {  	[tilespmem:$0x19210] =	vst v1  }
0x273: {  	[tilespmem:$0x19290] =	vst v1  }
0x274: {  	[tilespmem:$0x19310] =	vst v1  }
0x275: {  	[tilespmem:$0x19590] =	vst v1  }
0x276: {  	[tilespmem:$0x19120] =	vst v1  }
0x277: {  	[tilespmem:$0x191A0] =	vst v1  }
0x278: {  	[tilespmem:$0x19220] =	vst v1  }
0x279: {  	[tilespmem:$0x192A0] =	vst v1  }
0x27a: {  	[tilespmem:$0x19320] =	vst v1  }
0x27b: {  	[tilespmem:$0x195A0] =	vst v1  }
0x27c: {  	[tilespmem:$0x19130] =	vst v1  }
0x27d: {  	[tilespmem:$0x191B0] =	vst v1  }
0x27e: {  	[tilespmem:$0x19230] =	vst v1  }
0x27f: {  	[tilespmem:$0x192B0] =	vst v1  }
0x280: {  	[tilespmem:$0x19330] =	vst v1  }
0x281: {  	[tilespmem:$0x195B0] =	vst v1  }
0x282: {  	[tilespmem:$0x19140] =	vst v1  }
0x283: {  	[tilespmem:$0x191C0] =	vst v1  }
0x284: {  	[tilespmem:$0x19240] =	vst v1  }
0x285: {  	[tilespmem:$0x192C0] =	vst v1  }
0x286: {  	[tilespmem:$0x19340] =	vst v1  }
0x287: {  	[tilespmem:$0x195C0] =	vst v1  }
0x288: {  	[tilespmem:$0x19150] =	vst v1  }
0x289: {  	[tilespmem:$0x191D0] =	vst v1  }
0x28a: {  	[tilespmem:$0x19250] =	vst v1  }
0x28b: {  	[tilespmem:$0x192D0] =	vst v1  }
0x28c: {  	[tilespmem:$0x19350] =	vst v1  }
0x28d: {  	[tilespmem:$0x195D0] =	vst v1  }
0x28e: {  	[tilespmem:$0x19160] =	vst v1  }
0x28f: {  	[tilespmem:$0x191E0] =	vst v1  }
0x290: {  	[tilespmem:$0x19260] =	vst v1  }
0x291: {  	[tilespmem:$0x192E0] =	vst v1  }
0x292: {  	[tilespmem:$0x19360] =	vst v1  }
0x293: {  	[tilespmem:$0x195E0] =	vst v1  }
0x294: {  	[tilespmem:$0x19380] =	vst v1  }
0x295: {  	[tilespmem:$0x19390] =	vst v1  }
0x296: {  	[tilespmem:$0x193A0] =	vst v1  }
0x297: {  	[tilespmem:$0x193B0] =	vst v1  }
0x298: {  	[tilespmem:$0x193C0] =	vst v1  }
0x299: {  	[tilespmem:$0x193D0] =	vst v1  }
0x29a: {  	[tilespmem:$0x193E0] =	vst v1  }
0x29b: {  	[tilespmem:$0x193F0] =	vst v1  }
0x29c: {  	[tilespmem:$0x19400] =	vst v1  }
0x29d: {  	[tilespmem:$0x19410] =	vst v1  }
0x29e: {  	[tilespmem:$0x19420] =	vst v1  }
0x29f: {  	[tilespmem:$0x19430] =	vst v1  }
0x2a0: {  	[tilespmem:$0x19440] =	vst v1  }
0x2a1: {  	[tilespmem:$0x19450] =	vst v1  }
0x2a2: {  	[tilespmem:$0x19460] =	vst v1  }
0x2a3: {  	[tilespmem:$0x19470] =	vst v1  }
0x2a4: {  	[tilespmem:$0x19480] =	vst v1  }
0x2a5: {  	[tilespmem:$0x19490] =	vst v1  }
0x2a6: {  	[tilespmem:$0x194A0] =	vst v1  }
0x2a7: {  	[tilespmem:$0x194B0] =	vst v1  }
0x2a8: {  	[tilespmem:$0x194C0] =	vst v1  }
0x2a9: {  	[tilespmem:$0x194D0] =	vst v1  }
0x2aa: {  	[tilespmem:$0x194E0] =	vst v1  }
0x2ab: {  	[tilespmem:$0x194F0] =	vst v1  }
0x2ac: {  	s31 =	simm.s32 $0x14040;
	[tilespmem:$0x19500] =	vst v1  }
0x2ad: {  	v12 =	vld [tilespmem:s31+$0xFFFFFFD0]  }
0x2ae: {  	s29 =	simm.s32 $0x0;
	s30 =	simm.s32 $0x0;
	s0 =	simm.s32 $0x1;
	v13 =	vld [tilespmem:s31+$0xFFFFFFC0]  }
.LBB2_11:
0x2af: {  	p1 =	sne.s32 s0, $0x9F;
	v14 =	vld [tilespmem:s31+$0xFFFFFFE0]  }
0x2b0: {  	v15 =	vld [tilespmem:s31+$0xFFFFFFF0]  }
0x2b1: {  	v16 =	vld [tilespmem:s31+$0x0]  }
0x2b2: {  	v17 =	vld [tilespmem:s31+$0x10]  }
0x2b3: {  	v12 =	vmax.f32 v13, v12;
	v13 =	vld [tilespmem:s31+$0x20]  }
0x2b4: {  	v12 =	vmax.f32 v12, v14;
	v14 =	vld [tilespmem:s31+$0x30]  }
0x2b5: {  	v12 =	vmax.f32 v12, v15  }
0x2b6: {  	v12 =	vmax.f32 v12, v16  }
0x2b7: {  	v12 =	vmax.f32 v12, v17  }
0x2b8: {  	v12 =	vmax.f32 v12, v13  }
0x2b9: {  	v12 =	vmax.f32 v12, v14  }
0x2ba: {  	(xrf1) =	vsort.ascd.msk.f32 $0xffff, v12, v12;
	_ =	sdelay $0xb  }
0x2bb: {  	v12 =	vmov s30;
	s30 =	smov.u32 s0;
	_ =	sdelay $0x1  }
0x2bc: {  	v13, _, _ =	vpop (xrf1)  }
.Ltmp7:
0x2bd: {  	v13 =	vbroadcast v13, $0xF;
	(pc) =	sbr.rel @p1 .LBB2_11-.Ltmp7, $4  }
0x2be: {  	_ = 	snop  }
0x2bf: {  	s31 =	sadd.s32 $0x80, s31;
	[tilespmem:v12+s24+$0x0] =	vst.idx.msk $0x1, v13  }
0x2c0: {  	v12 =	vld [tilespmem:s31+$0xFFFFFFD0]  }
0x2c1: {  	s0 =	sadd.s32 $0x1, s0;
	v13 =	vld [tilespmem:s31+$0xFFFFFFC0]  }
0x2c2: {  	v14 =	vld [tilespmem:s31+$0xFFFFFFE0]  }
0x2c3: {  	v15 =	vld [tilespmem:s31+$0xFFFFFFF0]  }
0x2c4: {  	v16 =	vld [tilespmem:s31+$0x0]  }
0x2c5: {  	v17 =	vld [tilespmem:s31+$0x10]  }
0x2c6: {  	v60 =	vld [tilespmem:s31+$0x20];
	v12 =	vmax.f32 v13, v12  }
0x2c7: {  	v61 =	vld [tilespmem:s31+$0x30];
	v12 =	vmax.f32 v12, v14  }
0x2c8: {  	v12 =	vmax.f32 v12, v15  }
0x2c9: {  	v12 =	vmax.f32 v12, v16  }
0x2ca: {  	v12 =	vmax.f32 v12, v17  }
0x2cb: {  	v12 =	vmax.f32 v12, v60  }
0x2cc: {  	v12 =	vmax.f32 v12, v61  }
0x2cd: {  	(xrf1) =	vsort.ascd.msk.f32 $0xffff, v12, v12;
	_ =	sdelay $0xb  }
0x2ce: {  	v62 =	vmov s30;
	_ =	sdelay $0x1  }
0x2cf: {  	v63, _, _ =	vpop (xrf1)  }
0x2d0: {  	v13 =	vbroadcast v63, $0xF;
	_ =	sdelay $0x1  }
0x2d1: {  	[tilespmem:v62+s24+$0x0] =	vst.idx.msk $0x1, v13  }
.LBB2_13:
0x2d2: {  	v13 =	vld [tilespmem:$0x19000]  }
0x2d3: {  	v14 =	vld [tilespmem:$0x19010]  }
0x2d4: {  	v15 =	vld [tilespmem:$0x19020]  }
0x2d5: {  	v16 =	vld [tilespmem:$0x19030]  }
0x2d6: {  	v17 =	vld [tilespmem:$0x19040]  }
0x2d7: {  	v18 =	vld [tilespmem:$0x19050]  }
0x2d8: {  	v19 =	vld [tilespmem:$0x19060];
	v12 =	vmax.f32 v13, v14  }
0x2d9: {  	v20 =	vld [tilespmem:$0x19070];
	v12 =	vmax.f32 v12, v15  }
0x2da: {  	v21 =	vld [tilespmem:$0x19080];
	v12 =	vmax.f32 v12, v16  }
0x2db: {  	v22 =	vld [tilespmem:$0x19090];
	v12 =	vmax.f32 v12, v17  }
0x2dc: {  	v12 =	vmax.f32 v12, v18  }
0x2dd: {  	v12 =	vmax.f32 v12, v19  }
0x2de: {  	v12 =	vmax.f32 v12, v20  }
0x2df: {  	v12 =	vmax.f32 v12, v21  }
0x2e0: {  	v12 =	vmax.f32 v12, v22  }
0x2e1: {  	(xrf1) =	vsort.ascd.msk.f32 $0xffff, v12, v12;
	_ =	sdelay $0xd  }
0x2e2: {  	v23, _, _ =	vpop (xrf1)  }
0x2e3: {  	v12 =	vbroadcast v23, $0xF;
	_ =	sdelay $0x1  }
0x2e4: {  	vm0 =	veq.f32 v22, v12  }
0x2e5: {  	vm1 =	veq.f32 v21, v12;
	v40 =	vnsel vm0, $0x40000000, v2  }
0x2e6: {  	vm11 =	veq.f32 v20, v12;
	v41 =	vsel vm1, v3, v40  }
0x2e7: {  	vm12 =	veq.f32 v19, v12;
	v42 =	vsel vm11, v4, v41  }
0x2e8: {  	vm13 =	veq.f32 v18, v12;
	v43 =	vsel vm12, v5, v42  }
0x2e9: {  	vm14 =	veq.f32 v17, v12;
	v44 =	vsel vm13, v6, v43  }
0x2ea: {  	vm15 =	veq.f32 v16, v12;
	v45 =	vsel vm14, v7, v44  }
0x2eb: {  	vm4 =	veq.f32 v15, v12;
	v46 =	vsel vm15, v8, v45  }
0x2ec: {  	vm5 =	veq.f32 v14, v12;
	v47 =	vsel vm4, v9, v46  }
0x2ed: {  	vm6 =	veq.f32 v13, v12;
	v48 =	vsel vm5, v10, v47  }
0x2ee: {  	v13 =	vsel vm6, v0, v48  }
0x2ef: {  	(xrf1) =	vsort.ascd.msk.u32 $0xffff, v13, v13;
	_ =	sdelay $0xd  }
0x2f0: {  	(v2sf) =	vpush v23, $0xF;
	v13, _, _ =	vpop (xrf1)  }
0x2f1: {  	(v2sf) =	vpush v13, $0x0;
	_ =	sdelay $0xd  }
0x2f2: {  	s30 =	spop (v2sf)  }
0x2f3: {  	s0 =	spop (v2sf)  }
0x2f4: {  	s2 =	sshll.u32 s0, $0x9  }
0x2f5: {  	s31 =	sshra.s32 s2, $0x2  }
0x2f6: {  	v49 =	vld [tilespmem:s31+$0x14000];
	_ =	sdelay $0x1  }
0x2f7: {  	s0 =	sshll.u32 s0, $0x7;
	v50 =	vld [tilespmem:s31+$0x14010]  }
0x2f8: {  	v51 =	vor.u32 s0, v0;
	v52 =	vld [tilespmem:s31+$0x14020]  }
0x2f9: {  	vm7 =	vlt.s32 v51, $0x40000000  }
0x2fa: {  	s13 =	sor.u32 $0x10, s0;
	v54 =	vld [tilespmem:s31+$0x14030];
	v53 =	vnsel vm7, $0x40000000, v51;
	vm8 =	veq.f32 v49, v12  }
0x2fb: {  	v55 =	vor.u32 s13, v0;
	s13 =	sor.u32 $0x20, s0;
	v14 =	vnsel vm8, $0x40000000, v53  }
0x2fc: {  	v56 =	vld [tilespmem:s31+$0x14040];
	v57 =	vor.u32 s13, v0;
	vm1 =	vlt.s32 v14, v55  }
0x2fd: {  	vm9 =	veq.f32 v50, v12;
	vm10 =	veq.f32 v52, v12;
	v18 =	vsel vm1, v14, v55  }
0x2fe: {  	v58 =	vld [tilespmem:s31+$0x14050];
	s13 =	sor.u32 $0x30, s0;
	v17 =	vnsel vm10, $0x40000000, v57;
	v14 =	vsel vm9, v18, v14  }
0x2ff: {  	v59 =	vor.u32 s13, v0;
	vm11 =	veq.f32 v54, v12;
	vm0 =	vlt.s32 v14, v17  }
0x300: {  	v60 =	vld [tilespmem:s31+$0x14060];
	s13 =	sor.u32 $0x40, s0;
	v16 =	vnsel vm11, $0x40000000, v59;
	v14 =	vsel vm0, v14, v17  }
0x301: {  	v61 =	vor.u32 s13, v0;
	vm12 =	veq.f32 v56, v12;
	vm0 =	vlt.s32 v14, v16  }
0x302: {  	v62 =	vld [tilespmem:s31+$0x14070];
	s13 =	sor.u32 $0x50, s0;
	v15 =	vnsel vm12, $0x40000000, v61;
	v14 =	vsel vm0, v14, v16  }
0x303: {  	v63 =	vor.u32 s13, v0;
	vm13 =	veq.f32 v58, v12;
	vm0 =	vlt.s32 v14, v15  }
0x304: {  	s13 =	sor.u32 $0x60, s0;
	v21 =	vnsel vm13, $0x40000000, v63;
	v14 =	vsel vm0, v14, v15  }
0x305: {  	vm14 =	veq.f32 v60, v12;
	v22 =	vor.u32 s13, v0;
	vm0 =	vlt.s32 v14, v21  }
0x306: {  	s0 =	sor.u32 $0x70, s0;
	v23 =	vnsel vm14, $0x40000000, v22;
	v14 =	vsel vm0, v14, v21  }
0x307: {  	vm15 =	veq.f32 v62, v12;
	v24 =	vor.u32 s0, v0;
	vm0 =	vlt.s32 v14, v23  }
0x308: {  	v25 =	vnsel vm15, $0x40000000, v24;
	v14 =	vsel vm0, v14, v23  }
0x309: {  	vm0 =	vlt.s32 v14, v25  }
0x30a: {  	v14 =	vsel vm0, v14, v25  }
0x30b: {  	(xrf1) =	vsort.ascd.msk.u32 $0xffff, v14, v14;
	_ =	sdelay $0xd  }
0x30c: {  	v14, _, _ =	vpop (xrf1)  }
0x30d: {  	v14 =	vbroadcast v14, $0x0;
	_ =	sdelay $0x5  }
0x30e: {  	[tilespmem:v14+s23+$0x0] =	vst.idx.msk $0x1, v11  }
0x30f: {  	v26 =	vld [tilespmem:s31+$0x14000]  }
0x310: {  	v27 =	vld [tilespmem:s31+$0x14010]  }
0x311: {  	v28 =	vld [tilespmem:s31+$0x14020]  }
0x312: {  	v29 =	vld [tilespmem:s31+$0x14030]  }
0x313: {  	v30 =	vld [tilespmem:s31+$0x14040]  }
0x314: {  	v31 =	vld [tilespmem:s31+$0x14050]  }
0x315: {  	v32 =	vld [tilespmem:s31+$0x14060];
	v15 =	vmax.f32 v26, v27  }
0x316: {  	v33 =	vld [tilespmem:s31+$0x14070];
	v15 =	vmax.f32 v15, v28  }
0x317: {  	v15 =	vmax.f32 v15, v29  }
0x318: {  	v15 =	vmax.f32 v15, v30  }
0x319: {  	v15 =	vmax.f32 v15, v31  }
0x31a: {  	v15 =	vmax.f32 v15, v32  }
0x31b: {  	v15 =	vmax.f32 v15, v33  }
0x31c: {  	(xrf1) =	vsort.ascd.msk.f32 $0xffff, v15, v15;
	_ =	sdelay $0xa  }
0x31d: {  	v13 =	vbroadcast v13, $0x0;
	_ =	sdelay $0x2  }
0x31e: {  	v15, _, _ =	vpop (xrf1)  }
0x31f: {  	v15 =	vbroadcast v15, $0xF;
	_ =	sdelay $0x1  }
0x320: {  	[tilespmem:v13+s24+$0x0] =	vst.idx.msk $0x1, v15  }
0x321: {  	v13 =	vld.idx.msk [tilespmem:v14+s1+$0x0], $0xffff  }
0x322: {  	v34 =	vld.idx.msk [tilespmem:v14+s18+$0x0], $0xffff  }
0x323: {  	v15 =	vld.idx.msk [tilespmem:v14+s19+$0x0], $0xffff  }
0x324: {  	v14 =	vld.idx.msk [tilespmem:v14+s20+$0x0], $0xffff  }
0x325: {  	v35 =	vld [tilespmem:$0x19100]  }
0x326: {  	v36 =	vld [tilespmem:$0x19180]  }
0x327: {  	v37 =	vld [tilespmem:$0x19200]  }
0x328: {  	v38 =	vld [tilespmem:$0x19280]  }
0x329: {  	v24 =	vld [tilespmem:$0x19110]  }
0x32a: {  	v25 =	vld [tilespmem:$0x19190]  }
0x32b: {  	v26 =	vld [tilespmem:$0x19210]  }
0x32c: {  	v27 =	vld [tilespmem:$0x19290];
	(v2sf) =	vpush v13, $0x0  }
0x32d: {  	v28 =	vld [tilespmem:$0x19120];
	(v2sf) =	vpush v34, $0x0  }
0x32e: {  	v29 =	vld [tilespmem:$0x191A0];
	(v2sf) =	vpush v15, $0x0  }
0x32f: {  	v41 =	vld [tilespmem:$0x19220];
	(v2sf) =	vpush v14, $0x0  }
0x330: {  	v44 =	vld [tilespmem:$0x19130]  }
0x331: {  	v31 =	vld [tilespmem:$0x191B0]  }
0x332: {  	v32 =	vld [tilespmem:$0x19230]  }
0x333: {  	v33 =	vld [tilespmem:$0x192B0]  }
0x334: {  	v48 =	vld [tilespmem:$0x19240];
	v17 =	vbroadcast v13, $0x0;
	v16 =	vbroadcast v14, $0x0  }
0x335: {  	v55 =	vld [tilespmem:$0x192D0]  }
0x336: {  	v46 =	vld [tilespmem:$0x191C0];
	v15 =	vbroadcast v15, $0x0;
	v19 =	vmax.f32 v35, v17;
	v22 =	vmin.f32 v38, v16  }
0x337: {  	v50 =	vld [tilespmem:$0x192C0];
	v24 =	vmax.f32 v24, v17;
	v45 =	vmin.f32 v27, v16;
	v47 =	vmax.f32 v28, v17  }
0x338: {  	v51 =	vld [tilespmem:$0x19150];
	v23 =	vmax.f32 v44, v17;
	v56 =	vmin.f32 v33, v16;
	v14 =	vbroadcast v34, $0x0  }
0x339: {  	v59 =	vld [tilespmem:$0x191E0];
	v21 =	vmin.f32 v37, v15;
	v26 =	vmin.f32 v26, v15;
	v54 =	vmin.f32 v32, v15  }
0x33a: {  	v42 =	vld [tilespmem:$0x192A0];
	v28 =	vmin.f32 v48, v15;
	v37 =	vmin.f32 v55, v16;
	v20 =	vmax.f32 v36, v14  }
0x33b: {  	v61 =	vld [tilespmem:$0x192E0];
	v19 =	vsub.f32 v21, v19;
	v24 =	vsub.f32 v26, v24;
	v25 =	vmax.f32 v25, v14;
	s0 =	spop (v2sf)  }
0x33c: {  	v21 =	vmin.f32 v41, v15;
	v49 =	vmax.f32 v29, v14;
	v31 =	vmax.f32 v31, v14;
	s2 =	spop (v2sf)  }
0x33d: {  	v34 =	vld [tilespmem:$0x19140];
	v29 =	vmin.f32 v50, v16;
	v27 =	vmax.f32 v46, v14;
	v26 =	vmax.f32 v51, v17;
	s13 =	spop (v2sf)  }
0x33e: {  	v39 =	vld [tilespmem:$0x19300];
	v41 =	vmax.f32 v59, v14;
	v20 =	vsub.f32 v22, v20;
	v25 =	vsub.f32 v45, v25;
	s31 =	spop (v2sf);
	s0 =	ssub.f32 s13, s0  }
0x33f: {  	v40 =	vld [tilespmem:$0x19310];
	v21 =	vsub.f32 v21, v47;
	v22 =	vmin.f32 v42, v16;
	v27 =	vsub.f32 v29, v27;
	s2 =	ssub.f32 s31, s2  }
0x340: {  	v30 =	vld [tilespmem:$0x19320];
	v29 =	vmin.f32 v61, v16;
	v19 =	vmax.f32 v19, $0.0e+00;
	v24 =	vmax.f32 v24, $0.0e+00  }
0x341: {  	v60 =	vld [tilespmem:$0x19260];
	v22 =	vsub.f32 v22, v49;
	v29 =	vsub.f32 v29, v41;
	v20 =	vmax.f32 v20, $0.0e+00;
	s0 =	smax.f32 s0, $0.0e+00;
	s2 =	smax.f32 s2, $0.0e+00  }
0x342: {  	v57 =	vld [tilespmem:$0x19160];
	v25 =	vmax.f32 v25, $0.0e+00;
	v21 =	vmax.f32 v21, $0.0e+00;
	v58 =	vmax.f32 v34, v17;
	s31 =	smul.f32 s2, s0  }
0x343: {  	v38 =	vld [tilespmem:$0x19340];
	v27 =	vmax.f32 v27, $0.0e+00;
	v19 =	vmul.f32 v20, v19;
	v22 =	vmax.f32 v22, $0.0e+00  }
0x344: {  	v42 =	vld [tilespmem:$0x19360];
	v28 =	vsub.f32 v28, v58;
	v29 =	vmax.f32 v29, $0.0e+00;
	v43 =	vadd.f32 s31, v39  }
0x345: {  	v52 =	vld [tilespmem:$0x191D0];
	v21 =	vmul.f32 v22, v21;
	v22 =	vsub.f32 v54, v23;
	v23 =	vsub.f32 v56, v31  }
0x346: {  	v53 =	vld [tilespmem:$0x19250];
	v31 =	vmin.f32 v60, v15;
	v28 =	vmax.f32 v28, $0.0e+00;
	v20 =	vsub.f32 v43, v19  }
0x347: {  	v22 =	vmax.f32 v22, $0.0e+00;
	v23 =	vmax.f32 v23, $0.0e+00;
	v18 =	vadd.f32 s31, v40  }
0x348: {  	v63 =	vld [tilespmem:$0x19330];
	v27 =	vmul.f32 v27, v28;
	v30 =	vadd.f32 s31, v30;
	v20 =	vadd.f32 $9.999999710e-10, v20  }
0x349: {  	v39 =	vmax.f32 v57, v17;
	v40 =	vld [tilespmem:$0x19350];
	v44 =	vadd.f32 s31, v38;
	v47 =	vadd.f32 s31, v42  }
0x34a: {  	v31 =	vsub.f32 v31, v39;
	v36 =	vsub.f32 v30, v21;
	(erf) = vrcp.f32 v20  }
0x34b: {  	v20 =	vmul.f32 v25, v24;
	v25 =	vmin.f32 v53, v15;
	v24 =	vmax.f32 v52, v14  }
0x34c: {  	v22 =	vmul.f32 v23, v22;
	v62 =	vsub.f32 v25, v26;
	v24 =	vsub.f32 v37, v24  }
0x34d: {  	v46 =	vmax.f32 v31, $0.0e+00;
	v25 =	vadd.f32 s31, v63;
	v18 =	vsub.f32 v18, v20  }
0x34e: {  	v45 =	vadd.f32 s31, v40;
	v23 =	vmax.f32 v62, $0.0e+00;
	v24 =	vmax.f32 v24, $0.0e+00  }
0x34f: {  	v43 =	vsub.f32 v25, v22;
	v18 =	vadd.f32 $9.999999710e-10, v18;
	v23 =	vmul.f32 v24, v23  }
0x350: {  	v29 =	vmul.f32 v29, v46;
	v26 =	vadd.f32 $9.999999710e-10, v36;
	v25 =	vsub.f32 v44, v27  }
0x351: {  	v48 =	vadd.f32 $9.999999710e-10, v43;
	(erf) = vrcp.f32 v18;
	v49 =	vsub.f32 v45, v23  }
0x352: {  	v50 =	vsub.f32 v47, v29;
	v25 =	vadd.f32 $9.999999710e-10, v25;
	(erf) = vrcp.f32 v26  }
0x353: {  	(erf) = vrcp.f32 v48;
	v51 =	vadd.f32 $9.999999710e-10, v49  }
0x354: {  	v52 =	vadd.f32 $9.999999710e-10, v50;
	(erf) = vrcp.f32 v25  }
0x355: {  	(erf) = vrcp.f32 v51  }
0x356: {  	(erf) = vrcp.f32 v52;
	_ =	sdelay $0x2  }
0x357: {  	v53 =	vpop (erf)  }
0x358: {  	v18 =	vmul.f32 v53, v19;
	v54 =	vpop (erf)  }
0x359: {  	v55 =	vpop (erf);
	v20 =	vmul.f32 v54, v20  }
0x35a: {  	v18 =	vmax.f32 v18, $0.0e+00;
	v56 =	vpop (erf);
	v19 =	vmul.f32 v55, v21  }
0x35b: {  	v57 =	vpop (erf);
	v18 =	vmax.f32 v18, v20;
	v58 =	vmul.f32 v56, v22  }
0x35c: {  	v59 =	vpop (erf);
	v18 =	vmax.f32 v18, v19;
	v60 =	vmul.f32 v57, v27  }
0x35d: {  	v18 =	vmax.f32 v18, v58;
	v61 =	vmul.f32 v59, v23;
	v62 =	vpop (erf)  }
0x35e: {  	v18 =	vmax.f32 v18, v60;
	v63 =	vmul.f32 v62, v29  }
0x35f: {  	v18 =	vmax.f32 v18, v61  }
0x360: {  	v18 =	vmax.f32 v18, v63  }
0x361: {  	(xrf1) =	vsort.ascd.msk.f32 $0xffff, v18, v18;
	_ =	sdelay $0xd  }
0x362: {  	v18, _, _ =	vpop (xrf1)  }
0x363: {  	(v2sf) =	vpush v18, $0xF;
	_ =	sdelay $0xe  }
0x364: {  	s13 =	spop (v2sf)  }
0x365: {  	p2 =	sgt.f32 s30, $0.0e+00;
	p1 =	sle.f32 s13, $6.000000240e-01  }
0x366: {  	_ = 	snop  }
0x367: {  	p1 =	por !p2, !p1  }
0x368: {  	p1 =	por !p1, !p1  }
0x369: {  	s13 =	simm.s32 $0x1;
	v18 =	vmov @p1 s29  }
0x36a: {  	s13 =	simm.s32 @!p1 $0x0  }
0x36b: {  	s2 =	sshll.u32 @p1 s29, $0x2;
	s29 =	sadd.s32 s13, s29  }
0x36c: {  	p2 =	sgt.u32 s29, $0x63  }
0x36d: {  	s0 =	simm.s32 @p1 $0x19100;
	v19 =	vlaneseq.u32 @p1;
	p3 =	sle.f32 @!p2 s30, $0.0e+00  }
0x36e: {  	[tilespmem:v18+s0+$0x0] =	vst.idx.msk @p1 $0x1, v17;
	s0 =	simm.s32 @p1 $0x19180;
	v17 =	vadd.s32 @p1 s2, v19  }
0x36f: {  	vm0 =	vcmask @p1 $0x3F0C;
	p2 =	por p2, p3;
	[tilespmem:v18+s0+$0x0] =	vst.idx.msk @p1 $0x1, v14;
	s0 =	simm.s32 @p1 $0x19200  }
.Ltmp8:
0x370: {  	[tilespmem:v18+s0+$0x0] =	vst.idx.msk @p1 $0x1, v15;
	s0 =	simm.s32 @p1 $0x19280;
	v15 =	vsel @p1 vm0, v16, v15;
	vm0 =	vcmask @p1 $0x3F08;
	(pc) =	sbr.rel @!p2 .LBB2_13-.Ltmp8, $4  }
0x371: {  	vm1 =	vmmov @p1 $0x1;
	v19 =	vmov s31;
	[tilespmem:v18+s0+$0x0] =	vst.idx.msk @p1 $0x1, v16;
	s0 =	simm.s32 @p1 $0x19300;
	v14 =	vsel @p1 vm0, v15, v14  }
0x372: {  	[tilespmem:v18+s0+$0x0] =	vst.idx.msk @p1 $0x1, v19;
	v13 =	vsel @p1 vm1, v13, v14;
	s0 =	simm.s32 @p1 $0x19380  }
0x373: {  	[tilespmem:v17+s0+$0x0] =	vst.idx.msk @p1 $0xf, v13;
	s0 =	simm.s32 @p1 $0x19580  }
0x374: {  	[tilespmem:v18+s0+$0x0] =	vst.idx.msk @p1 $0x1, v12  }
.Ltmp9:
0x375: {  	_ = 	snop;
	(pc) =	sbr.rel .LBB2_14-.Ltmp9, $1  }
0x376: {  	_ =	sdelay $0x3  }
.LBB2_16:
0x377: {  	_ =	sfence.sel $0x180000  }
0x378: {  	[bflag:$0x0] =	sbarrier.arrive $0xFFFF  }
0x379: {  	_ =	strace $0x90000047  }
0x37a: {  	s0 =	stileid.u32;
	[bflag:$0x2] =	sbarrier.arrive $0xFFFF  }
0x37b: {  	p0 =	sne.s32 s0, $0x0;
	s0 =	rddreg [dreg:$0x3]  }
0x37c: {  	s0 =	sadd.s32 @!p0 $0x100000, s0  }
0x37d: {  	[sflag:s0] =	ssyncadd.tile.s32 @!p0 $0x1;
	_ =	shalt  }
.Lfunc_end2:
_tile_overlayer_lowered:
.L_overlay_start_2:
0x37e: {  	(tag) =	ssettag $0x2  }
0x37f: {  	s0 =	rddreg [dreg:$0x0];
	s2 =	stileid.u32  }
0x380: {  	s1 =	rddreg [dreg:$0x1];
	p0 =	sne.s32 s2, $0x0  }
0x381: {  	s3 =	rddreg [dreg:$0x2];
	[bflag:$0x3] =	sbarrier.arrive $0xFFFF;
	s2 =	simm.s32 @!p0 $0x1C01  }
0x382: {  	[timem:s3], [sflag:s2] =	dma.local @!p0 [hbm:s0], s1  }
0x383: {  	s0 =	simm.s32 @!p0 $0x1  }
0x384: {  	_ =	swait.ge @!p0 [sflag:s0], s1  }
0x385: {  	s1 =	ssub.s32 @!p0 $0x0, s1;
	[sflag:s0] =	ssyncset.done @!p0 $0x0  }
0x386: {  	[sflag:s0] =	ssyncadd.s32 @!p0 s1  }
0x387: {  	[bflag:$0x3] =	sbarrier.arrive $0xFFFF  }
0x388: {  	_ =	shalt  }

</sc_bundles>
